<compile_context>
chip_gen: v7x
topology: tpu7x:2x2x1
jax: 0.10.2.dev20260603
libtpu: 0.0.44.dev20260713+nightly
codegen_flags: <defaults>
</compile_context>

<pallas_src>
import numpy as np
import jax
import jax.numpy as jnp
from jax import lax
from jax.experimental import pallas as pl
from jax.experimental.pallas import tpu as pltpu
from jax.experimental.pallas import tpu_sc as plsc

_NUM_GENES = 100000
_NUM_PATHWAYS = 1000
_D = 64
_NNEG = 10
_B = 16384

_NC = 2
_NS = 16
_NW = _NC * _NS
_CH = 512


def _neg_indices():
    nkey = jax.random.key(1234)
    nk1, nk2, nk3 = jax.random.split(nkey, 3)
    neg_gg = jax.random.randint(nk1, (_B, _NNEG), 0, _NUM_GENES)
    neg_gp = jax.random.randint(nk2, (_B, _NNEG), 0, _NUM_PATHWAYS)
    neg_pg = jax.random.randint(nk3, (_B, _NNEG), 0, _NUM_GENES)
    return (neg_gg.astype(jnp.int32).T.reshape(-1),
            neg_gp.astype(jnp.int32).T.reshape(-1),
            neg_pg.astype(jnp.int32).T.reshape(-1))


def _sc_gather_body(ge, pe, gw, pw, idx_ge, idx_pe, idx_gw, idx_pw,
                    out_h, out_w, out_n, idx_v, rows_v, spm_pe, spm_pw,
                    gsem0, gsem1, wsem0, wsem1):
    sid = lax.axis_index("s")
    wid = sid * _NC + lax.axis_index("c")
    gsems = (gsem0, gsem1)
    wsems = (wsem0, wsem1)

    @pl.when(sid == 0)
    def _stage():
        pltpu.sync_copy(pe, spm_pe)
        pltpu.sync_copy(pw, spm_pw)

    plsc.subcore_barrier()

    jobs = (
        (ge, idx_ge, 0, out_h, 0, 2 * _B),
        (spm_pe, idx_pe, 0, out_h, 2 * _B, _B),
        (gw, idx_gw, 0, out_w, 0, 2 * _B),
        (spm_pw, idx_pw, 0, out_w, 2 * _B, _B),
        (gw, idx_gw, 2 * _B, out_n, 0, 20 * _B),
        (spm_pw, idx_pw, _B, out_n, 20 * _B, 10 * _B),
    )
    chunks = []
    ibase = 0
    for tbl, idx_hbm, ioff, out_hbm, ooff, total in jobs:
        share = total // _NW
        pltpu.sync_copy(idx_hbm.at[pl.ds(ioff + wid * share, share)],
                        idx_v.at[pl.ds(ibase, share)])
        obase = ooff + wid * share
        for k in range(share // _CH):
            chunks.append((tbl, ibase + k * _CH, out_hbm, obase + k * _CH))
        ibase += share
    n = len(chunks)

    def start_g(c, p):
        tbl, io, _, _ = chunks[c]
        pltpu.make_async_copy(tbl.at[idx_v.at[pl.ds(io, _CH)]],
                              rows_v.at[p], gsems[p]).start()

    def wait_g(c, p):
        tbl, io, _, _ = chunks[c]
        pltpu.make_async_copy(tbl.at[idx_v.at[pl.ds(io, _CH)]],
                              rows_v.at[p], gsems[p]).wait()

    def start_wb(c, p):
        _, _, out_hbm, oo = chunks[c]
        pltpu.make_async_copy(rows_v.at[p], out_hbm.at[pl.ds(oo, _CH)],
                              wsems[p]).start()

    def wait_wb(c, p):
        _, _, out_hbm, oo = chunks[c]
        pltpu.make_async_copy(rows_v.at[p], out_hbm.at[pl.ds(oo, _CH)],
                              wsems[p]).wait()

    start_g(0, 0)
    for c in range(n):
        p = c & 1
        if c + 1 < n:
            if c >= 1:
                wait_wb(c - 1, (c + 1) & 1)
            start_g(c + 1, (c + 1) & 1)
        wait_g(c, p)
        start_wb(c, p)
    wait_wb(n - 2, 0 if (n - 2) % 2 == 0 else 1)
    wait_wb(n - 1, 0 if (n - 1) % 2 == 0 else 1)


def _sc_gather(ge, pe, gw, pw, idx_ge, idx_pe, idx_gw, idx_pw):
    mesh = plsc.VectorSubcoreMesh(core_axis_name="c", subcore_axis_name="s")
    return pl.kernel(
        _sc_gather_body,
        mesh=mesh,
        compiler_params=pltpu.CompilerParams(use_tc_tiling_on_sc=False),
        out_type=[
            jax.ShapeDtypeStruct((3 * _B, _D), jnp.float32),
            jax.ShapeDtypeStruct((3 * _B, _D), jnp.float32),
            jax.ShapeDtypeStruct((3 * _NNEG * _B, _D), jnp.float32),
        ],
        scratch_types=(
            [pltpu.VMEM((36 * _B // _NW,), jnp.int32),
             pltpu.VMEM((2, _CH, _D), jnp.float32),
             pltpu.VMEM_SHARED((_NUM_PATHWAYS, _D), jnp.float32),
             pltpu.VMEM_SHARED((_NUM_PATHWAYS, _D), jnp.float32)]
            + [pltpu.SemaphoreType.DMA] * 4),
    )(ge, pe, gw, pw, idx_ge, idx_pe, idx_gw, idx_pw)


_WMAP = (0, 2, 1)
_TERM_WEIGHT = (1.0, 1.0, 0.5)
_BB = 1024


def _loss_body(h_ref, w_ref, n_ref, out_ref, acc_ref):
    i = pl.program_id(0)

    @pl.when(i == 0)
    def _init():
        acc_ref[0] = 0.0

    lane = lax.broadcasted_iota(jnp.int32, (_BB // 2, 2 * _D), 1)
    mlo = (lane < _D).astype(jnp.float32)

    def half_sum_logsig(prod, sign):
        s_all = jnp.sum(prod, axis=1)
        s_lo = jnp.sum(prod * mlo, axis=1)
        s_hi = s_all - s_lo
        return (jnp.sum(jax.nn.log_sigmoid(sign * s_lo))
                + jnp.sum(jax.nn.log_sigmoid(sign * s_hi)))

    tot = 0.0
    for t in range(3):
        h = h_ref[t]
        w = w_ref[_WMAP[t]]
        wt = _TERM_WEIGHT[t]
        tot += wt * half_sum_logsig(h * w, 1.0)
        for n in range(_NNEG):
            nw = n_ref[_WMAP[t], n]
            tot += wt * half_sum_logsig(h * nw, -1.0)
    acc_ref[0] += tot

    @pl.when(i == pl.num_programs(0) - 1)
    def _fin():
        out_ref[0, 0] = -acc_ref[0] / _B


def _loss_from_rows(h3, w3, n4):
    return pl.pallas_call(
        _loss_body,
        grid=(_B // _BB,),
        in_specs=[
            pl.BlockSpec((3, _BB // 2, 2 * _D), lambda i: (0, i, 0)),
            pl.BlockSpec((3, _BB // 2, 2 * _D), lambda i: (0, i, 0)),
            pl.BlockSpec((3, _NNEG, _BB // 2, 2 * _D), lambda i: (0, 0, i, 0)),
        ],
        out_specs=pl.BlockSpec((1, 1), lambda i: (0, 0),
                               memory_space=pltpu.SMEM),
        out_shape=jax.ShapeDtypeStruct((1, 1), jnp.float32),
        scratch_shapes=[pltpu.SMEM((1,), jnp.float32)],
    )(h3, w3, n4)


def kernel(gene_embeds, pathway_embeds, gene_weights, pathway_weights,
           gene_gene_pairs, gene_pathway_pairs, pathway_gene_pairs):
    i32 = jnp.int32
    src = gene_gene_pairs[0].astype(i32)
    ctx = gene_gene_pairs[1].astype(i32)
    g = gene_pathway_pairs[0].astype(i32)
    p = gene_pathway_pairs[1].astype(i32)
    p2 = pathway_gene_pairs[0].astype(i32)
    g2 = pathway_gene_pairs[1].astype(i32)

    neg_gg_t, neg_gp_t, neg_pg_t = _neg_indices()
    idx_ge = jnp.concatenate([src, g])
    idx_pe = p2
    idx_gw = jnp.concatenate([ctx, g2, neg_gg_t, neg_pg_t])
    idx_pw = jnp.concatenate([p, neg_gp_t])

    out_h, out_w, out_n = _sc_gather(
        gene_embeds, pathway_embeds, gene_weights, pathway_weights,
        idx_ge, idx_pe, idx_gw, idx_pw)

    h3 = out_h.reshape(3, _B // 2, 2 * _D)
    w3 = out_w.reshape(3, _B // 2, 2 * _D)
    n4 = out_n.reshape(3, _NNEG, _B // 2, 2 * _D)
    return _loss_from_rows(h3, w3, n4)[0, 0]

# --- scband reference (transcript-rebuilt; emitter-appended) ---
"""Pipeline reference for scband-pathway-negative-sampling-loss-61727269978175 (READ-ONLY COPY).

The authoritative reference and input builder live on the scoring server;
editing this copy changes nothing except your own understanding.
"""

import math
import jax, jax.numpy as jnp
import numpy as np

NUM_GENES = 100000
NUM_PATHWAYS = 1000
EMBED_DIM = 64
NUM_NEG = 10
B = 16384


def setup_inputs(seed: int = 0) -> dict:
    key = jax.random.key(seed)
    k1, k2, k3, k4, k5, k6, k7 = jax.random.split(key, 7)
    gene_embeds = jax.random.normal(k1, (NUM_GENES, EMBED_DIM), dtype=jnp.float32)
    pathway_embeds = jax.random.normal(k2, (NUM_PATHWAYS, EMBED_DIM), dtype=jnp.float32)
    # learned parameters of the module (output-side tables), init std = 1/sqrt(embed_dim)
    gene_weights = jax.random.normal(k3, (NUM_GENES, EMBED_DIM), dtype=jnp.float32) / math.sqrt(EMBED_DIM)
    pathway_weights = jax.random.normal(k4, (NUM_PATHWAYS, EMBED_DIM), dtype=jnp.float32) / math.sqrt(EMBED_DIM)
    gene_gene_pairs = jax.random.randint(k5, (2, B), 0, NUM_GENES, dtype=jnp.int64 if jax.config.jax_enable_x64 else jnp.int32)
    gene_pathway_pairs = jax.random.randint(k6, (2, B), 0, NUM_PATHWAYS, dtype=jnp.int64 if jax.config.jax_enable_x64 else jnp.int32)
    pathway_gene_pairs = jax.random.randint(k7, (2, B), 0, NUM_PATHWAYS, dtype=jnp.int64 if jax.config.jax_enable_x64 else jnp.int32)
    return {
        "gene_embeds": gene_embeds,
        "pathway_embeds": pathway_embeds,
        "gene_weights": gene_weights,
        "pathway_weights": pathway_weights,
        "gene_gene_pairs": gene_gene_pairs,
        "gene_pathway_pairs": gene_pathway_pairs,
        "pathway_gene_pairs": pathway_gene_pairs,
    }


def _ns_term(h, w, neg_w):
    # h: [B, D], w: [B, D], neg_w: [B, num_neg, D]
    pos = jax.nn.log_sigmoid(jnp.sum(h * w, axis=1))  # [B]
    neg_scores = jnp.einsum("bnd,bd->bn", neg_w, h)  # bmm(neg_w, h.unsqueeze(-1))
    neg = jax.nn.log_sigmoid(-neg_scores).sum(axis=1)  # [B]
    return -jnp.mean(pos + neg)


def reference(gene_embeds, pathway_embeds, gene_weights, pathway_weights,
              gene_gene_pairs, gene_pathway_pairs, pathway_gene_pairs):
    # negative sampling (torch.randint inside forward) -> fixed jax PRNG stream
    nkey = jax.random.key(1234)
    nk1, nk2, nk3 = jax.random.split(nkey, 3)
    neg_gg = jax.random.randint(nk1, (B, NUM_NEG), 0, NUM_GENES)
    neg_gp = jax.random.randint(nk2, (B, NUM_NEG), 0, NUM_PATHWAYS)
    neg_pg = jax.random.randint(nk3, (B, NUM_NEG), 0, NUM_GENES)

    # gene-gene
    src, ctx = gene_gene_pairs[0], gene_gene_pairs[1]
    h_gg = jnp.take(gene_embeds, src, axis=0)
    w_gg = jnp.take(gene_weights, ctx, axis=0)
    L_gg = _ns_term(h_gg, w_gg, jnp.take(gene_weights, neg_gg, axis=0))

    # gene-pathway
    g, p = gene_pathway_pairs[0], gene_pathway_pairs[1]
    h_gp = jnp.take(gene_embeds, g, axis=0)
    w_gp = jnp.take(pathway_weights, p, axis=0)
    L_gp = _ns_term(h_gp, w_gp, jnp.take(pathway_weights, neg_gp, axis=0))

    # pathway-gene
    p2, g2 = pathway_gene_pairs[0], pathway_gene_pairs[1]
    h_pg = jnp.take(pathway_embeds, p2, axis=0)
    w_pg = jnp.take(gene_weights, g2, axis=0)
    L_pg = _ns_term(h_pg, w_pg, jnp.take(gene_weights, neg_pg, axis=0))

    total_loss = 1.0 * L_gg + 1.0 * L_gp + 0.5 * L_pg
    return total_loss

if __name__ == "__main__":
    import jax
    _d = setup_inputs()
    print(jax.jit(kernel)(*tuple(_d.values())))

</pallas_src>

<mosaic_0001>
#map = affine_map<(d0, d1) -> (0, 0)>
#map1 = affine_map<(d0, d1) -> (0)>
module attributes {stable_mosaic.version = 14 : i64} {
  func.func @_sc_gather_body(%arg0: i32, %arg1: i32, %arg2: memref<100000x64xf32, #tpu.memory_space<hbm>>, %arg3: memref<1000x64xf32, #tpu.memory_space<hbm>>, %arg4: memref<100000x64xf32, #tpu.memory_space<hbm>>, %arg5: memref<1000x64xf32, #tpu.memory_space<hbm>>, %arg6: memref<32768xi32, #tpu.memory_space<hbm>>, %arg7: memref<16384xi32, #tpu.memory_space<hbm>>, %arg8: memref<360448xi32, #tpu.memory_space<hbm>>, %arg9: memref<180224xi32, #tpu.memory_space<hbm>>, %arg10: memref<49152x64xf32, #tpu.memory_space<hbm>>, %arg11: memref<49152x64xf32, #tpu.memory_space<hbm>>, %arg12: memref<491520x64xf32, #tpu.memory_space<hbm>>, %arg13: memref<18432xi32, #tpu.memory_space<vmem>>, %arg14: memref<2x512x64xf32, #tpu.memory_space<vmem>>, %arg15: memref<1000x64xf32, #tpu.memory_space<vmem_shared>>, %arg16: memref<1000x64xf32, #tpu.memory_space<vmem_shared>>, %arg17: memref<!tpu.dma_semaphore, #tpu.memory_space<semaphore_mem>>, %arg18: memref<!tpu.dma_semaphore, #tpu.memory_space<semaphore_mem>>, %arg19: memref<!tpu.dma_semaphore, #tpu.memory_space<semaphore_mem>>, %arg20: memref<!tpu.dma_semaphore, #tpu.memory_space<semaphore_mem>>) attributes {dimension_semantics = [#tpu.dimension_semantics<core_parallel>, #tpu.dimension_semantics<subcore_parallel>], iteration_bounds = array<i64: 2, 16>, scalar_prefetch = 0 : i64, scratch_operands = 8 : i64, tpu.core_type = #tpu.core_type<sc_vector_subcore>, window_params = [{transform_indices = #map}, {transform_indices = #map}, {transform_indices = #map}, {transform_indices = #map}, {transform_indices = #map1}, {transform_indices = #map1}, {transform_indices = #map1}, {transform_indices = #map1}, {transform_indices = #map}, {transform_indices = #map}, {transform_indices = #map}]} {
    %mul3A = arith.constant 2 : i32
    %mul3A_0 = arith.muli %arg1, %mul3A : i32
    %add3A = arith.addi %mul3A_0, %arg0 : i32
    %eq3A = arith.constant 0 : i32
    %eq3A_1 = arith.cmpi eq, %arg1, %eq3A : i32
    %convert_element_type3A = arith.extui %eq3A_1 : i1 to i32
    %cond3A = arith.constant 0 : i32
    %cond3A_2 = arith.cmpi ne, %convert_element_type3A, %cond3A : i32
    scf.if %cond3A_2 {
      "tpu.region"() ({
        %run_scoped3A = tpu.sem_alloc : memref<!tpu.dma_semaphore, #tpu.memory_space<semaphore_mem>>
        tpu.enqueue_dma source(%arg3 : memref<1000x64xf32, #tpu.memory_space<hbm>>) target(%arg15 : memref<1000x64xf32, #tpu.memory_space<vmem_shared>>) target_semaphore(%run_scoped3A : memref<!tpu.dma_semaphore, #tpu.memory_space<semaphore_mem>>)
        tpu.wait_dma2 semaphore(%run_scoped3A : memref<!tpu.dma_semaphore, #tpu.memory_space<semaphore_mem>>) src(%arg3 : memref<1000x64xf32, #tpu.memory_space<hbm>>) dst(%arg15 : memref<1000x64xf32, #tpu.memory_space<vmem_shared>>)
        tpu.yield
      }) : () -> ()
      "tpu.region"() ({
        %run_scoped3A = tpu.sem_alloc : memref<!tpu.dma_semaphore, #tpu.memory_space<semaphore_mem>>
        tpu.enqueue_dma source(%arg5 : memref<1000x64xf32, #tpu.memory_space<hbm>>) target(%arg16 : memref<1000x64xf32, #tpu.memory_space<vmem_shared>>) target_semaphore(%run_scoped3A : memref<!tpu.dma_semaphore, #tpu.memory_space<semaphore_mem>>)
        tpu.wait_dma2 semaphore(%run_scoped3A : memref<!tpu.dma_semaphore, #tpu.memory_space<semaphore_mem>>) src(%arg5 : memref<1000x64xf32, #tpu.memory_space<hbm>>) dst(%arg16 : memref<1000x64xf32, #tpu.memory_space<vmem_shared>>)
        tpu.yield
      }) : () -> ()
    } else {
    }
    %barrier3A = arith.constant 0 : index
    tpu.barrier barrier_id(%barrier3A)
    %mul3A_3 = arith.constant 1024 : i32
    %mul3A_4 = arith.muli %add3A, %mul3A_3 : i32
    %add3A_5 = arith.constant 0 : i32
    %add3A_6 = arith.addi %add3A_5, %mul3A_4 : i32
    "tpu.region"() ({
      %run_scoped3A = tpu.sem_alloc : memref<!tpu.dma_semaphore, #tpu.memory_space<semaphore_mem>>
      %dma_start3A_1777 = arith.constant 0 : i32
      %dma_start3A_1778 = tpu.memref_slice %arg13[%dma_start3A_1777] : memref<18432xi32, #tpu.memory_space<vmem>> -> memref<1024xi32, #tpu.memory_space<vmem>>
      %dma_start3A_1779 = tpu.memref_slice %arg6[%add3A_6] : memref<32768xi32, #tpu.memory_space<hbm>> -> memref<1024xi32, #tpu.memory_space<hbm>>
      %dma_start3A_1780 = arith.constant 0 : i32
      %dma_start3A_1781 = tpu.memref_slice %arg13[%dma_start3A_1780] : memref<18432xi32, #tpu.memory_space<vmem>> -> memref<1024xi32, #tpu.memory_space<vmem>>
      %dma_start3A_1782 = tpu.memref_slice %arg6[%add3A_6] : memref<32768xi32, #tpu.memory_space<hbm>> -> memref<1024xi32, #tpu.memory_space<hbm>>
      tpu.enqueue_dma source(%dma_start3A_1782 : memref<1024xi32, #tpu.memory_space<hbm>>) target(%dma_start3A_1781 : memref<1024xi32, #tpu.memory_space<vmem>>) target_semaphore(%run_scoped3A : memref<!tpu.dma_semaphore, #tpu.memory_space<semaphore_mem>>)
      %dma_wait3A_1783 = arith.constant 0 : i32
      %dma_wait3A_1784 = tpu.memref_slice %arg13[%dma_wait3A_1783] : memref<18432xi32, #tpu.memory_space<vmem>> -> memref<1024xi32, #tpu.memory_space<vmem>>
      %dma_wait3A_1785 = tpu.memref_slice %arg6[%add3A_6] : memref<32768xi32, #tpu.memory_space<hbm>> -> memref<1024xi32, #tpu.memory_space<hbm>>
      %dma_wait3A_1786 = arith.constant 0 : i32
      %dma_wait3A_1787 = tpu.memref_slice %arg13[%dma_wait3A_1786] : memref<18432xi32, #tpu.memory_space<vmem>> -> memref<1024xi32, #tpu.memory_space<vmem>>
      %dma_wait3A_1788 = tpu.memref_slice %arg6[%add3A_6] : memref<32768xi32, #tpu.memory_space<hbm>> -> memref<1024xi32, #tpu.memory_space<hbm>>
      tpu.wait_dma2 semaphore(%run_scoped3A : memref<!tpu.dma_semaphore, #tpu.memory_space<semaphore_mem>>) src(%dma_wait3A_1788 : memref<1024xi32, #tpu.memory_space<hbm>>) dst(%dma_wait3A_1787 : memref<1024xi32, #tpu.memory_space<vmem>>)
      tpu.yield
    }) : () -> ()
    %mul3A_7 = arith.constant 1024 : i32
    %mul3A_8 = arith.muli %add3A, %mul3A_7 : i32
    %add3A_9 = arith.constant 0 : i32
    %add3A_10 = arith.addi %add3A_9, %mul3A_8 : i32
    %add3A_11 = arith.constant 0 : i32
    %add3A_12 = arith.addi %add3A_10, %add3A_11 : i32
    %add3A_13 = arith.constant 512 : i32
    %add3A_14 = arith.addi %add3A_10, %add3A_13 : i32
    %mul3A_15 = arith.constant 512 : i32
    %mul3A_16 = arith.muli %add3A, %mul3A_15 : i32
    %add3A_17 = arith.constant 0 : i32
    %add3A_18 = arith.addi %add3A_17, %mul3A_16 : i32
    "tpu.region"() ({
      %run_scoped3A = tpu.sem_alloc : memref<!tpu.dma_semaphore, #tpu.memory_space<semaphore_mem>>
      %dma_start3A_1777 = arith.constant 1024 : i32
      %dma_start3A_1778 = tpu.memref_slice %arg13[%dma_start3A_1777] : memref<18432xi32, #tpu.memory_space<vmem>> -> memref<512xi32, #tpu.memory_space<vmem>>
      %dma_start3A_1779 = tpu.memref_slice %arg7[%add3A_18] : memref<16384xi32, #tpu.memory_space<hbm>> -> memref<512xi32, #tpu.memory_space<hbm>>
      %dma_start3A_1780 = arith.constant 1024 : i32
      %dma_start3A_1781 = tpu.memref_slice %arg13[%dma_start3A_1780] : memref<18432xi32, #tpu.memory_space<vmem>> -> memref<512xi32, #tpu.memory_space<vmem>>
      %dma_start3A_1782 = tpu.memref_slice %arg7[%add3A_18] : memref<16384xi32, #tpu.memory_space<hbm>> -> memref<512xi32, #tpu.memory_space<hbm>>
      tpu.enqueue_dma source(%dma_start3A_1782 : memref<512xi32, #tpu.memory_space<hbm>>) target(%dma_start3A_1781 : memref<512xi32, #tpu.memory_space<vmem>>) target_semaphore(%run_scoped3A : memref<!tpu.dma_semaphore, #tpu.memory_space<semaphore_mem>>)
      %dma_wait3A_1783 = arith.constant 1024 : i32
      %dma_wait3A_1784 = tpu.memref_slice %arg13[%dma_wait3A_1783] : memref<18432xi32, #tpu.memory_space<vmem>> -> memref<512xi32, #tpu.memory_space<vmem>>
      %dma_wait3A_1785 = tpu.memref_slice %arg7[%add3A_18] : memref<16384xi32, #tpu.memory_space<hbm>> -> memref<512xi32, #tpu.memory_space<hbm>>
      %dma_wait3A_1786 = arith.constant 1024 : i32
      %dma_wait3A_1787 = tpu.memref_slice %arg13[%dma_wait3A_1786] : memref<18432xi32, #tpu.memory_space<vmem>> -> memref<512xi32, #tpu.memory_space<vmem>>
      %dma_wait3A_1788 = tpu.memref_slice %arg7[%add3A_18] : memref<16384xi32, #tpu.memory_space<hbm>> -> memref<512xi32, #tpu.memory_space<hbm>>
      tpu.wait_dma2 semaphore(%run_scoped3A : memref<!tpu.dma_semaphore, #tpu.memory_space<semaphore_mem>>) src(%dma_wait3A_1788 : memref<512xi32, #tpu.memory_space<hbm>>) dst(%dma_wait3A_1787 : memref<512xi32, #tpu.memory_space<vmem>>)
      tpu.yield
    }) : () -> ()
    %mul3A_19 = arith.constant 512 : i32
    %mul3A_20 = arith.muli %add3A, %mul3A_19 : i32
    %add3A_21 = arith.constant 32768 : i32
    %add3A_22 = arith.addi %add3A_21, %mul3A_20 : i32
    %add3A_23 = arith.constant 0 : i32
    %add3A_24 = arith.addi %add3A_22, %add3A_23 : i32
    %mul3A_25 = arith.constant 1024 : i32
    %mul3A_26 = arith.muli %add3A, %mul3A_25 : i32
    %add3A_27 = arith.constant 0 : i32
    %add3A_28 = arith.addi %add3A_27, %mul3A_26 : i32
    "tpu.region"() ({
      %run_scoped3A = tpu.sem_alloc : memref<!tpu.dma_semaphore, #tpu.memory_space<semaphore_mem>>
      %dma_start3A_1777 = arith.constant 1536 : i32
      %dma_start3A_1778 = tpu.memref_slice %arg13[%dma_start3A_1777] : memref<18432xi32, #tpu.memory_space<vmem>> -> memref<1024xi32, #tpu.memory_space<vmem>>
      %dma_start3A_1779 = tpu.memref_slice %arg8[%add3A_28] : memref<360448xi32, #tpu.memory_space<hbm>> -> memref<1024xi32, #tpu.memory_space<hbm>>
      %dma_start3A_1780 = arith.constant 1536 : i32
      %dma_start3A_1781 = tpu.memref_slice %arg13[%dma_start3A_1780] : memref<18432xi32, #tpu.memory_space<vmem>> -> memref<1024xi32, #tpu.memory_space<vmem>>
      %dma_start3A_1782 = tpu.memref_slice %arg8[%add3A_28] : memref<360448xi32, #tpu.memory_space<hbm>> -> memref<1024xi32, #tpu.memory_space<hbm>>
      tpu.enqueue_dma source(%dma_start3A_1782 : memref<1024xi32, #tpu.memory_space<hbm>>) target(%dma_start3A_1781 : memref<1024xi32, #tpu.memory_space<vmem>>) target_semaphore(%run_scoped3A : memref<!tpu.dma_semaphore, #tpu.memory_space<semaphore_mem>>)
      %dma_wait3A_1783 = arith.constant 1536 : i32
      %dma_wait3A_1784 = tpu.memref_slice %arg13[%dma_wait3A_1783] : memref<18432xi32, #tpu.memory_space<vmem>> -> memref<1024xi32, #tpu.memory_space<vmem>>
      %dma_wait3A_1785 = tpu.memref_slice %arg8[%add3A_28] : memref<360448xi32, #tpu.memory_space<hbm>> -> memref<1024xi32, #tpu.memory_space<hbm>>
      %dma_wait3A_1786 = arith.constant 1536 : i32
      %dma_wait3A_1787 = tpu.memref_slice %arg13[%dma_wait3A_1786] : memref<18432xi32, #tpu.memory_space<vmem>> -> memref<1024xi32, #tpu.memory_space<vmem>>
      %dma_wait3A_1788 = tpu.memref_slice %arg8[%add3A_28] : memref<360448xi32, #tpu.memory_space<hbm>> -> memref<1024xi32, #tpu.memory_space<hbm>>
      tpu.wait_dma2 semaphore(%run_scoped3A : memref<!tpu.dma_semaphore, #tpu.memory_space<semaphore_mem>>) src(%dma_wait3A_1788 : memref<1024xi32, #tpu.memory_space<hbm>>) dst(%dma_wait3A_1787 : memref<1024xi32, #tpu.memory_space<vmem>>)
      tpu.yield
    }) : () -> ()
    %mul3A_29 = arith.constant 1024 : i32
    %mul3A_30 = arith.muli %add3A, %mul3A_29 : i32
    %add3A_31 = arith.constant 0 : i32
    %add3A_32 = arith.addi %add3A_31, %mul3A_30 : i32
    %add3A_33 = arith.constant 0 : i32
    %add3A_34 = arith.addi %add3A_32, %add3A_33 : i32
    %add3A_35 = arith.constant 512 : i32
    %add3A_36 = arith.addi %add3A_32, %add3A_35 : i32
    %mul3A_37 = arith.constant 512 : i32
    %mul3A_38 = arith.muli %add3A, %mul3A_37 : i32
    %add3A_39 = arith.constant 0 : i32
    %add3A_40 = arith.addi %add3A_39, %mul3A_38 : i32
    "tpu.region"() ({
      %run_scoped3A = tpu.sem_alloc : memref<!tpu.dma_semaphore, #tpu.memory_space<semaphore_mem>>
      %dma_start3A_1777 = arith.constant 2560 : i32
      %dma_start3A_1778 = tpu.memref_slice %arg13[%dma_start3A_1777] : memref<18432xi32, #tpu.memory_space<vmem>> -> memref<512xi32, #tpu.memory_space<vmem>>
      %dma_start3A_1779 = tpu.memref_slice %arg9[%add3A_40] : memref<180224xi32, #tpu.memory_space<hbm>> -> memref<512xi32, #tpu.memory_space<hbm>>
      %dma_start3A_1780 = arith.constant 2560 : i32
      %dma_start3A_1781 = tpu.memref_slice %arg13[%dma_start3A_1780] : memref<18432xi32, #tpu.memory_space<vmem>> -> memref<512xi32, #tpu.memory_space<vmem>>
      %dma_start3A_1782 = tpu.memref_slice %arg9[%add3A_40] : memref<180224xi32, #tpu.memory_space<hbm>> -> memref<512xi32, #tpu.memory_space<hbm>>
      tpu.enqueue_dma source(%dma_start3A_1782 : memref<512xi32, #tpu.memory_space<hbm>>) target(%dma_start3A_1781 : memref<512xi32, #tpu.memory_space<vmem>>) target_semaphore(%run_scoped3A : memref<!tpu.dma_semaphore, #tpu.memory_space<semaphore_mem>>)
      %dma_wait3A_1783 = arith.constant 2560 : i32
      %dma_wait3A_1784 = tpu.memref_slice %arg13[%dma_wait3A_1783] : memref<18432xi32, #tpu.memory_space<vmem>> -> memref<512xi32, #tpu.memory_space<vmem>>
      %dma_wait3A_1785 = tpu.memref_slice %arg9[%add3A_40] : memref<180224xi32, #tpu.memory_space<hbm>> -> memref<512xi32, #tpu.memory_space<hbm>>
      %dma_wait3A_1786 = arith.constant 2560 : i32
      %dma_wait3A_1787 = tpu.memref_slice %arg13[%dma_wait3A_1786] : memref<18432xi32, #tpu.memory_space<vmem>> -> memref<512xi32, #tpu.memory_space<vmem>>
      %dma_wait3A_1788 = tpu.memref_slice %arg9[%add3A_40] : memref<180224xi32, #tpu.memory_space<hbm>> -> memref<512xi32, #tpu.memory_space<hbm>>
      tpu.wait_dma2 semaphore(%run_scoped3A : memref<!tpu.dma_semaphore, #tpu.memory_space<semaphore_mem>>) src(%dma_wait3A_1788 : memref<512xi32, #tpu.memory_space<hbm>>) dst(%dma_wait3A_1787 : memref<512xi32, #tpu.memory_space<vmem>>)
      tpu.yield
    }) : () -> ()
    %mul3A_41 = arith.constant 512 : i32
    %mul3A_42 = arith.muli %add3A, %mul3A_41 : i32
    %add3A_43 = arith.constant 32768 : i32
    %add3A_44 = arith.addi %add3A_43, %mul3A_42 : i32
    %add3A_45 = arith.constant 0 : i32
    %add3A_46 = arith.addi %add3A_44, %add3A_45 : i32
    %mul3A_47 = arith.constant 10240 : i32
    %mul3A_48 = arith.muli %add3A, %mul3A_47 : i32
    %add3A_49 = arith.constant 32768 : i32
    %add3A_50 = arith.addi %add3A_49, %mul3A_48 : i32
    "tpu.region"() ({
      %run_scoped3A = tpu.sem_alloc : memref<!tpu.dma_semaphore, #tpu.memory_space<semaphore_mem>>
      %dma_start3A_1777 = arith.constant 3072 : i32
      %dma_start3A_1778 = tpu.memref_slice %arg13[%dma_start3A_1777] : memref<18432xi32, #tpu.memory_space<vmem>> -> memref<10240xi32, #tpu.memory_space<vmem>>
      %dma_start3A_1779 = tpu.memref_slice %arg8[%add3A_50] : memref<360448xi32, #tpu.memory_space<hbm>> -> memref<10240xi32, #tpu.memory_space<hbm>>
      %dma_start3A_1780 = arith.constant 3072 : i32
      %dma_start3A_1781 = tpu.memref_slice %arg13[%dma_start3A_1780] : memref<18432xi32, #tpu.memory_space<vmem>> -> memref<10240xi32, #tpu.memory_space<vmem>>
      %dma_start3A_1782 = tpu.memref_slice %arg8[%add3A_50] : memref<360448xi32, #tpu.memory_space<hbm>> -> memref<10240xi32, #tpu.memory_space<hbm>>
      tpu.enqueue_dma source(%dma_start3A_1782 : memref<10240xi32, #tpu.memory_space<hbm>>) target(%dma_start3A_1781 : memref<10240xi32, #tpu.memory_space<vmem>>) target_semaphore(%run_scoped3A : memref<!tpu.dma_semaphore, #tpu.memory_space<semaphore_mem>>)
      %dma_wait3A_1783 = arith.constant 3072 : i32
      %dma_wait3A_1784 = tpu.memref_slice %arg13[%dma_wait3A_1783] : memref<18432xi32, #tpu.memory_space<vmem>> -> memref<10240xi32, #tpu.memory_space<vmem>>
      %dma_wait3A_1785 = tpu.memref_slice %arg8[%add3A_50] : memref<360448xi32, #tpu.memory_space<hbm>> -> memref<10240xi32, #tpu.memory_space<hbm>>
      %dma_wait3A_1786 = arith.constant 3072 : i32
      %dma_wait3A_1787 = tpu.memref_slice %arg13[%dma_wait3A_1786] : memref<18432xi32, #tpu.memory_space<vmem>> -> memref<10240xi32, #tpu.memory_space<vmem>>
      %dma_wait3A_1788 = tpu.memref_slice %arg8[%add3A_50] : memref<360448xi32, #tpu.memory_space<hbm>> -> memref<10240xi32, #tpu.memory_space<hbm>>
      tpu.wait_dma2 semaphore(%run_scoped3A : memref<!tpu.dma_semaphore, #tpu.memory_space<semaphore_mem>>) src(%dma_wait3A_1788 : memref<10240xi32, #tpu.memory_space<hbm>>) dst(%dma_wait3A_1787 : memref<10240xi32, #tpu.memory_space<vmem>>)
      tpu.yield
    }) : () -> ()
    %mul3A_51 = arith.constant 10240 : i32
    %mul3A_52 = arith.muli %add3A, %mul3A_51 : i32
    %add3A_53 = arith.constant 0 : i32
    %add3A_54 = arith.addi %add3A_53, %mul3A_52 : i32
    %add3A_55 = arith.constant 0 : i32
    %add3A_56 = arith.addi %add3A_54, %add3A_55 : i32
    %add3A_57 = arith.constant 512 : i32
    %add3A_58 = arith.addi %add3A_54, %add3A_57 : i32
    %add3A_59 = arith.constant 1024 : i32
    %add3A_60 = arith.addi %add3A_54, %add3A_59 : i32
    %add3A_61 = arith.constant 1536 : i32
    %add3A_62 = arith.addi %add3A_54, %add3A_61 : i32
    %add3A_63 = arith.constant 2048 : i32
    %add3A_64 = arith.addi %add3A_54, %add3A_63 : i32
    %add3A_65 = arith.constant 2560 : i32
    %add3A_66 = arith.addi %add3A_54, %add3A_65 : i32
    %add3A_67 = arith.constant 3072 : i32
    %add3A_68 = arith.addi %add3A_54, %add3A_67 : i32
    %add3A_69 = arith.constant 3584 : i32
    %add3A_70 = arith.addi %add3A_54, %add3A_69 : i32
    %add3A_71 = arith.constant 4096 : i32
    %add3A_72 = arith.addi %add3A_54, %add3A_71 : i32
    %add3A_73 = arith.constant 4608 : i32
    %add3A_74 = arith.addi %add3A_54, %add3A_73 : i32
    %add3A_75 = arith.constant 5120 : i32
    %add3A_76 = arith.addi %add3A_54, %add3A_75 : i32
    %add3A_77 = arith.constant 5632 : i32
    %add3A_78 = arith.addi %add3A_54, %add3A_77 : i32
    %add3A_79 = arith.constant 6144 : i32
    %add3A_80 = arith.addi %add3A_54, %add3A_79 : i32
    %add3A_81 = arith.constant 6656 : i32
    %add3A_82 = arith.addi %add3A_54, %add3A_81 : i32
    %add3A_83 = arith.constant 7168 : i32
    %add3A_84 = arith.addi %add3A_54, %add3A_83 : i32
    %add3A_85 = arith.constant 7680 : i32
    %add3A_86 = arith.addi %add3A_54, %add3A_85 : i32
    %add3A_87 = arith.constant 8192 : i32
    %add3A_88 = arith.addi %add3A_54, %add3A_87 : i32
    %add3A_89 = arith.constant 8704 : i32
    %add3A_90 = arith.addi %add3A_54, %add3A_89 : i32
    %add3A_91 = arith.constant 9216 : i32
    %add3A_92 = arith.addi %add3A_54, %add3A_91 : i32
    %add3A_93 = arith.constant 9728 : i32
    %add3A_94 = arith.addi %add3A_54, %add3A_93 : i32
    %mul3A_95 = arith.constant 5120 : i32
    %mul3A_96 = arith.muli %add3A, %mul3A_95 : i32
    %add3A_97 = arith.constant 16384 : i32
    %add3A_98 = arith.addi %add3A_97, %mul3A_96 : i32
    "tpu.region"() ({
      %run_scoped3A = tpu.sem_alloc : memref<!tpu.dma_semaphore, #tpu.memory_space<semaphore_mem>>
      %dma_start3A_1777 = arith.constant 13312 : i32
      %dma_start3A_1778 = tpu.memref_slice %arg13[%dma_start3A_1777] : memref<18432xi32, #tpu.memory_space<vmem>> -> memref<5120xi32, #tpu.memory_space<vmem>>
      %dma_start3A_1779 = tpu.memref_slice %arg9[%add3A_98] : memref<180224xi32, #tpu.memory_space<hbm>> -> memref<5120xi32, #tpu.memory_space<hbm>>
      %dma_start3A_1780 = arith.constant 13312 : i32
      %dma_start3A_1781 = tpu.memref_slice %arg13[%dma_start3A_1780] : memref<18432xi32, #tpu.memory_space<vmem>> -> memref<5120xi32, #tpu.memory_space<vmem>>
      %dma_start3A_1782 = tpu.memref_slice %arg9[%add3A_98] : memref<180224xi32, #tpu.memory_space<hbm>> -> memref<5120xi32, #tpu.memory_space<hbm>>
      tpu.enqueue_dma source(%dma_start3A_1782 : memref<5120xi32, #tpu.memory_space<hbm>>) target(%dma_start3A_1781 : memref<5120xi32, #tpu.memory_space<vmem>>) target_semaphore(%run_scoped3A : memref<!tpu.dma_semaphore, #tpu.memory_space<semaphore_mem>>)
      %dma_wait3A_1783 = arith.constant 13312 : i32
      %dma_wait3A_1784 = tpu.memref_slice %arg13[%dma_wait3A_1783] : memref<18432xi32, #tpu.memory_space<vmem>> -> memref<5120xi32, #tpu.memory_space<vmem>>
      %dma_wait3A_1785 = tpu.memref_slice %arg9[%add3A_98] : memref<180224xi32, #tpu.memory_space<hbm>> -> memref<5120xi32, #tpu.memory_space<hbm>>
      %dma_wait3A_1786 = arith.constant 13312 : i32
      %dma_wait3A_1787 = tpu.memref_slice %arg13[%dma_wait3A_1786] : memref<18432xi32, #tpu.memory_space<vmem>> -> memref<5120xi32, #tpu.memory_space<vmem>>
      %dma_wait3A_1788 = tpu.memref_slice %arg9[%add3A_98] : memref<180224xi32, #tpu.memory_space<hbm>> -> memref<5120xi32, #tpu.memory_space<hbm>>
      tpu.wait_dma2 semaphore(%run_scoped3A : memref<!tpu.dma_semaphore, #tpu.memory_space<semaphore_mem>>) src(%dma_wait3A_1788 : memref<5120xi32, #tpu.memory_space<hbm>>) dst(%dma_wait3A_1787 : memref<5120xi32, #tpu.memory_space<vmem>>)
      tpu.yield
    }) : () -> ()
    %mul3A_99 = arith.constant 5120 : i32
    %mul3A_100 = arith.muli %add3A, %mul3A_99 : i32
    %add3A_101 = arith.constant 327680 : i32
    %add3A_102 = arith.addi %add3A_101, %mul3A_100 : i32
    %add3A_103 = arith.constant 0 : i32
    %add3A_104 = arith.addi %add3A_102, %add3A_103 : i32
    %add3A_105 = arith.constant 512 : i32
    %add3A_106 = arith.addi %add3A_102, %add3A_105 : i32
    %add3A_107 = arith.constant 1024 : i32
    %add3A_108 = arith.addi %add3A_102, %add3A_107 : i32
    %add3A_109 = arith.constant 1536 : i32
    %add3A_110 = arith.addi %add3A_102, %add3A_109 : i32
    %add3A_111 = arith.constant 2048 : i32
    %add3A_112 = arith.addi %add3A_102, %add3A_111 : i32
    %add3A_113 = arith.constant 2560 : i32
    %add3A_114 = arith.addi %add3A_102, %add3A_113 : i32
    %add3A_115 = arith.constant 3072 : i32
    %add3A_116 = arith.addi %add3A_102, %add3A_115 : i32
    %add3A_117 = arith.constant 3584 : i32
    %add3A_118 = arith.addi %add3A_102, %add3A_117 : i32
    %add3A_119 = arith.constant 4096 : i32
    %add3A_120 = arith.addi %add3A_102, %add3A_119 : i32
    %add3A_121 = arith.constant 4608 : i32
    %add3A_122 = arith.addi %add3A_102, %add3A_121 : i32
    %dma_start3A = arith.constant 0 : i32
    %dma_start3A_123 = arith.constant 0 : i32
    %dma_start3A_124 = arith.constant 0 : i32
    %dma_start3A_125 = tpu.memref_slice %arg14[%dma_start3A, %dma_start3A_123, %dma_start3A_124] : memref<2x512x64xf32, #tpu.memory_space<vmem>> -> memref<1x512x64xf32, #tpu.memory_space<vmem>>
    %dma_start3A_126 = tpu.memref_squeeze %dma_start3A_125 : memref<1x512x64xf32, #tpu.memory_space<vmem>> -> memref<512x64xf32, #tpu.memory_space<vmem>>
    %dma_start3A_127 = arith.constant 0 : i32
    %dma_start3A_128 = tpu.memref_slice %arg13[%dma_start3A_127] : memref<18432xi32, #tpu.memory_space<vmem>> -> memref<512xi32, #tpu.memory_space<vmem>>
    %dma_start3A_129 = arith.constant 0 : i32
    %dma_start3A_130 = arith.constant 0 : i32
    %dma_start3A_131 = tpu.memref_slice %arg2[%dma_start3A_129, %dma_start3A_130] : memref<100000x64xf32, #tpu.memory_space<hbm>> -> memref<100000x64xf32, #tpu.memory_space<hbm>>
    tpu.enqueue_indirect_dma source(%dma_start3A_131 : memref<100000x64xf32, #tpu.memory_space<hbm>>) target(%dma_start3A_126 : memref<512x64xf32, #tpu.memory_space<vmem>>) offsets(%dma_start3A_128 : memref<512xi32, #tpu.memory_space<vmem>>) semaphore(%arg17 : memref<!tpu.dma_semaphore, #tpu.memory_space<semaphore_mem>>)
    %dma_start3A_132 = arith.constant 1 : i32
    %dma_start3A_133 = arith.constant 0 : i32
    %dma_start3A_134 = arith.constant 0 : i32
    %dma_start3A_135 = tpu.memref_slice %arg14[%dma_start3A_132, %dma_start3A_133, %dma_start3A_134] : memref<2x512x64xf32, #tpu.memory_space<vmem>> -> memref<1x512x64xf32, #tpu.memory_space<vmem>>
    %dma_start3A_136 = tpu.memref_squeeze %dma_start3A_135 : memref<1x512x64xf32, #tpu.memory_space<vmem>> -> memref<512x64xf32, #tpu.memory_space<vmem>>
    %dma_start3A_137 = arith.constant 512 : i32
    %dma_start3A_138 = tpu.memref_slice %arg13[%dma_start3A_137] : memref<18432xi32, #tpu.memory_space<vmem>> -> memref<512xi32, #tpu.memory_space<vmem>>
    %dma_start3A_139 = arith.constant 0 : i32
    %dma_start3A_140 = arith.constant 0 : i32
    %dma_start3A_141 = tpu.memref_slice %arg2[%dma_start3A_139, %dma_start3A_140] : memref<100000x64xf32, #tpu.memory_space<hbm>> -> memref<100000x64xf32, #tpu.memory_space<hbm>>
    tpu.enqueue_indirect_dma source(%dma_start3A_141 : memref<100000x64xf32, #tpu.memory_space<hbm>>) target(%dma_start3A_136 : memref<512x64xf32, #tpu.memory_space<vmem>>) offsets(%dma_start3A_138 : memref<512xi32, #tpu.memory_space<vmem>>) semaphore(%arg18 : memref<!tpu.dma_semaphore, #tpu.memory_space<semaphore_mem>>)
    %dma_wait3A = arith.constant 0 : i32
    %dma_wait3A_142 = arith.constant 0 : i32
    %dma_wait3A_143 = arith.constant 0 : i32
    %dma_wait3A_144 = tpu.memref_slice %arg14[%dma_wait3A, %dma_wait3A_142, %dma_wait3A_143] : memref<2x512x64xf32, #tpu.memory_space<vmem>> -> memref<1x512x64xf32, #tpu.memory_space<vmem>>
    %dma_wait3A_145 = tpu.memref_squeeze %dma_wait3A_144 : memref<1x512x64xf32, #tpu.memory_space<vmem>> -> memref<512x64xf32, #tpu.memory_space<vmem>>
    %dma_wait3A_146 = arith.constant 0 : i32
    %dma_wait3A_147 = tpu.memref_slice %arg13[%dma_wait3A_146] : memref<18432xi32, #tpu.memory_space<vmem>> -> memref<512xi32, #tpu.memory_space<vmem>>
    %dma_wait3A_148 = arith.constant 0 : i32
    %dma_wait3A_149 = arith.constant 0 : i32
    %dma_wait3A_150 = tpu.memref_slice %arg2[%dma_wait3A_148, %dma_wait3A_149] : memref<100000x64xf32, #tpu.memory_space<hbm>> -> memref<100000x64xf32, #tpu.memory_space<hbm>>
    tpu.wait_indirect_dma semaphore(%arg17 : memref<!tpu.dma_semaphore, #tpu.memory_space<semaphore_mem>>) src(%dma_wait3A_150 : memref<100000x64xf32, #tpu.memory_space<hbm>>) dst(%dma_wait3A_145 : memref<512x64xf32, #tpu.memory_space<vmem>>)
    %dma_start3A_151 = arith.constant 0 : i32
    %dma_start3A_152 = arith.constant 0 : i32
    %dma_start3A_153 = arith.constant 0 : i32
    %dma_start3A_154 = tpu.memref_slice %arg14[%dma_start3A_151, %dma_start3A_152, %dma_start3A_153] : memref<2x512x64xf32, #tpu.memory_space<vmem>> -> memref<1x512x64xf32, #tpu.memory_space<vmem>>
    %dma_start3A_155 = tpu.memref_squeeze %dma_start3A_154 : memref<1x512x64xf32, #tpu.memory_space<vmem>> -> memref<512x64xf32, #tpu.memory_space<vmem>>
    %dma_start3A_156 = arith.constant 0 : i32
    %dma_start3A_157 = tpu.memref_slice %arg10[%add3A_12, %dma_start3A_156] : memref<49152x64xf32, #tpu.memory_space<hbm>> -> memref<512x64xf32, #tpu.memory_space<hbm>>
    %dma_start3A_158 = arith.constant 0 : i32
    %dma_start3A_159 = tpu.memref_slice %arg10[%add3A_12, %dma_start3A_158] : memref<49152x64xf32, #tpu.memory_space<hbm>> -> memref<512x64xf32, #tpu.memory_space<hbm>>
    %dma_start3A_160 = arith.constant 0 : i32
    %dma_start3A_161 = arith.constant 0 : i32
    %dma_start3A_162 = tpu.memref_slice %arg14[%dma_start3A_151, %dma_start3A_160, %dma_start3A_161] : memref<2x512x64xf32, #tpu.memory_space<vmem>> -> memref<1x512x64xf32, #tpu.memory_space<vmem>>
    %dma_start3A_163 = tpu.memref_squeeze %dma_start3A_162 : memref<1x512x64xf32, #tpu.memory_space<vmem>> -> memref<512x64xf32, #tpu.memory_space<vmem>>
    tpu.enqueue_dma source(%dma_start3A_163 : memref<512x64xf32, #tpu.memory_space<vmem>>) target(%dma_start3A_159 : memref<512x64xf32, #tpu.memory_space<hbm>>) target_semaphore(%arg19 : memref<!tpu.dma_semaphore, #tpu.memory_space<semaphore_mem>>)
    %dma_wait3A_164 = arith.constant 0 : i32
    %dma_wait3A_165 = arith.constant 0 : i32
    %dma_wait3A_166 = arith.constant 0 : i32
    %dma_wait3A_167 = tpu.memref_slice %arg14[%dma_wait3A_164, %dma_wait3A_165, %dma_wait3A_166] : memref<2x512x64xf32, #tpu.memory_space<vmem>> -> memref<1x512x64xf32, #tpu.memory_space<vmem>>
    %dma_wait3A_168 = tpu.memref_squeeze %dma_wait3A_167 : memref<1x512x64xf32, #tpu.memory_space<vmem>> -> memref<512x64xf32, #tpu.memory_space<vmem>>
    %dma_wait3A_169 = arith.constant 0 : i32
    %dma_wait3A_170 = tpu.memref_slice %arg10[%add3A_12, %dma_wait3A_169] : memref<49152x64xf32, #tpu.memory_space<hbm>> -> memref<512x64xf32, #tpu.memory_space<hbm>>
    %dma_wait3A_171 = arith.constant 0 : i32
    %dma_wait3A_172 = tpu.memref_slice %arg10[%add3A_12, %dma_wait3A_171] : memref<49152x64xf32, #tpu.memory_space<hbm>> -> memref<512x64xf32, #tpu.memory_space<hbm>>
    %dma_wait3A_173 = arith.constant 0 : i32
    %dma_wait3A_174 = arith.constant 0 : i32
    %dma_wait3A_175 = tpu.memref_slice %arg14[%dma_wait3A_164, %dma_wait3A_173, %dma_wait3A_174] : memref<2x512x64xf32, #tpu.memory_space<vmem>> -> memref<1x512x64xf32, #tpu.memory_space<vmem>>
    %dma_wait3A_176 = tpu.memref_squeeze %dma_wait3A_175 : memref<1x512x64xf32, #tpu.memory_space<vmem>> -> memref<512x64xf32, #tpu.memory_space<vmem>>
    tpu.wait_dma2 semaphore(%arg19 : memref<!tpu.dma_semaphore, #tpu.memory_space<semaphore_mem>>) src(%dma_wait3A_176 : memref<512x64xf32, #tpu.memory_space<vmem>>) dst(%dma_wait3A_172 : memref<512x64xf32, #tpu.memory_space<hbm>>)
    %dma_start3A_177 = arith.constant 0 : i32
    %dma_start3A_178 = arith.constant 0 : i32
    %dma_start3A_179 = arith.constant 0 : i32
    %dma_start3A_180 = tpu.memref_slice %arg14[%dma_start3A_177, %dma_start3A_178, %dma_start3A_179] : memref<2x512x64xf32, #tpu.memory_space<vmem>> -> memref<1x512x64xf32, #tpu.memory_space<vmem>>
    %dma_start3A_181 = tpu.memref_squeeze %dma_start3A_180 : memref<1x512x64xf32, #tpu.memory_space<vmem>> -> memref<512x64xf32, #tpu.memory_space<vmem>>
    %dma_start3A_182 = arith.constant 1024 : i32
    %dma_start3A_183 = tpu.memref_slice %arg13[%dma_start3A_182] : memref<18432xi32, #tpu.memory_space<vmem>> -> memref<512xi32, #tpu.memory_space<vmem>>
    %dma_start3A_184 = arith.constant 0 : i32
    %dma_start3A_185 = arith.constant 0 : i32
    %dma_start3A_186 = tpu.memref_slice %arg15[%dma_start3A_184, %dma_start3A_185] : memref<1000x64xf32, #tpu.memory_space<vmem_shared>> -> memref<1000x64xf32, #tpu.memory_space<vmem_shared>>
    tpu.enqueue_indirect_dma source(%dma_start3A_186 : memref<1000x64xf32, #tpu.memory_space<vmem_shared>>) target(%dma_start3A_181 : memref<512x64xf32, #tpu.memory_space<vmem>>) offsets(%dma_start3A_183 : memref<512xi32, #tpu.memory_space<vmem>>) semaphore(%arg17 : memref<!tpu.dma_semaphore, #tpu.memory_space<semaphore_mem>>)
    %dma_wait3A_187 = arith.constant 1 : i32
    %dma_wait3A_188 = arith.constant 0 : i32
    %dma_wait3A_189 = arith.constant 0 : i32
    %dma_wait3A_190 = tpu.memref_slice %arg14[%dma_wait3A_187, %dma_wait3A_188, %dma_wait3A_189] : memref<2x512x64xf32, #tpu.memory_space<vmem>> -> memref<1x512x64xf32, #tpu.memory_space<vmem>>
    %dma_wait3A_191 = tpu.memref_squeeze %dma_wait3A_190 : memref<1x512x64xf32, #tpu.memory_space<vmem>> -> memref<512x64xf32, #tpu.memory_space<vmem>>
    %dma_wait3A_192 = arith.constant 512 : i32
    %dma_wait3A_193 = tpu.memref_slice %arg13[%dma_wait3A_192] : memref<18432xi32, #tpu.memory_space<vmem>> -> memref<512xi32, #tpu.memory_space<vmem>>
    %dma_wait3A_194 = arith.constant 0 : i32
    %dma_wait3A_195 = arith.constant 0 : i32
    %dma_wait3A_196 = tpu.memref_slice %arg2[%dma_wait3A_194, %dma_wait3A_195] : memref<100000x64xf32, #tpu.memory_space<hbm>> -> memref<100000x64xf32, #tpu.memory_space<hbm>>
    tpu.wait_indirect_dma semaphore(%arg18 : memref<!tpu.dma_semaphore, #tpu.memory_space<semaphore_mem>>) src(%dma_wait3A_196 : memref<100000x64xf32, #tpu.memory_space<hbm>>) dst(%dma_wait3A_191 : memref<512x64xf32, #tpu.memory_space<vmem>>)
    %dma_start3A_197 = arith.constant 1 : i32
    %dma_start3A_198 = arith.constant 0 : i32
    %dma_start3A_199 = arith.constant 0 : i32
    %dma_start3A_200 = tpu.memref_slice %arg14[%dma_start3A_197, %dma_start3A_198, %dma_start3A_199] : memref<2x512x64xf32, #tpu.memory_space<vmem>> -> memref<1x512x64xf32, #tpu.memory_space<vmem>>
    %dma_start3A_201 = tpu.memref_squeeze %dma_start3A_200 : memref<1x512x64xf32, #tpu.memory_space<vmem>> -> memref<512x64xf32, #tpu.memory_space<vmem>>
    %dma_start3A_202 = arith.constant 0 : i32
    %dma_start3A_203 = tpu.memref_slice %arg10[%add3A_14, %dma_start3A_202] : memref<49152x64xf32, #tpu.memory_space<hbm>> -> memref<512x64xf32, #tpu.memory_space<hbm>>
    %dma_start3A_204 = arith.constant 0 : i32
    %dma_start3A_205 = tpu.memref_slice %arg10[%add3A_14, %dma_start3A_204] : memref<49152x64xf32, #tpu.memory_space<hbm>> -> memref<512x64xf32, #tpu.memory_space<hbm>>
    %dma_start3A_206 = arith.constant 0 : i32
    %dma_start3A_207 = arith.constant 0 : i32
    %dma_start3A_208 = tpu.memref_slice %arg14[%dma_start3A_197, %dma_start3A_206, %dma_start3A_207] : memref<2x512x64xf32, #tpu.memory_space<vmem>> -> memref<1x512x64xf32, #tpu.memory_space<vmem>>
    %dma_start3A_209 = tpu.memref_squeeze %dma_start3A_208 : memref<1x512x64xf32, #tpu.memory_space<vmem>> -> memref<512x64xf32, #tpu.memory_space<vmem>>
    tpu.enqueue_dma source(%dma_start3A_209 : memref<512x64xf32, #tpu.memory_space<vmem>>) target(%dma_start3A_205 : memref<512x64xf32, #tpu.memory_space<hbm>>) target_semaphore(%arg20 : memref<!tpu.dma_semaphore, #tpu.memory_space<semaphore_mem>>)
    %dma_wait3A_210 = arith.constant 1 : i32
    %dma_wait3A_211 = arith.constant 0 : i32
    %dma_wait3A_212 = arith.constant 0 : i32
    %dma_wait3A_213 = tpu.memref_slice %arg14[%dma_wait3A_210, %dma_wait3A_211, %dma_wait3A_212] : memref<2x512x64xf32, #tpu.memory_space<vmem>> -> memref<1x512x64xf32, #tpu.memory_space<vmem>>
    %dma_wait3A_214 = tpu.memref_squeeze %dma_wait3A_213 : memref<1x512x64xf32, #tpu.memory_space<vmem>> -> memref<512x64xf32, #tpu.memory_space<vmem>>
    %dma_wait3A_215 = arith.constant 0 : i32
    %dma_wait3A_216 = tpu.memref_slice %arg10[%add3A_14, %dma_wait3A_215] : memref<49152x64xf32, #tpu.memory_space<hbm>> -> memref<512x64xf32, #tpu.memory_space<hbm>>
    %dma_wait3A_217 = arith.constant 0 : i32
    %dma_wait3A_218 = tpu.memref_slice %arg10[%add3A_14, %dma_wait3A_217] : memref<49152x64xf32, #tpu.memory_space<hbm>> -> memref<512x64xf32, #tpu.memory_space<hbm>>
    %dma_wait3A_219 = arith.constant 0 : i32
    %dma_wait3A_220 = arith.constant 0 : i32
    %dma_wait3A_221 = tpu.memref_slice %arg14[%dma_wait3A_210, %dma_wait3A_219, %dma_wait3A_220] : memref<2x512x64xf32, #tpu.memory_space<vmem>> -> memref<1x512x64xf32, #tpu.memory_space<vmem>>
    %dma_wait3A_222 = tpu.memref_squeeze %dma_wait3A_221 : memref<1x512x64xf32, #tpu.memory_space<vmem>> -> memref<512x64xf32, #tpu.memory_space<vmem>>
    tpu.wait_dma2 semaphore(%arg20 : memref<!tpu.dma_semaphore, #tpu.memory_space<semaphore_mem>>) src(%dma_wait3A_222 : memref<512x64xf32, #tpu.memory_space<vmem>>) dst(%dma_wait3A_218 : memref<512x64xf32, #tpu.memory_space<hbm>>)
    %dma_start3A_223 = arith.constant 1 : i32
    %dma_start3A_224 = arith.constant 0 : i32
    %dma_start3A_225 = arith.constant 0 : i32
    %dma_start3A_226 = tpu.memref_slice %arg14[%dma_start3A_223, %dma_start3A_224, %dma_start3A_225] : memref<2x512x64xf32, #tpu.memory_space<vmem>> -> memref<1x512x64xf32, #tpu.memory_space<vmem>>
    %dma_start3A_227 = tpu.memref_squeeze %dma_start3A_226 : memref<1x512x64xf32, #tpu.memory_space<vmem>> -> memref<512x64xf32, #tpu.memory_space<vmem>>
    %dma_start3A_228 = arith.constant 1536 : i32
    %dma_start3A_229 = tpu.memref_slice %arg13[%dma_start3A_228] : memref<18432xi32, #tpu.memory_space<vmem>> -> memref<512xi32, #tpu.memory_space<vmem>>
    %dma_start3A_230 = arith.constant 0 : i32
    %dma_start3A_231 = arith.constant 0 : i32
    %dma_start3A_232 = tpu.memref_slice %arg4[%dma_start3A_230, %dma_start3A_231] : memref<100000x64xf32, #tpu.memory_space<hbm>> -> memref<100000x64xf32, #tpu.memory_space<hbm>>
    tpu.enqueue_indirect_dma source(%dma_start3A_232 : memref<100000x64xf32, #tpu.memory_space<hbm>>) target(%dma_start3A_227 : memref<512x64xf32, #tpu.memory_space<vmem>>) offsets(%dma_start3A_229 : memref<512xi32, #tpu.memory_space<vmem>>) semaphore(%arg18 : memref<!tpu.dma_semaphore, #tpu.memory_space<semaphore_mem>>)
    %dma_wait3A_233 = arith.constant 0 : i32
    %dma_wait3A_234 = arith.constant 0 : i32
    %dma_wait3A_235 = arith.constant 0 : i32
    %dma_wait3A_236 = tpu.memref_slice %arg14[%dma_wait3A_233, %dma_wait3A_234, %dma_wait3A_235] : memref<2x512x64xf32, #tpu.memory_space<vmem>> -> memref<1x512x64xf32, #tpu.memory_space<vmem>>
    %dma_wait3A_237 = tpu.memref_squeeze %dma_wait3A_236 : memref<1x512x64xf32, #tpu.memory_space<vmem>> -> memref<512x64xf32, #tpu.memory_space<vmem>>
    %dma_wait3A_238 = arith.constant 1024 : i32
    %dma_wait3A_239 = tpu.memref_slice %arg13[%dma_wait3A_238] : memref<18432xi32, #tpu.memory_space<vmem>> -> memref<512xi32, #tpu.memory_space<vmem>>
    %dma_wait3A_240 = arith.constant 0 : i32
    %dma_wait3A_241 = arith.constant 0 : i32
    %dma_wait3A_242 = tpu.memref_slice %arg15[%dma_wait3A_240, %dma_wait3A_241] : memref<1000x64xf32, #tpu.memory_space<vmem_shared>> -> memref<1000x64xf32, #tpu.memory_space<vmem_shared>>
    tpu.wait_indirect_dma semaphore(%arg17 : memref<!tpu.dma_semaphore, #tpu.memory_space<semaphore_mem>>) src(%dma_wait3A_242 : memref<1000x64xf32, #tpu.memory_space<vmem_shared>>) dst(%dma_wait3A_237 : memref<512x64xf32, #tpu.memory_space<vmem>>)
    %dma_start3A_243 = arith.constant 0 : i32
    %dma_start3A_244 = arith.constant 0 : i32
    %dma_start3A_245 = arith.constant 0 : i32
    %dma_start3A_246 = tpu.memref_slice %arg14[%dma_start3A_243, %dma_start3A_244, %dma_start3A_245] : memref<2x512x64xf32, #tpu.memory_space<vmem>> -> memref<1x512x64xf32, #tpu.memory_space<vmem>>
    %dma_start3A_247 = tpu.memref_squeeze %dma_start3A_246 : memref<1x512x64xf32, #tpu.memory_space<vmem>> -> memref<512x64xf32, #tpu.memory_space<vmem>>
    %dma_start3A_248 = arith.constant 0 : i32
    %dma_start3A_249 = tpu.memref_slice %arg10[%add3A_24, %dma_start3A_248] : memref<49152x64xf32, #tpu.memory_space<hbm>> -> memref<512x64xf32, #tpu.memory_space<hbm>>
    %dma_start3A_250 = arith.constant 0 : i32
    %dma_start3A_251 = tpu.memref_slice %arg10[%add3A_24, %dma_start3A_250] : memref<49152x64xf32, #tpu.memory_space<hbm>> -> memref<512x64xf32, #tpu.memory_space<hbm>>
    %dma_start3A_252 = arith.constant 0 : i32
    %dma_start3A_253 = arith.constant 0 : i32
    %dma_start3A_254 = tpu.memref_slice %arg14[%dma_start3A_243, %dma_start3A_252, %dma_start3A_253] : memref<2x512x64xf32, #tpu.memory_space<vmem>> -> memref<1x512x64xf32, #tpu.memory_space<vmem>>
    %dma_start3A_255 = tpu.memref_squeeze %dma_start3A_254 : memref<1x512x64xf32, #tpu.memory_space<vmem>> -> memref<512x64xf32, #tpu.memory_space<vmem>>
    tpu.enqueue_dma source(%dma_start3A_255 : memref<512x64xf32, #tpu.memory_space<vmem>>) target(%dma_start3A_251 : memref<512x64xf32, #tpu.memory_space<hbm>>) target_semaphore(%arg19 : memref<!tpu.dma_semaphore, #tpu.memory_space<semaphore_mem>>)
    %dma_wait3A_256 = arith.constant 0 : i32
    %dma_wait3A_257 = arith.constant 0 : i32
    %dma_wait3A_258 = arith.constant 0 : i32
    %dma_wait3A_259 = tpu.memref_slice %arg14[%dma_wait3A_256, %dma_wait3A_257, %dma_wait3A_258] : memref<2x512x64xf32, #tpu.memory_space<vmem>> -> memref<1x512x64xf32, #tpu.memory_space<vmem>>
    %dma_wait3A_260 = tpu.memref_squeeze %dma_wait3A_259 : memref<1x512x64xf32, #tpu.memory_space<vmem>> -> memref<512x64xf32, #tpu.memory_space<vmem>>
    %dma_wait3A_261 = arith.constant 0 : i32
    %dma_wait3A_262 = tpu.memref_slice %arg10[%add3A_24, %dma_wait3A_261] : memref<49152x64xf32, #tpu.memory_space<hbm>> -> memref<512x64xf32, #tpu.memory_space<hbm>>
    %dma_wait3A_263 = arith.constant 0 : i32
    %dma_wait3A_264 = tpu.memref_slice %arg10[%add3A_24, %dma_wait3A_263] : memref<49152x64xf32, #tpu.memory_space<hbm>> -> memref<512x64xf32, #tpu.memory_space<hbm>>
    %dma_wait3A_265 = arith.constant 0 : i32
    %dma_wait3A_266 = arith.constant 0 : i32
    %dma_wait3A_267 = tpu.memref_slice %arg14[%dma_wait3A_256, %dma_wait3A_265, %dma_wait3A_266] : memref<2x512x64xf32, #tpu.memory_space<vmem>> -> memref<1x512x64xf32, #tpu.memory_space<vmem>>
    %dma_wait3A_268 = tpu.memref_squeeze %dma_wait3A_267 : memref<1x512x64xf32, #tpu.memory_space<vmem>> -> memref<512x64xf32, #tpu.memory_space<vmem>>
    tpu.wait_dma2 semaphore(%arg19 : memref<!tpu.dma_semaphore, #tpu.memory_space<semaphore_mem>>) src(%dma_wait3A_268 : memref<512x64xf32, #tpu.memory_space<vmem>>) dst(%dma_wait3A_264 : memref<512x64xf32, #tpu.memory_space<hbm>>)
    %dma_start3A_269 = arith.constant 0 : i32
    %dma_start3A_270 = arith.constant 0 : i32
    %dma_start3A_271 = arith.constant 0 : i32
    %dma_start3A_272 = tpu.memref_slice %arg14[%dma_start3A_269, %dma_start3A_270, %dma_start3A_271] : memref<2x512x64xf32, #tpu.memory_space<vmem>> -> memref<1x512x64xf32, #tpu.memory_space<vmem>>
    %dma_start3A_273 = tpu.memref_squeeze %dma_start3A_272 : memref<1x512x64xf32, #tpu.memory_space<vmem>> -> memref<512x64xf32, #tpu.memory_space<vmem>>
    %dma_start3A_274 = arith.constant 2048 : i32
    %dma_start3A_275 = tpu.memref_slice %arg13[%dma_start3A_274] : memref<18432xi32, #tpu.memory_space<vmem>> -> memref<512xi32, #tpu.memory_space<vmem>>
    %dma_start3A_276 = arith.constant 0 : i32
    %dma_start3A_277 = arith.constant 0 : i32
    %dma_start3A_278 = tpu.memref_slice %arg4[%dma_start3A_276, %dma_start3A_277] : memref<100000x64xf32, #tpu.memory_space<hbm>> -> memref<100000x64xf32, #tpu.memory_space<hbm>>
    tpu.enqueue_indirect_dma source(%dma_start3A_278 : memref<100000x64xf32, #tpu.memory_space<hbm>>) target(%dma_start3A_273 : memref<512x64xf32, #tpu.memory_space<vmem>>) offsets(%dma_start3A_275 : memref<512xi32, #tpu.memory_space<vmem>>) semaphore(%arg17 : memref<!tpu.dma_semaphore, #tpu.memory_space<semaphore_mem>>)
    %dma_wait3A_279 = arith.constant 1 : i32
    %dma_wait3A_280 = arith.constant 0 : i32
    %dma_wait3A_281 = arith.constant 0 : i32
    %dma_wait3A_282 = tpu.memref_slice %arg14[%dma_wait3A_279, %dma_wait3A_280, %dma_wait3A_281] : memref<2x512x64xf32, #tpu.memory_space<vmem>> -> memref<1x512x64xf32, #tpu.memory_space<vmem>>
    %dma_wait3A_283 = tpu.memref_squeeze %dma_wait3A_282 : memref<1x512x64xf32, #tpu.memory_space<vmem>> -> memref<512x64xf32, #tpu.memory_space<vmem>>
    %dma_wait3A_284 = arith.constant 1536 : i32
    %dma_wait3A_285 = tpu.memref_slice %arg13[%dma_wait3A_284] : memref<18432xi32, #tpu.memory_space<vmem>> -> memref<512xi32, #tpu.memory_space<vmem>>
    %dma_wait3A_286 = arith.constant 0 : i32
    %dma_wait3A_287 = arith.constant 0 : i32
    %dma_wait3A_288 = tpu.memref_slice %arg4[%dma_wait3A_286, %dma_wait3A_287] : memref<100000x64xf32, #tpu.memory_space<hbm>> -> memref<100000x64xf32, #tpu.memory_space<hbm>>
    tpu.wait_indirect_dma semaphore(%arg18 : memref<!tpu.dma_semaphore, #tpu.memory_space<semaphore_mem>>) src(%dma_wait3A_288 : memref<100000x64xf32, #tpu.memory_space<hbm>>) dst(%dma_wait3A_283 : memref<512x64xf32, #tpu.memory_space<vmem>>)
    %dma_start3A_289 = arith.constant 1 : i32
    %dma_start3A_290 = arith.constant 0 : i32
    %dma_start3A_291 = arith.constant 0 : i32
    %dma_start3A_292 = tpu.memref_slice %arg14[%dma_start3A_289, %dma_start3A_290, %dma_start3A_291] : memref<2x512x64xf32, #tpu.memory_space<vmem>> -> memref<1x512x64xf32, #tpu.memory_space<vmem>>
    %dma_start3A_293 = tpu.memref_squeeze %dma_start3A_292 : memref<1x512x64xf32, #tpu.memory_space<vmem>> -> memref<512x64xf32, #tpu.memory_space<vmem>>
    %dma_start3A_294 = arith.constant 0 : i32
    %dma_start3A_295 = tpu.memref_slice %arg11[%add3A_34, %dma_start3A_294] : memref<49152x64xf32, #tpu.memory_space<hbm>> -> memref<512x64xf32, #tpu.memory_space<hbm>>
    %dma_start3A_296 = arith.constant 0 : i32
    %dma_start3A_297 = tpu.memref_slice %arg11[%add3A_34, %dma_start3A_296] : memref<49152x64xf32, #tpu.memory_space<hbm>> -> memref<512x64xf32, #tpu.memory_space<hbm>>
    %dma_start3A_298 = arith.constant 0 : i32
    %dma_start3A_299 = arith.constant 0 : i32
    %dma_start3A_300 = tpu.memref_slice %arg14[%dma_start3A_289, %dma_start3A_298, %dma_start3A_299] : memref<2x512x64xf32, #tpu.memory_space<vmem>> -> memref<1x512x64xf32, #tpu.memory_space<vmem>>
    %dma_start3A_301 = tpu.memref_squeeze %dma_start3A_300 : memref<1x512x64xf32, #tpu.memory_space<vmem>> -> memref<512x64xf32, #tpu.memory_space<vmem>>
    tpu.enqueue_dma source(%dma_start3A_301 : memref<512x64xf32, #tpu.memory_space<vmem>>) target(%dma_start3A_297 : memref<512x64xf32, #tpu.memory_space<hbm>>) target_semaphore(%arg20 : memref<!tpu.dma_semaphore, #tpu.memory_space<semaphore_mem>>)
    %dma_wait3A_302 = arith.constant 1 : i32
    %dma_wait3A_303 = arith.constant 0 : i32
    %dma_wait3A_304 = arith.constant 0 : i32
    %dma_wait3A_305 = tpu.memref_slice %arg14[%dma_wait3A_302, %dma_wait3A_303, %dma_wait3A_304] : memref<2x512x64xf32, #tpu.memory_space<vmem>> -> memref<1x512x64xf32, #tpu.memory_space<vmem>>
    %dma_wait3A_306 = tpu.memref_squeeze %dma_wait3A_305 : memref<1x512x64xf32, #tpu.memory_space<vmem>> -> memref<512x64xf32, #tpu.memory_space<vmem>>
    %dma_wait3A_307 = arith.constant 0 : i32
    %dma_wait3A_308 = tpu.memref_slice %arg11[%add3A_34, %dma_wait3A_307] : memref<49152x64xf32, #tpu.memory_space<hbm>> -> memref<512x64xf32, #tpu.memory_space<hbm>>
    %dma_wait3A_309 = arith.constant 0 : i32
    %dma_wait3A_310 = tpu.memref_slice %arg11[%add3A_34, %dma_wait3A_309] : memref<49152x64xf32, #tpu.memory_space<hbm>> -> memref<512x64xf32, #tpu.memory_space<hbm>>
    %dma_wait3A_311 = arith.constant 0 : i32
    %dma_wait3A_312 = arith.constant 0 : i32
    %dma_wait3A_313 = tpu.memref_slice %arg14[%dma_wait3A_302, %dma_wait3A_311, %dma_wait3A_312] : memref<2x512x64xf32, #tpu.memory_space<vmem>> -> memref<1x512x64xf32, #tpu.memory_space<vmem>>
    %dma_wait3A_314 = tpu.memref_squeeze %dma_wait3A_313 : memref<1x512x64xf32, #tpu.memory_space<vmem>> -> memref<512x64xf32, #tpu.memory_space<vmem>>
    tpu.wait_dma2 semaphore(%arg20 : memref<!tpu.dma_semaphore, #tpu.memory_space<semaphore_mem>>) src(%dma_wait3A_314 : memref<512x64xf32, #tpu.memory_space<vmem>>) dst(%dma_wait3A_310 : memref<512x64xf32, #tpu.memory_space<hbm>>)
    %dma_start3A_315 = arith.constant 1 : i32
    %dma_start3A_316 = arith.constant 0 : i32
    %dma_start3A_317 = arith.constant 0 : i32
    %dma_start3A_318 = tpu.memref_slice %arg14[%dma_start3A_315, %dma_start3A_316, %dma_start3A_317] : memref<2x512x64xf32, #tpu.memory_space<vmem>> -> memref<1x512x64xf32, #tpu.memory_space<vmem>>
    %dma_start3A_319 = tpu.memref_squeeze %dma_start3A_318 : memref<1x512x64xf32, #tpu.memory_space<vmem>> -> memref<512x64xf32, #tpu.memory_space<vmem>>
    %dma_start3A_320 = arith.constant 2560 : i32
    %dma_start3A_321 = tpu.memref_slice %arg13[%dma_start3A_320] : memref<18432xi32, #tpu.memory_space<vmem>> -> memref<512xi32, #tpu.memory_space<vmem>>
    %dma_start3A_322 = arith.constant 0 : i32
    %dma_start3A_323 = arith.constant 0 : i32
    %dma_start3A_324 = tpu.memref_slice %arg16[%dma_start3A_322, %dma_start3A_323] : memref<1000x64xf32, #tpu.memory_space<vmem_shared>> -> memref<1000x64xf32, #tpu.memory_space<vmem_shared>>
    tpu.enqueue_indirect_dma source(%dma_start3A_324 : memref<1000x64xf32, #tpu.memory_space<vmem_shared>>) target(%dma_start3A_319 : memref<512x64xf32, #tpu.memory_space<vmem>>) offsets(%dma_start3A_321 : memref<512xi32, #tpu.memory_space<vmem>>) semaphore(%arg18 : memref<!tpu.dma_semaphore, #tpu.memory_space<semaphore_mem>>)
    %dma_wait3A_325 = arith.constant 0 : i32
    %dma_wait3A_326 = arith.constant 0 : i32
    %dma_wait3A_327 = arith.constant 0 : i32
    %dma_wait3A_328 = tpu.memref_slice %arg14[%dma_wait3A_325, %dma_wait3A_326, %dma_wait3A_327] : memref<2x512x64xf32, #tpu.memory_space<vmem>> -> memref<1x512x64xf32, #tpu.memory_space<vmem>>
    %dma_wait3A_329 = tpu.memref_squeeze %dma_wait3A_328 : memref<1x512x64xf32, #tpu.memory_space<vmem>> -> memref<512x64xf32, #tpu.memory_space<vmem>>
    %dma_wait3A_330 = arith.constant 2048 : i32
    %dma_wait3A_331 = tpu.memref_slice %arg13[%dma_wait3A_330] : memref<18432xi32, #tpu.memory_space<vmem>> -> memref<512xi32, #tpu.memory_space<vmem>>
    %dma_wait3A_332 = arith.constant 0 : i32
    %dma_wait3A_333 = arith.constant 0 : i32
    %dma_wait3A_334 = tpu.memref_slice %arg4[%dma_wait3A_332, %dma_wait3A_333] : memref<100000x64xf32, #tpu.memory_space<hbm>> -> memref<100000x64xf32, #tpu.memory_space<hbm>>
    tpu.wait_indirect_dma semaphore(%arg17 : memref<!tpu.dma_semaphore, #tpu.memory_space<semaphore_mem>>) src(%dma_wait3A_334 : memref<100000x64xf32, #tpu.memory_space<hbm>>) dst(%dma_wait3A_329 : memref<512x64xf32, #tpu.memory_space<vmem>>)
    %dma_start3A_335 = arith.constant 0 : i32
    %dma_start3A_336 = arith.constant 0 : i32
    %dma_start3A_337 = arith.constant 0 : i32
    %dma_start3A_338 = tpu.memref_slice %arg14[%dma_start3A_335, %dma_start3A_336, %dma_start3A_337] : memref<2x512x64xf32, #tpu.memory_space<vmem>> -> memref<1x512x64xf32, #tpu.memory_space<vmem>>
    %dma_start3A_339 = tpu.memref_squeeze %dma_start3A_338 : memref<1x512x64xf32, #tpu.memory_space<vmem>> -> memref<512x64xf32, #tpu.memory_space<vmem>>
    %dma_start3A_340 = arith.constant 0 : i32
    %dma_start3A_341 = tpu.memref_slice %arg11[%add3A_36, %dma_start3A_340] : memref<49152x64xf32, #tpu.memory_space<hbm>> -> memref<512x64xf32, #tpu.memory_space<hbm>>
    %dma_start3A_342 = arith.constant 0 : i32
    %dma_start3A_343 = tpu.memref_slice %arg11[%add3A_36, %dma_start3A_342] : memref<49152x64xf32, #tpu.memory_space<hbm>> -> memref<512x64xf32, #tpu.memory_space<hbm>>
    %dma_start3A_344 = arith.constant 0 : i32
    %dma_start3A_345 = arith.constant 0 : i32
    %dma_start3A_346 = tpu.memref_slice %arg14[%dma_start3A_335, %dma_start3A_344, %dma_start3A_345] : memref<2x512x64xf32, #tpu.memory_space<vmem>> -> memref<1x512x64xf32, #tpu.memory_space<vmem>>
    %dma_start3A_347 = tpu.memref_squeeze %dma_start3A_346 : memref<1x512x64xf32, #tpu.memory_space<vmem>> -> memref<512x64xf32, #tpu.memory_space<vmem>>
    tpu.enqueue_dma source(%dma_start3A_347 : memref<512x64xf32, #tpu.memory_space<vmem>>) target(%dma_start3A_343 : memref<512x64xf32, #tpu.memory_space<hbm>>) target_semaphore(%arg19 : memref<!tpu.dma_semaphore, #tpu.memory_space<semaphore_mem>>)
    %dma_wait3A_348 = arith.constant 0 : i32
    %dma_wait3A_349 = arith.constant 0 : i32
    %dma_wait3A_350 = arith.constant 0 : i32
    %dma_wait3A_351 = tpu.memref_slice %arg14[%dma_wait3A_348, %dma_wait3A_349, %dma_wait3A_350] : memref<2x512x64xf32, #tpu.memory_space<vmem>> -> memref<1x512x64xf32, #tpu.memory_space<vmem>>
    %dma_wait3A_352 = tpu.memref_squeeze %dma_wait3A_351 : memref<1x512x64xf32, #tpu.memory_space<vmem>> -> memref<512x64xf32, #tpu.memory_space<vmem>>
    %dma_wait3A_353 = arith.constant 0 : i32
    %dma_wait3A_354 = tpu.memref_slice %arg11[%add3A_36, %dma_wait3A_353] : memref<49152x64xf32, #tpu.memory_space<hbm>> -> memref<512x64xf32, #tpu.memory_space<hbm>>
    %dma_wait3A_355 = arith.constant 0 : i32
    %dma_wait3A_356 = tpu.memref_slice %arg11[%add3A_36, %dma_wait3A_355] : memref<49152x64xf32, #tpu.memory_space<hbm>> -> memref<512x64xf32, #tpu.memory_space<hbm>>
    %dma_wait3A_357 = arith.constant 0 : i32
    %dma_wait3A_358 = arith.constant 0 : i32
    %dma_wait3A_359 = tpu.memref_slice %arg14[%dma_wait3A_348, %dma_wait3A_357, %dma_wait3A_358] : memref<2x512x64xf32, #tpu.memory_space<vmem>> -> memref<1x512x64xf32, #tpu.memory_space<vmem>>
    %dma_wait3A_360 = tpu.memref_squeeze %dma_wait3A_359 : memref<1x512x64xf32, #tpu.memory_space<vmem>> -> memref<512x64xf32, #tpu.memory_space<vmem>>
    tpu.wait_dma2 semaphore(%arg19 : memref<!tpu.dma_semaphore, #tpu.memory_space<semaphore_mem>>) src(%dma_wait3A_360 : memref<512x64xf32, #tpu.memory_space<vmem>>) dst(%dma_wait3A_356 : memref<512x64xf32, #tpu.memory_space<hbm>>)
    %dma_start3A_361 = arith.constant 0 : i32
    %dma_start3A_362 = arith.constant 0 : i32
    %dma_start3A_363 = arith.constant 0 : i32
    %dma_start3A_364 = tpu.memref_slice %arg14[%dma_start3A_361, %dma_start3A_362, %dma_start3A_363] : memref<2x512x64xf32, #tpu.memory_space<vmem>> -> memref<1x512x64xf32, #tpu.memory_space<vmem>>
    %dma_start3A_365 = tpu.memref_squeeze %dma_start3A_364 : memref<1x512x64xf32, #tpu.memory_space<vmem>> -> memref<512x64xf32, #tpu.memory_space<vmem>>
    %dma_start3A_366 = arith.constant 3072 : i32
    %dma_start3A_367 = tpu.memref_slice %arg13[%dma_start3A_366] : memref<18432xi32, #tpu.memory_space<vmem>> -> memref<512xi32, #tpu.memory_space<vmem>>
    %dma_start3A_368 = arith.constant 0 : i32
    %dma_start3A_369 = arith.constant 0 : i32
    %dma_start3A_370 = tpu.memref_slice %arg4[%dma_start3A_368, %dma_start3A_369] : memref<100000x64xf32, #tpu.memory_space<hbm>> -> memref<100000x64xf32, #tpu.memory_space<hbm>>
    tpu.enqueue_indirect_dma source(%dma_start3A_370 : memref<100000x64xf32, #tpu.memory_space<hbm>>) target(%dma_start3A_365 : memref<512x64xf32, #tpu.memory_space<vmem>>) offsets(%dma_start3A_367 : memref<512xi32, #tpu.memory_space<vmem>>) semaphore(%arg17 : memref<!tpu.dma_semaphore, #tpu.memory_space<semaphore_mem>>)
    %dma_wait3A_371 = arith.constant 1 : i32
    %dma_wait3A_372 = arith.constant 0 : i32
    %dma_wait3A_373 = arith.constant 0 : i32
    %dma_wait3A_374 = tpu.memref_slice %arg14[%dma_wait3A_371, %dma_wait3A_372, %dma_wait3A_373] : memref<2x512x64xf32, #tpu.memory_space<vmem>> -> memref<1x512x64xf32, #tpu.memory_space<vmem>>
    %dma_wait3A_375 = tpu.memref_squeeze %dma_wait3A_374 : memref<1x512x64xf32, #tpu.memory_space<vmem>> -> memref<512x64xf32, #tpu.memory_space<vmem>>
    %dma_wait3A_376 = arith.constant 2560 : i32
    %dma_wait3A_377 = tpu.memref_slice %arg13[%dma_wait3A_376] : memref<18432xi32, #tpu.memory_space<vmem>> -> memref<512xi32, #tpu.memory_space<vmem>>
    %dma_wait3A_378 = arith.constant 0 : i32
    %dma_wait3A_379 = arith.constant 0 : i32
    %dma_wait3A_380 = tpu.memref_slice %arg16[%dma_wait3A_378, %dma_wait3A_379] : memref<1000x64xf32, #tpu.memory_space<vmem_shared>> -> memref<1000x64xf32, #tpu.memory_space<vmem_shared>>
    tpu.wait_indirect_dma semaphore(%arg18 : memref<!tpu.dma_semaphore, #tpu.memory_space<semaphore_mem>>) src(%dma_wait3A_380 : memref<1000x64xf32, #tpu.memory_space<vmem_shared>>) dst(%dma_wait3A_375 : memref<512x64xf32, #tpu.memory_space<vmem>>)
    %dma_start3A_381 = arith.constant 1 : i32
    %dma_start3A_382 = arith.constant 0 : i32
    %dma_start3A_383 = arith.constant 0 : i32
    %dma_start3A_384 = tpu.memref_slice %arg14[%dma_start3A_381, %dma_start3A_382, %dma_start3A_383] : memref<2x512x64xf32, #tpu.memory_space<vmem>> -> memref<1x512x64xf32, #tpu.memory_space<vmem>>
    %dma_start3A_385 = tpu.memref_squeeze %dma_start3A_384 : memref<1x512x64xf32, #tpu.memory_space<vmem>> -> memref<512x64xf32, #tpu.memory_space<vmem>>
    %dma_start3A_386 = arith.constant 0 : i32
    %dma_start3A_387 = tpu.memref_slice %arg11[%add3A_46, %dma_start3A_386] : memref<49152x64xf32, #tpu.memory_space<hbm>> -> memref<512x64xf32, #tpu.memory_space<hbm>>
    %dma_start3A_388 = arith.constant 0 : i32
    %dma_start3A_389 = tpu.memref_slice %arg11[%add3A_46, %dma_start3A_388] : memref<49152x64xf32, #tpu.memory_space<hbm>> -> memref<512x64xf32, #tpu.memory_space<hbm>>
    %dma_start3A_390 = arith.constant 0 : i32
    %dma_start3A_391 = arith.constant 0 : i32
    %dma_start3A_392 = tpu.memref_slice %arg14[%dma_start3A_381, %dma_start3A_390, %dma_start3A_391] : memref<2x512x64xf32, #tpu.memory_space<vmem>> -> memref<1x512x64xf32, #tpu.memory_space<vmem>>
    %dma_start3A_393 = tpu.memref_squeeze %dma_start3A_392 : memref<1x512x64xf32, #tpu.memory_space<vmem>> -> memref<512x64xf32, #tpu.memory_space<vmem>>
    tpu.enqueue_dma source(%dma_start3A_393 : memref<512x64xf32, #tpu.memory_space<vmem>>) target(%dma_start3A_389 : memref<512x64xf32, #tpu.memory_space<hbm>>) target_semaphore(%arg20 : memref<!tpu.dma_semaphore, #tpu.memory_space<semaphore_mem>>)
    %dma_wait3A_394 = arith.constant 1 : i32
    %dma_wait3A_395 = arith.constant 0 : i32
    %dma_wait3A_396 = arith.constant 0 : i32
    %dma_wait3A_397 = tpu.memref_slice %arg14[%dma_wait3A_394, %dma_wait3A_395, %dma_wait3A_396] : memref<2x512x64xf32, #tpu.memory_space<vmem>> -> memref<1x512x64xf32, #tpu.memory_space<vmem>>
    %dma_wait3A_398 = tpu.memref_squeeze %dma_wait3A_397 : memref<1x512x64xf32, #tpu.memory_space<vmem>> -> memref<512x64xf32, #tpu.memory_space<vmem>>
    %dma_wait3A_399 = arith.constant 0 : i32
    %dma_wait3A_400 = tpu.memref_slice %arg11[%add3A_46, %dma_wait3A_399] : memref<49152x64xf32, #tpu.memory_space<hbm>> -> memref<512x64xf32, #tpu.memory_space<hbm>>
    %dma_wait3A_401 = arith.constant 0 : i32
    %dma_wait3A_402 = tpu.memref_slice %arg11[%add3A_46, %dma_wait3A_401] : memref<49152x64xf32, #tpu.memory_space<hbm>> -> memref<512x64xf32, #tpu.memory_space<hbm>>
    %dma_wait3A_403 = arith.constant 0 : i32
    %dma_wait3A_404 = arith.constant 0 : i32
    %dma_wait3A_405 = tpu.memref_slice %arg14[%dma_wait3A_394, %dma_wait3A_403, %dma_wait3A_404] : memref<2x512x64xf32, #tpu.memory_space<vmem>> -> memref<1x512x64xf32, #tpu.memory_space<vmem>>
    %dma_wait3A_406 = tpu.memref_squeeze %dma_wait3A_405 : memref<1x512x64xf32, #tpu.memory_space<vmem>> -> memref<512x64xf32, #tpu.memory_space<vmem>>
    tpu.wait_dma2 semaphore(%arg20 : memref<!tpu.dma_semaphore, #tpu.memory_space<semaphore_mem>>) src(%dma_wait3A_406 : memref<512x64xf32, #tpu.memory_space<vmem>>) dst(%dma_wait3A_402 : memref<512x64xf32, #tpu.memory_space<hbm>>)
    %dma_start3A_407 = arith.constant 1 : i32
    %dma_start3A_408 = arith.constant 0 : i32
    %dma_start3A_409 = arith.constant 0 : i32
    %dma_start3A_410 = tpu.memref_slice %arg14[%dma_start3A_407, %dma_start3A_408, %dma_start3A_409] : memref<2x512x64xf32, #tpu.memory_space<vmem>> -> memref<1x512x64xf32, #tpu.memory_space<vmem>>
    %dma_start3A_411 = tpu.memref_squeeze %dma_start3A_410 : memref<1x512x64xf32, #tpu.memory_space<vmem>> -> memref<512x64xf32, #tpu.memory_space<vmem>>
    %dma_start3A_412 = arith.constant 3584 : i32
    %dma_start3A_413 = tpu.memref_slice %arg13[%dma_start3A_412] : memref<18432xi32, #tpu.memory_space<vmem>> -> memref<512xi32, #tpu.memory_space<vmem>>
    %dma_start3A_414 = arith.constant 0 : i32
    %dma_start3A_415 = arith.constant 0 : i32
    %dma_start3A_416 = tpu.memref_slice %arg4[%dma_start3A_414, %dma_start3A_415] : memref<100000x64xf32, #tpu.memory_space<hbm>> -> memref<100000x64xf32, #tpu.memory_space<hbm>>
    tpu.enqueue_indirect_dma source(%dma_start3A_416 : memref<100000x64xf32, #tpu.memory_space<hbm>>) target(%dma_start3A_411 : memref<512x64xf32, #tpu.memory_space<vmem>>) offsets(%dma_start3A_413 : memref<512xi32, #tpu.memory_space<vmem>>) semaphore(%arg18 : memref<!tpu.dma_semaphore, #tpu.memory_space<semaphore_mem>>)
    %dma_wait3A_417 = arith.constant 0 : i32
    %dma_wait3A_418 = arith.constant 0 : i32
    %dma_wait3A_419 = arith.constant 0 : i32
    %dma_wait3A_420 = tpu.memref_slice %arg14[%dma_wait3A_417, %dma_wait3A_418, %dma_wait3A_419] : memref<2x512x64xf32, #tpu.memory_space<vmem>> -> memref<1x512x64xf32, #tpu.memory_space<vmem>>
    %dma_wait3A_421 = tpu.memref_squeeze %dma_wait3A_420 : memref<1x512x64xf32, #tpu.memory_space<vmem>> -> memref<512x64xf32, #tpu.memory_space<vmem>>
    %dma_wait3A_422 = arith.constant 3072 : i32
    %dma_wait3A_423 = tpu.memref_slice %arg13[%dma_wait3A_422] : memref<18432xi32, #tpu.memory_space<vmem>> -> memref<512xi32, #tpu.memory_space<vmem>>
    %dma_wait3A_424 = arith.constant 0 : i32
    %dma_wait3A_425 = arith.constant 0 : i32
    %dma_wait3A_426 = tpu.memref_slice %arg4[%dma_wait3A_424, %dma_wait3A_425] : memref<100000x64xf32, #tpu.memory_space<hbm>> -> memref<100000x64xf32, #tpu.memory_space<hbm>>
    tpu.wait_indirect_dma semaphore(%arg17 : memref<!tpu.dma_semaphore, #tpu.memory_space<semaphore_mem>>) src(%dma_wait3A_426 : memref<100000x64xf32, #tpu.memory_space<hbm>>) dst(%dma_wait3A_421 : memref<512x64xf32, #tpu.memory_space<vmem>>)
    %dma_start3A_427 = arith.constant 0 : i32
    %dma_start3A_428 = arith.constant 0 : i32
    %dma_start3A_429 = arith.constant 0 : i32
    %dma_start3A_430 = tpu.memref_slice %arg14[%dma_start3A_427, %dma_start3A_428, %dma_start3A_429] : memref<2x512x64xf32, #tpu.memory_space<vmem>> -> memref<1x512x64xf32, #tpu.memory_space<vmem>>
    %dma_start3A_431 = tpu.memref_squeeze %dma_start3A_430 : memref<1x512x64xf32, #tpu.memory_space<vmem>> -> memref<512x64xf32, #tpu.memory_space<vmem>>
    %dma_start3A_432 = arith.constant 0 : i32
    %dma_start3A_433 = tpu.memref_slice %arg12[%add3A_56, %dma_start3A_432] : memref<491520x64xf32, #tpu.memory_space<hbm>> -> memref<512x64xf32, #tpu.memory_space<hbm>>
    %dma_start3A_434 = arith.constant 0 : i32
    %dma_start3A_435 = tpu.memref_slice %arg12[%add3A_56, %dma_start3A_434] : memref<491520x64xf32, #tpu.memory_space<hbm>> -> memref<512x64xf32, #tpu.memory_space<hbm>>
    %dma_start3A_436 = arith.constant 0 : i32
    %dma_start3A_437 = arith.constant 0 : i32
    %dma_start3A_438 = tpu.memref_slice %arg14[%dma_start3A_427, %dma_start3A_436, %dma_start3A_437] : memref<2x512x64xf32, #tpu.memory_space<vmem>> -> memref<1x512x64xf32, #tpu.memory_space<vmem>>
    %dma_start3A_439 = tpu.memref_squeeze %dma_start3A_438 : memref<1x512x64xf32, #tpu.memory_space<vmem>> -> memref<512x64xf32, #tpu.memory_space<vmem>>
    tpu.enqueue_dma source(%dma_start3A_439 : memref<512x64xf32, #tpu.memory_space<vmem>>) target(%dma_start3A_435 : memref<512x64xf32, #tpu.memory_space<hbm>>) target_semaphore(%arg19 : memref<!tpu.dma_semaphore, #tpu.memory_space<semaphore_mem>>)
    %dma_wait3A_440 = arith.constant 0 : i32
    %dma_wait3A_441 = arith.constant 0 : i32
    %dma_wait3A_442 = arith.constant 0 : i32
    %dma_wait3A_443 = tpu.memref_slice %arg14[%dma_wait3A_440, %dma_wait3A_441, %dma_wait3A_442] : memref<2x512x64xf32, #tpu.memory_space<vmem>> -> memref<1x512x64xf32, #tpu.memory_space<vmem>>
    %dma_wait3A_444 = tpu.memref_squeeze %dma_wait3A_443 : memref<1x512x64xf32, #tpu.memory_space<vmem>> -> memref<512x64xf32, #tpu.memory_space<vmem>>
    %dma_wait3A_445 = arith.constant 0 : i32
    %dma_wait3A_446 = tpu.memref_slice %arg12[%add3A_56, %dma_wait3A_445] : memref<491520x64xf32, #tpu.memory_space<hbm>> -> memref<512x64xf32, #tpu.memory_space<hbm>>
    %dma_wait3A_447 = arith.constant 0 : i32
    %dma_wait3A_448 = tpu.memref_slice %arg12[%add3A_56, %dma_wait3A_447] : memref<491520x64xf32, #tpu.memory_space<hbm>> -> memref<512x64xf32, #tpu.memory_space<hbm>>
    %dma_wait3A_449 = arith.constant 0 : i32
    %dma_wait3A_450 = arith.constant 0 : i32
    %dma_wait3A_451 = tpu.memref_slice %arg14[%dma_wait3A_440, %dma_wait3A_449, %dma_wait3A_450] : memref<2x512x64xf32, #tpu.memory_space<vmem>> -> memref<1x512x64xf32, #tpu.memory_space<vmem>>
    %dma_wait3A_452 = tpu.memref_squeeze %dma_wait3A_451 : memref<1x512x64xf32, #tpu.memory_space<vmem>> -> memref<512x64xf32, #tpu.memory_space<vmem>>
    tpu.wait_dma2 semaphore(%arg19 : memref<!tpu.dma_semaphore, #tpu.memory_space<semaphore_mem>>) src(%dma_wait3A_452 : memref<512x64xf32, #tpu.memory_space<vmem>>) dst(%dma_wait3A_448 : memref<512x64xf32, #tpu.memory_space<hbm>>)
    %dma_start3A_453 = arith.constant 0 : i32
    %dma_start3A_454 = arith.constant 0 : i32
    %dma_start3A_455 = arith.constant 0 : i32
    %dma_start3A_456 = tpu.memref_slice %arg14[%dma_start3A_453, %dma_start3A_454, %dma_start3A_455] : memref<2x512x64xf32, #tpu.memory_space<vmem>> -> memref<1x512x64xf32, #tpu.memory_space<vmem>>
    %dma_start3A_457 = tpu.memref_squeeze %dma_start3A_456 : memref<1x512x64xf32, #tpu.memory_space<vmem>> -> memref<512x64xf32, #tpu.memory_space<vmem>>
    %dma_start3A_458 = arith.constant 4096 : i32
    %dma_start3A_459 = tpu.memref_slice %arg13[%dma_start3A_458] : memref<18432xi32, #tpu.memory_space<vmem>> -> memref<512xi32, #tpu.memory_space<vmem>>
    %dma_start3A_460 = arith.constant 0 : i32
    %dma_start3A_461 = arith.constant 0 : i32
    %dma_start3A_462 = tpu.memref_slice %arg4[%dma_start3A_460, %dma_start3A_461] : memref<100000x64xf32, #tpu.memory_space<hbm>> -> memref<100000x64xf32, #tpu.memory_space<hbm>>
    tpu.enqueue_indirect_dma source(%dma_start3A_462 : memref<100000x64xf32, #tpu.memory_space<hbm>>) target(%dma_start3A_457 : memref<512x64xf32, #tpu.memory_space<vmem>>) offsets(%dma_start3A_459 : memref<512xi32, #tpu.memory_space<vmem>>) semaphore(%arg17 : memref<!tpu.dma_semaphore, #tpu.memory_space<semaphore_mem>>)
    %dma_wait3A_463 = arith.constant 1 : i32
    %dma_wait3A_464 = arith.constant 0 : i32
    %dma_wait3A_465 = arith.constant 0 : i32
    %dma_wait3A_466 = tpu.memref_slice %arg14[%dma_wait3A_463, %dma_wait3A_464, %dma_wait3A_465] : memref<2x512x64xf32, #tpu.memory_space<vmem>> -> memref<1x512x64xf32, #tpu.memory_space<vmem>>
    %dma_wait3A_467 = tpu.memref_squeeze %dma_wait3A_466 : memref<1x512x64xf32, #tpu.memory_space<vmem>> -> memref<512x64xf32, #tpu.memory_space<vmem>>
    %dma_wait3A_468 = arith.constant 3584 : i32
    %dma_wait3A_469 = tpu.memref_slice %arg13[%dma_wait3A_468] : memref<18432xi32, #tpu.memory_space<vmem>> -> memref<512xi32, #tpu.memory_space<vmem>>
    %dma_wait3A_470 = arith.constant 0 : i32
    %dma_wait3A_471 = arith.constant 0 : i32
    %dma_wait3A_472 = tpu.memref_slice %arg4[%dma_wait3A_470, %dma_wait3A_471] : memref<100000x64xf32, #tpu.memory_space<hbm>> -> memref<100000x64xf32, #tpu.memory_space<hbm>>
    tpu.wait_indirect_dma semaphore(%arg18 : memref<!tpu.dma_semaphore, #tpu.memory_space<semaphore_mem>>) src(%dma_wait3A_472 : memref<100000x64xf32, #tpu.memory_space<hbm>>) dst(%dma_wait3A_467 : memref<512x64xf32, #tpu.memory_space<vmem>>)
    %dma_start3A_473 = arith.constant 1 : i32
    %dma_start3A_474 = arith.constant 0 : i32
    %dma_start3A_475 = arith.constant 0 : i32
    %dma_start3A_476 = tpu.memref_slice %arg14[%dma_start3A_473, %dma_start3A_474, %dma_start3A_475] : memref<2x512x64xf32, #tpu.memory_space<vmem>> -> memref<1x512x64xf32, #tpu.memory_space<vmem>>
    %dma_start3A_477 = tpu.memref_squeeze %dma_start3A_476 : memref<1x512x64xf32, #tpu.memory_space<vmem>> -> memref<512x64xf32, #tpu.memory_space<vmem>>
    %dma_start3A_478 = arith.constant 0 : i32
    %dma_start3A_479 = tpu.memref_slice %arg12[%add3A_58, %dma_start3A_478] : memref<491520x64xf32, #tpu.memory_space<hbm>> -> memref<512x64xf32, #tpu.memory_space<hbm>>
    %dma_start3A_480 = arith.constant 0 : i32
    %dma_start3A_481 = tpu.memref_slice %arg12[%add3A_58, %dma_start3A_480] : memref<491520x64xf32, #tpu.memory_space<hbm>> -> memref<512x64xf32, #tpu.memory_space<hbm>>
    %dma_start3A_482 = arith.constant 0 : i32
    %dma_start3A_483 = arith.constant 0 : i32
    %dma_start3A_484 = tpu.memref_slice %arg14[%dma_start3A_473, %dma_start3A_482, %dma_start3A_483] : memref<2x512x64xf32, #tpu.memory_space<vmem>> -> memref<1x512x64xf32, #tpu.memory_space<vmem>>
    %dma_start3A_485 = tpu.memref_squeeze %dma_start3A_484 : memref<1x512x64xf32, #tpu.memory_space<vmem>> -> memref<512x64xf32, #tpu.memory_space<vmem>>
    tpu.enqueue_dma source(%dma_start3A_485 : memref<512x64xf32, #tpu.memory_space<vmem>>) target(%dma_start3A_481 : memref<512x64xf32, #tpu.memory_space<hbm>>) target_semaphore(%arg20 : memref<!tpu.dma_semaphore, #tpu.memory_space<semaphore_mem>>)
    %dma_wait3A_486 = arith.constant 1 : i32
    %dma_wait3A_487 = arith.constant 0 : i32
    %dma_wait3A_488 = arith.constant 0 : i32
    %dma_wait3A_489 = tpu.memref_slice %arg14[%dma_wait3A_486, %dma_wait3A_487, %dma_wait3A_488] : memref<2x512x64xf32, #tpu.memory_space<vmem>> -> memref<1x512x64xf32, #tpu.memory_space<vmem>>
    %dma_wait3A_490 = tpu.memref_squeeze %dma_wait3A_489 : memref<1x512x64xf32, #tpu.memory_space<vmem>> -> memref<512x64xf32, #tpu.memory_space<vmem>>
    %dma_wait3A_491 = arith.constant 0 : i32
    %dma_wait3A_492 = tpu.memref_slice %arg12[%add3A_58, %dma_wait3A_491] : memref<491520x64xf32, #tpu.memory_space<hbm>> -> memref<512x64xf32, #tpu.memory_space<hbm>>
    %dma_wait3A_493 = arith.constant 0 : i32
    %dma_wait3A_494 = tpu.memref_slice %arg12[%add3A_58, %dma_wait3A_493] : memref<491520x64xf32, #tpu.memory_space<hbm>> -> memref<512x64xf32, #tpu.memory_space<hbm>>
    %dma_wait3A_495 = arith.constant 0 : i32
    %dma_wait3A_496 = arith.constant 0 : i32
    %dma_wait3A_497 = tpu.memref_slice %arg14[%dma_wait3A_486, %dma_wait3A_495, %dma_wait3A_496] : memref<2x512x64xf32, #tpu.memory_space<vmem>> -> memref<1x512x64xf32, #tpu.memory_space<vmem>>
    %dma_wait3A_498 = tpu.memref_squeeze %dma_wait3A_497 : memref<1x512x64xf32, #tpu.memory_space<vmem>> -> memref<512x64xf32, #tpu.memory_space<vmem>>
    tpu.wait_dma2 semaphore(%arg20 : memref<!tpu.dma_semaphore, #tpu.memory_space<semaphore_mem>>) src(%dma_wait3A_498 : memref<512x64xf32, #tpu.memory_space<vmem>>) dst(%dma_wait3A_494 : memref<512x64xf32, #tpu.memory_space<hbm>>)
    %dma_start3A_499 = arith.constant 1 : i32
    %dma_start3A_500 = arith.constant 0 : i32
    %dma_start3A_501 = arith.constant 0 : i32
    %dma_start3A_502 = tpu.memref_slice %arg14[%dma_start3A_499, %dma_start3A_500, %dma_start3A_501] : memref<2x512x64xf32, #tpu.memory_space<vmem>> -> memref<1x512x64xf32, #tpu.memory_space<vmem>>
    %dma_start3A_503 = tpu.memref_squeeze %dma_start3A_502 : memref<1x512x64xf32, #tpu.memory_space<vmem>> -> memref<512x64xf32, #tpu.memory_space<vmem>>
    %dma_start3A_504 = arith.constant 4608 : i32
    %dma_start3A_505 = tpu.memref_slice %arg13[%dma_start3A_504] : memref<18432xi32, #tpu.memory_space<vmem>> -> memref<512xi32, #tpu.memory_space<vmem>>
    %dma_start3A_506 = arith.constant 0 : i32
    %dma_start3A_507 = arith.constant 0 : i32
    %dma_start3A_508 = tpu.memref_slice %arg4[%dma_start3A_506, %dma_start3A_507] : memref<100000x64xf32, #tpu.memory_space<hbm>> -> memref<100000x64xf32, #tpu.memory_space<hbm>>
    tpu.enqueue_indirect_dma source(%dma_start3A_508 : memref<100000x64xf32, #tpu.memory_space<hbm>>) target(%dma_start3A_503 : memref<512x64xf32, #tpu.memory_space<vmem>>) offsets(%dma_start3A_505 : memref<512xi32, #tpu.memory_space<vmem>>) semaphore(%arg18 : memref<!tpu.dma_semaphore, #tpu.memory_space<semaphore_mem>>)
    %dma_wait3A_509 = arith.constant 0 : i32
    %dma_wait3A_510 = arith.constant 0 : i32
    %dma_wait3A_511 = arith.constant 0 : i32
    %dma_wait3A_512 = tpu.memref_slice %arg14[%dma_wait3A_509, %dma_wait3A_510, %dma_wait3A_511] : memref<2x512x64xf32, #tpu.memory_space<vmem>> -> memref<1x512x64xf32, #tpu.memory_space<vmem>>
    %dma_wait3A_513 = tpu.memref_squeeze %dma_wait3A_512 : memref<1x512x64xf32, #tpu.memory_space<vmem>> -> memref<512x64xf32, #tpu.memory_space<vmem>>
    %dma_wait3A_514 = arith.constant 4096 : i32
    %dma_wait3A_515 = tpu.memref_slice %arg13[%dma_wait3A_514] : memref<18432xi32, #tpu.memory_space<vmem>> -> memref<512xi32, #tpu.memory_space<vmem>>
    %dma_wait3A_516 = arith.constant 0 : i32
    %dma_wait3A_517 = arith.constant 0 : i32
    %dma_wait3A_518 = tpu.memref_slice %arg4[%dma_wait3A_516, %dma_wait3A_517] : memref<100000x64xf32, #tpu.memory_space<hbm>> -> memref<100000x64xf32, #tpu.memory_space<hbm>>
    tpu.wait_indirect_dma semaphore(%arg17 : memref<!tpu.dma_semaphore, #tpu.memory_space<semaphore_mem>>) src(%dma_wait3A_518 : memref<100000x64xf32, #tpu.memory_space<hbm>>) dst(%dma_wait3A_513 : memref<512x64xf32, #tpu.memory_space<vmem>>)
    %dma_start3A_519 = arith.constant 0 : i32
    %dma_start3A_520 = arith.constant 0 : i32
    %dma_start3A_521 = arith.constant 0 : i32
    %dma_start3A_522 = tpu.memref_slice %arg14[%dma_start3A_519, %dma_start3A_520, %dma_start3A_521] : memref<2x512x64xf32, #tpu.memory_space<vmem>> -> memref<1x512x64xf32, #tpu.memory_space<vmem>>
    %dma_start3A_523 = tpu.memref_squeeze %dma_start3A_522 : memref<1x512x64xf32, #tpu.memory_space<vmem>> -> memref<512x64xf32, #tpu.memory_space<vmem>>
    %dma_start3A_524 = arith.constant 0 : i32
    %dma_start3A_525 = tpu.memref_slice %arg12[%add3A_60, %dma_start3A_524] : memref<491520x64xf32, #tpu.memory_space<hbm>> -> memref<512x64xf32, #tpu.memory_space<hbm>>
    %dma_start3A_526 = arith.constant 0 : i32
    %dma_start3A_527 = tpu.memref_slice %arg12[%add3A_60, %dma_start3A_526] : memref<491520x64xf32, #tpu.memory_space<hbm>> -> memref<512x64xf32, #tpu.memory_space<hbm>>
    %dma_start3A_528 = arith.constant 0 : i32
    %dma_start3A_529 = arith.constant 0 : i32
    %dma_start3A_530 = tpu.memref_slice %arg14[%dma_start3A_519, %dma_start3A_528, %dma_start3A_529] : memref<2x512x64xf32, #tpu.memory_space<vmem>> -> memref<1x512x64xf32, #tpu.memory_space<vmem>>
    %dma_start3A_531 = tpu.memref_squeeze %dma_start3A_530 : memref<1x512x64xf32, #tpu.memory_space<vmem>> -> memref<512x64xf32, #tpu.memory_space<vmem>>
    tpu.enqueue_dma source(%dma_start3A_531 : memref<512x64xf32, #tpu.memory_space<vmem>>) target(%dma_start3A_527 : memref<512x64xf32, #tpu.memory_space<hbm>>) target_semaphore(%arg19 : memref<!tpu.dma_semaphore, #tpu.memory_space<semaphore_mem>>)
    %dma_wait3A_532 = arith.constant 0 : i32
    %dma_wait3A_533 = arith.constant 0 : i32
    %dma_wait3A_534 = arith.constant 0 : i32
    %dma_wait3A_535 = tpu.memref_slice %arg14[%dma_wait3A_532, %dma_wait3A_533, %dma_wait3A_534] : memref<2x512x64xf32, #tpu.memory_space<vmem>> -> memref<1x512x64xf32, #tpu.memory_space<vmem>>
    %dma_wait3A_536 = tpu.memref_squeeze %dma_wait3A_535 : memref<1x512x64xf32, #tpu.memory_space<vmem>> -> memref<512x64xf32, #tpu.memory_space<vmem>>
    %dma_wait3A_537 = arith.constant 0 : i32
    %dma_wait3A_538 = tpu.memref_slice %arg12[%add3A_60, %dma_wait3A_537] : memref<491520x64xf32, #tpu.memory_space<hbm>> -> memref<512x64xf32, #tpu.memory_space<hbm>>
    %dma_wait3A_539 = arith.constant 0 : i32
    %dma_wait3A_540 = tpu.memref_slice %arg12[%add3A_60, %dma_wait3A_539] : memref<491520x64xf32, #tpu.memory_space<hbm>> -> memref<512x64xf32, #tpu.memory_space<hbm>>
    %dma_wait3A_541 = arith.constant 0 : i32
    %dma_wait3A_542 = arith.constant 0 : i32
    %dma_wait3A_543 = tpu.memref_slice %arg14[%dma_wait3A_532, %dma_wait3A_541, %dma_wait3A_542] : memref<2x512x64xf32, #tpu.memory_space<vmem>> -> memref<1x512x64xf32, #tpu.memory_space<vmem>>
    %dma_wait3A_544 = tpu.memref_squeeze %dma_wait3A_543 : memref<1x512x64xf32, #tpu.memory_space<vmem>> -> memref<512x64xf32, #tpu.memory_space<vmem>>
    tpu.wait_dma2 semaphore(%arg19 : memref<!tpu.dma_semaphore, #tpu.memory_space<semaphore_mem>>) src(%dma_wait3A_544 : memref<512x64xf32, #tpu.memory_space<vmem>>) dst(%dma_wait3A_540 : memref<512x64xf32, #tpu.memory_space<hbm>>)
    %dma_start3A_545 = arith.constant 0 : i32
    %dma_start3A_546 = arith.constant 0 : i32
    %dma_start3A_547 = arith.constant 0 : i32
    %dma_start3A_548 = tpu.memref_slice %arg14[%dma_start3A_545, %dma_start3A_546, %dma_start3A_547] : memref<2x512x64xf32, #tpu.memory_space<vmem>> -> memref<1x512x64xf32, #tpu.memory_space<vmem>>
    %dma_start3A_549 = tpu.memref_squeeze %dma_start3A_548 : memref<1x512x64xf32, #tpu.memory_space<vmem>> -> memref<512x64xf32, #tpu.memory_space<vmem>>
    %dma_start3A_550 = arith.constant 5120 : i32
    %dma_start3A_551 = tpu.memref_slice %arg13[%dma_start3A_550] : memref<18432xi32, #tpu.memory_space<vmem>> -> memref<512xi32, #tpu.memory_space<vmem>>
    %dma_start3A_552 = arith.constant 0 : i32
    %dma_start3A_553 = arith.constant 0 : i32
    %dma_start3A_554 = tpu.memref_slice %arg4[%dma_start3A_552, %dma_start3A_553] : memref<100000x64xf32, #tpu.memory_space<hbm>> -> memref<100000x64xf32, #tpu.memory_space<hbm>>
    tpu.enqueue_indirect_dma source(%dma_start3A_554 : memref<100000x64xf32, #tpu.memory_space<hbm>>) target(%dma_start3A_549 : memref<512x64xf32, #tpu.memory_space<vmem>>) offsets(%dma_start3A_551 : memref<512xi32, #tpu.memory_space<vmem>>) semaphore(%arg17 : memref<!tpu.dma_semaphore, #tpu.memory_space<semaphore_mem>>)
    %dma_wait3A_555 = arith.constant 1 : i32
    %dma_wait3A_556 = arith.constant 0 : i32
    %dma_wait3A_557 = arith.constant 0 : i32
    %dma_wait3A_558 = tpu.memref_slice %arg14[%dma_wait3A_555, %dma_wait3A_556, %dma_wait3A_557] : memref<2x512x64xf32, #tpu.memory_space<vmem>> -> memref<1x512x64xf32, #tpu.memory_space<vmem>>
    %dma_wait3A_559 = tpu.memref_squeeze %dma_wait3A_558 : memref<1x512x64xf32, #tpu.memory_space<vmem>> -> memref<512x64xf32, #tpu.memory_space<vmem>>
    %dma_wait3A_560 = arith.constant 4608 : i32
    %dma_wait3A_561 = tpu.memref_slice %arg13[%dma_wait3A_560] : memref<18432xi32, #tpu.memory_space<vmem>> -> memref<512xi32, #tpu.memory_space<vmem>>
    %dma_wait3A_562 = arith.constant 0 : i32
    %dma_wait3A_563 = arith.constant 0 : i32
    %dma_wait3A_564 = tpu.memref_slice %arg4[%dma_wait3A_562, %dma_wait3A_563] : memref<100000x64xf32, #tpu.memory_space<hbm>> -> memref<100000x64xf32, #tpu.memory_space<hbm>>
    tpu.wait_indirect_dma semaphore(%arg18 : memref<!tpu.dma_semaphore, #tpu.memory_space<semaphore_mem>>) src(%dma_wait3A_564 : memref<100000x64xf32, #tpu.memory_space<hbm>>) dst(%dma_wait3A_559 : memref<512x64xf32, #tpu.memory_space<vmem>>)
    %dma_start3A_565 = arith.constant 1 : i32
    %dma_start3A_566 = arith.constant 0 : i32
    %dma_start3A_567 = arith.constant 0 : i32
    %dma_start3A_568 = tpu.memref_slice %arg14[%dma_start3A_565, %dma_start3A_566, %dma_start3A_567] : memref<2x512x64xf32, #tpu.memory_space<vmem>> -> memref<1x512x64xf32, #tpu.memory_space<vmem>>
    %dma_start3A_569 = tpu.memref_squeeze %dma_start3A_568 : memref<1x512x64xf32, #tpu.memory_space<vmem>> -> memref<512x64xf32, #tpu.memory_space<vmem>>
    %dma_start3A_570 = arith.constant 0 : i32
    %dma_start3A_571 = tpu.memref_slice %arg12[%add3A_62, %dma_start3A_570] : memref<491520x64xf32, #tpu.memory_space<hbm>> -> memref<512x64xf32, #tpu.memory_space<hbm>>
    %dma_start3A_572 = arith.constant 0 : i32
    %dma_start3A_573 = tpu.memref_slice %arg12[%add3A_62, %dma_start3A_572] : memref<491520x64xf32, #tpu.memory_space<hbm>> -> memref<512x64xf32, #tpu.memory_space<hbm>>
    %dma_start3A_574 = arith.constant 0 : i32
    %dma_start3A_575 = arith.constant 0 : i32
    %dma_start3A_576 = tpu.memref_slice %arg14[%dma_start3A_565, %dma_start3A_574, %dma_start3A_575] : memref<2x512x64xf32, #tpu.memory_space<vmem>> -> memref<1x512x64xf32, #tpu.memory_space<vmem>>
    %dma_start3A_577 = tpu.memref_squeeze %dma_start3A_576 : memref<1x512x64xf32, #tpu.memory_space<vmem>> -> memref<512x64xf32, #tpu.memory_space<vmem>>
    tpu.enqueue_dma source(%dma_start3A_577 : memref<512x64xf32, #tpu.memory_space<vmem>>) target(%dma_start3A_573 : memref<512x64xf32, #tpu.memory_space<hbm>>) target_semaphore(%arg20 : memref<!tpu.dma_semaphore, #tpu.memory_space<semaphore_mem>>)
    %dma_wait3A_578 = arith.constant 1 : i32
    %dma_wait3A_579 = arith.constant 0 : i32
    %dma_wait3A_580 = arith.constant 0 : i32
    %dma_wait3A_581 = tpu.memref_slice %arg14[%dma_wait3A_578, %dma_wait3A_579, %dma_wait3A_580] : memref<2x512x64xf32, #tpu.memory_space<vmem>> -> memref<1x512x64xf32, #tpu.memory_space<vmem>>
    %dma_wait3A_582 = tpu.memref_squeeze %dma_wait3A_581 : memref<1x512x64xf32, #tpu.memory_space<vmem>> -> memref<512x64xf32, #tpu.memory_space<vmem>>
    %dma_wait3A_583 = arith.constant 0 : i32
    %dma_wait3A_584 = tpu.memref_slice %arg12[%add3A_62, %dma_wait3A_583] : memref<491520x64xf32, #tpu.memory_space<hbm>> -> memref<512x64xf32, #tpu.memory_space<hbm>>
    %dma_wait3A_585 = arith.constant 0 : i32
    %dma_wait3A_586 = tpu.memref_slice %arg12[%add3A_62, %dma_wait3A_585] : memref<491520x64xf32, #tpu.memory_space<hbm>> -> memref<512x64xf32, #tpu.memory_space<hbm>>
    %dma_wait3A_587 = arith.constant 0 : i32
    %dma_wait3A_588 = arith.constant 0 : i32
    %dma_wait3A_589 = tpu.memref_slice %arg14[%dma_wait3A_578, %dma_wait3A_587, %dma_wait3A_588] : memref<2x512x64xf32, #tpu.memory_space<vmem>> -> memref<1x512x64xf32, #tpu.memory_space<vmem>>
    %dma_wait3A_590 = tpu.memref_squeeze %dma_wait3A_589 : memref<1x512x64xf32, #tpu.memory_space<vmem>> -> memref<512x64xf32, #tpu.memory_space<vmem>>
    tpu.wait_dma2 semaphore(%arg20 : memref<!tpu.dma_semaphore, #tpu.memory_space<semaphore_mem>>) src(%dma_wait3A_590 : memref<512x64xf32, #tpu.memory_space<vmem>>) dst(%dma_wait3A_586 : memref<512x64xf32, #tpu.memory_space<hbm>>)
    %dma_start3A_591 = arith.constant 1 : i32
    %dma_start3A_592 = arith.constant 0 : i32
    %dma_start3A_593 = arith.constant 0 : i32
    %dma_start3A_594 = tpu.memref_slice %arg14[%dma_start3A_591, %dma_start3A_592, %dma_start3A_593] : memref<2x512x64xf32, #tpu.memory_space<vmem>> -> memref<1x512x64xf32, #tpu.memory_space<vmem>>
    %dma_start3A_595 = tpu.memref_squeeze %dma_start3A_594 : memref<1x512x64xf32, #tpu.memory_space<vmem>> -> memref<512x64xf32, #tpu.memory_space<vmem>>
    %dma_start3A_596 = arith.constant 5632 : i32
    %dma_start3A_597 = tpu.memref_slice %arg13[%dma_start3A_596] : memref<18432xi32, #tpu.memory_space<vmem>> -> memref<512xi32, #tpu.memory_space<vmem>>
    %dma_start3A_598 = arith.constant 0 : i32
    %dma_start3A_599 = arith.constant 0 : i32
    %dma_start3A_600 = tpu.memref_slice %arg4[%dma_start3A_598, %dma_start3A_599] : memref<100000x64xf32, #tpu.memory_space<hbm>> -> memref<100000x64xf32, #tpu.memory_space<hbm>>
    tpu.enqueue_indirect_dma source(%dma_start3A_600 : memref<100000x64xf32, #tpu.memory_space<hbm>>) target(%dma_start3A_595 : memref<512x64xf32, #tpu.memory_space<vmem>>) offsets(%dma_start3A_597 : memref<512xi32, #tpu.memory_space<vmem>>) semaphore(%arg18 : memref<!tpu.dma_semaphore, #tpu.memory_space<semaphore_mem>>)
    %dma_wait3A_601 = arith.constant 0 : i32
    %dma_wait3A_602 = arith.constant 0 : i32
    %dma_wait3A_603 = arith.constant 0 : i32
    %dma_wait3A_604 = tpu.memref_slice %arg14[%dma_wait3A_601, %dma_wait3A_602, %dma_wait3A_603] : memref<2x512x64xf32, #tpu.memory_space<vmem>> -> memref<1x512x64xf32, #tpu.memory_space<vmem>>
    %dma_wait3A_605 = tpu.memref_squeeze %dma_wait3A_604 : memref<1x512x64xf32, #tpu.memory_space<vmem>> -> memref<512x64xf32, #tpu.memory_space<vmem>>
    %dma_wait3A_606 = arith.constant 5120 : i32
    %dma_wait3A_607 = tpu.memref_slice %arg13[%dma_wait3A_606] : memref<18432xi32, #tpu.memory_space<vmem>> -> memref<512xi32, #tpu.memory_space<vmem>>
    %dma_wait3A_608 = arith.constant 0 : i32
    %dma_wait3A_609 = arith.constant 0 : i32
    %dma_wait3A_610 = tpu.memref_slice %arg4[%dma_wait3A_608, %dma_wait3A_609] : memref<100000x64xf32, #tpu.memory_space<hbm>> -> memref<100000x64xf32, #tpu.memory_space<hbm>>
    tpu.wait_indirect_dma semaphore(%arg17 : memref<!tpu.dma_semaphore, #tpu.memory_space<semaphore_mem>>) src(%dma_wait3A_610 : memref<100000x64xf32, #tpu.memory_space<hbm>>) dst(%dma_wait3A_605 : memref<512x64xf32, #tpu.memory_space<vmem>>)
    %dma_start3A_611 = arith.constant 0 : i32
    %dma_start3A_612 = arith.constant 0 : i32
    %dma_start3A_613 = arith.constant 0 : i32
    %dma_start3A_614 = tpu.memref_slice %arg14[%dma_start3A_611, %dma_start3A_612, %dma_start3A_613] : memref<2x512x64xf32, #tpu.memory_space<vmem>> -> memref<1x512x64xf32, #tpu.memory_space<vmem>>
    %dma_start3A_615 = tpu.memref_squeeze %dma_start3A_614 : memref<1x512x64xf32, #tpu.memory_space<vmem>> -> memref<512x64xf32, #tpu.memory_space<vmem>>
    %dma_start3A_616 = arith.constant 0 : i32
    %dma_start3A_617 = tpu.memref_slice %arg12[%add3A_64, %dma_start3A_616] : memref<491520x64xf32, #tpu.memory_space<hbm>> -> memref<512x64xf32, #tpu.memory_space<hbm>>
    %dma_start3A_618 = arith.constant 0 : i32
    %dma_start3A_619 = tpu.memref_slice %arg12[%add3A_64, %dma_start3A_618] : memref<491520x64xf32, #tpu.memory_space<hbm>> -> memref<512x64xf32, #tpu.memory_space<hbm>>
    %dma_start3A_620 = arith.constant 0 : i32
    %dma_start3A_621 = arith.constant 0 : i32
    %dma_start3A_622 = tpu.memref_slice %arg14[%dma_start3A_611, %dma_start3A_620, %dma_start3A_621] : memref<2x512x64xf32, #tpu.memory_space<vmem>> -> memref<1x512x64xf32, #tpu.memory_space<vmem>>
    %dma_start3A_623 = tpu.memref_squeeze %dma_start3A_622 : memref<1x512x64xf32, #tpu.memory_space<vmem>> -> memref<512x64xf32, #tpu.memory_space<vmem>>
    tpu.enqueue_dma source(%dma_start3A_623 : memref<512x64xf32, #tpu.memory_space<vmem>>) target(%dma_start3A_619 : memref<512x64xf32, #tpu.memory_space<hbm>>) target_semaphore(%arg19 : memref<!tpu.dma_semaphore, #tpu.memory_space<semaphore_mem>>)
    %dma_wait3A_624 = arith.constant 0 : i32
    %dma_wait3A_625 = arith.constant 0 : i32
    %dma_wait3A_626 = arith.constant 0 : i32
    %dma_wait3A_627 = tpu.memref_slice %arg14[%dma_wait3A_624, %dma_wait3A_625, %dma_wait3A_626] : memref<2x512x64xf32, #tpu.memory_space<vmem>> -> memref<1x512x64xf32, #tpu.memory_space<vmem>>
    %dma_wait3A_628 = tpu.memref_squeeze %dma_wait3A_627 : memref<1x512x64xf32, #tpu.memory_space<vmem>> -> memref<512x64xf32, #tpu.memory_space<vmem>>
    %dma_wait3A_629 = arith.constant 0 : i32
    %dma_wait3A_630 = tpu.memref_slice %arg12[%add3A_64, %dma_wait3A_629] : memref<491520x64xf32, #tpu.memory_space<hbm>> -> memref<512x64xf32, #tpu.memory_space<hbm>>
    %dma_wait3A_631 = arith.constant 0 : i32
    %dma_wait3A_632 = tpu.memref_slice %arg12[%add3A_64, %dma_wait3A_631] : memref<491520x64xf32, #tpu.memory_space<hbm>> -> memref<512x64xf32, #tpu.memory_space<hbm>>
    %dma_wait3A_633 = arith.constant 0 : i32
    %dma_wait3A_634 = arith.constant 0 : i32
    %dma_wait3A_635 = tpu.memref_slice %arg14[%dma_wait3A_624, %dma_wait3A_633, %dma_wait3A_634] : memref<2x512x64xf32, #tpu.memory_space<vmem>> -> memref<1x512x64xf32, #tpu.memory_space<vmem>>
    %dma_wait3A_636 = tpu.memref_squeeze %dma_wait3A_635 : memref<1x512x64xf32, #tpu.memory_space<vmem>> -> memref<512x64xf32, #tpu.memory_space<vmem>>
    tpu.wait_dma2 semaphore(%arg19 : memref<!tpu.dma_semaphore, #tpu.memory_space<semaphore_mem>>) src(%dma_wait3A_636 : memref<512x64xf32, #tpu.memory_space<vmem>>) dst(%dma_wait3A_632 : memref<512x64xf32, #tpu.memory_space<hbm>>)
    %dma_start3A_637 = arith.constant 0 : i32
    %dma_start3A_638 = arith.constant 0 : i32
    %dma_start3A_639 = arith.constant 0 : i32
    %dma_start3A_640 = tpu.memref_slice %arg14[%dma_start3A_637, %dma_start3A_638, %dma_start3A_639] : memref<2x512x64xf32, #tpu.memory_space<vmem>> -> memref<1x512x64xf32, #tpu.memory_space<vmem>>
    %dma_start3A_641 = tpu.memref_squeeze %dma_start3A_640 : memref<1x512x64xf32, #tpu.memory_space<vmem>> -> memref<512x64xf32, #tpu.memory_space<vmem>>
    %dma_start3A_642 = arith.constant 6144 : i32
    %dma_start3A_643 = tpu.memref_slice %arg13[%dma_start3A_642] : memref<18432xi32, #tpu.memory_space<vmem>> -> memref<512xi32, #tpu.memory_space<vmem>>
    %dma_start3A_644 = arith.constant 0 : i32
    %dma_start3A_645 = arith.constant 0 : i32
    %dma_start3A_646 = tpu.memref_slice %arg4[%dma_start3A_644, %dma_start3A_645] : memref<100000x64xf32, #tpu.memory_space<hbm>> -> memref<100000x64xf32, #tpu.memory_space<hbm>>
    tpu.enqueue_indirect_dma source(%dma_start3A_646 : memref<100000x64xf32, #tpu.memory_space<hbm>>) target(%dma_start3A_641 : memref<512x64xf32, #tpu.memory_space<vmem>>) offsets(%dma_start3A_643 : memref<512xi32, #tpu.memory_space<vmem>>) semaphore(%arg17 : memref<!tpu.dma_semaphore, #tpu.memory_space<semaphore_mem>>)
    %dma_wait3A_647 = arith.constant 1 : i32
    %dma_wait3A_648 = arith.constant 0 : i32
    %dma_wait3A_649 = arith.constant 0 : i32
    %dma_wait3A_650 = tpu.memref_slice %arg14[%dma_wait3A_647, %dma_wait3A_648, %dma_wait3A_649] : memref<2x512x64xf32, #tpu.memory_space<vmem>> -> memref<1x512x64xf32, #tpu.memory_space<vmem>>
    %dma_wait3A_651 = tpu.memref_squeeze %dma_wait3A_650 : memref<1x512x64xf32, #tpu.memory_space<vmem>> -> memref<512x64xf32, #tpu.memory_space<vmem>>
    %dma_wait3A_652 = arith.constant 5632 : i32
    %dma_wait3A_653 = tpu.memref_slice %arg13[%dma_wait3A_652] : memref<18432xi32, #tpu.memory_space<vmem>> -> memref<512xi32, #tpu.memory_space<vmem>>
    %dma_wait3A_654 = arith.constant 0 : i32
    %dma_wait3A_655 = arith.constant 0 : i32
    %dma_wait3A_656 = tpu.memref_slice %arg4[%dma_wait3A_654, %dma_wait3A_655] : memref<100000x64xf32, #tpu.memory_space<hbm>> -> memref<100000x64xf32, #tpu.memory_space<hbm>>
    tpu.wait_indirect_dma semaphore(%arg18 : memref<!tpu.dma_semaphore, #tpu.memory_space<semaphore_mem>>) src(%dma_wait3A_656 : memref<100000x64xf32, #tpu.memory_space<hbm>>) dst(%dma_wait3A_651 : memref<512x64xf32, #tpu.memory_space<vmem>>)
    %dma_start3A_657 = arith.constant 1 : i32
    %dma_start3A_658 = arith.constant 0 : i32
    %dma_start3A_659 = arith.constant 0 : i32
    %dma_start3A_660 = tpu.memref_slice %arg14[%dma_start3A_657, %dma_start3A_658, %dma_start3A_659] : memref<2x512x64xf32, #tpu.memory_space<vmem>> -> memref<1x512x64xf32, #tpu.memory_space<vmem>>
    %dma_start3A_661 = tpu.memref_squeeze %dma_start3A_660 : memref<1x512x64xf32, #tpu.memory_space<vmem>> -> memref<512x64xf32, #tpu.memory_space<vmem>>
    %dma_start3A_662 = arith.constant 0 : i32
    %dma_start3A_663 = tpu.memref_slice %arg12[%add3A_66, %dma_start3A_662] : memref<491520x64xf32, #tpu.memory_space<hbm>> -> memref<512x64xf32, #tpu.memory_space<hbm>>
    %dma_start3A_664 = arith.constant 0 : i32
    %dma_start3A_665 = tpu.memref_slice %arg12[%add3A_66, %dma_start3A_664] : memref<491520x64xf32, #tpu.memory_space<hbm>> -> memref<512x64xf32, #tpu.memory_space<hbm>>
    %dma_start3A_666 = arith.constant 0 : i32
    %dma_start3A_667 = arith.constant 0 : i32
    %dma_start3A_668 = tpu.memref_slice %arg14[%dma_start3A_657, %dma_start3A_666, %dma_start3A_667] : memref<2x512x64xf32, #tpu.memory_space<vmem>> -> memref<1x512x64xf32, #tpu.memory_space<vmem>>
    %dma_start3A_669 = tpu.memref_squeeze %dma_start3A_668 : memref<1x512x64xf32, #tpu.memory_space<vmem>> -> memref<512x64xf32, #tpu.memory_space<vmem>>
    tpu.enqueue_dma source(%dma_start3A_669 : memref<512x64xf32, #tpu.memory_space<vmem>>) target(%dma_start3A_665 : memref<512x64xf32, #tpu.memory_space<hbm>>) target_semaphore(%arg20 : memref<!tpu.dma_semaphore, #tpu.memory_space<semaphore_mem>>)
    %dma_wait3A_670 = arith.constant 1 : i32
    %dma_wait3A_671 = arith.constant 0 : i32
    %dma_wait3A_672 = arith.constant 0 : i32
    %dma_wait3A_673 = tpu.memref_slice %arg14[%dma_wait3A_670, %dma_wait3A_671, %dma_wait3A_672] : memref<2x512x64xf32, #tpu.memory_space<vmem>> -> memref<1x512x64xf32, #tpu.memory_space<vmem>>
    %dma_wait3A_674 = tpu.memref_squeeze %dma_wait3A_673 : memref<1x512x64xf32, #tpu.memory_space<vmem>> -> memref<512x64xf32, #tpu.memory_space<vmem>>
    %dma_wait3A_675 = arith.constant 0 : i32
    %dma_wait3A_676 = tpu.memref_slice %arg12[%add3A_66, %dma_wait3A_675] : memref<491520x64xf32, #tpu.memory_space<hbm>> -> memref<512x64xf32, #tpu.memory_space<hbm>>
    %dma_wait3A_677 = arith.constant 0 : i32
    %dma_wait3A_678 = tpu.memref_slice %arg12[%add3A_66, %dma_wait3A_677] : memref<491520x64xf32, #tpu.memory_space<hbm>> -> memref<512x64xf32, #tpu.memory_space<hbm>>
    %dma_wait3A_679 = arith.constant 0 : i32
    %dma_wait3A_680 = arith.constant 0 : i32
    %dma_wait3A_681 = tpu.memref_slice %arg14[%dma_wait3A_670, %dma_wait3A_679, %dma_wait3A_680] : memref<2x512x64xf32, #tpu.memory_space<vmem>> -> memref<1x512x64xf32, #tpu.memory_space<vmem>>
    %dma_wait3A_682 = tpu.memref_squeeze %dma_wait3A_681 : memref<1x512x64xf32, #tpu.memory_space<vmem>> -> memref<512x64xf32, #tpu.memory_space<vmem>>
    tpu.wait_dma2 semaphore(%arg20 : memref<!tpu.dma_semaphore, #tpu.memory_space<semaphore_mem>>) src(%dma_wait3A_682 : memref<512x64xf32, #tpu.memory_space<vmem>>) dst(%dma_wait3A_678 : memref<512x64xf32, #tpu.memory_space<hbm>>)
    %dma_start3A_683 = arith.constant 1 : i32
    %dma_start3A_684 = arith.constant 0 : i32
    %dma_start3A_685 = arith.constant 0 : i32
    %dma_start3A_686 = tpu.memref_slice %arg14[%dma_start3A_683, %dma_start3A_684, %dma_start3A_685] : memref<2x512x64xf32, #tpu.memory_space<vmem>> -> memref<1x512x64xf32, #tpu.memory_space<vmem>>
    %dma_start3A_687 = tpu.memref_squeeze %dma_start3A_686 : memref<1x512x64xf32, #tpu.memory_space<vmem>> -> memref<512x64xf32, #tpu.memory_space<vmem>>
    %dma_start3A_688 = arith.constant 6656 : i32
    %dma_start3A_689 = tpu.memref_slice %arg13[%dma_start3A_688] : memref<18432xi32, #tpu.memory_space<vmem>> -> memref<512xi32, #tpu.memory_space<vmem>>
    %dma_start3A_690 = arith.constant 0 : i32
    %dma_start3A_691 = arith.constant 0 : i32
    %dma_start3A_692 = tpu.memref_slice %arg4[%dma_start3A_690, %dma_start3A_691] : memref<100000x64xf32, #tpu.memory_space<hbm>> -> memref<100000x64xf32, #tpu.memory_space<hbm>>
    tpu.enqueue_indirect_dma source(%dma_start3A_692 : memref<100000x64xf32, #tpu.memory_space<hbm>>) target(%dma_start3A_687 : memref<512x64xf32, #tpu.memory_space<vmem>>) offsets(%dma_start3A_689 : memref<512xi32, #tpu.memory_space<vmem>>) semaphore(%arg18 : memref<!tpu.dma_semaphore, #tpu.memory_space<semaphore_mem>>)
    %dma_wait3A_693 = arith.constant 0 : i32
    %dma_wait3A_694 = arith.constant 0 : i32
    %dma_wait3A_695 = arith.constant 0 : i32
    %dma_wait3A_696 = tpu.memref_slice %arg14[%dma_wait3A_693, %dma_wait3A_694, %dma_wait3A_695] : memref<2x512x64xf32, #tpu.memory_space<vmem>> -> memref<1x512x64xf32, #tpu.memory_space<vmem>>
    %dma_wait3A_697 = tpu.memref_squeeze %dma_wait3A_696 : memref<1x512x64xf32, #tpu.memory_space<vmem>> -> memref<512x64xf32, #tpu.memory_space<vmem>>
    %dma_wait3A_698 = arith.constant 6144 : i32
    %dma_wait3A_699 = tpu.memref_slice %arg13[%dma_wait3A_698] : memref<18432xi32, #tpu.memory_space<vmem>> -> memref<512xi32, #tpu.memory_space<vmem>>
    %dma_wait3A_700 = arith.constant 0 : i32
    %dma_wait3A_701 = arith.constant 0 : i32
    %dma_wait3A_702 = tpu.memref_slice %arg4[%dma_wait3A_700, %dma_wait3A_701] : memref<100000x64xf32, #tpu.memory_space<hbm>> -> memref<100000x64xf32, #tpu.memory_space<hbm>>
    tpu.wait_indirect_dma semaphore(%arg17 : memref<!tpu.dma_semaphore, #tpu.memory_space<semaphore_mem>>) src(%dma_wait3A_702 : memref<100000x64xf32, #tpu.memory_space<hbm>>) dst(%dma_wait3A_697 : memref<512x64xf32, #tpu.memory_space<vmem>>)
    %dma_start3A_703 = arith.constant 0 : i32
    %dma_start3A_704 = arith.constant 0 : i32
    %dma_start3A_705 = arith.constant 0 : i32
    %dma_start3A_706 = tpu.memref_slice %arg14[%dma_start3A_703, %dma_start3A_704, %dma_start3A_705] : memref<2x512x64xf32, #tpu.memory_space<vmem>> -> memref<1x512x64xf32, #tpu.memory_space<vmem>>
    %dma_start3A_707 = tpu.memref_squeeze %dma_start3A_706 : memref<1x512x64xf32, #tpu.memory_space<vmem>> -> memref<512x64xf32, #tpu.memory_space<vmem>>
    %dma_start3A_708 = arith.constant 0 : i32
    %dma_start3A_709 = tpu.memref_slice %arg12[%add3A_68, %dma_start3A_708] : memref<491520x64xf32, #tpu.memory_space<hbm>> -> memref<512x64xf32, #tpu.memory_space<hbm>>
    %dma_start3A_710 = arith.constant 0 : i32
    %dma_start3A_711 = tpu.memref_slice %arg12[%add3A_68, %dma_start3A_710] : memref<491520x64xf32, #tpu.memory_space<hbm>> -> memref<512x64xf32, #tpu.memory_space<hbm>>
    %dma_start3A_712 = arith.constant 0 : i32
    %dma_start3A_713 = arith.constant 0 : i32
    %dma_start3A_714 = tpu.memref_slice %arg14[%dma_start3A_703, %dma_start3A_712, %dma_start3A_713] : memref<2x512x64xf32, #tpu.memory_space<vmem>> -> memref<1x512x64xf32, #tpu.memory_space<vmem>>
    %dma_start3A_715 = tpu.memref_squeeze %dma_start3A_714 : memref<1x512x64xf32, #tpu.memory_space<vmem>> -> memref<512x64xf32, #tpu.memory_space<vmem>>
    tpu.enqueue_dma source(%dma_start3A_715 : memref<512x64xf32, #tpu.memory_space<vmem>>) target(%dma_start3A_711 : memref<512x64xf32, #tpu.memory_space<hbm>>) target_semaphore(%arg19 : memref<!tpu.dma_semaphore, #tpu.memory_space<semaphore_mem>>)
    %dma_wait3A_716 = arith.constant 0 : i32
    %dma_wait3A_717 = arith.constant 0 : i32
    %dma_wait3A_718 = arith.constant 0 : i32
    %dma_wait3A_719 = tpu.memref_slice %arg14[%dma_wait3A_716, %dma_wait3A_717, %dma_wait3A_718] : memref<2x512x64xf32, #tpu.memory_space<vmem>> -> memref<1x512x64xf32, #tpu.memory_space<vmem>>
    %dma_wait3A_720 = tpu.memref_squeeze %dma_wait3A_719 : memref<1x512x64xf32, #tpu.memory_space<vmem>> -> memref<512x64xf32, #tpu.memory_space<vmem>>
    %dma_wait3A_721 = arith.constant 0 : i32
    %dma_wait3A_722 = tpu.memref_slice %arg12[%add3A_68, %dma_wait3A_721] : memref<491520x64xf32, #tpu.memory_space<hbm>> -> memref<512x64xf32, #tpu.memory_space<hbm>>
    %dma_wait3A_723 = arith.constant 0 : i32
    %dma_wait3A_724 = tpu.memref_slice %arg12[%add3A_68, %dma_wait3A_723] : memref<491520x64xf32, #tpu.memory_space<hbm>> -> memref<512x64xf32, #tpu.memory_space<hbm>>
    %dma_wait3A_725 = arith.constant 0 : i32
    %dma_wait3A_726 = arith.constant 0 : i32
    %dma_wait3A_727 = tpu.memref_slice %arg14[%dma_wait3A_716, %dma_wait3A_725, %dma_wait3A_726] : memref<2x512x64xf32, #tpu.memory_space<vmem>> -> memref<1x512x64xf32, #tpu.memory_space<vmem>>
    %dma_wait3A_728 = tpu.memref_squeeze %dma_wait3A_727 : memref<1x512x64xf32, #tpu.memory_space<vmem>> -> memref<512x64xf32, #tpu.memory_space<vmem>>
    tpu.wait_dma2 semaphore(%arg19 : memref<!tpu.dma_semaphore, #tpu.memory_space<semaphore_mem>>) src(%dma_wait3A_728 : memref<512x64xf32, #tpu.memory_space<vmem>>) dst(%dma_wait3A_724 : memref<512x64xf32, #tpu.memory_space<hbm>>)
    %dma_start3A_729 = arith.constant 0 : i32
    %dma_start3A_730 = arith.constant 0 : i32
    %dma_start3A_731 = arith.constant 0 : i32
    %dma_start3A_732 = tpu.memref_slice %arg14[%dma_start3A_729, %dma_start3A_730, %dma_start3A_731] : memref<2x512x64xf32, #tpu.memory_space<vmem>> -> memref<1x512x64xf32, #tpu.memory_space<vmem>>
    %dma_start3A_733 = tpu.memref_squeeze %dma_start3A_732 : memref<1x512x64xf32, #tpu.memory_space<vmem>> -> memref<512x64xf32, #tpu.memory_space<vmem>>
    %dma_start3A_734 = arith.constant 7168 : i32
    %dma_start3A_735 = tpu.memref_slice %arg13[%dma_start3A_734] : memref<18432xi32, #tpu.memory_space<vmem>> -> memref<512xi32, #tpu.memory_space<vmem>>
    %dma_start3A_736 = arith.constant 0 : i32
    %dma_start3A_737 = arith.constant 0 : i32
    %dma_start3A_738 = tpu.memref_slice %arg4[%dma_start3A_736, %dma_start3A_737] : memref<100000x64xf32, #tpu.memory_space<hbm>> -> memref<100000x64xf32, #tpu.memory_space<hbm>>
    tpu.enqueue_indirect_dma source(%dma_start3A_738 : memref<100000x64xf32, #tpu.memory_space<hbm>>) target(%dma_start3A_733 : memref<512x64xf32, #tpu.memory_space<vmem>>) offsets(%dma_start3A_735 : memref<512xi32, #tpu.memory_space<vmem>>) semaphore(%arg17 : memref<!tpu.dma_semaphore, #tpu.memory_space<semaphore_mem>>)
    %dma_wait3A_739 = arith.constant 1 : i32
    %dma_wait3A_740 = arith.constant 0 : i32
    %dma_wait3A_741 = arith.constant 0 : i32
    %dma_wait3A_742 = tpu.memref_slice %arg14[%dma_wait3A_739, %dma_wait3A_740, %dma_wait3A_741] : memref<2x512x64xf32, #tpu.memory_space<vmem>> -> memref<1x512x64xf32, #tpu.memory_space<vmem>>
    %dma_wait3A_743 = tpu.memref_squeeze %dma_wait3A_742 : memref<1x512x64xf32, #tpu.memory_space<vmem>> -> memref<512x64xf32, #tpu.memory_space<vmem>>
    %dma_wait3A_744 = arith.constant 6656 : i32
    %dma_wait3A_745 = tpu.memref_slice %arg13[%dma_wait3A_744] : memref<18432xi32, #tpu.memory_space<vmem>> -> memref<512xi32, #tpu.memory_space<vmem>>
    %dma_wait3A_746 = arith.constant 0 : i32
    %dma_wait3A_747 = arith.constant 0 : i32
    %dma_wait3A_748 = tpu.memref_slice %arg4[%dma_wait3A_746, %dma_wait3A_747] : memref<100000x64xf32, #tpu.memory_space<hbm>> -> memref<100000x64xf32, #tpu.memory_space<hbm>>
    tpu.wait_indirect_dma semaphore(%arg18 : memref<!tpu.dma_semaphore, #tpu.memory_space<semaphore_mem>>) src(%dma_wait3A_748 : memref<100000x64xf32, #tpu.memory_space<hbm>>) dst(%dma_wait3A_743 : memref<512x64xf32, #tpu.memory_space<vmem>>)
    %dma_start3A_749 = arith.constant 1 : i32
    %dma_start3A_750 = arith.constant 0 : i32
    %dma_start3A_751 = arith.constant 0 : i32
    %dma_start3A_752 = tpu.memref_slice %arg14[%dma_start3A_749, %dma_start3A_750, %dma_start3A_751] : memref<2x512x64xf32, #tpu.memory_space<vmem>> -> memref<1x512x64xf32, #tpu.memory_space<vmem>>
    %dma_start3A_753 = tpu.memref_squeeze %dma_start3A_752 : memref<1x512x64xf32, #tpu.memory_space<vmem>> -> memref<512x64xf32, #tpu.memory_space<vmem>>
    %dma_start3A_754 = arith.constant 0 : i32
    %dma_start3A_755 = tpu.memref_slice %arg12[%add3A_70, %dma_start3A_754] : memref<491520x64xf32, #tpu.memory_space<hbm>> -> memref<512x64xf32, #tpu.memory_space<hbm>>
    %dma_start3A_756 = arith.constant 0 : i32
    %dma_start3A_757 = tpu.memref_slice %arg12[%add3A_70, %dma_start3A_756] : memref<491520x64xf32, #tpu.memory_space<hbm>> -> memref<512x64xf32, #tpu.memory_space<hbm>>
    %dma_start3A_758 = arith.constant 0 : i32
    %dma_start3A_759 = arith.constant 0 : i32
    %dma_start3A_760 = tpu.memref_slice %arg14[%dma_start3A_749, %dma_start3A_758, %dma_start3A_759] : memref<2x512x64xf32, #tpu.memory_space<vmem>> -> memref<1x512x64xf32, #tpu.memory_space<vmem>>
    %dma_start3A_761 = tpu.memref_squeeze %dma_start3A_760 : memref<1x512x64xf32, #tpu.memory_space<vmem>> -> memref<512x64xf32, #tpu.memory_space<vmem>>
    tpu.enqueue_dma source(%dma_start3A_761 : memref<512x64xf32, #tpu.memory_space<vmem>>) target(%dma_start3A_757 : memref<512x64xf32, #tpu.memory_space<hbm>>) target_semaphore(%arg20 : memref<!tpu.dma_semaphore, #tpu.memory_space<semaphore_mem>>)
    %dma_wait3A_762 = arith.constant 1 : i32
    %dma_wait3A_763 = arith.constant 0 : i32
    %dma_wait3A_764 = arith.constant 0 : i32
    %dma_wait3A_765 = tpu.memref_slice %arg14[%dma_wait3A_762, %dma_wait3A_763, %dma_wait3A_764] : memref<2x512x64xf32, #tpu.memory_space<vmem>> -> memref<1x512x64xf32, #tpu.memory_space<vmem>>
    %dma_wait3A_766 = tpu.memref_squeeze %dma_wait3A_765 : memref<1x512x64xf32, #tpu.memory_space<vmem>> -> memref<512x64xf32, #tpu.memory_space<vmem>>
    %dma_wait3A_767 = arith.constant 0 : i32
    %dma_wait3A_768 = tpu.memref_slice %arg12[%add3A_70, %dma_wait3A_767] : memref<491520x64xf32, #tpu.memory_space<hbm>> -> memref<512x64xf32, #tpu.memory_space<hbm>>
    %dma_wait3A_769 = arith.constant 0 : i32
    %dma_wait3A_770 = tpu.memref_slice %arg12[%add3A_70, %dma_wait3A_769] : memref<491520x64xf32, #tpu.memory_space<hbm>> -> memref<512x64xf32, #tpu.memory_space<hbm>>
    %dma_wait3A_771 = arith.constant 0 : i32
    %dma_wait3A_772 = arith.constant 0 : i32
    %dma_wait3A_773 = tpu.memref_slice %arg14[%dma_wait3A_762, %dma_wait3A_771, %dma_wait3A_772] : memref<2x512x64xf32, #tpu.memory_space<vmem>> -> memref<1x512x64xf32, #tpu.memory_space<vmem>>
    %dma_wait3A_774 = tpu.memref_squeeze %dma_wait3A_773 : memref<1x512x64xf32, #tpu.memory_space<vmem>> -> memref<512x64xf32, #tpu.memory_space<vmem>>
    tpu.wait_dma2 semaphore(%arg20 : memref<!tpu.dma_semaphore, #tpu.memory_space<semaphore_mem>>) src(%dma_wait3A_774 : memref<512x64xf32, #tpu.memory_space<vmem>>) dst(%dma_wait3A_770 : memref<512x64xf32, #tpu.memory_space<hbm>>)
    %dma_start3A_775 = arith.constant 1 : i32
    %dma_start3A_776 = arith.constant 0 : i32
    %dma_start3A_777 = arith.constant 0 : i32
    %dma_start3A_778 = tpu.memref_slice %arg14[%dma_start3A_775, %dma_start3A_776, %dma_start3A_777] : memref<2x512x64xf32, #tpu.memory_space<vmem>> -> memref<1x512x64xf32, #tpu.memory_space<vmem>>
    %dma_start3A_779 = tpu.memref_squeeze %dma_start3A_778 : memref<1x512x64xf32, #tpu.memory_space<vmem>> -> memref<512x64xf32, #tpu.memory_space<vmem>>
    %dma_start3A_780 = arith.constant 7680 : i32
    %dma_start3A_781 = tpu.memref_slice %arg13[%dma_start3A_780] : memref<18432xi32, #tpu.memory_space<vmem>> -> memref<512xi32, #tpu.memory_space<vmem>>
    %dma_start3A_782 = arith.constant 0 : i32
    %dma_start3A_783 = arith.constant 0 : i32
    %dma_start3A_784 = tpu.memref_slice %arg4[%dma_start3A_782, %dma_start3A_783] : memref<100000x64xf32, #tpu.memory_space<hbm>> -> memref<100000x64xf32, #tpu.memory_space<hbm>>
    tpu.enqueue_indirect_dma source(%dma_start3A_784 : memref<100000x64xf32, #tpu.memory_space<hbm>>) target(%dma_start3A_779 : memref<512x64xf32, #tpu.memory_space<vmem>>) offsets(%dma_start3A_781 : memref<512xi32, #tpu.memory_space<vmem>>) semaphore(%arg18 : memref<!tpu.dma_semaphore, #tpu.memory_space<semaphore_mem>>)
    %dma_wait3A_785 = arith.constant 0 : i32
    %dma_wait3A_786 = arith.constant 0 : i32
    %dma_wait3A_787 = arith.constant 0 : i32
    %dma_wait3A_788 = tpu.memref_slice %arg14[%dma_wait3A_785, %dma_wait3A_786, %dma_wait3A_787] : memref<2x512x64xf32, #tpu.memory_space<vmem>> -> memref<1x512x64xf32, #tpu.memory_space<vmem>>
    %dma_wait3A_789 = tpu.memref_squeeze %dma_wait3A_788 : memref<1x512x64xf32, #tpu.memory_space<vmem>> -> memref<512x64xf32, #tpu.memory_space<vmem>>
    %dma_wait3A_790 = arith.constant 7168 : i32
    %dma_wait3A_791 = tpu.memref_slice %arg13[%dma_wait3A_790] : memref<18432xi32, #tpu.memory_space<vmem>> -> memref<512xi32, #tpu.memory_space<vmem>>
    %dma_wait3A_792 = arith.constant 0 : i32
    %dma_wait3A_793 = arith.constant 0 : i32
    %dma_wait3A_794 = tpu.memref_slice %arg4[%dma_wait3A_792, %dma_wait3A_793] : memref<100000x64xf32, #tpu.memory_space<hbm>> -> memref<100000x64xf32, #tpu.memory_space<hbm>>
    tpu.wait_indirect_dma semaphore(%arg17 : memref<!tpu.dma_semaphore, #tpu.memory_space<semaphore_mem>>) src(%dma_wait3A_794 : memref<100000x64xf32, #tpu.memory_space<hbm>>) dst(%dma_wait3A_789 : memref<512x64xf32, #tpu.memory_space<vmem>>)
    %dma_start3A_795 = arith.constant 0 : i32
    %dma_start3A_796 = arith.constant 0 : i32
    %dma_start3A_797 = arith.constant 0 : i32
    %dma_start3A_798 = tpu.memref_slice %arg14[%dma_start3A_795, %dma_start3A_796, %dma_start3A_797] : memref<2x512x64xf32, #tpu.memory_space<vmem>> -> memref<1x512x64xf32, #tpu.memory_space<vmem>>
    %dma_start3A_799 = tpu.memref_squeeze %dma_start3A_798 : memref<1x512x64xf32, #tpu.memory_space<vmem>> -> memref<512x64xf32, #tpu.memory_space<vmem>>
    %dma_start3A_800 = arith.constant 0 : i32
    %dma_start3A_801 = tpu.memref_slice %arg12[%add3A_72, %dma_start3A_800] : memref<491520x64xf32, #tpu.memory_space<hbm>> -> memref<512x64xf32, #tpu.memory_space<hbm>>
    %dma_start3A_802 = arith.constant 0 : i32
    %dma_start3A_803 = tpu.memref_slice %arg12[%add3A_72, %dma_start3A_802] : memref<491520x64xf32, #tpu.memory_space<hbm>> -> memref<512x64xf32, #tpu.memory_space<hbm>>
    %dma_start3A_804 = arith.constant 0 : i32
    %dma_start3A_805 = arith.constant 0 : i32
    %dma_start3A_806 = tpu.memref_slice %arg14[%dma_start3A_795, %dma_start3A_804, %dma_start3A_805] : memref<2x512x64xf32, #tpu.memory_space<vmem>> -> memref<1x512x64xf32, #tpu.memory_space<vmem>>
    %dma_start3A_807 = tpu.memref_squeeze %dma_start3A_806 : memref<1x512x64xf32, #tpu.memory_space<vmem>> -> memref<512x64xf32, #tpu.memory_space<vmem>>
    tpu.enqueue_dma source(%dma_start3A_807 : memref<512x64xf32, #tpu.memory_space<vmem>>) target(%dma_start3A_803 : memref<512x64xf32, #tpu.memory_space<hbm>>) target_semaphore(%arg19 : memref<!tpu.dma_semaphore, #tpu.memory_space<semaphore_mem>>)
    %dma_wait3A_808 = arith.constant 0 : i32
    %dma_wait3A_809 = arith.constant 0 : i32
    %dma_wait3A_810 = arith.constant 0 : i32
    %dma_wait3A_811 = tpu.memref_slice %arg14[%dma_wait3A_808, %dma_wait3A_809, %dma_wait3A_810] : memref<2x512x64xf32, #tpu.memory_space<vmem>> -> memref<1x512x64xf32, #tpu.memory_space<vmem>>
    %dma_wait3A_812 = tpu.memref_squeeze %dma_wait3A_811 : memref<1x512x64xf32, #tpu.memory_space<vmem>> -> memref<512x64xf32, #tpu.memory_space<vmem>>
    %dma_wait3A_813 = arith.constant 0 : i32
    %dma_wait3A_814 = tpu.memref_slice %arg12[%add3A_72, %dma_wait3A_813] : memref<491520x64xf32, #tpu.memory_space<hbm>> -> memref<512x64xf32, #tpu.memory_space<hbm>>
    %dma_wait3A_815 = arith.constant 0 : i32
    %dma_wait3A_816 = tpu.memref_slice %arg12[%add3A_72, %dma_wait3A_815] : memref<491520x64xf32, #tpu.memory_space<hbm>> -> memref<512x64xf32, #tpu.memory_space<hbm>>
    %dma_wait3A_817 = arith.constant 0 : i32
    %dma_wait3A_818 = arith.constant 0 : i32
    %dma_wait3A_819 = tpu.memref_slice %arg14[%dma_wait3A_808, %dma_wait3A_817, %dma_wait3A_818] : memref<2x512x64xf32, #tpu.memory_space<vmem>> -> memref<1x512x64xf32, #tpu.memory_space<vmem>>
    %dma_wait3A_820 = tpu.memref_squeeze %dma_wait3A_819 : memref<1x512x64xf32, #tpu.memory_space<vmem>> -> memref<512x64xf32, #tpu.memory_space<vmem>>
    tpu.wait_dma2 semaphore(%arg19 : memref<!tpu.dma_semaphore, #tpu.memory_space<semaphore_mem>>) src(%dma_wait3A_820 : memref<512x64xf32, #tpu.memory_space<vmem>>) dst(%dma_wait3A_816 : memref<512x64xf32, #tpu.memory_space<hbm>>)
    %dma_start3A_821 = arith.constant 0 : i32
    %dma_start3A_822 = arith.constant 0 : i32
    %dma_start3A_823 = arith.constant 0 : i32
    %dma_start3A_824 = tpu.memref_slice %arg14[%dma_start3A_821, %dma_start3A_822, %dma_start3A_823] : memref<2x512x64xf32, #tpu.memory_space<vmem>> -> memref<1x512x64xf32, #tpu.memory_space<vmem>>
    %dma_start3A_825 = tpu.memref_squeeze %dma_start3A_824 : memref<1x512x64xf32, #tpu.memory_space<vmem>> -> memref<512x64xf32, #tpu.memory_space<vmem>>
    %dma_start3A_826 = arith.constant 8192 : i32
    %dma_start3A_827 = tpu.memref_slice %arg13[%dma_start3A_826] : memref<18432xi32, #tpu.memory_space<vmem>> -> memref<512xi32, #tpu.memory_space<vmem>>
    %dma_start3A_828 = arith.constant 0 : i32
    %dma_start3A_829 = arith.constant 0 : i32
    %dma_start3A_830 = tpu.memref_slice %arg4[%dma_start3A_828, %dma_start3A_829] : memref<100000x64xf32, #tpu.memory_space<hbm>> -> memref<100000x64xf32, #tpu.memory_space<hbm>>
    tpu.enqueue_indirect_dma source(%dma_start3A_830 : memref<100000x64xf32, #tpu.memory_space<hbm>>) target(%dma_start3A_825 : memref<512x64xf32, #tpu.memory_space<vmem>>) offsets(%dma_start3A_827 : memref<512xi32, #tpu.memory_space<vmem>>) semaphore(%arg17 : memref<!tpu.dma_semaphore, #tpu.memory_space<semaphore_mem>>)
    %dma_wait3A_831 = arith.constant 1 : i32
    %dma_wait3A_832 = arith.constant 0 : i32
    %dma_wait3A_833 = arith.constant 0 : i32
    %dma_wait3A_834 = tpu.memref_slice %arg14[%dma_wait3A_831, %dma_wait3A_832, %dma_wait3A_833] : memref<2x512x64xf32, #tpu.memory_space<vmem>> -> memref<1x512x64xf32, #tpu.memory_space<vmem>>
    %dma_wait3A_835 = tpu.memref_squeeze %dma_wait3A_834 : memref<1x512x64xf32, #tpu.memory_space<vmem>> -> memref<512x64xf32, #tpu.memory_space<vmem>>
    %dma_wait3A_836 = arith.constant 7680 : i32
    %dma_wait3A_837 = tpu.memref_slice %arg13[%dma_wait3A_836] : memref<18432xi32, #tpu.memory_space<vmem>> -> memref<512xi32, #tpu.memory_space<vmem>>
    %dma_wait3A_838 = arith.constant 0 : i32
    %dma_wait3A_839 = arith.constant 0 : i32
    %dma_wait3A_840 = tpu.memref_slice %arg4[%dma_wait3A_838, %dma_wait3A_839] : memref<100000x64xf32, #tpu.memory_space<hbm>> -> memref<100000x64xf32, #tpu.memory_space<hbm>>
    tpu.wait_indirect_dma semaphore(%arg18 : memref<!tpu.dma_semaphore, #tpu.memory_space<semaphore_mem>>) src(%dma_wait3A_840 : memref<100000x64xf32, #tpu.memory_space<hbm>>) dst(%dma_wait3A_835 : memref<512x64xf32, #tpu.memory_space<vmem>>)
    %dma_start3A_841 = arith.constant 1 : i32
    %dma_start3A_842 = arith.constant 0 : i32
    %dma_start3A_843 = arith.constant 0 : i32
    %dma_start3A_844 = tpu.memref_slice %arg14[%dma_start3A_841, %dma_start3A_842, %dma_start3A_843] : memref<2x512x64xf32, #tpu.memory_space<vmem>> -> memref<1x512x64xf32, #tpu.memory_space<vmem>>
    %dma_start3A_845 = tpu.memref_squeeze %dma_start3A_844 : memref<1x512x64xf32, #tpu.memory_space<vmem>> -> memref<512x64xf32, #tpu.memory_space<vmem>>
    %dma_start3A_846 = arith.constant 0 : i32
    %dma_start3A_847 = tpu.memref_slice %arg12[%add3A_74, %dma_start3A_846] : memref<491520x64xf32, #tpu.memory_space<hbm>> -> memref<512x64xf32, #tpu.memory_space<hbm>>
    %dma_start3A_848 = arith.constant 0 : i32
    %dma_start3A_849 = tpu.memref_slice %arg12[%add3A_74, %dma_start3A_848] : memref<491520x64xf32, #tpu.memory_space<hbm>> -> memref<512x64xf32, #tpu.memory_space<hbm>>
    %dma_start3A_850 = arith.constant 0 : i32
    %dma_start3A_851 = arith.constant 0 : i32
    %dma_start3A_852 = tpu.memref_slice %arg14[%dma_start3A_841, %dma_start3A_850, %dma_start3A_851] : memref<2x512x64xf32, #tpu.memory_space<vmem>> -> memref<1x512x64xf32, #tpu.memory_space<vmem>>
    %dma_start3A_853 = tpu.memref_squeeze %dma_start3A_852 : memref<1x512x64xf32, #tpu.memory_space<vmem>> -> memref<512x64xf32, #tpu.memory_space<vmem>>
    tpu.enqueue_dma source(%dma_start3A_853 : memref<512x64xf32, #tpu.memory_space<vmem>>) target(%dma_start3A_849 : memref<512x64xf32, #tpu.memory_space<hbm>>) target_semaphore(%arg20 : memref<!tpu.dma_semaphore, #tpu.memory_space<semaphore_mem>>)
    %dma_wait3A_854 = arith.constant 1 : i32
    %dma_wait3A_855 = arith.constant 0 : i32
    %dma_wait3A_856 = arith.constant 0 : i32
    %dma_wait3A_857 = tpu.memref_slice %arg14[%dma_wait3A_854, %dma_wait3A_855, %dma_wait3A_856] : memref<2x512x64xf32, #tpu.memory_space<vmem>> -> memref<1x512x64xf32, #tpu.memory_space<vmem>>
    %dma_wait3A_858 = tpu.memref_squeeze %dma_wait3A_857 : memref<1x512x64xf32, #tpu.memory_space<vmem>> -> memref<512x64xf32, #tpu.memory_space<vmem>>
    %dma_wait3A_859 = arith.constant 0 : i32
    %dma_wait3A_860 = tpu.memref_slice %arg12[%add3A_74, %dma_wait3A_859] : memref<491520x64xf32, #tpu.memory_space<hbm>> -> memref<512x64xf32, #tpu.memory_space<hbm>>
    %dma_wait3A_861 = arith.constant 0 : i32
    %dma_wait3A_862 = tpu.memref_slice %arg12[%add3A_74, %dma_wait3A_861] : memref<491520x64xf32, #tpu.memory_space<hbm>> -> memref<512x64xf32, #tpu.memory_space<hbm>>
    %dma_wait3A_863 = arith.constant 0 : i32
    %dma_wait3A_864 = arith.constant 0 : i32
    %dma_wait3A_865 = tpu.memref_slice %arg14[%dma_wait3A_854, %dma_wait3A_863, %dma_wait3A_864] : memref<2x512x64xf32, #tpu.memory_space<vmem>> -> memref<1x512x64xf32, #tpu.memory_space<vmem>>
    %dma_wait3A_866 = tpu.memref_squeeze %dma_wait3A_865 : memref<1x512x64xf32, #tpu.memory_space<vmem>> -> memref<512x64xf32, #tpu.memory_space<vmem>>
    tpu.wait_dma2 semaphore(%arg20 : memref<!tpu.dma_semaphore, #tpu.memory_space<semaphore_mem>>) src(%dma_wait3A_866 : memref<512x64xf32, #tpu.memory_space<vmem>>) dst(%dma_wait3A_862 : memref<512x64xf32, #tpu.memory_space<hbm>>)
    %dma_start3A_867 = arith.constant 1 : i32
    %dma_start3A_868 = arith.constant 0 : i32
    %dma_start3A_869 = arith.constant 0 : i32
    %dma_start3A_870 = tpu.memref_slice %arg14[%dma_start3A_867, %dma_start3A_868, %dma_start3A_869] : memref<2x512x64xf32, #tpu.memory_space<vmem>> -> memref<1x512x64xf32, #tpu.memory_space<vmem>>
    %dma_start3A_871 = tpu.memref_squeeze %dma_start3A_870 : memref<1x512x64xf32, #tpu.memory_space<vmem>> -> memref<512x64xf32, #tpu.memory_space<vmem>>
    %dma_start3A_872 = arith.constant 8704 : i32
    %dma_start3A_873 = tpu.memref_slice %arg13[%dma_start3A_872] : memref<18432xi32, #tpu.memory_space<vmem>> -> memref<512xi32, #tpu.memory_space<vmem>>
    %dma_start3A_874 = arith.constant 0 : i32
    %dma_start3A_875 = arith.constant 0 : i32
    %dma_start3A_876 = tpu.memref_slice %arg4[%dma_start3A_874, %dma_start3A_875] : memref<100000x64xf32, #tpu.memory_space<hbm>> -> memref<100000x64xf32, #tpu.memory_space<hbm>>
    tpu.enqueue_indirect_dma source(%dma_start3A_876 : memref<100000x64xf32, #tpu.memory_space<hbm>>) target(%dma_start3A_871 : memref<512x64xf32, #tpu.memory_space<vmem>>) offsets(%dma_start3A_873 : memref<512xi32, #tpu.memory_space<vmem>>) semaphore(%arg18 : memref<!tpu.dma_semaphore, #tpu.memory_space<semaphore_mem>>)
    %dma_wait3A_877 = arith.constant 0 : i32
    %dma_wait3A_878 = arith.constant 0 : i32
    %dma_wait3A_879 = arith.constant 0 : i32
    %dma_wait3A_880 = tpu.memref_slice %arg14[%dma_wait3A_877, %dma_wait3A_878, %dma_wait3A_879] : memref<2x512x64xf32, #tpu.memory_space<vmem>> -> memref<1x512x64xf32, #tpu.memory_space<vmem>>
    %dma_wait3A_881 = tpu.memref_squeeze %dma_wait3A_880 : memref<1x512x64xf32, #tpu.memory_space<vmem>> -> memref<512x64xf32, #tpu.memory_space<vmem>>
    %dma_wait3A_882 = arith.constant 8192 : i32
    %dma_wait3A_883 = tpu.memref_slice %arg13[%dma_wait3A_882] : memref<18432xi32, #tpu.memory_space<vmem>> -> memref<512xi32, #tpu.memory_space<vmem>>
    %dma_wait3A_884 = arith.constant 0 : i32
    %dma_wait3A_885 = arith.constant 0 : i32
    %dma_wait3A_886 = tpu.memref_slice %arg4[%dma_wait3A_884, %dma_wait3A_885] : memref<100000x64xf32, #tpu.memory_space<hbm>> -> memref<100000x64xf32, #tpu.memory_space<hbm>>
    tpu.wait_indirect_dma semaphore(%arg17 : memref<!tpu.dma_semaphore, #tpu.memory_space<semaphore_mem>>) src(%dma_wait3A_886 : memref<100000x64xf32, #tpu.memory_space<hbm>>) dst(%dma_wait3A_881 : memref<512x64xf32, #tpu.memory_space<vmem>>)
    %dma_start3A_887 = arith.constant 0 : i32
    %dma_start3A_888 = arith.constant 0 : i32
    %dma_start3A_889 = arith.constant 0 : i32
    %dma_start3A_890 = tpu.memref_slice %arg14[%dma_start3A_887, %dma_start3A_888, %dma_start3A_889] : memref<2x512x64xf32, #tpu.memory_space<vmem>> -> memref<1x512x64xf32, #tpu.memory_space<vmem>>
    %dma_start3A_891 = tpu.memref_squeeze %dma_start3A_890 : memref<1x512x64xf32, #tpu.memory_space<vmem>> -> memref<512x64xf32, #tpu.memory_space<vmem>>
    %dma_start3A_892 = arith.constant 0 : i32
    %dma_start3A_893 = tpu.memref_slice %arg12[%add3A_76, %dma_start3A_892] : memref<491520x64xf32, #tpu.memory_space<hbm>> -> memref<512x64xf32, #tpu.memory_space<hbm>>
    %dma_start3A_894 = arith.constant 0 : i32
    %dma_start3A_895 = tpu.memref_slice %arg12[%add3A_76, %dma_start3A_894] : memref<491520x64xf32, #tpu.memory_space<hbm>> -> memref<512x64xf32, #tpu.memory_space<hbm>>
    %dma_start3A_896 = arith.constant 0 : i32
    %dma_start3A_897 = arith.constant 0 : i32
    %dma_start3A_898 = tpu.memref_slice %arg14[%dma_start3A_887, %dma_start3A_896, %dma_start3A_897] : memref<2x512x64xf32, #tpu.memory_space<vmem>> -> memref<1x512x64xf32, #tpu.memory_space<vmem>>
    %dma_start3A_899 = tpu.memref_squeeze %dma_start3A_898 : memref<1x512x64xf32, #tpu.memory_space<vmem>> -> memref<512x64xf32, #tpu.memory_space<vmem>>
    tpu.enqueue_dma source(%dma_start3A_899 : memref<512x64xf32, #tpu.memory_space<vmem>>) target(%dma_start3A_895 : memref<512x64xf32, #tpu.memory_space<hbm>>) target_semaphore(%arg19 : memref<!tpu.dma_semaphore, #tpu.memory_space<semaphore_mem>>)
    %dma_wait3A_900 = arith.constant 0 : i32
    %dma_wait3A_901 = arith.constant 0 : i32
    %dma_wait3A_902 = arith.constant 0 : i32
    %dma_wait3A_903 = tpu.memref_slice %arg14[%dma_wait3A_900, %dma_wait3A_901, %dma_wait3A_902] : memref<2x512x64xf32, #tpu.memory_space<vmem>> -> memref<1x512x64xf32, #tpu.memory_space<vmem>>
    %dma_wait3A_904 = tpu.memref_squeeze %dma_wait3A_903 : memref<1x512x64xf32, #tpu.memory_space<vmem>> -> memref<512x64xf32, #tpu.memory_space<vmem>>
    %dma_wait3A_905 = arith.constant 0 : i32
    %dma_wait3A_906 = tpu.memref_slice %arg12[%add3A_76, %dma_wait3A_905] : memref<491520x64xf32, #tpu.memory_space<hbm>> -> memref<512x64xf32, #tpu.memory_space<hbm>>
    %dma_wait3A_907 = arith.constant 0 : i32
    %dma_wait3A_908 = tpu.memref_slice %arg12[%add3A_76, %dma_wait3A_907] : memref<491520x64xf32, #tpu.memory_space<hbm>> -> memref<512x64xf32, #tpu.memory_space<hbm>>
    %dma_wait3A_909 = arith.constant 0 : i32
    %dma_wait3A_910 = arith.constant 0 : i32
    %dma_wait3A_911 = tpu.memref_slice %arg14[%dma_wait3A_900, %dma_wait3A_909, %dma_wait3A_910] : memref<2x512x64xf32, #tpu.memory_space<vmem>> -> memref<1x512x64xf32, #tpu.memory_space<vmem>>
    %dma_wait3A_912 = tpu.memref_squeeze %dma_wait3A_911 : memref<1x512x64xf32, #tpu.memory_space<vmem>> -> memref<512x64xf32, #tpu.memory_space<vmem>>
    tpu.wait_dma2 semaphore(%arg19 : memref<!tpu.dma_semaphore, #tpu.memory_space<semaphore_mem>>) src(%dma_wait3A_912 : memref<512x64xf32, #tpu.memory_space<vmem>>) dst(%dma_wait3A_908 : memref<512x64xf32, #tpu.memory_space<hbm>>)
    %dma_start3A_913 = arith.constant 0 : i32
    %dma_start3A_914 = arith.constant 0 : i32
    %dma_start3A_915 = arith.constant 0 : i32
    %dma_start3A_916 = tpu.memref_slice %arg14[%dma_start3A_913, %dma_start3A_914, %dma_start3A_915] : memref<2x512x64xf32, #tpu.memory_space<vmem>> -> memref<1x512x64xf32, #tpu.memory_space<vmem>>
    %dma_start3A_917 = tpu.memref_squeeze %dma_start3A_916 : memref<1x512x64xf32, #tpu.memory_space<vmem>> -> memref<512x64xf32, #tpu.memory_space<vmem>>
    %dma_start3A_918 = arith.constant 9216 : i32
    %dma_start3A_919 = tpu.memref_slice %arg13[%dma_start3A_918] : memref<18432xi32, #tpu.memory_space<vmem>> -> memref<512xi32, #tpu.memory_space<vmem>>
    %dma_start3A_920 = arith.constant 0 : i32
    %dma_start3A_921 = arith.constant 0 : i32
    %dma_start3A_922 = tpu.memref_slice %arg4[%dma_start3A_920, %dma_start3A_921] : memref<100000x64xf32, #tpu.memory_space<hbm>> -> memref<100000x64xf32, #tpu.memory_space<hbm>>
    tpu.enqueue_indirect_dma source(%dma_start3A_922 : memref<100000x64xf32, #tpu.memory_space<hbm>>) target(%dma_start3A_917 : memref<512x64xf32, #tpu.memory_space<vmem>>) offsets(%dma_start3A_919 : memref<512xi32, #tpu.memory_space<vmem>>) semaphore(%arg17 : memref<!tpu.dma_semaphore, #tpu.memory_space<semaphore_mem>>)
    %dma_wait3A_923 = arith.constant 1 : i32
    %dma_wait3A_924 = arith.constant 0 : i32
    %dma_wait3A_925 = arith.constant 0 : i32
    %dma_wait3A_926 = tpu.memref_slice %arg14[%dma_wait3A_923, %dma_wait3A_924, %dma_wait3A_925] : memref<2x512x64xf32, #tpu.memory_space<vmem>> -> memref<1x512x64xf32, #tpu.memory_space<vmem>>
    %dma_wait3A_927 = tpu.memref_squeeze %dma_wait3A_926 : memref<1x512x64xf32, #tpu.memory_space<vmem>> -> memref<512x64xf32, #tpu.memory_space<vmem>>
    %dma_wait3A_928 = arith.constant 8704 : i32
    %dma_wait3A_929 = tpu.memref_slice %arg13[%dma_wait3A_928] : memref<18432xi32, #tpu.memory_space<vmem>> -> memref<512xi32, #tpu.memory_space<vmem>>
    %dma_wait3A_930 = arith.constant 0 : i32
    %dma_wait3A_931 = arith.constant 0 : i32
    %dma_wait3A_932 = tpu.memref_slice %arg4[%dma_wait3A_930, %dma_wait3A_931] : memref<100000x64xf32, #tpu.memory_space<hbm>> -> memref<100000x64xf32, #tpu.memory_space<hbm>>
    tpu.wait_indirect_dma semaphore(%arg18 : memref<!tpu.dma_semaphore, #tpu.memory_space<semaphore_mem>>) src(%dma_wait3A_932 : memref<100000x64xf32, #tpu.memory_space<hbm>>) dst(%dma_wait3A_927 : memref<512x64xf32, #tpu.memory_space<vmem>>)
    %dma_start3A_933 = arith.constant 1 : i32
    %dma_start3A_934 = arith.constant 0 : i32
    %dma_start3A_935 = arith.constant 0 : i32
    %dma_start3A_936 = tpu.memref_slice %arg14[%dma_start3A_933, %dma_start3A_934, %dma_start3A_935] : memref<2x512x64xf32, #tpu.memory_space<vmem>> -> memref<1x512x64xf32, #tpu.memory_space<vmem>>
    %dma_start3A_937 = tpu.memref_squeeze %dma_start3A_936 : memref<1x512x64xf32, #tpu.memory_space<vmem>> -> memref<512x64xf32, #tpu.memory_space<vmem>>
    %dma_start3A_938 = arith.constant 0 : i32
    %dma_start3A_939 = tpu.memref_slice %arg12[%add3A_78, %dma_start3A_938] : memref<491520x64xf32, #tpu.memory_space<hbm>> -> memref<512x64xf32, #tpu.memory_space<hbm>>
    %dma_start3A_940 = arith.constant 0 : i32
    %dma_start3A_941 = tpu.memref_slice %arg12[%add3A_78, %dma_start3A_940] : memref<491520x64xf32, #tpu.memory_space<hbm>> -> memref<512x64xf32, #tpu.memory_space<hbm>>
    %dma_start3A_942 = arith.constant 0 : i32
    %dma_start3A_943 = arith.constant 0 : i32
    %dma_start3A_944 = tpu.memref_slice %arg14[%dma_start3A_933, %dma_start3A_942, %dma_start3A_943] : memref<2x512x64xf32, #tpu.memory_space<vmem>> -> memref<1x512x64xf32, #tpu.memory_space<vmem>>
    %dma_start3A_945 = tpu.memref_squeeze %dma_start3A_944 : memref<1x512x64xf32, #tpu.memory_space<vmem>> -> memref<512x64xf32, #tpu.memory_space<vmem>>
    tpu.enqueue_dma source(%dma_start3A_945 : memref<512x64xf32, #tpu.memory_space<vmem>>) target(%dma_start3A_941 : memref<512x64xf32, #tpu.memory_space<hbm>>) target_semaphore(%arg20 : memref<!tpu.dma_semaphore, #tpu.memory_space<semaphore_mem>>)
    %dma_wait3A_946 = arith.constant 1 : i32
    %dma_wait3A_947 = arith.constant 0 : i32
    %dma_wait3A_948 = arith.constant 0 : i32
    %dma_wait3A_949 = tpu.memref_slice %arg14[%dma_wait3A_946, %dma_wait3A_947, %dma_wait3A_948] : memref<2x512x64xf32, #tpu.memory_space<vmem>> -> memref<1x512x64xf32, #tpu.memory_space<vmem>>
    %dma_wait3A_950 = tpu.memref_squeeze %dma_wait3A_949 : memref<1x512x64xf32, #tpu.memory_space<vmem>> -> memref<512x64xf32, #tpu.memory_space<vmem>>
    %dma_wait3A_951 = arith.constant 0 : i32
    %dma_wait3A_952 = tpu.memref_slice %arg12[%add3A_78, %dma_wait3A_951] : memref<491520x64xf32, #tpu.memory_space<hbm>> -> memref<512x64xf32, #tpu.memory_space<hbm>>
    %dma_wait3A_953 = arith.constant 0 : i32
    %dma_wait3A_954 = tpu.memref_slice %arg12[%add3A_78, %dma_wait3A_953] : memref<491520x64xf32, #tpu.memory_space<hbm>> -> memref<512x64xf32, #tpu.memory_space<hbm>>
    %dma_wait3A_955 = arith.constant 0 : i32
    %dma_wait3A_956 = arith.constant 0 : i32
    %dma_wait3A_957 = tpu.memref_slice %arg14[%dma_wait3A_946, %dma_wait3A_955, %dma_wait3A_956] : memref<2x512x64xf32, #tpu.memory_space<vmem>> -> memref<1x512x64xf32, #tpu.memory_space<vmem>>
    %dma_wait3A_958 = tpu.memref_squeeze %dma_wait3A_957 : memref<1x512x64xf32, #tpu.memory_space<vmem>> -> memref<512x64xf32, #tpu.memory_space<vmem>>
    tpu.wait_dma2 semaphore(%arg20 : memref<!tpu.dma_semaphore, #tpu.memory_space<semaphore_mem>>) src(%dma_wait3A_958 : memref<512x64xf32, #tpu.memory_space<vmem>>) dst(%dma_wait3A_954 : memref<512x64xf32, #tpu.memory_space<hbm>>)
    %dma_start3A_959 = arith.constant 1 : i32
    %dma_start3A_960 = arith.constant 0 : i32
    %dma_start3A_961 = arith.constant 0 : i32
    %dma_start3A_962 = tpu.memref_slice %arg14[%dma_start3A_959, %dma_start3A_960, %dma_start3A_961] : memref<2x512x64xf32, #tpu.memory_space<vmem>> -> memref<1x512x64xf32, #tpu.memory_space<vmem>>
    %dma_start3A_963 = tpu.memref_squeeze %dma_start3A_962 : memref<1x512x64xf32, #tpu.memory_space<vmem>> -> memref<512x64xf32, #tpu.memory_space<vmem>>
    %dma_start3A_964 = arith.constant 9728 : i32
    %dma_start3A_965 = tpu.memref_slice %arg13[%dma_start3A_964] : memref<18432xi32, #tpu.memory_space<vmem>> -> memref<512xi32, #tpu.memory_space<vmem>>
    %dma_start3A_966 = arith.constant 0 : i32
    %dma_start3A_967 = arith.constant 0 : i32
    %dma_start3A_968 = tpu.memref_slice %arg4[%dma_start3A_966, %dma_start3A_967] : memref<100000x64xf32, #tpu.memory_space<hbm>> -> memref<100000x64xf32, #tpu.memory_space<hbm>>
    tpu.enqueue_indirect_dma source(%dma_start3A_968 : memref<100000x64xf32, #tpu.memory_space<hbm>>) target(%dma_start3A_963 : memref<512x64xf32, #tpu.memory_space<vmem>>) offsets(%dma_start3A_965 : memref<512xi32, #tpu.memory_space<vmem>>) semaphore(%arg18 : memref<!tpu.dma_semaphore, #tpu.memory_space<semaphore_mem>>)
    %dma_wait3A_969 = arith.constant 0 : i32
    %dma_wait3A_970 = arith.constant 0 : i32
    %dma_wait3A_971 = arith.constant 0 : i32
    %dma_wait3A_972 = tpu.memref_slice %arg14[%dma_wait3A_969, %dma_wait3A_970, %dma_wait3A_971] : memref<2x512x64xf32, #tpu.memory_space<vmem>> -> memref<1x512x64xf32, #tpu.memory_space<vmem>>
    %dma_wait3A_973 = tpu.memref_squeeze %dma_wait3A_972 : memref<1x512x64xf32, #tpu.memory_space<vmem>> -> memref<512x64xf32, #tpu.memory_space<vmem>>
    %dma_wait3A_974 = arith.constant 9216 : i32
    %dma_wait3A_975 = tpu.memref_slice %arg13[%dma_wait3A_974] : memref<18432xi32, #tpu.memory_space<vmem>> -> memref<512xi32, #tpu.memory_space<vmem>>
    %dma_wait3A_976 = arith.constant 0 : i32
    %dma_wait3A_977 = arith.constant 0 : i32
    %dma_wait3A_978 = tpu.memref_slice %arg4[%dma_wait3A_976, %dma_wait3A_977] : memref<100000x64xf32, #tpu.memory_space<hbm>> -> memref<100000x64xf32, #tpu.memory_space<hbm>>
    tpu.wait_indirect_dma semaphore(%arg17 : memref<!tpu.dma_semaphore, #tpu.memory_space<semaphore_mem>>) src(%dma_wait3A_978 : memref<100000x64xf32, #tpu.memory_space<hbm>>) dst(%dma_wait3A_973 : memref<512x64xf32, #tpu.memory_space<vmem>>)
    %dma_start3A_979 = arith.constant 0 : i32
    %dma_start3A_980 = arith.constant 0 : i32
    %dma_start3A_981 = arith.constant 0 : i32
    %dma_start3A_982 = tpu.memref_slice %arg14[%dma_start3A_979, %dma_start3A_980, %dma_start3A_981] : memref<2x512x64xf32, #tpu.memory_space<vmem>> -> memref<1x512x64xf32, #tpu.memory_space<vmem>>
    %dma_start3A_983 = tpu.memref_squeeze %dma_start3A_982 : memref<1x512x64xf32, #tpu.memory_space<vmem>> -> memref<512x64xf32, #tpu.memory_space<vmem>>
    %dma_start3A_984 = arith.constant 0 : i32
    %dma_start3A_985 = tpu.memref_slice %arg12[%add3A_80, %dma_start3A_984] : memref<491520x64xf32, #tpu.memory_space<hbm>> -> memref<512x64xf32, #tpu.memory_space<hbm>>
    %dma_start3A_986 = arith.constant 0 : i32
    %dma_start3A_987 = tpu.memref_slice %arg12[%add3A_80, %dma_start3A_986] : memref<491520x64xf32, #tpu.memory_space<hbm>> -> memref<512x64xf32, #tpu.memory_space<hbm>>
    %dma_start3A_988 = arith.constant 0 : i32
    %dma_start3A_989 = arith.constant 0 : i32
    %dma_start3A_990 = tpu.memref_slice %arg14[%dma_start3A_979, %dma_start3A_988, %dma_start3A_989] : memref<2x512x64xf32, #tpu.memory_space<vmem>> -> memref<1x512x64xf32, #tpu.memory_space<vmem>>
    %dma_start3A_991 = tpu.memref_squeeze %dma_start3A_990 : memref<1x512x64xf32, #tpu.memory_space<vmem>> -> memref<512x64xf32, #tpu.memory_space<vmem>>
    tpu.enqueue_dma source(%dma_start3A_991 : memref<512x64xf32, #tpu.memory_space<vmem>>) target(%dma_start3A_987 : memref<512x64xf32, #tpu.memory_space<hbm>>) target_semaphore(%arg19 : memref<!tpu.dma_semaphore, #tpu.memory_space<semaphore_mem>>)
    %dma_wait3A_992 = arith.constant 0 : i32
    %dma_wait3A_993 = arith.constant 0 : i32
    %dma_wait3A_994 = arith.constant 0 : i32
    %dma_wait3A_995 = tpu.memref_slice %arg14[%dma_wait3A_992, %dma_wait3A_993, %dma_wait3A_994] : memref<2x512x64xf32, #tpu.memory_space<vmem>> -> memref<1x512x64xf32, #tpu.memory_space<vmem>>
    %dma_wait3A_996 = tpu.memref_squeeze %dma_wait3A_995 : memref<1x512x64xf32, #tpu.memory_space<vmem>> -> memref<512x64xf32, #tpu.memory_space<vmem>>
    %dma_wait3A_997 = arith.constant 0 : i32
    %dma_wait3A_998 = tpu.memref_slice %arg12[%add3A_80, %dma_wait3A_997] : memref<491520x64xf32, #tpu.memory_space<hbm>> -> memref<512x64xf32, #tpu.memory_space<hbm>>
    %dma_wait3A_999 = arith.constant 0 : i32
    %dma_wait3A_1000 = tpu.memref_slice %arg12[%add3A_80, %dma_wait3A_999] : memref<491520x64xf32, #tpu.memory_space<hbm>> -> memref<512x64xf32, #tpu.memory_space<hbm>>
    %dma_wait3A_1001 = arith.constant 0 : i32
    %dma_wait3A_1002 = arith.constant 0 : i32
    %dma_wait3A_1003 = tpu.memref_slice %arg14[%dma_wait3A_992, %dma_wait3A_1001, %dma_wait3A_1002] : memref<2x512x64xf32, #tpu.memory_space<vmem>> -> memref<1x512x64xf32, #tpu.memory_space<vmem>>
    %dma_wait3A_1004 = tpu.memref_squeeze %dma_wait3A_1003 : memref<1x512x64xf32, #tpu.memory_space<vmem>> -> memref<512x64xf32, #tpu.memory_space<vmem>>
    tpu.wait_dma2 semaphore(%arg19 : memref<!tpu.dma_semaphore, #tpu.memory_space<semaphore_mem>>) src(%dma_wait3A_1004 : memref<512x64xf32, #tpu.memory_space<vmem>>) dst(%dma_wait3A_1000 : memref<512x64xf32, #tpu.memory_space<hbm>>)
    %dma_start3A_1005 = arith.constant 0 : i32
    %dma_start3A_1006 = arith.constant 0 : i32
    %dma_start3A_1007 = arith.constant 0 : i32
    %dma_start3A_1008 = tpu.memref_slice %arg14[%dma_start3A_1005, %dma_start3A_1006, %dma_start3A_1007] : memref<2x512x64xf32, #tpu.memory_space<vmem>> -> memref<1x512x64xf32, #tpu.memory_space<vmem>>
    %dma_start3A_1009 = tpu.memref_squeeze %dma_start3A_1008 : memref<1x512x64xf32, #tpu.memory_space<vmem>> -> memref<512x64xf32, #tpu.memory_space<vmem>>
    %dma_start3A_1010 = arith.constant 10240 : i32
    %dma_start3A_1011 = tpu.memref_slice %arg13[%dma_start3A_1010] : memref<18432xi32, #tpu.memory_space<vmem>> -> memref<512xi32, #tpu.memory_space<vmem>>
    %dma_start3A_1012 = arith.constant 0 : i32
    %dma_start3A_1013 = arith.constant 0 : i32
    %dma_start3A_1014 = tpu.memref_slice %arg4[%dma_start3A_1012, %dma_start3A_1013] : memref<100000x64xf32, #tpu.memory_space<hbm>> -> memref<100000x64xf32, #tpu.memory_space<hbm>>
    tpu.enqueue_indirect_dma source(%dma_start3A_1014 : memref<100000x64xf32, #tpu.memory_space<hbm>>) target(%dma_start3A_1009 : memref<512x64xf32, #tpu.memory_space<vmem>>) offsets(%dma_start3A_1011 : memref<512xi32, #tpu.memory_space<vmem>>) semaphore(%arg17 : memref<!tpu.dma_semaphore, #tpu.memory_space<semaphore_mem>>)
    %dma_wait3A_1015 = arith.constant 1 : i32
    %dma_wait3A_1016 = arith.constant 0 : i32
    %dma_wait3A_1017 = arith.constant 0 : i32
    %dma_wait3A_1018 = tpu.memref_slice %arg14[%dma_wait3A_1015, %dma_wait3A_1016, %dma_wait3A_1017] : memref<2x512x64xf32, #tpu.memory_space<vmem>> -> memref<1x512x64xf32, #tpu.memory_space<vmem>>
    %dma_wait3A_1019 = tpu.memref_squeeze %dma_wait3A_1018 : memref<1x512x64xf32, #tpu.memory_space<vmem>> -> memref<512x64xf32, #tpu.memory_space<vmem>>
    %dma_wait3A_1020 = arith.constant 9728 : i32
    %dma_wait3A_1021 = tpu.memref_slice %arg13[%dma_wait3A_1020] : memref<18432xi32, #tpu.memory_space<vmem>> -> memref<512xi32, #tpu.memory_space<vmem>>
    %dma_wait3A_1022 = arith.constant 0 : i32
    %dma_wait3A_1023 = arith.constant 0 : i32
    %dma_wait3A_1024 = tpu.memref_slice %arg4[%dma_wait3A_1022, %dma_wait3A_1023] : memref<100000x64xf32, #tpu.memory_space<hbm>> -> memref<100000x64xf32, #tpu.memory_space<hbm>>
    tpu.wait_indirect_dma semaphore(%arg18 : memref<!tpu.dma_semaphore, #tpu.memory_space<semaphore_mem>>) src(%dma_wait3A_1024 : memref<100000x64xf32, #tpu.memory_space<hbm>>) dst(%dma_wait3A_1019 : memref<512x64xf32, #tpu.memory_space<vmem>>)
    %dma_start3A_1025 = arith.constant 1 : i32
    %dma_start3A_1026 = arith.constant 0 : i32
    %dma_start3A_1027 = arith.constant 0 : i32
    %dma_start3A_1028 = tpu.memref_slice %arg14[%dma_start3A_1025, %dma_start3A_1026, %dma_start3A_1027] : memref<2x512x64xf32, #tpu.memory_space<vmem>> -> memref<1x512x64xf32, #tpu.memory_space<vmem>>
    %dma_start3A_1029 = tpu.memref_squeeze %dma_start3A_1028 : memref<1x512x64xf32, #tpu.memory_space<vmem>> -> memref<512x64xf32, #tpu.memory_space<vmem>>
    %dma_start3A_1030 = arith.constant 0 : i32
    %dma_start3A_1031 = tpu.memref_slice %arg12[%add3A_82, %dma_start3A_1030] : memref<491520x64xf32, #tpu.memory_space<hbm>> -> memref<512x64xf32, #tpu.memory_space<hbm>>
    %dma_start3A_1032 = arith.constant 0 : i32
    %dma_start3A_1033 = tpu.memref_slice %arg12[%add3A_82, %dma_start3A_1032] : memref<491520x64xf32, #tpu.memory_space<hbm>> -> memref<512x64xf32, #tpu.memory_space<hbm>>
    %dma_start3A_1034 = arith.constant 0 : i32
    %dma_start3A_1035 = arith.constant 0 : i32
    %dma_start3A_1036 = tpu.memref_slice %arg14[%dma_start3A_1025, %dma_start3A_1034, %dma_start3A_1035] : memref<2x512x64xf32, #tpu.memory_space<vmem>> -> memref<1x512x64xf32, #tpu.memory_space<vmem>>
    %dma_start3A_1037 = tpu.memref_squeeze %dma_start3A_1036 : memref<1x512x64xf32, #tpu.memory_space<vmem>> -> memref<512x64xf32, #tpu.memory_space<vmem>>
    tpu.enqueue_dma source(%dma_start3A_1037 : memref<512x64xf32, #tpu.memory_space<vmem>>) target(%dma_start3A_1033 : memref<512x64xf32, #tpu.memory_space<hbm>>) target_semaphore(%arg20 : memref<!tpu.dma_semaphore, #tpu.memory_space<semaphore_mem>>)
    %dma_wait3A_1038 = arith.constant 1 : i32
    %dma_wait3A_1039 = arith.constant 0 : i32
    %dma_wait3A_1040 = arith.constant 0 : i32
    %dma_wait3A_1041 = tpu.memref_slice %arg14[%dma_wait3A_1038, %dma_wait3A_1039, %dma_wait3A_1040] : memref<2x512x64xf32, #tpu.memory_space<vmem>> -> memref<1x512x64xf32, #tpu.memory_space<vmem>>
    %dma_wait3A_1042 = tpu.memref_squeeze %dma_wait3A_1041 : memref<1x512x64xf32, #tpu.memory_space<vmem>> -> memref<512x64xf32, #tpu.memory_space<vmem>>
    %dma_wait3A_1043 = arith.constant 0 : i32
    %dma_wait3A_1044 = tpu.memref_slice %arg12[%add3A_82, %dma_wait3A_1043] : memref<491520x64xf32, #tpu.memory_space<hbm>> -> memref<512x64xf32, #tpu.memory_space<hbm>>
    %dma_wait3A_1045 = arith.constant 0 : i32
    %dma_wait3A_1046 = tpu.memref_slice %arg12[%add3A_82, %dma_wait3A_1045] : memref<491520x64xf32, #tpu.memory_space<hbm>> -> memref<512x64xf32, #tpu.memory_space<hbm>>
    %dma_wait3A_1047 = arith.constant 0 : i32
    %dma_wait3A_1048 = arith.constant 0 : i32
    %dma_wait3A_1049 = tpu.memref_slice %arg14[%dma_wait3A_1038, %dma_wait3A_1047, %dma_wait3A_1048] : memref<2x512x64xf32, #tpu.memory_space<vmem>> -> memref<1x512x64xf32, #tpu.memory_space<vmem>>
    %dma_wait3A_1050 = tpu.memref_squeeze %dma_wait3A_1049 : memref<1x512x64xf32, #tpu.memory_space<vmem>> -> memref<512x64xf32, #tpu.memory_space<vmem>>
    tpu.wait_dma2 semaphore(%arg20 : memref<!tpu.dma_semaphore, #tpu.memory_space<semaphore_mem>>) src(%dma_wait3A_1050 : memref<512x64xf32, #tpu.memory_space<vmem>>) dst(%dma_wait3A_1046 : memref<512x64xf32, #tpu.memory_space<hbm>>)
    %dma_start3A_1051 = arith.constant 1 : i32
    %dma_start3A_1052 = arith.constant 0 : i32
    %dma_start3A_1053 = arith.constant 0 : i32
    %dma_start3A_1054 = tpu.memref_slice %arg14[%dma_start3A_1051, %dma_start3A_1052, %dma_start3A_1053] : memref<2x512x64xf32, #tpu.memory_space<vmem>> -> memref<1x512x64xf32, #tpu.memory_space<vmem>>
    %dma_start3A_1055 = tpu.memref_squeeze %dma_start3A_1054 : memref<1x512x64xf32, #tpu.memory_space<vmem>> -> memref<512x64xf32, #tpu.memory_space<vmem>>
    %dma_start3A_1056 = arith.constant 10752 : i32
    %dma_start3A_1057 = tpu.memref_slice %arg13[%dma_start3A_1056] : memref<18432xi32, #tpu.memory_space<vmem>> -> memref<512xi32, #tpu.memory_space<vmem>>
    %dma_start3A_1058 = arith.constant 0 : i32
    %dma_start3A_1059 = arith.constant 0 : i32
    %dma_start3A_1060 = tpu.memref_slice %arg4[%dma_start3A_1058, %dma_start3A_1059] : memref<100000x64xf32, #tpu.memory_space<hbm>> -> memref<100000x64xf32, #tpu.memory_space<hbm>>
    tpu.enqueue_indirect_dma source(%dma_start3A_1060 : memref<100000x64xf32, #tpu.memory_space<hbm>>) target(%dma_start3A_1055 : memref<512x64xf32, #tpu.memory_space<vmem>>) offsets(%dma_start3A_1057 : memref<512xi32, #tpu.memory_space<vmem>>) semaphore(%arg18 : memref<!tpu.dma_semaphore, #tpu.memory_space<semaphore_mem>>)
    %dma_wait3A_1061 = arith.constant 0 : i32
    %dma_wait3A_1062 = arith.constant 0 : i32
    %dma_wait3A_1063 = arith.constant 0 : i32
    %dma_wait3A_1064 = tpu.memref_slice %arg14[%dma_wait3A_1061, %dma_wait3A_1062, %dma_wait3A_1063] : memref<2x512x64xf32, #tpu.memory_space<vmem>> -> memref<1x512x64xf32, #tpu.memory_space<vmem>>
    %dma_wait3A_1065 = tpu.memref_squeeze %dma_wait3A_1064 : memref<1x512x64xf32, #tpu.memory_space<vmem>> -> memref<512x64xf32, #tpu.memory_space<vmem>>
    %dma_wait3A_1066 = arith.constant 10240 : i32
    %dma_wait3A_1067 = tpu.memref_slice %arg13[%dma_wait3A_1066] : memref<18432xi32, #tpu.memory_space<vmem>> -> memref<512xi32, #tpu.memory_space<vmem>>
    %dma_wait3A_1068 = arith.constant 0 : i32
    %dma_wait3A_1069 = arith.constant 0 : i32
    %dma_wait3A_1070 = tpu.memref_slice %arg4[%dma_wait3A_1068, %dma_wait3A_1069] : memref<100000x64xf32, #tpu.memory_space<hbm>> -> memref<100000x64xf32, #tpu.memory_space<hbm>>
    tpu.wait_indirect_dma semaphore(%arg17 : memref<!tpu.dma_semaphore, #tpu.memory_space<semaphore_mem>>) src(%dma_wait3A_1070 : memref<100000x64xf32, #tpu.memory_space<hbm>>) dst(%dma_wait3A_1065 : memref<512x64xf32, #tpu.memory_space<vmem>>)
    %dma_start3A_1071 = arith.constant 0 : i32
    %dma_start3A_1072 = arith.constant 0 : i32
    %dma_start3A_1073 = arith.constant 0 : i32
    %dma_start3A_1074 = tpu.memref_slice %arg14[%dma_start3A_1071, %dma_start3A_1072, %dma_start3A_1073] : memref<2x512x64xf32, #tpu.memory_space<vmem>> -> memref<1x512x64xf32, #tpu.memory_space<vmem>>
    %dma_start3A_1075 = tpu.memref_squeeze %dma_start3A_1074 : memref<1x512x64xf32, #tpu.memory_space<vmem>> -> memref<512x64xf32, #tpu.memory_space<vmem>>
    %dma_start3A_1076 = arith.constant 0 : i32
    %dma_start3A_1077 = tpu.memref_slice %arg12[%add3A_84, %dma_start3A_1076] : memref<491520x64xf32, #tpu.memory_space<hbm>> -> memref<512x64xf32, #tpu.memory_space<hbm>>
    %dma_start3A_1078 = arith.constant 0 : i32
    %dma_start3A_1079 = tpu.memref_slice %arg12[%add3A_84, %dma_start3A_1078] : memref<491520x64xf32, #tpu.memory_space<hbm>> -> memref<512x64xf32, #tpu.memory_space<hbm>>
    %dma_start3A_1080 = arith.constant 0 : i32
    %dma_start3A_1081 = arith.constant 0 : i32
    %dma_start3A_1082 = tpu.memref_slice %arg14[%dma_start3A_1071, %dma_start3A_1080, %dma_start3A_1081] : memref<2x512x64xf32, #tpu.memory_space<vmem>> -> memref<1x512x64xf32, #tpu.memory_space<vmem>>
    %dma_start3A_1083 = tpu.memref_squeeze %dma_start3A_1082 : memref<1x512x64xf32, #tpu.memory_space<vmem>> -> memref<512x64xf32, #tpu.memory_space<vmem>>
    tpu.enqueue_dma source(%dma_start3A_1083 : memref<512x64xf32, #tpu.memory_space<vmem>>) target(%dma_start3A_1079 : memref<512x64xf32, #tpu.memory_space<hbm>>) target_semaphore(%arg19 : memref<!tpu.dma_semaphore, #tpu.memory_space<semaphore_mem>>)
    %dma_wait3A_1084 = arith.constant 0 : i32
    %dma_wait3A_1085 = arith.constant 0 : i32
    %dma_wait3A_1086 = arith.constant 0 : i32
    %dma_wait3A_1087 = tpu.memref_slice %arg14[%dma_wait3A_1084, %dma_wait3A_1085, %dma_wait3A_1086] : memref<2x512x64xf32, #tpu.memory_space<vmem>> -> memref<1x512x64xf32, #tpu.memory_space<vmem>>
    %dma_wait3A_1088 = tpu.memref_squeeze %dma_wait3A_1087 : memref<1x512x64xf32, #tpu.memory_space<vmem>> -> memref<512x64xf32, #tpu.memory_space<vmem>>
    %dma_wait3A_1089 = arith.constant 0 : i32
    %dma_wait3A_1090 = tpu.memref_slice %arg12[%add3A_84, %dma_wait3A_1089] : memref<491520x64xf32, #tpu.memory_space<hbm>> -> memref<512x64xf32, #tpu.memory_space<hbm>>
    %dma_wait3A_1091 = arith.constant 0 : i32
    %dma_wait3A_1092 = tpu.memref_slice %arg12[%add3A_84, %dma_wait3A_1091] : memref<491520x64xf32, #tpu.memory_space<hbm>> -> memref<512x64xf32, #tpu.memory_space<hbm>>
    %dma_wait3A_1093 = arith.constant 0 : i32
    %dma_wait3A_1094 = arith.constant 0 : i32
    %dma_wait3A_1095 = tpu.memref_slice %arg14[%dma_wait3A_1084, %dma_wait3A_1093, %dma_wait3A_1094] : memref<2x512x64xf32, #tpu.memory_space<vmem>> -> memref<1x512x64xf32, #tpu.memory_space<vmem>>
    %dma_wait3A_1096 = tpu.memref_squeeze %dma_wait3A_1095 : memref<1x512x64xf32, #tpu.memory_space<vmem>> -> memref<512x64xf32, #tpu.memory_space<vmem>>
    tpu.wait_dma2 semaphore(%arg19 : memref<!tpu.dma_semaphore, #tpu.memory_space<semaphore_mem>>) src(%dma_wait3A_1096 : memref<512x64xf32, #tpu.memory_space<vmem>>) dst(%dma_wait3A_1092 : memref<512x64xf32, #tpu.memory_space<hbm>>)
    %dma_start3A_1097 = arith.constant 0 : i32
    %dma_start3A_1098 = arith.constant 0 : i32
    %dma_start3A_1099 = arith.constant 0 : i32
    %dma_start3A_1100 = tpu.memref_slice %arg14[%dma_start3A_1097, %dma_start3A_1098, %dma_start3A_1099] : memref<2x512x64xf32, #tpu.memory_space<vmem>> -> memref<1x512x64xf32, #tpu.memory_space<vmem>>
    %dma_start3A_1101 = tpu.memref_squeeze %dma_start3A_1100 : memref<1x512x64xf32, #tpu.memory_space<vmem>> -> memref<512x64xf32, #tpu.memory_space<vmem>>
    %dma_start3A_1102 = arith.constant 11264 : i32
    %dma_start3A_1103 = tpu.memref_slice %arg13[%dma_start3A_1102] : memref<18432xi32, #tpu.memory_space<vmem>> -> memref<512xi32, #tpu.memory_space<vmem>>
    %dma_start3A_1104 = arith.constant 0 : i32
    %dma_start3A_1105 = arith.constant 0 : i32
    %dma_start3A_1106 = tpu.memref_slice %arg4[%dma_start3A_1104, %dma_start3A_1105] : memref<100000x64xf32, #tpu.memory_space<hbm>> -> memref<100000x64xf32, #tpu.memory_space<hbm>>
    tpu.enqueue_indirect_dma source(%dma_start3A_1106 : memref<100000x64xf32, #tpu.memory_space<hbm>>) target(%dma_start3A_1101 : memref<512x64xf32, #tpu.memory_space<vmem>>) offsets(%dma_start3A_1103 : memref<512xi32, #tpu.memory_space<vmem>>) semaphore(%arg17 : memref<!tpu.dma_semaphore, #tpu.memory_space<semaphore_mem>>)
    %dma_wait3A_1107 = arith.constant 1 : i32
    %dma_wait3A_1108 = arith.constant 0 : i32
    %dma_wait3A_1109 = arith.constant 0 : i32
    %dma_wait3A_1110 = tpu.memref_slice %arg14[%dma_wait3A_1107, %dma_wait3A_1108, %dma_wait3A_1109] : memref<2x512x64xf32, #tpu.memory_space<vmem>> -> memref<1x512x64xf32, #tpu.memory_space<vmem>>
    %dma_wait3A_1111 = tpu.memref_squeeze %dma_wait3A_1110 : memref<1x512x64xf32, #tpu.memory_space<vmem>> -> memref<512x64xf32, #tpu.memory_space<vmem>>
    %dma_wait3A_1112 = arith.constant 10752 : i32
    %dma_wait3A_1113 = tpu.memref_slice %arg13[%dma_wait3A_1112] : memref<18432xi32, #tpu.memory_space<vmem>> -> memref<512xi32, #tpu.memory_space<vmem>>
    %dma_wait3A_1114 = arith.constant 0 : i32
    %dma_wait3A_1115 = arith.constant 0 : i32
    %dma_wait3A_1116 = tpu.memref_slice %arg4[%dma_wait3A_1114, %dma_wait3A_1115] : memref<100000x64xf32, #tpu.memory_space<hbm>> -> memref<100000x64xf32, #tpu.memory_space<hbm>>
    tpu.wait_indirect_dma semaphore(%arg18 : memref<!tpu.dma_semaphore, #tpu.memory_space<semaphore_mem>>) src(%dma_wait3A_1116 : memref<100000x64xf32, #tpu.memory_space<hbm>>) dst(%dma_wait3A_1111 : memref<512x64xf32, #tpu.memory_space<vmem>>)
    %dma_start3A_1117 = arith.constant 1 : i32
    %dma_start3A_1118 = arith.constant 0 : i32
    %dma_start3A_1119 = arith.constant 0 : i32
    %dma_start3A_1120 = tpu.memref_slice %arg14[%dma_start3A_1117, %dma_start3A_1118, %dma_start3A_1119] : memref<2x512x64xf32, #tpu.memory_space<vmem>> -> memref<1x512x64xf32, #tpu.memory_space<vmem>>
    %dma_start3A_1121 = tpu.memref_squeeze %dma_start3A_1120 : memref<1x512x64xf32, #tpu.memory_space<vmem>> -> memref<512x64xf32, #tpu.memory_space<vmem>>
    %dma_start3A_1122 = arith.constant 0 : i32
    %dma_start3A_1123 = tpu.memref_slice %arg12[%add3A_86, %dma_start3A_1122] : memref<491520x64xf32, #tpu.memory_space<hbm>> -> memref<512x64xf32, #tpu.memory_space<hbm>>
    %dma_start3A_1124 = arith.constant 0 : i32
    %dma_start3A_1125 = tpu.memref_slice %arg12[%add3A_86, %dma_start3A_1124] : memref<491520x64xf32, #tpu.memory_space<hbm>> -> memref<512x64xf32, #tpu.memory_space<hbm>>
    %dma_start3A_1126 = arith.constant 0 : i32
    %dma_start3A_1127 = arith.constant 0 : i32
    %dma_start3A_1128 = tpu.memref_slice %arg14[%dma_start3A_1117, %dma_start3A_1126, %dma_start3A_1127] : memref<2x512x64xf32, #tpu.memory_space<vmem>> -> memref<1x512x64xf32, #tpu.memory_space<vmem>>
    %dma_start3A_1129 = tpu.memref_squeeze %dma_start3A_1128 : memref<1x512x64xf32, #tpu.memory_space<vmem>> -> memref<512x64xf32, #tpu.memory_space<vmem>>
    tpu.enqueue_dma source(%dma_start3A_1129 : memref<512x64xf32, #tpu.memory_space<vmem>>) target(%dma_start3A_1125 : memref<512x64xf32, #tpu.memory_space<hbm>>) target_semaphore(%arg20 : memref<!tpu.dma_semaphore, #tpu.memory_space<semaphore_mem>>)
    %dma_wait3A_1130 = arith.constant 1 : i32
    %dma_wait3A_1131 = arith.constant 0 : i32
    %dma_wait3A_1132 = arith.constant 0 : i32
    %dma_wait3A_1133 = tpu.memref_slice %arg14[%dma_wait3A_1130, %dma_wait3A_1131, %dma_wait3A_1132] : memref<2x512x64xf32, #tpu.memory_space<vmem>> -> memref<1x512x64xf32, #tpu.memory_space<vmem>>
    %dma_wait3A_1134 = tpu.memref_squeeze %dma_wait3A_1133 : memref<1x512x64xf32, #tpu.memory_space<vmem>> -> memref<512x64xf32, #tpu.memory_space<vmem>>
    %dma_wait3A_1135 = arith.constant 0 : i32
    %dma_wait3A_1136 = tpu.memref_slice %arg12[%add3A_86, %dma_wait3A_1135] : memref<491520x64xf32, #tpu.memory_space<hbm>> -> memref<512x64xf32, #tpu.memory_space<hbm>>
    %dma_wait3A_1137 = arith.constant 0 : i32
    %dma_wait3A_1138 = tpu.memref_slice %arg12[%add3A_86, %dma_wait3A_1137] : memref<491520x64xf32, #tpu.memory_space<hbm>> -> memref<512x64xf32, #tpu.memory_space<hbm>>
    %dma_wait3A_1139 = arith.constant 0 : i32
    %dma_wait3A_1140 = arith.constant 0 : i32
    %dma_wait3A_1141 = tpu.memref_slice %arg14[%dma_wait3A_1130, %dma_wait3A_1139, %dma_wait3A_1140] : memref<2x512x64xf32, #tpu.memory_space<vmem>> -> memref<1x512x64xf32, #tpu.memory_space<vmem>>
    %dma_wait3A_1142 = tpu.memref_squeeze %dma_wait3A_1141 : memref<1x512x64xf32, #tpu.memory_space<vmem>> -> memref<512x64xf32, #tpu.memory_space<vmem>>
    tpu.wait_dma2 semaphore(%arg20 : memref<!tpu.dma_semaphore, #tpu.memory_space<semaphore_mem>>) src(%dma_wait3A_1142 : memref<512x64xf32, #tpu.memory_space<vmem>>) dst(%dma_wait3A_1138 : memref<512x64xf32, #tpu.memory_space<hbm>>)
    %dma_start3A_1143 = arith.constant 1 : i32
    %dma_start3A_1144 = arith.constant 0 : i32
    %dma_start3A_1145 = arith.constant 0 : i32
    %dma_start3A_1146 = tpu.memref_slice %arg14[%dma_start3A_1143, %dma_start3A_1144, %dma_start3A_1145] : memref<2x512x64xf32, #tpu.memory_space<vmem>> -> memref<1x512x64xf32, #tpu.memory_space<vmem>>
    %dma_start3A_1147 = tpu.memref_squeeze %dma_start3A_1146 : memref<1x512x64xf32, #tpu.memory_space<vmem>> -> memref<512x64xf32, #tpu.memory_space<vmem>>
    %dma_start3A_1148 = arith.constant 11776 : i32
    %dma_start3A_1149 = tpu.memref_slice %arg13[%dma_start3A_1148] : memref<18432xi32, #tpu.memory_space<vmem>> -> memref<512xi32, #tpu.memory_space<vmem>>
    %dma_start3A_1150 = arith.constant 0 : i32
    %dma_start3A_1151 = arith.constant 0 : i32
    %dma_start3A_1152 = tpu.memref_slice %arg4[%dma_start3A_1150, %dma_start3A_1151] : memref<100000x64xf32, #tpu.memory_space<hbm>> -> memref<100000x64xf32, #tpu.memory_space<hbm>>
    tpu.enqueue_indirect_dma source(%dma_start3A_1152 : memref<100000x64xf32, #tpu.memory_space<hbm>>) target(%dma_start3A_1147 : memref<512x64xf32, #tpu.memory_space<vmem>>) offsets(%dma_start3A_1149 : memref<512xi32, #tpu.memory_space<vmem>>) semaphore(%arg18 : memref<!tpu.dma_semaphore, #tpu.memory_space<semaphore_mem>>)
    %dma_wait3A_1153 = arith.constant 0 : i32
    %dma_wait3A_1154 = arith.constant 0 : i32
    %dma_wait3A_1155 = arith.constant 0 : i32
    %dma_wait3A_1156 = tpu.memref_slice %arg14[%dma_wait3A_1153, %dma_wait3A_1154, %dma_wait3A_1155] : memref<2x512x64xf32, #tpu.memory_space<vmem>> -> memref<1x512x64xf32, #tpu.memory_space<vmem>>
    %dma_wait3A_1157 = tpu.memref_squeeze %dma_wait3A_1156 : memref<1x512x64xf32, #tpu.memory_space<vmem>> -> memref<512x64xf32, #tpu.memory_space<vmem>>
    %dma_wait3A_1158 = arith.constant 11264 : i32
    %dma_wait3A_1159 = tpu.memref_slice %arg13[%dma_wait3A_1158] : memref<18432xi32, #tpu.memory_space<vmem>> -> memref<512xi32, #tpu.memory_space<vmem>>
    %dma_wait3A_1160 = arith.constant 0 : i32
    %dma_wait3A_1161 = arith.constant 0 : i32
    %dma_wait3A_1162 = tpu.memref_slice %arg4[%dma_wait3A_1160, %dma_wait3A_1161] : memref<100000x64xf32, #tpu.memory_space<hbm>> -> memref<100000x64xf32, #tpu.memory_space<hbm>>
    tpu.wait_indirect_dma semaphore(%arg17 : memref<!tpu.dma_semaphore, #tpu.memory_space<semaphore_mem>>) src(%dma_wait3A_1162 : memref<100000x64xf32, #tpu.memory_space<hbm>>) dst(%dma_wait3A_1157 : memref<512x64xf32, #tpu.memory_space<vmem>>)
    %dma_start3A_1163 = arith.constant 0 : i32
    %dma_start3A_1164 = arith.constant 0 : i32
    %dma_start3A_1165 = arith.constant 0 : i32
    %dma_start3A_1166 = tpu.memref_slice %arg14[%dma_start3A_1163, %dma_start3A_1164, %dma_start3A_1165] : memref<2x512x64xf32, #tpu.memory_space<vmem>> -> memref<1x512x64xf32, #tpu.memory_space<vmem>>
    %dma_start3A_1167 = tpu.memref_squeeze %dma_start3A_1166 : memref<1x512x64xf32, #tpu.memory_space<vmem>> -> memref<512x64xf32, #tpu.memory_space<vmem>>
    %dma_start3A_1168 = arith.constant 0 : i32
    %dma_start3A_1169 = tpu.memref_slice %arg12[%add3A_88, %dma_start3A_1168] : memref<491520x64xf32, #tpu.memory_space<hbm>> -> memref<512x64xf32, #tpu.memory_space<hbm>>
    %dma_start3A_1170 = arith.constant 0 : i32
    %dma_start3A_1171 = tpu.memref_slice %arg12[%add3A_88, %dma_start3A_1170] : memref<491520x64xf32, #tpu.memory_space<hbm>> -> memref<512x64xf32, #tpu.memory_space<hbm>>
    %dma_start3A_1172 = arith.constant 0 : i32
    %dma_start3A_1173 = arith.constant 0 : i32
    %dma_start3A_1174 = tpu.memref_slice %arg14[%dma_start3A_1163, %dma_start3A_1172, %dma_start3A_1173] : memref<2x512x64xf32, #tpu.memory_space<vmem>> -> memref<1x512x64xf32, #tpu.memory_space<vmem>>
    %dma_start3A_1175 = tpu.memref_squeeze %dma_start3A_1174 : memref<1x512x64xf32, #tpu.memory_space<vmem>> -> memref<512x64xf32, #tpu.memory_space<vmem>>
    tpu.enqueue_dma source(%dma_start3A_1175 : memref<512x64xf32, #tpu.memory_space<vmem>>) target(%dma_start3A_1171 : memref<512x64xf32, #tpu.memory_space<hbm>>) target_semaphore(%arg19 : memref<!tpu.dma_semaphore, #tpu.memory_space<semaphore_mem>>)
    %dma_wait3A_1176 = arith.constant 0 : i32
    %dma_wait3A_1177 = arith.constant 0 : i32
    %dma_wait3A_1178 = arith.constant 0 : i32
    %dma_wait3A_1179 = tpu.memref_slice %arg14[%dma_wait3A_1176, %dma_wait3A_1177, %dma_wait3A_1178] : memref<2x512x64xf32, #tpu.memory_space<vmem>> -> memref<1x512x64xf32, #tpu.memory_space<vmem>>
    %dma_wait3A_1180 = tpu.memref_squeeze %dma_wait3A_1179 : memref<1x512x64xf32, #tpu.memory_space<vmem>> -> memref<512x64xf32, #tpu.memory_space<vmem>>
    %dma_wait3A_1181 = arith.constant 0 : i32
    %dma_wait3A_1182 = tpu.memref_slice %arg12[%add3A_88, %dma_wait3A_1181] : memref<491520x64xf32, #tpu.memory_space<hbm>> -> memref<512x64xf32, #tpu.memory_space<hbm>>
    %dma_wait3A_1183 = arith.constant 0 : i32
    %dma_wait3A_1184 = tpu.memref_slice %arg12[%add3A_88, %dma_wait3A_1183] : memref<491520x64xf32, #tpu.memory_space<hbm>> -> memref<512x64xf32, #tpu.memory_space<hbm>>
    %dma_wait3A_1185 = arith.constant 0 : i32
    %dma_wait3A_1186 = arith.constant 0 : i32
    %dma_wait3A_1187 = tpu.memref_slice %arg14[%dma_wait3A_1176, %dma_wait3A_1185, %dma_wait3A_1186] : memref<2x512x64xf32, #tpu.memory_space<vmem>> -> memref<1x512x64xf32, #tpu.memory_space<vmem>>
    %dma_wait3A_1188 = tpu.memref_squeeze %dma_wait3A_1187 : memref<1x512x64xf32, #tpu.memory_space<vmem>> -> memref<512x64xf32, #tpu.memory_space<vmem>>
    tpu.wait_dma2 semaphore(%arg19 : memref<!tpu.dma_semaphore, #tpu.memory_space<semaphore_mem>>) src(%dma_wait3A_1188 : memref<512x64xf32, #tpu.memory_space<vmem>>) dst(%dma_wait3A_1184 : memref<512x64xf32, #tpu.memory_space<hbm>>)
    %dma_start3A_1189 = arith.constant 0 : i32
    %dma_start3A_1190 = arith.constant 0 : i32
    %dma_start3A_1191 = arith.constant 0 : i32
    %dma_start3A_1192 = tpu.memref_slice %arg14[%dma_start3A_1189, %dma_start3A_1190, %dma_start3A_1191] : memref<2x512x64xf32, #tpu.memory_space<vmem>> -> memref<1x512x64xf32, #tpu.memory_space<vmem>>
    %dma_start3A_1193 = tpu.memref_squeeze %dma_start3A_1192 : memref<1x512x64xf32, #tpu.memory_space<vmem>> -> memref<512x64xf32, #tpu.memory_space<vmem>>
    %dma_start3A_1194 = arith.constant 12288 : i32
    %dma_start3A_1195 = tpu.memref_slice %arg13[%dma_start3A_1194] : memref<18432xi32, #tpu.memory_space<vmem>> -> memref<512xi32, #tpu.memory_space<vmem>>
    %dma_start3A_1196 = arith.constant 0 : i32
    %dma_start3A_1197 = arith.constant 0 : i32
    %dma_start3A_1198 = tpu.memref_slice %arg4[%dma_start3A_1196, %dma_start3A_1197] : memref<100000x64xf32, #tpu.memory_space<hbm>> -> memref<100000x64xf32, #tpu.memory_space<hbm>>
    tpu.enqueue_indirect_dma source(%dma_start3A_1198 : memref<100000x64xf32, #tpu.memory_space<hbm>>) target(%dma_start3A_1193 : memref<512x64xf32, #tpu.memory_space<vmem>>) offsets(%dma_start3A_1195 : memref<512xi32, #tpu.memory_space<vmem>>) semaphore(%arg17 : memref<!tpu.dma_semaphore, #tpu.memory_space<semaphore_mem>>)
    %dma_wait3A_1199 = arith.constant 1 : i32
    %dma_wait3A_1200 = arith.constant 0 : i32
    %dma_wait3A_1201 = arith.constant 0 : i32
    %dma_wait3A_1202 = tpu.memref_slice %arg14[%dma_wait3A_1199, %dma_wait3A_1200, %dma_wait3A_1201] : memref<2x512x64xf32, #tpu.memory_space<vmem>> -> memref<1x512x64xf32, #tpu.memory_space<vmem>>
    %dma_wait3A_1203 = tpu.memref_squeeze %dma_wait3A_1202 : memref<1x512x64xf32, #tpu.memory_space<vmem>> -> memref<512x64xf32, #tpu.memory_space<vmem>>
    %dma_wait3A_1204 = arith.constant 11776 : i32
    %dma_wait3A_1205 = tpu.memref_slice %arg13[%dma_wait3A_1204] : memref<18432xi32, #tpu.memory_space<vmem>> -> memref<512xi32, #tpu.memory_space<vmem>>
    %dma_wait3A_1206 = arith.constant 0 : i32
    %dma_wait3A_1207 = arith.constant 0 : i32
    %dma_wait3A_1208 = tpu.memref_slice %arg4[%dma_wait3A_1206, %dma_wait3A_1207] : memref<100000x64xf32, #tpu.memory_space<hbm>> -> memref<100000x64xf32, #tpu.memory_space<hbm>>
    tpu.wait_indirect_dma semaphore(%arg18 : memref<!tpu.dma_semaphore, #tpu.memory_space<semaphore_mem>>) src(%dma_wait3A_1208 : memref<100000x64xf32, #tpu.memory_space<hbm>>) dst(%dma_wait3A_1203 : memref<512x64xf32, #tpu.memory_space<vmem>>)
    %dma_start3A_1209 = arith.constant 1 : i32
    %dma_start3A_1210 = arith.constant 0 : i32
    %dma_start3A_1211 = arith.constant 0 : i32
    %dma_start3A_1212 = tpu.memref_slice %arg14[%dma_start3A_1209, %dma_start3A_1210, %dma_start3A_1211] : memref<2x512x64xf32, #tpu.memory_space<vmem>> -> memref<1x512x64xf32, #tpu.memory_space<vmem>>
    %dma_start3A_1213 = tpu.memref_squeeze %dma_start3A_1212 : memref<1x512x64xf32, #tpu.memory_space<vmem>> -> memref<512x64xf32, #tpu.memory_space<vmem>>
    %dma_start3A_1214 = arith.constant 0 : i32
    %dma_start3A_1215 = tpu.memref_slice %arg12[%add3A_90, %dma_start3A_1214] : memref<491520x64xf32, #tpu.memory_space<hbm>> -> memref<512x64xf32, #tpu.memory_space<hbm>>
    %dma_start3A_1216 = arith.constant 0 : i32
    %dma_start3A_1217 = tpu.memref_slice %arg12[%add3A_90, %dma_start3A_1216] : memref<491520x64xf32, #tpu.memory_space<hbm>> -> memref<512x64xf32, #tpu.memory_space<hbm>>
    %dma_start3A_1218 = arith.constant 0 : i32
    %dma_start3A_1219 = arith.constant 0 : i32
    %dma_start3A_1220 = tpu.memref_slice %arg14[%dma_start3A_1209, %dma_start3A_1218, %dma_start3A_1219] : memref<2x512x64xf32, #tpu.memory_space<vmem>> -> memref<1x512x64xf32, #tpu.memory_space<vmem>>
    %dma_start3A_1221 = tpu.memref_squeeze %dma_start3A_1220 : memref<1x512x64xf32, #tpu.memory_space<vmem>> -> memref<512x64xf32, #tpu.memory_space<vmem>>
    tpu.enqueue_dma source(%dma_start3A_1221 : memref<512x64xf32, #tpu.memory_space<vmem>>) target(%dma_start3A_1217 : memref<512x64xf32, #tpu.memory_space<hbm>>) target_semaphore(%arg20 : memref<!tpu.dma_semaphore, #tpu.memory_space<semaphore_mem>>)
    %dma_wait3A_1222 = arith.constant 1 : i32
    %dma_wait3A_1223 = arith.constant 0 : i32
    %dma_wait3A_1224 = arith.constant 0 : i32
    %dma_wait3A_1225 = tpu.memref_slice %arg14[%dma_wait3A_1222, %dma_wait3A_1223, %dma_wait3A_1224] : memref<2x512x64xf32, #tpu.memory_space<vmem>> -> memref<1x512x64xf32, #tpu.memory_space<vmem>>
    %dma_wait3A_1226 = tpu.memref_squeeze %dma_wait3A_1225 : memref<1x512x64xf32, #tpu.memory_space<vmem>> -> memref<512x64xf32, #tpu.memory_space<vmem>>
    %dma_wait3A_1227 = arith.constant 0 : i32
    %dma_wait3A_1228 = tpu.memref_slice %arg12[%add3A_90, %dma_wait3A_1227] : memref<491520x64xf32, #tpu.memory_space<hbm>> -> memref<512x64xf32, #tpu.memory_space<hbm>>
    %dma_wait3A_1229 = arith.constant 0 : i32
    %dma_wait3A_1230 = tpu.memref_slice %arg12[%add3A_90, %dma_wait3A_1229] : memref<491520x64xf32, #tpu.memory_space<hbm>> -> memref<512x64xf32, #tpu.memory_space<hbm>>
    %dma_wait3A_1231 = arith.constant 0 : i32
    %dma_wait3A_1232 = arith.constant 0 : i32
    %dma_wait3A_1233 = tpu.memref_slice %arg14[%dma_wait3A_1222, %dma_wait3A_1231, %dma_wait3A_1232] : memref<2x512x64xf32, #tpu.memory_space<vmem>> -> memref<1x512x64xf32, #tpu.memory_space<vmem>>
    %dma_wait3A_1234 = tpu.memref_squeeze %dma_wait3A_1233 : memref<1x512x64xf32, #tpu.memory_space<vmem>> -> memref<512x64xf32, #tpu.memory_space<vmem>>
    tpu.wait_dma2 semaphore(%arg20 : memref<!tpu.dma_semaphore, #tpu.memory_space<semaphore_mem>>) src(%dma_wait3A_1234 : memref<512x64xf32, #tpu.memory_space<vmem>>) dst(%dma_wait3A_1230 : memref<512x64xf32, #tpu.memory_space<hbm>>)
    %dma_start3A_1235 = arith.constant 1 : i32
    %dma_start3A_1236 = arith.constant 0 : i32
    %dma_start3A_1237 = arith.constant 0 : i32
    %dma_start3A_1238 = tpu.memref_slice %arg14[%dma_start3A_1235, %dma_start3A_1236, %dma_start3A_1237] : memref<2x512x64xf32, #tpu.memory_space<vmem>> -> memref<1x512x64xf32, #tpu.memory_space<vmem>>
    %dma_start3A_1239 = tpu.memref_squeeze %dma_start3A_1238 : memref<1x512x64xf32, #tpu.memory_space<vmem>> -> memref<512x64xf32, #tpu.memory_space<vmem>>
    %dma_start3A_1240 = arith.constant 12800 : i32
    %dma_start3A_1241 = tpu.memref_slice %arg13[%dma_start3A_1240] : memref<18432xi32, #tpu.memory_space<vmem>> -> memref<512xi32, #tpu.memory_space<vmem>>
    %dma_start3A_1242 = arith.constant 0 : i32
    %dma_start3A_1243 = arith.constant 0 : i32
    %dma_start3A_1244 = tpu.memref_slice %arg4[%dma_start3A_1242, %dma_start3A_1243] : memref<100000x64xf32, #tpu.memory_space<hbm>> -> memref<100000x64xf32, #tpu.memory_space<hbm>>
    tpu.enqueue_indirect_dma source(%dma_start3A_1244 : memref<100000x64xf32, #tpu.memory_space<hbm>>) target(%dma_start3A_1239 : memref<512x64xf32, #tpu.memory_space<vmem>>) offsets(%dma_start3A_1241 : memref<512xi32, #tpu.memory_space<vmem>>) semaphore(%arg18 : memref<!tpu.dma_semaphore, #tpu.memory_space<semaphore_mem>>)
    %dma_wait3A_1245 = arith.constant 0 : i32
    %dma_wait3A_1246 = arith.constant 0 : i32
    %dma_wait3A_1247 = arith.constant 0 : i32
    %dma_wait3A_1248 = tpu.memref_slice %arg14[%dma_wait3A_1245, %dma_wait3A_1246, %dma_wait3A_1247] : memref<2x512x64xf32, #tpu.memory_space<vmem>> -> memref<1x512x64xf32, #tpu.memory_space<vmem>>
    %dma_wait3A_1249 = tpu.memref_squeeze %dma_wait3A_1248 : memref<1x512x64xf32, #tpu.memory_space<vmem>> -> memref<512x64xf32, #tpu.memory_space<vmem>>
    %dma_wait3A_1250 = arith.constant 12288 : i32
    %dma_wait3A_1251 = tpu.memref_slice %arg13[%dma_wait3A_1250] : memref<18432xi32, #tpu.memory_space<vmem>> -> memref<512xi32, #tpu.memory_space<vmem>>
    %dma_wait3A_1252 = arith.constant 0 : i32
    %dma_wait3A_1253 = arith.constant 0 : i32
    %dma_wait3A_1254 = tpu.memref_slice %arg4[%dma_wait3A_1252, %dma_wait3A_1253] : memref<100000x64xf32, #tpu.memory_space<hbm>> -> memref<100000x64xf32, #tpu.memory_space<hbm>>
    tpu.wait_indirect_dma semaphore(%arg17 : memref<!tpu.dma_semaphore, #tpu.memory_space<semaphore_mem>>) src(%dma_wait3A_1254 : memref<100000x64xf32, #tpu.memory_space<hbm>>) dst(%dma_wait3A_1249 : memref<512x64xf32, #tpu.memory_space<vmem>>)
    %dma_start3A_1255 = arith.constant 0 : i32
    %dma_start3A_1256 = arith.constant 0 : i32
    %dma_start3A_1257 = arith.constant 0 : i32
    %dma_start3A_1258 = tpu.memref_slice %arg14[%dma_start3A_1255, %dma_start3A_1256, %dma_start3A_1257] : memref<2x512x64xf32, #tpu.memory_space<vmem>> -> memref<1x512x64xf32, #tpu.memory_space<vmem>>
    %dma_start3A_1259 = tpu.memref_squeeze %dma_start3A_1258 : memref<1x512x64xf32, #tpu.memory_space<vmem>> -> memref<512x64xf32, #tpu.memory_space<vmem>>
    %dma_start3A_1260 = arith.constant 0 : i32
    %dma_start3A_1261 = tpu.memref_slice %arg12[%add3A_92, %dma_start3A_1260] : memref<491520x64xf32, #tpu.memory_space<hbm>> -> memref<512x64xf32, #tpu.memory_space<hbm>>
    %dma_start3A_1262 = arith.constant 0 : i32
    %dma_start3A_1263 = tpu.memref_slice %arg12[%add3A_92, %dma_start3A_1262] : memref<491520x64xf32, #tpu.memory_space<hbm>> -> memref<512x64xf32, #tpu.memory_space<hbm>>
    %dma_start3A_1264 = arith.constant 0 : i32
    %dma_start3A_1265 = arith.constant 0 : i32
    %dma_start3A_1266 = tpu.memref_slice %arg14[%dma_start3A_1255, %dma_start3A_1264, %dma_start3A_1265] : memref<2x512x64xf32, #tpu.memory_space<vmem>> -> memref<1x512x64xf32, #tpu.memory_space<vmem>>
    %dma_start3A_1267 = tpu.memref_squeeze %dma_start3A_1266 : memref<1x512x64xf32, #tpu.memory_space<vmem>> -> memref<512x64xf32, #tpu.memory_space<vmem>>
    tpu.enqueue_dma source(%dma_start3A_1267 : memref<512x64xf32, #tpu.memory_space<vmem>>) target(%dma_start3A_1263 : memref<512x64xf32, #tpu.memory_space<hbm>>) target_semaphore(%arg19 : memref<!tpu.dma_semaphore, #tpu.memory_space<semaphore_mem>>)
    %dma_wait3A_1268 = arith.constant 0 : i32
    %dma_wait3A_1269 = arith.constant 0 : i32
    %dma_wait3A_1270 = arith.constant 0 : i32
    %dma_wait3A_1271 = tpu.memref_slice %arg14[%dma_wait3A_1268, %dma_wait3A_1269, %dma_wait3A_1270] : memref<2x512x64xf32, #tpu.memory_space<vmem>> -> memref<1x512x64xf32, #tpu.memory_space<vmem>>
    %dma_wait3A_1272 = tpu.memref_squeeze %dma_wait3A_1271 : memref<1x512x64xf32, #tpu.memory_space<vmem>> -> memref<512x64xf32, #tpu.memory_space<vmem>>
    %dma_wait3A_1273 = arith.constant 0 : i32
    %dma_wait3A_1274 = tpu.memref_slice %arg12[%add3A_92, %dma_wait3A_1273] : memref<491520x64xf32, #tpu.memory_space<hbm>> -> memref<512x64xf32, #tpu.memory_space<hbm>>
    %dma_wait3A_1275 = arith.constant 0 : i32
    %dma_wait3A_1276 = tpu.memref_slice %arg12[%add3A_92, %dma_wait3A_1275] : memref<491520x64xf32, #tpu.memory_space<hbm>> -> memref<512x64xf32, #tpu.memory_space<hbm>>
    %dma_wait3A_1277 = arith.constant 0 : i32
    %dma_wait3A_1278 = arith.constant 0 : i32
    %dma_wait3A_1279 = tpu.memref_slice %arg14[%dma_wait3A_1268, %dma_wait3A_1277, %dma_wait3A_1278] : memref<2x512x64xf32, #tpu.memory_space<vmem>> -> memref<1x512x64xf32, #tpu.memory_space<vmem>>
    %dma_wait3A_1280 = tpu.memref_squeeze %dma_wait3A_1279 : memref<1x512x64xf32, #tpu.memory_space<vmem>> -> memref<512x64xf32, #tpu.memory_space<vmem>>
    tpu.wait_dma2 semaphore(%arg19 : memref<!tpu.dma_semaphore, #tpu.memory_space<semaphore_mem>>) src(%dma_wait3A_1280 : memref<512x64xf32, #tpu.memory_space<vmem>>) dst(%dma_wait3A_1276 : memref<512x64xf32, #tpu.memory_space<hbm>>)
    %dma_start3A_1281 = arith.constant 0 : i32
    %dma_start3A_1282 = arith.constant 0 : i32
    %dma_start3A_1283 = arith.constant 0 : i32
    %dma_start3A_1284 = tpu.memref_slice %arg14[%dma_start3A_1281, %dma_start3A_1282, %dma_start3A_1283] : memref<2x512x64xf32, #tpu.memory_space<vmem>> -> memref<1x512x64xf32, #tpu.memory_space<vmem>>
    %dma_start3A_1285 = tpu.memref_squeeze %dma_start3A_1284 : memref<1x512x64xf32, #tpu.memory_space<vmem>> -> memref<512x64xf32, #tpu.memory_space<vmem>>
    %dma_start3A_1286 = arith.constant 13312 : i32
    %dma_start3A_1287 = tpu.memref_slice %arg13[%dma_start3A_1286] : memref<18432xi32, #tpu.memory_space<vmem>> -> memref<512xi32, #tpu.memory_space<vmem>>
    %dma_start3A_1288 = arith.constant 0 : i32
    %dma_start3A_1289 = arith.constant 0 : i32
    %dma_start3A_1290 = tpu.memref_slice %arg16[%dma_start3A_1288, %dma_start3A_1289] : memref<1000x64xf32, #tpu.memory_space<vmem_shared>> -> memref<1000x64xf32, #tpu.memory_space<vmem_shared>>
    tpu.enqueue_indirect_dma source(%dma_start3A_1290 : memref<1000x64xf32, #tpu.memory_space<vmem_shared>>) target(%dma_start3A_1285 : memref<512x64xf32, #tpu.memory_space<vmem>>) offsets(%dma_start3A_1287 : memref<512xi32, #tpu.memory_space<vmem>>) semaphore(%arg17 : memref<!tpu.dma_semaphore, #tpu.memory_space<semaphore_mem>>)
    %dma_wait3A_1291 = arith.constant 1 : i32
    %dma_wait3A_1292 = arith.constant 0 : i32
    %dma_wait3A_1293 = arith.constant 0 : i32
    %dma_wait3A_1294 = tpu.memref_slice %arg14[%dma_wait3A_1291, %dma_wait3A_1292, %dma_wait3A_1293] : memref<2x512x64xf32, #tpu.memory_space<vmem>> -> memref<1x512x64xf32, #tpu.memory_space<vmem>>
    %dma_wait3A_1295 = tpu.memref_squeeze %dma_wait3A_1294 : memref<1x512x64xf32, #tpu.memory_space<vmem>> -> memref<512x64xf32, #tpu.memory_space<vmem>>
    %dma_wait3A_1296 = arith.constant 12800 : i32
    %dma_wait3A_1297 = tpu.memref_slice %arg13[%dma_wait3A_1296] : memref<18432xi32, #tpu.memory_space<vmem>> -> memref<512xi32, #tpu.memory_space<vmem>>
    %dma_wait3A_1298 = arith.constant 0 : i32
    %dma_wait3A_1299 = arith.constant 0 : i32
    %dma_wait3A_1300 = tpu.memref_slice %arg4[%dma_wait3A_1298, %dma_wait3A_1299] : memref<100000x64xf32, #tpu.memory_space<hbm>> -> memref<100000x64xf32, #tpu.memory_space<hbm>>
    tpu.wait_indirect_dma semaphore(%arg18 : memref<!tpu.dma_semaphore, #tpu.memory_space<semaphore_mem>>) src(%dma_wait3A_1300 : memref<100000x64xf32, #tpu.memory_space<hbm>>) dst(%dma_wait3A_1295 : memref<512x64xf32, #tpu.memory_space<vmem>>)
    %dma_start3A_1301 = arith.constant 1 : i32
    %dma_start3A_1302 = arith.constant 0 : i32
    %dma_start3A_1303 = arith.constant 0 : i32
    %dma_start3A_1304 = tpu.memref_slice %arg14[%dma_start3A_1301, %dma_start3A_1302, %dma_start3A_1303] : memref<2x512x64xf32, #tpu.memory_space<vmem>> -> memref<1x512x64xf32, #tpu.memory_space<vmem>>
    %dma_start3A_1305 = tpu.memref_squeeze %dma_start3A_1304 : memref<1x512x64xf32, #tpu.memory_space<vmem>> -> memref<512x64xf32, #tpu.memory_space<vmem>>
    %dma_start3A_1306 = arith.constant 0 : i32
    %dma_start3A_1307 = tpu.memref_slice %arg12[%add3A_94, %dma_start3A_1306] : memref<491520x64xf32, #tpu.memory_space<hbm>> -> memref<512x64xf32, #tpu.memory_space<hbm>>
    %dma_start3A_1308 = arith.constant 0 : i32
    %dma_start3A_1309 = tpu.memref_slice %arg12[%add3A_94, %dma_start3A_1308] : memref<491520x64xf32, #tpu.memory_space<hbm>> -> memref<512x64xf32, #tpu.memory_space<hbm>>
    %dma_start3A_1310 = arith.constant 0 : i32
    %dma_start3A_1311 = arith.constant 0 : i32
    %dma_start3A_1312 = tpu.memref_slice %arg14[%dma_start3A_1301, %dma_start3A_1310, %dma_start3A_1311] : memref<2x512x64xf32, #tpu.memory_space<vmem>> -> memref<1x512x64xf32, #tpu.memory_space<vmem>>
    %dma_start3A_1313 = tpu.memref_squeeze %dma_start3A_1312 : memref<1x512x64xf32, #tpu.memory_space<vmem>> -> memref<512x64xf32, #tpu.memory_space<vmem>>
    tpu.enqueue_dma source(%dma_start3A_1313 : memref<512x64xf32, #tpu.memory_space<vmem>>) target(%dma_start3A_1309 : memref<512x64xf32, #tpu.memory_space<hbm>>) target_semaphore(%arg20 : memref<!tpu.dma_semaphore, #tpu.memory_space<semaphore_mem>>)
    %dma_wait3A_1314 = arith.constant 1 : i32
    %dma_wait3A_1315 = arith.constant 0 : i32
    %dma_wait3A_1316 = arith.constant 0 : i32
    %dma_wait3A_1317 = tpu.memref_slice %arg14[%dma_wait3A_1314, %dma_wait3A_1315, %dma_wait3A_1316] : memref<2x512x64xf32, #tpu.memory_space<vmem>> -> memref<1x512x64xf32, #tpu.memory_space<vmem>>
    %dma_wait3A_1318 = tpu.memref_squeeze %dma_wait3A_1317 : memref<1x512x64xf32, #tpu.memory_space<vmem>> -> memref<512x64xf32, #tpu.memory_space<vmem>>
    %dma_wait3A_1319 = arith.constant 0 : i32
    %dma_wait3A_1320 = tpu.memref_slice %arg12[%add3A_94, %dma_wait3A_1319] : memref<491520x64xf32, #tpu.memory_space<hbm>> -> memref<512x64xf32, #tpu.memory_space<hbm>>
    %dma_wait3A_1321 = arith.constant 0 : i32
    %dma_wait3A_1322 = tpu.memref_slice %arg12[%add3A_94, %dma_wait3A_1321] : memref<491520x64xf32, #tpu.memory_space<hbm>> -> memref<512x64xf32, #tpu.memory_space<hbm>>
    %dma_wait3A_1323 = arith.constant 0 : i32
    %dma_wait3A_1324 = arith.constant 0 : i32
    %dma_wait3A_1325 = tpu.memref_slice %arg14[%dma_wait3A_1314, %dma_wait3A_1323, %dma_wait3A_1324] : memref<2x512x64xf32, #tpu.memory_space<vmem>> -> memref<1x512x64xf32, #tpu.memory_space<vmem>>
    %dma_wait3A_1326 = tpu.memref_squeeze %dma_wait3A_1325 : memref<1x512x64xf32, #tpu.memory_space<vmem>> -> memref<512x64xf32, #tpu.memory_space<vmem>>
    tpu.wait_dma2 semaphore(%arg20 : memref<!tpu.dma_semaphore, #tpu.memory_space<semaphore_mem>>) src(%dma_wait3A_1326 : memref<512x64xf32, #tpu.memory_space<vmem>>) dst(%dma_wait3A_1322 : memref<512x64xf32, #tpu.memory_space<hbm>>)
    %dma_start3A_1327 = arith.constant 1 : i32
    %dma_start3A_1328 = arith.constant 0 : i32
    %dma_start3A_1329 = arith.constant 0 : i32
    %dma_start3A_1330 = tpu.memref_slice %arg14[%dma_start3A_1327, %dma_start3A_1328, %dma_start3A_1329] : memref<2x512x64xf32, #tpu.memory_space<vmem>> -> memref<1x512x64xf32, #tpu.memory_space<vmem>>
    %dma_start3A_1331 = tpu.memref_squeeze %dma_start3A_1330 : memref<1x512x64xf32, #tpu.memory_space<vmem>> -> memref<512x64xf32, #tpu.memory_space<vmem>>
    %dma_start3A_1332 = arith.constant 13824 : i32
    %dma_start3A_1333 = tpu.memref_slice %arg13[%dma_start3A_1332] : memref<18432xi32, #tpu.memory_space<vmem>> -> memref<512xi32, #tpu.memory_space<vmem>>
    %dma_start3A_1334 = arith.constant 0 : i32
    %dma_start3A_1335 = arith.constant 0 : i32
    %dma_start3A_1336 = tpu.memref_slice %arg16[%dma_start3A_1334, %dma_start3A_1335] : memref<1000x64xf32, #tpu.memory_space<vmem_shared>> -> memref<1000x64xf32, #tpu.memory_space<vmem_shared>>
    tpu.enqueue_indirect_dma source(%dma_start3A_1336 : memref<1000x64xf32, #tpu.memory_space<vmem_shared>>) target(%dma_start3A_1331 : memref<512x64xf32, #tpu.memory_space<vmem>>) offsets(%dma_start3A_1333 : memref<512xi32, #tpu.memory_space<vmem>>) semaphore(%arg18 : memref<!tpu.dma_semaphore, #tpu.memory_space<semaphore_mem>>)
    %dma_wait3A_1337 = arith.constant 0 : i32
    %dma_wait3A_1338 = arith.constant 0 : i32
    %dma_wait3A_1339 = arith.constant 0 : i32
    %dma_wait3A_1340 = tpu.memref_slice %arg14[%dma_wait3A_1337, %dma_wait3A_1338, %dma_wait3A_1339] : memref<2x512x64xf32, #tpu.memory_space<vmem>> -> memref<1x512x64xf32, #tpu.memory_space<vmem>>
    %dma_wait3A_1341 = tpu.memref_squeeze %dma_wait3A_1340 : memref<1x512x64xf32, #tpu.memory_space<vmem>> -> memref<512x64xf32, #tpu.memory_space<vmem>>
    %dma_wait3A_1342 = arith.constant 13312 : i32
    %dma_wait3A_1343 = tpu.memref_slice %arg13[%dma_wait3A_1342] : memref<18432xi32, #tpu.memory_space<vmem>> -> memref<512xi32, #tpu.memory_space<vmem>>
    %dma_wait3A_1344 = arith.constant 0 : i32
    %dma_wait3A_1345 = arith.constant 0 : i32
    %dma_wait3A_1346 = tpu.memref_slice %arg16[%dma_wait3A_1344, %dma_wait3A_1345] : memref<1000x64xf32, #tpu.memory_space<vmem_shared>> -> memref<1000x64xf32, #tpu.memory_space<vmem_shared>>
    tpu.wait_indirect_dma semaphore(%arg17 : memref<!tpu.dma_semaphore, #tpu.memory_space<semaphore_mem>>) src(%dma_wait3A_1346 : memref<1000x64xf32, #tpu.memory_space<vmem_shared>>) dst(%dma_wait3A_1341 : memref<512x64xf32, #tpu.memory_space<vmem>>)
    %dma_start3A_1347 = arith.constant 0 : i32
    %dma_start3A_1348 = arith.constant 0 : i32
    %dma_start3A_1349 = arith.constant 0 : i32
    %dma_start3A_1350 = tpu.memref_slice %arg14[%dma_start3A_1347, %dma_start3A_1348, %dma_start3A_1349] : memref<2x512x64xf32, #tpu.memory_space<vmem>> -> memref<1x512x64xf32, #tpu.memory_space<vmem>>
    %dma_start3A_1351 = tpu.memref_squeeze %dma_start3A_1350 : memref<1x512x64xf32, #tpu.memory_space<vmem>> -> memref<512x64xf32, #tpu.memory_space<vmem>>
    %dma_start3A_1352 = arith.constant 0 : i32
    %dma_start3A_1353 = tpu.memref_slice %arg12[%add3A_104, %dma_start3A_1352] : memref<491520x64xf32, #tpu.memory_space<hbm>> -> memref<512x64xf32, #tpu.memory_space<hbm>>
    %dma_start3A_1354 = arith.constant 0 : i32
    %dma_start3A_1355 = tpu.memref_slice %arg12[%add3A_104, %dma_start3A_1354] : memref<491520x64xf32, #tpu.memory_space<hbm>> -> memref<512x64xf32, #tpu.memory_space<hbm>>
    %dma_start3A_1356 = arith.constant 0 : i32
    %dma_start3A_1357 = arith.constant 0 : i32
    %dma_start3A_1358 = tpu.memref_slice %arg14[%dma_start3A_1347, %dma_start3A_1356, %dma_start3A_1357] : memref<2x512x64xf32, #tpu.memory_space<vmem>> -> memref<1x512x64xf32, #tpu.memory_space<vmem>>
    %dma_start3A_1359 = tpu.memref_squeeze %dma_start3A_1358 : memref<1x512x64xf32, #tpu.memory_space<vmem>> -> memref<512x64xf32, #tpu.memory_space<vmem>>
    tpu.enqueue_dma source(%dma_start3A_1359 : memref<512x64xf32, #tpu.memory_space<vmem>>) target(%dma_start3A_1355 : memref<512x64xf32, #tpu.memory_space<hbm>>) target_semaphore(%arg19 : memref<!tpu.dma_semaphore, #tpu.memory_space<semaphore_mem>>)
    %dma_wait3A_1360 = arith.constant 0 : i32
    %dma_wait3A_1361 = arith.constant 0 : i32
    %dma_wait3A_1362 = arith.constant 0 : i32
    %dma_wait3A_1363 = tpu.memref_slice %arg14[%dma_wait3A_1360, %dma_wait3A_1361, %dma_wait3A_1362] : memref<2x512x64xf32, #tpu.memory_space<vmem>> -> memref<1x512x64xf32, #tpu.memory_space<vmem>>
    %dma_wait3A_1364 = tpu.memref_squeeze %dma_wait3A_1363 : memref<1x512x64xf32, #tpu.memory_space<vmem>> -> memref<512x64xf32, #tpu.memory_space<vmem>>
    %dma_wait3A_1365 = arith.constant 0 : i32
    %dma_wait3A_1366 = tpu.memref_slice %arg12[%add3A_104, %dma_wait3A_1365] : memref<491520x64xf32, #tpu.memory_space<hbm>> -> memref<512x64xf32, #tpu.memory_space<hbm>>
    %dma_wait3A_1367 = arith.constant 0 : i32
    %dma_wait3A_1368 = tpu.memref_slice %arg12[%add3A_104, %dma_wait3A_1367] : memref<491520x64xf32, #tpu.memory_space<hbm>> -> memref<512x64xf32, #tpu.memory_space<hbm>>
    %dma_wait3A_1369 = arith.constant 0 : i32
    %dma_wait3A_1370 = arith.constant 0 : i32
    %dma_wait3A_1371 = tpu.memref_slice %arg14[%dma_wait3A_1360, %dma_wait3A_1369, %dma_wait3A_1370] : memref<2x512x64xf32, #tpu.memory_space<vmem>> -> memref<1x512x64xf32, #tpu.memory_space<vmem>>
    %dma_wait3A_1372 = tpu.memref_squeeze %dma_wait3A_1371 : memref<1x512x64xf32, #tpu.memory_space<vmem>> -> memref<512x64xf32, #tpu.memory_space<vmem>>
    tpu.wait_dma2 semaphore(%arg19 : memref<!tpu.dma_semaphore, #tpu.memory_space<semaphore_mem>>) src(%dma_wait3A_1372 : memref<512x64xf32, #tpu.memory_space<vmem>>) dst(%dma_wait3A_1368 : memref<512x64xf32, #tpu.memory_space<hbm>>)
    %dma_start3A_1373 = arith.constant 0 : i32
    %dma_start3A_1374 = arith.constant 0 : i32
    %dma_start3A_1375 = arith.constant 0 : i32
    %dma_start3A_1376 = tpu.memref_slice %arg14[%dma_start3A_1373, %dma_start3A_1374, %dma_start3A_1375] : memref<2x512x64xf32, #tpu.memory_space<vmem>> -> memref<1x512x64xf32, #tpu.memory_space<vmem>>
    %dma_start3A_1377 = tpu.memref_squeeze %dma_start3A_1376 : memref<1x512x64xf32, #tpu.memory_space<vmem>> -> memref<512x64xf32, #tpu.memory_space<vmem>>
    %dma_start3A_1378 = arith.constant 14336 : i32
    %dma_start3A_1379 = tpu.memref_slice %arg13[%dma_start3A_1378] : memref<18432xi32, #tpu.memory_space<vmem>> -> memref<512xi32, #tpu.memory_space<vmem>>
    %dma_start3A_1380 = arith.constant 0 : i32
    %dma_start3A_1381 = arith.constant 0 : i32
    %dma_start3A_1382 = tpu.memref_slice %arg16[%dma_start3A_1380, %dma_start3A_1381] : memref<1000x64xf32, #tpu.memory_space<vmem_shared>> -> memref<1000x64xf32, #tpu.memory_space<vmem_shared>>
    tpu.enqueue_indirect_dma source(%dma_start3A_1382 : memref<1000x64xf32, #tpu.memory_space<vmem_shared>>) target(%dma_start3A_1377 : memref<512x64xf32, #tpu.memory_space<vmem>>) offsets(%dma_start3A_1379 : memref<512xi32, #tpu.memory_space<vmem>>) semaphore(%arg17 : memref<!tpu.dma_semaphore, #tpu.memory_space<semaphore_mem>>)
    %dma_wait3A_1383 = arith.constant 1 : i32
    %dma_wait3A_1384 = arith.constant 0 : i32
    %dma_wait3A_1385 = arith.constant 0 : i32
    %dma_wait3A_1386 = tpu.memref_slice %arg14[%dma_wait3A_1383, %dma_wait3A_1384, %dma_wait3A_1385] : memref<2x512x64xf32, #tpu.memory_space<vmem>> -> memref<1x512x64xf32, #tpu.memory_space<vmem>>
    %dma_wait3A_1387 = tpu.memref_squeeze %dma_wait3A_1386 : memref<1x512x64xf32, #tpu.memory_space<vmem>> -> memref<512x64xf32, #tpu.memory_space<vmem>>
    %dma_wait3A_1388 = arith.constant 13824 : i32
    %dma_wait3A_1389 = tpu.memref_slice %arg13[%dma_wait3A_1388] : memref<18432xi32, #tpu.memory_space<vmem>> -> memref<512xi32, #tpu.memory_space<vmem>>
    %dma_wait3A_1390 = arith.constant 0 : i32
    %dma_wait3A_1391 = arith.constant 0 : i32
    %dma_wait3A_1392 = tpu.memref_slice %arg16[%dma_wait3A_1390, %dma_wait3A_1391] : memref<1000x64xf32, #tpu.memory_space<vmem_shared>> -> memref<1000x64xf32, #tpu.memory_space<vmem_shared>>
    tpu.wait_indirect_dma semaphore(%arg18 : memref<!tpu.dma_semaphore, #tpu.memory_space<semaphore_mem>>) src(%dma_wait3A_1392 : memref<1000x64xf32, #tpu.memory_space<vmem_shared>>) dst(%dma_wait3A_1387 : memref<512x64xf32, #tpu.memory_space<vmem>>)
    %dma_start3A_1393 = arith.constant 1 : i32
    %dma_start3A_1394 = arith.constant 0 : i32
    %dma_start3A_1395 = arith.constant 0 : i32
    %dma_start3A_1396 = tpu.memref_slice %arg14[%dma_start3A_1393, %dma_start3A_1394, %dma_start3A_1395] : memref<2x512x64xf32, #tpu.memory_space<vmem>> -> memref<1x512x64xf32, #tpu.memory_space<vmem>>
    %dma_start3A_1397 = tpu.memref_squeeze %dma_start3A_1396 : memref<1x512x64xf32, #tpu.memory_space<vmem>> -> memref<512x64xf32, #tpu.memory_space<vmem>>
    %dma_start3A_1398 = arith.constant 0 : i32
    %dma_start3A_1399 = tpu.memref_slice %arg12[%add3A_106, %dma_start3A_1398] : memref<491520x64xf32, #tpu.memory_space<hbm>> -> memref<512x64xf32, #tpu.memory_space<hbm>>
    %dma_start3A_1400 = arith.constant 0 : i32
    %dma_start3A_1401 = tpu.memref_slice %arg12[%add3A_106, %dma_start3A_1400] : memref<491520x64xf32, #tpu.memory_space<hbm>> -> memref<512x64xf32, #tpu.memory_space<hbm>>
    %dma_start3A_1402 = arith.constant 0 : i32
    %dma_start3A_1403 = arith.constant 0 : i32
    %dma_start3A_1404 = tpu.memref_slice %arg14[%dma_start3A_1393, %dma_start3A_1402, %dma_start3A_1403] : memref<2x512x64xf32, #tpu.memory_space<vmem>> -> memref<1x512x64xf32, #tpu.memory_space<vmem>>
    %dma_start3A_1405 = tpu.memref_squeeze %dma_start3A_1404 : memref<1x512x64xf32, #tpu.memory_space<vmem>> -> memref<512x64xf32, #tpu.memory_space<vmem>>
    tpu.enqueue_dma source(%dma_start3A_1405 : memref<512x64xf32, #tpu.memory_space<vmem>>) target(%dma_start3A_1401 : memref<512x64xf32, #tpu.memory_space<hbm>>) target_semaphore(%arg20 : memref<!tpu.dma_semaphore, #tpu.memory_space<semaphore_mem>>)
    %dma_wait3A_1406 = arith.constant 1 : i32
    %dma_wait3A_1407 = arith.constant 0 : i32
    %dma_wait3A_1408 = arith.constant 0 : i32
    %dma_wait3A_1409 = tpu.memref_slice %arg14[%dma_wait3A_1406, %dma_wait3A_1407, %dma_wait3A_1408] : memref<2x512x64xf32, #tpu.memory_space<vmem>> -> memref<1x512x64xf32, #tpu.memory_space<vmem>>
    %dma_wait3A_1410 = tpu.memref_squeeze %dma_wait3A_1409 : memref<1x512x64xf32, #tpu.memory_space<vmem>> -> memref<512x64xf32, #tpu.memory_space<vmem>>
    %dma_wait3A_1411 = arith.constant 0 : i32
    %dma_wait3A_1412 = tpu.memref_slice %arg12[%add3A_106, %dma_wait3A_1411] : memref<491520x64xf32, #tpu.memory_space<hbm>> -> memref<512x64xf32, #tpu.memory_space<hbm>>
    %dma_wait3A_1413 = arith.constant 0 : i32
    %dma_wait3A_1414 = tpu.memref_slice %arg12[%add3A_106, %dma_wait3A_1413] : memref<491520x64xf32, #tpu.memory_space<hbm>> -> memref<512x64xf32, #tpu.memory_space<hbm>>
    %dma_wait3A_1415 = arith.constant 0 : i32
    %dma_wait3A_1416 = arith.constant 0 : i32
    %dma_wait3A_1417 = tpu.memref_slice %arg14[%dma_wait3A_1406, %dma_wait3A_1415, %dma_wait3A_1416] : memref<2x512x64xf32, #tpu.memory_space<vmem>> -> memref<1x512x64xf32, #tpu.memory_space<vmem>>
    %dma_wait3A_1418 = tpu.memref_squeeze %dma_wait3A_1417 : memref<1x512x64xf32, #tpu.memory_space<vmem>> -> memref<512x64xf32, #tpu.memory_space<vmem>>
    tpu.wait_dma2 semaphore(%arg20 : memref<!tpu.dma_semaphore, #tpu.memory_space<semaphore_mem>>) src(%dma_wait3A_1418 : memref<512x64xf32, #tpu.memory_space<vmem>>) dst(%dma_wait3A_1414 : memref<512x64xf32, #tpu.memory_space<hbm>>)
    %dma_start3A_1419 = arith.constant 1 : i32
    %dma_start3A_1420 = arith.constant 0 : i32
    %dma_start3A_1421 = arith.constant 0 : i32
    %dma_start3A_1422 = tpu.memref_slice %arg14[%dma_start3A_1419, %dma_start3A_1420, %dma_start3A_1421] : memref<2x512x64xf32, #tpu.memory_space<vmem>> -> memref<1x512x64xf32, #tpu.memory_space<vmem>>
    %dma_start3A_1423 = tpu.memref_squeeze %dma_start3A_1422 : memref<1x512x64xf32, #tpu.memory_space<vmem>> -> memref<512x64xf32, #tpu.memory_space<vmem>>
    %dma_start3A_1424 = arith.constant 14848 : i32
    %dma_start3A_1425 = tpu.memref_slice %arg13[%dma_start3A_1424] : memref<18432xi32, #tpu.memory_space<vmem>> -> memref<512xi32, #tpu.memory_space<vmem>>
    %dma_start3A_1426 = arith.constant 0 : i32
    %dma_start3A_1427 = arith.constant 0 : i32
    %dma_start3A_1428 = tpu.memref_slice %arg16[%dma_start3A_1426, %dma_start3A_1427] : memref<1000x64xf32, #tpu.memory_space<vmem_shared>> -> memref<1000x64xf32, #tpu.memory_space<vmem_shared>>
    tpu.enqueue_indirect_dma source(%dma_start3A_1428 : memref<1000x64xf32, #tpu.memory_space<vmem_shared>>) target(%dma_start3A_1423 : memref<512x64xf32, #tpu.memory_space<vmem>>) offsets(%dma_start3A_1425 : memref<512xi32, #tpu.memory_space<vmem>>) semaphore(%arg18 : memref<!tpu.dma_semaphore, #tpu.memory_space<semaphore_mem>>)
    %dma_wait3A_1429 = arith.constant 0 : i32
    %dma_wait3A_1430 = arith.constant 0 : i32
    %dma_wait3A_1431 = arith.constant 0 : i32
    %dma_wait3A_1432 = tpu.memref_slice %arg14[%dma_wait3A_1429, %dma_wait3A_1430, %dma_wait3A_1431] : memref<2x512x64xf32, #tpu.memory_space<vmem>> -> memref<1x512x64xf32, #tpu.memory_space<vmem>>
    %dma_wait3A_1433 = tpu.memref_squeeze %dma_wait3A_1432 : memref<1x512x64xf32, #tpu.memory_space<vmem>> -> memref<512x64xf32, #tpu.memory_space<vmem>>
    %dma_wait3A_1434 = arith.constant 14336 : i32
    %dma_wait3A_1435 = tpu.memref_slice %arg13[%dma_wait3A_1434] : memref<18432xi32, #tpu.memory_space<vmem>> -> memref<512xi32, #tpu.memory_space<vmem>>
    %dma_wait3A_1436 = arith.constant 0 : i32
    %dma_wait3A_1437 = arith.constant 0 : i32
    %dma_wait3A_1438 = tpu.memref_slice %arg16[%dma_wait3A_1436, %dma_wait3A_1437] : memref<1000x64xf32, #tpu.memory_space<vmem_shared>> -> memref<1000x64xf32, #tpu.memory_space<vmem_shared>>
    tpu.wait_indirect_dma semaphore(%arg17 : memref<!tpu.dma_semaphore, #tpu.memory_space<semaphore_mem>>) src(%dma_wait3A_1438 : memref<1000x64xf32, #tpu.memory_space<vmem_shared>>) dst(%dma_wait3A_1433 : memref<512x64xf32, #tpu.memory_space<vmem>>)
    %dma_start3A_1439 = arith.constant 0 : i32
    %dma_start3A_1440 = arith.constant 0 : i32
    %dma_start3A_1441 = arith.constant 0 : i32
    %dma_start3A_1442 = tpu.memref_slice %arg14[%dma_start3A_1439, %dma_start3A_1440, %dma_start3A_1441] : memref<2x512x64xf32, #tpu.memory_space<vmem>> -> memref<1x512x64xf32, #tpu.memory_space<vmem>>
    %dma_start3A_1443 = tpu.memref_squeeze %dma_start3A_1442 : memref<1x512x64xf32, #tpu.memory_space<vmem>> -> memref<512x64xf32, #tpu.memory_space<vmem>>
    %dma_start3A_1444 = arith.constant 0 : i32
    %dma_start3A_1445 = tpu.memref_slice %arg12[%add3A_108, %dma_start3A_1444] : memref<491520x64xf32, #tpu.memory_space<hbm>> -> memref<512x64xf32, #tpu.memory_space<hbm>>
    %dma_start3A_1446 = arith.constant 0 : i32
    %dma_start3A_1447 = tpu.memref_slice %arg12[%add3A_108, %dma_start3A_1446] : memref<491520x64xf32, #tpu.memory_space<hbm>> -> memref<512x64xf32, #tpu.memory_space<hbm>>
    %dma_start3A_1448 = arith.constant 0 : i32
    %dma_start3A_1449 = arith.constant 0 : i32
    %dma_start3A_1450 = tpu.memref_slice %arg14[%dma_start3A_1439, %dma_start3A_1448, %dma_start3A_1449] : memref<2x512x64xf32, #tpu.memory_space<vmem>> -> memref<1x512x64xf32, #tpu.memory_space<vmem>>
    %dma_start3A_1451 = tpu.memref_squeeze %dma_start3A_1450 : memref<1x512x64xf32, #tpu.memory_space<vmem>> -> memref<512x64xf32, #tpu.memory_space<vmem>>
    tpu.enqueue_dma source(%dma_start3A_1451 : memref<512x64xf32, #tpu.memory_space<vmem>>) target(%dma_start3A_1447 : memref<512x64xf32, #tpu.memory_space<hbm>>) target_semaphore(%arg19 : memref<!tpu.dma_semaphore, #tpu.memory_space<semaphore_mem>>)
    %dma_wait3A_1452 = arith.constant 0 : i32
    %dma_wait3A_1453 = arith.constant 0 : i32
    %dma_wait3A_1454 = arith.constant 0 : i32
    %dma_wait3A_1455 = tpu.memref_slice %arg14[%dma_wait3A_1452, %dma_wait3A_1453, %dma_wait3A_1454] : memref<2x512x64xf32, #tpu.memory_space<vmem>> -> memref<1x512x64xf32, #tpu.memory_space<vmem>>
    %dma_wait3A_1456 = tpu.memref_squeeze %dma_wait3A_1455 : memref<1x512x64xf32, #tpu.memory_space<vmem>> -> memref<512x64xf32, #tpu.memory_space<vmem>>
    %dma_wait3A_1457 = arith.constant 0 : i32
    %dma_wait3A_1458 = tpu.memref_slice %arg12[%add3A_108, %dma_wait3A_1457] : memref<491520x64xf32, #tpu.memory_space<hbm>> -> memref<512x64xf32, #tpu.memory_space<hbm>>
    %dma_wait3A_1459 = arith.constant 0 : i32
    %dma_wait3A_1460 = tpu.memref_slice %arg12[%add3A_108, %dma_wait3A_1459] : memref<491520x64xf32, #tpu.memory_space<hbm>> -> memref<512x64xf32, #tpu.memory_space<hbm>>
    %dma_wait3A_1461 = arith.constant 0 : i32
    %dma_wait3A_1462 = arith.constant 0 : i32
    %dma_wait3A_1463 = tpu.memref_slice %arg14[%dma_wait3A_1452, %dma_wait3A_1461, %dma_wait3A_1462] : memref<2x512x64xf32, #tpu.memory_space<vmem>> -> memref<1x512x64xf32, #tpu.memory_space<vmem>>
    %dma_wait3A_1464 = tpu.memref_squeeze %dma_wait3A_1463 : memref<1x512x64xf32, #tpu.memory_space<vmem>> -> memref<512x64xf32, #tpu.memory_space<vmem>>
    tpu.wait_dma2 semaphore(%arg19 : memref<!tpu.dma_semaphore, #tpu.memory_space<semaphore_mem>>) src(%dma_wait3A_1464 : memref<512x64xf32, #tpu.memory_space<vmem>>) dst(%dma_wait3A_1460 : memref<512x64xf32, #tpu.memory_space<hbm>>)
    %dma_start3A_1465 = arith.constant 0 : i32
    %dma_start3A_1466 = arith.constant 0 : i32
    %dma_start3A_1467 = arith.constant 0 : i32
    %dma_start3A_1468 = tpu.memref_slice %arg14[%dma_start3A_1465, %dma_start3A_1466, %dma_start3A_1467] : memref<2x512x64xf32, #tpu.memory_space<vmem>> -> memref<1x512x64xf32, #tpu.memory_space<vmem>>
    %dma_start3A_1469 = tpu.memref_squeeze %dma_start3A_1468 : memref<1x512x64xf32, #tpu.memory_space<vmem>> -> memref<512x64xf32, #tpu.memory_space<vmem>>
    %dma_start3A_1470 = arith.constant 15360 : i32
    %dma_start3A_1471 = tpu.memref_slice %arg13[%dma_start3A_1470] : memref<18432xi32, #tpu.memory_space<vmem>> -> memref<512xi32, #tpu.memory_space<vmem>>
    %dma_start3A_1472 = arith.constant 0 : i32
    %dma_start3A_1473 = arith.constant 0 : i32
    %dma_start3A_1474 = tpu.memref_slice %arg16[%dma_start3A_1472, %dma_start3A_1473] : memref<1000x64xf32, #tpu.memory_space<vmem_shared>> -> memref<1000x64xf32, #tpu.memory_space<vmem_shared>>
    tpu.enqueue_indirect_dma source(%dma_start3A_1474 : memref<1000x64xf32, #tpu.memory_space<vmem_shared>>) target(%dma_start3A_1469 : memref<512x64xf32, #tpu.memory_space<vmem>>) offsets(%dma_start3A_1471 : memref<512xi32, #tpu.memory_space<vmem>>) semaphore(%arg17 : memref<!tpu.dma_semaphore, #tpu.memory_space<semaphore_mem>>)
    %dma_wait3A_1475 = arith.constant 1 : i32
    %dma_wait3A_1476 = arith.constant 0 : i32
    %dma_wait3A_1477 = arith.constant 0 : i32
    %dma_wait3A_1478 = tpu.memref_slice %arg14[%dma_wait3A_1475, %dma_wait3A_1476, %dma_wait3A_1477] : memref<2x512x64xf32, #tpu.memory_space<vmem>> -> memref<1x512x64xf32, #tpu.memory_space<vmem>>
    %dma_wait3A_1479 = tpu.memref_squeeze %dma_wait3A_1478 : memref<1x512x64xf32, #tpu.memory_space<vmem>> -> memref<512x64xf32, #tpu.memory_space<vmem>>
    %dma_wait3A_1480 = arith.constant 14848 : i32
    %dma_wait3A_1481 = tpu.memref_slice %arg13[%dma_wait3A_1480] : memref<18432xi32, #tpu.memory_space<vmem>> -> memref<512xi32, #tpu.memory_space<vmem>>
    %dma_wait3A_1482 = arith.constant 0 : i32
    %dma_wait3A_1483 = arith.constant 0 : i32
    %dma_wait3A_1484 = tpu.memref_slice %arg16[%dma_wait3A_1482, %dma_wait3A_1483] : memref<1000x64xf32, #tpu.memory_space<vmem_shared>> -> memref<1000x64xf32, #tpu.memory_space<vmem_shared>>
    tpu.wait_indirect_dma semaphore(%arg18 : memref<!tpu.dma_semaphore, #tpu.memory_space<semaphore_mem>>) src(%dma_wait3A_1484 : memref<1000x64xf32, #tpu.memory_space<vmem_shared>>) dst(%dma_wait3A_1479 : memref<512x64xf32, #tpu.memory_space<vmem>>)
    %dma_start3A_1485 = arith.constant 1 : i32
    %dma_start3A_1486 = arith.constant 0 : i32
    %dma_start3A_1487 = arith.constant 0 : i32
    %dma_start3A_1488 = tpu.memref_slice %arg14[%dma_start3A_1485, %dma_start3A_1486, %dma_start3A_1487] : memref<2x512x64xf32, #tpu.memory_space<vmem>> -> memref<1x512x64xf32, #tpu.memory_space<vmem>>
    %dma_start3A_1489 = tpu.memref_squeeze %dma_start3A_1488 : memref<1x512x64xf32, #tpu.memory_space<vmem>> -> memref<512x64xf32, #tpu.memory_space<vmem>>
    %dma_start3A_1490 = arith.constant 0 : i32
    %dma_start3A_1491 = tpu.memref_slice %arg12[%add3A_110, %dma_start3A_1490] : memref<491520x64xf32, #tpu.memory_space<hbm>> -> memref<512x64xf32, #tpu.memory_space<hbm>>
    %dma_start3A_1492 = arith.constant 0 : i32
    %dma_start3A_1493 = tpu.memref_slice %arg12[%add3A_110, %dma_start3A_1492] : memref<491520x64xf32, #tpu.memory_space<hbm>> -> memref<512x64xf32, #tpu.memory_space<hbm>>
    %dma_start3A_1494 = arith.constant 0 : i32
    %dma_start3A_1495 = arith.constant 0 : i32
    %dma_start3A_1496 = tpu.memref_slice %arg14[%dma_start3A_1485, %dma_start3A_1494, %dma_start3A_1495] : memref<2x512x64xf32, #tpu.memory_space<vmem>> -> memref<1x512x64xf32, #tpu.memory_space<vmem>>
    %dma_start3A_1497 = tpu.memref_squeeze %dma_start3A_1496 : memref<1x512x64xf32, #tpu.memory_space<vmem>> -> memref<512x64xf32, #tpu.memory_space<vmem>>
    tpu.enqueue_dma source(%dma_start3A_1497 : memref<512x64xf32, #tpu.memory_space<vmem>>) target(%dma_start3A_1493 : memref<512x64xf32, #tpu.memory_space<hbm>>) target_semaphore(%arg20 : memref<!tpu.dma_semaphore, #tpu.memory_space<semaphore_mem>>)
    %dma_wait3A_1498 = arith.constant 1 : i32
    %dma_wait3A_1499 = arith.constant 0 : i32
    %dma_wait3A_1500 = arith.constant 0 : i32
    %dma_wait3A_1501 = tpu.memref_slice %arg14[%dma_wait3A_1498, %dma_wait3A_1499, %dma_wait3A_1500] : memref<2x512x64xf32, #tpu.memory_space<vmem>> -> memref<1x512x64xf32, #tpu.memory_space<vmem>>
    %dma_wait3A_1502 = tpu.memref_squeeze %dma_wait3A_1501 : memref<1x512x64xf32, #tpu.memory_space<vmem>> -> memref<512x64xf32, #tpu.memory_space<vmem>>
    %dma_wait3A_1503 = arith.constant 0 : i32
    %dma_wait3A_1504 = tpu.memref_slice %arg12[%add3A_110, %dma_wait3A_1503] : memref<491520x64xf32, #tpu.memory_space<hbm>> -> memref<512x64xf32, #tpu.memory_space<hbm>>
    %dma_wait3A_1505 = arith.constant 0 : i32
    %dma_wait3A_1506 = tpu.memref_slice %arg12[%add3A_110, %dma_wait3A_1505] : memref<491520x64xf32, #tpu.memory_space<hbm>> -> memref<512x64xf32, #tpu.memory_space<hbm>>
    %dma_wait3A_1507 = arith.constant 0 : i32
    %dma_wait3A_1508 = arith.constant 0 : i32
    %dma_wait3A_1509 = tpu.memref_slice %arg14[%dma_wait3A_1498, %dma_wait3A_1507, %dma_wait3A_1508] : memref<2x512x64xf32, #tpu.memory_space<vmem>> -> memref<1x512x64xf32, #tpu.memory_space<vmem>>
    %dma_wait3A_1510 = tpu.memref_squeeze %dma_wait3A_1509 : memref<1x512x64xf32, #tpu.memory_space<vmem>> -> memref<512x64xf32, #tpu.memory_space<vmem>>
    tpu.wait_dma2 semaphore(%arg20 : memref<!tpu.dma_semaphore, #tpu.memory_space<semaphore_mem>>) src(%dma_wait3A_1510 : memref<512x64xf32, #tpu.memory_space<vmem>>) dst(%dma_wait3A_1506 : memref<512x64xf32, #tpu.memory_space<hbm>>)
    %dma_start3A_1511 = arith.constant 1 : i32
    %dma_start3A_1512 = arith.constant 0 : i32
    %dma_start3A_1513 = arith.constant 0 : i32
    %dma_start3A_1514 = tpu.memref_slice %arg14[%dma_start3A_1511, %dma_start3A_1512, %dma_start3A_1513] : memref<2x512x64xf32, #tpu.memory_space<vmem>> -> memref<1x512x64xf32, #tpu.memory_space<vmem>>
    %dma_start3A_1515 = tpu.memref_squeeze %dma_start3A_1514 : memref<1x512x64xf32, #tpu.memory_space<vmem>> -> memref<512x64xf32, #tpu.memory_space<vmem>>
    %dma_start3A_1516 = arith.constant 15872 : i32
    %dma_start3A_1517 = tpu.memref_slice %arg13[%dma_start3A_1516] : memref<18432xi32, #tpu.memory_space<vmem>> -> memref<512xi32, #tpu.memory_space<vmem>>
    %dma_start3A_1518 = arith.constant 0 : i32
    %dma_start3A_1519 = arith.constant 0 : i32
    %dma_start3A_1520 = tpu.memref_slice %arg16[%dma_start3A_1518, %dma_start3A_1519] : memref<1000x64xf32, #tpu.memory_space<vmem_shared>> -> memref<1000x64xf32, #tpu.memory_space<vmem_shared>>
    tpu.enqueue_indirect_dma source(%dma_start3A_1520 : memref<1000x64xf32, #tpu.memory_space<vmem_shared>>) target(%dma_start3A_1515 : memref<512x64xf32, #tpu.memory_space<vmem>>) offsets(%dma_start3A_1517 : memref<512xi32, #tpu.memory_space<vmem>>) semaphore(%arg18 : memref<!tpu.dma_semaphore, #tpu.memory_space<semaphore_mem>>)
    %dma_wait3A_1521 = arith.constant 0 : i32
    %dma_wait3A_1522 = arith.constant 0 : i32
    %dma_wait3A_1523 = arith.constant 0 : i32
    %dma_wait3A_1524 = tpu.memref_slice %arg14[%dma_wait3A_1521, %dma_wait3A_1522, %dma_wait3A_1523] : memref<2x512x64xf32, #tpu.memory_space<vmem>> -> memref<1x512x64xf32, #tpu.memory_space<vmem>>
    %dma_wait3A_1525 = tpu.memref_squeeze %dma_wait3A_1524 : memref<1x512x64xf32, #tpu.memory_space<vmem>> -> memref<512x64xf32, #tpu.memory_space<vmem>>
    %dma_wait3A_1526 = arith.constant 15360 : i32
    %dma_wait3A_1527 = tpu.memref_slice %arg13[%dma_wait3A_1526] : memref<18432xi32, #tpu.memory_space<vmem>> -> memref<512xi32, #tpu.memory_space<vmem>>
    %dma_wait3A_1528 = arith.constant 0 : i32
    %dma_wait3A_1529 = arith.constant 0 : i32
    %dma_wait3A_1530 = tpu.memref_slice %arg16[%dma_wait3A_1528, %dma_wait3A_1529] : memref<1000x64xf32, #tpu.memory_space<vmem_shared>> -> memref<1000x64xf32, #tpu.memory_space<vmem_shared>>
    tpu.wait_indirect_dma semaphore(%arg17 : memref<!tpu.dma_semaphore, #tpu.memory_space<semaphore_mem>>) src(%dma_wait3A_1530 : memref<1000x64xf32, #tpu.memory_space<vmem_shared>>) dst(%dma_wait3A_1525 : memref<512x64xf32, #tpu.memory_space<vmem>>)
    %dma_start3A_1531 = arith.constant 0 : i32
    %dma_start3A_1532 = arith.constant 0 : i32
    %dma_start3A_1533 = arith.constant 0 : i32
    %dma_start3A_1534 = tpu.memref_slice %arg14[%dma_start3A_1531, %dma_start3A_1532, %dma_start3A_1533] : memref<2x512x64xf32, #tpu.memory_space<vmem>> -> memref<1x512x64xf32, #tpu.memory_space<vmem>>
    %dma_start3A_1535 = tpu.memref_squeeze %dma_start3A_1534 : memref<1x512x64xf32, #tpu.memory_space<vmem>> -> memref<512x64xf32, #tpu.memory_space<vmem>>
    %dma_start3A_1536 = arith.constant 0 : i32
    %dma_start3A_1537 = tpu.memref_slice %arg12[%add3A_112, %dma_start3A_1536] : memref<491520x64xf32, #tpu.memory_space<hbm>> -> memref<512x64xf32, #tpu.memory_space<hbm>>
    %dma_start3A_1538 = arith.constant 0 : i32
    %dma_start3A_1539 = tpu.memref_slice %arg12[%add3A_112, %dma_start3A_1538] : memref<491520x64xf32, #tpu.memory_space<hbm>> -> memref<512x64xf32, #tpu.memory_space<hbm>>
    %dma_start3A_1540 = arith.constant 0 : i32
    %dma_start3A_1541 = arith.constant 0 : i32
    %dma_start3A_1542 = tpu.memref_slice %arg14[%dma_start3A_1531, %dma_start3A_1540, %dma_start3A_1541] : memref<2x512x64xf32, #tpu.memory_space<vmem>> -> memref<1x512x64xf32, #tpu.memory_space<vmem>>
    %dma_start3A_1543 = tpu.memref_squeeze %dma_start3A_1542 : memref<1x512x64xf32, #tpu.memory_space<vmem>> -> memref<512x64xf32, #tpu.memory_space<vmem>>
    tpu.enqueue_dma source(%dma_start3A_1543 : memref<512x64xf32, #tpu.memory_space<vmem>>) target(%dma_start3A_1539 : memref<512x64xf32, #tpu.memory_space<hbm>>) target_semaphore(%arg19 : memref<!tpu.dma_semaphore, #tpu.memory_space<semaphore_mem>>)
    %dma_wait3A_1544 = arith.constant 0 : i32
    %dma_wait3A_1545 = arith.constant 0 : i32
    %dma_wait3A_1546 = arith.constant 0 : i32
    %dma_wait3A_1547 = tpu.memref_slice %arg14[%dma_wait3A_1544, %dma_wait3A_1545, %dma_wait3A_1546] : memref<2x512x64xf32, #tpu.memory_space<vmem>> -> memref<1x512x64xf32, #tpu.memory_space<vmem>>
    %dma_wait3A_1548 = tpu.memref_squeeze %dma_wait3A_1547 : memref<1x512x64xf32, #tpu.memory_space<vmem>> -> memref<512x64xf32, #tpu.memory_space<vmem>>
    %dma_wait3A_1549 = arith.constant 0 : i32
    %dma_wait3A_1550 = tpu.memref_slice %arg12[%add3A_112, %dma_wait3A_1549] : memref<491520x64xf32, #tpu.memory_space<hbm>> -> memref<512x64xf32, #tpu.memory_space<hbm>>
    %dma_wait3A_1551 = arith.constant 0 : i32
    %dma_wait3A_1552 = tpu.memref_slice %arg12[%add3A_112, %dma_wait3A_1551] : memref<491520x64xf32, #tpu.memory_space<hbm>> -> memref<512x64xf32, #tpu.memory_space<hbm>>
    %dma_wait3A_1553 = arith.constant 0 : i32
    %dma_wait3A_1554 = arith.constant 0 : i32
    %dma_wait3A_1555 = tpu.memref_slice %arg14[%dma_wait3A_1544, %dma_wait3A_1553, %dma_wait3A_1554] : memref<2x512x64xf32, #tpu.memory_space<vmem>> -> memref<1x512x64xf32, #tpu.memory_space<vmem>>
    %dma_wait3A_1556 = tpu.memref_squeeze %dma_wait3A_1555 : memref<1x512x64xf32, #tpu.memory_space<vmem>> -> memref<512x64xf32, #tpu.memory_space<vmem>>
    tpu.wait_dma2 semaphore(%arg19 : memref<!tpu.dma_semaphore, #tpu.memory_space<semaphore_mem>>) src(%dma_wait3A_1556 : memref<512x64xf32, #tpu.memory_space<vmem>>) dst(%dma_wait3A_1552 : memref<512x64xf32, #tpu.memory_space<hbm>>)
    %dma_start3A_1557 = arith.constant 0 : i32
    %dma_start3A_1558 = arith.constant 0 : i32
    %dma_start3A_1559 = arith.constant 0 : i32
    %dma_start3A_1560 = tpu.memref_slice %arg14[%dma_start3A_1557, %dma_start3A_1558, %dma_start3A_1559] : memref<2x512x64xf32, #tpu.memory_space<vmem>> -> memref<1x512x64xf32, #tpu.memory_space<vmem>>
    %dma_start3A_1561 = tpu.memref_squeeze %dma_start3A_1560 : memref<1x512x64xf32, #tpu.memory_space<vmem>> -> memref<512x64xf32, #tpu.memory_space<vmem>>
    %dma_start3A_1562 = arith.constant 16384 : i32
    %dma_start3A_1563 = tpu.memref_slice %arg13[%dma_start3A_1562] : memref<18432xi32, #tpu.memory_space<vmem>> -> memref<512xi32, #tpu.memory_space<vmem>>
    %dma_start3A_1564 = arith.constant 0 : i32
    %dma_start3A_1565 = arith.constant 0 : i32
    %dma_start3A_1566 = tpu.memref_slice %arg16[%dma_start3A_1564, %dma_start3A_1565] : memref<1000x64xf32, #tpu.memory_space<vmem_shared>> -> memref<1000x64xf32, #tpu.memory_space<vmem_shared>>
    tpu.enqueue_indirect_dma source(%dma_start3A_1566 : memref<1000x64xf32, #tpu.memory_space<vmem_shared>>) target(%dma_start3A_1561 : memref<512x64xf32, #tpu.memory_space<vmem>>) offsets(%dma_start3A_1563 : memref<512xi32, #tpu.memory_space<vmem>>) semaphore(%arg17 : memref<!tpu.dma_semaphore, #tpu.memory_space<semaphore_mem>>)
    %dma_wait3A_1567 = arith.constant 1 : i32
    %dma_wait3A_1568 = arith.constant 0 : i32
    %dma_wait3A_1569 = arith.constant 0 : i32
    %dma_wait3A_1570 = tpu.memref_slice %arg14[%dma_wait3A_1567, %dma_wait3A_1568, %dma_wait3A_1569] : memref<2x512x64xf32, #tpu.memory_space<vmem>> -> memref<1x512x64xf32, #tpu.memory_space<vmem>>
    %dma_wait3A_1571 = tpu.memref_squeeze %dma_wait3A_1570 : memref<1x512x64xf32, #tpu.memory_space<vmem>> -> memref<512x64xf32, #tpu.memory_space<vmem>>
    %dma_wait3A_1572 = arith.constant 15872 : i32
    %dma_wait3A_1573 = tpu.memref_slice %arg13[%dma_wait3A_1572] : memref<18432xi32, #tpu.memory_space<vmem>> -> memref<512xi32, #tpu.memory_space<vmem>>
    %dma_wait3A_1574 = arith.constant 0 : i32
    %dma_wait3A_1575 = arith.constant 0 : i32
    %dma_wait3A_1576 = tpu.memref_slice %arg16[%dma_wait3A_1574, %dma_wait3A_1575] : memref<1000x64xf32, #tpu.memory_space<vmem_shared>> -> memref<1000x64xf32, #tpu.memory_space<vmem_shared>>
    tpu.wait_indirect_dma semaphore(%arg18 : memref<!tpu.dma_semaphore, #tpu.memory_space<semaphore_mem>>) src(%dma_wait3A_1576 : memref<1000x64xf32, #tpu.memory_space<vmem_shared>>) dst(%dma_wait3A_1571 : memref<512x64xf32, #tpu.memory_space<vmem>>)
    %dma_start3A_1577 = arith.constant 1 : i32
    %dma_start3A_1578 = arith.constant 0 : i32
    %dma_start3A_1579 = arith.constant 0 : i32
    %dma_start3A_1580 = tpu.memref_slice %arg14[%dma_start3A_1577, %dma_start3A_1578, %dma_start3A_1579] : memref<2x512x64xf32, #tpu.memory_space<vmem>> -> memref<1x512x64xf32, #tpu.memory_space<vmem>>
    %dma_start3A_1581 = tpu.memref_squeeze %dma_start3A_1580 : memref<1x512x64xf32, #tpu.memory_space<vmem>> -> memref<512x64xf32, #tpu.memory_space<vmem>>
    %dma_start3A_1582 = arith.constant 0 : i32
    %dma_start3A_1583 = tpu.memref_slice %arg12[%add3A_114, %dma_start3A_1582] : memref<491520x64xf32, #tpu.memory_space<hbm>> -> memref<512x64xf32, #tpu.memory_space<hbm>>
    %dma_start3A_1584 = arith.constant 0 : i32
    %dma_start3A_1585 = tpu.memref_slice %arg12[%add3A_114, %dma_start3A_1584] : memref<491520x64xf32, #tpu.memory_space<hbm>> -> memref<512x64xf32, #tpu.memory_space<hbm>>
    %dma_start3A_1586 = arith.constant 0 : i32
    %dma_start3A_1587 = arith.constant 0 : i32
    %dma_start3A_1588 = tpu.memref_slice %arg14[%dma_start3A_1577, %dma_start3A_1586, %dma_start3A_1587] : memref<2x512x64xf32, #tpu.memory_space<vmem>> -> memref<1x512x64xf32, #tpu.memory_space<vmem>>
    %dma_start3A_1589 = tpu.memref_squeeze %dma_start3A_1588 : memref<1x512x64xf32, #tpu.memory_space<vmem>> -> memref<512x64xf32, #tpu.memory_space<vmem>>
    tpu.enqueue_dma source(%dma_start3A_1589 : memref<512x64xf32, #tpu.memory_space<vmem>>) target(%dma_start3A_1585 : memref<512x64xf32, #tpu.memory_space<hbm>>) target_semaphore(%arg20 : memref<!tpu.dma_semaphore, #tpu.memory_space<semaphore_mem>>)
    %dma_wait3A_1590 = arith.constant 1 : i32
    %dma_wait3A_1591 = arith.constant 0 : i32
    %dma_wait3A_1592 = arith.constant 0 : i32
    %dma_wait3A_1593 = tpu.memref_slice %arg14[%dma_wait3A_1590, %dma_wait3A_1591, %dma_wait3A_1592] : memref<2x512x64xf32, #tpu.memory_space<vmem>> -> memref<1x512x64xf32, #tpu.memory_space<vmem>>
    %dma_wait3A_1594 = tpu.memref_squeeze %dma_wait3A_1593 : memref<1x512x64xf32, #tpu.memory_space<vmem>> -> memref<512x64xf32, #tpu.memory_space<vmem>>
    %dma_wait3A_1595 = arith.constant 0 : i32
    %dma_wait3A_1596 = tpu.memref_slice %arg12[%add3A_114, %dma_wait3A_1595] : memref<491520x64xf32, #tpu.memory_space<hbm>> -> memref<512x64xf32, #tpu.memory_space<hbm>>
    %dma_wait3A_1597 = arith.constant 0 : i32
    %dma_wait3A_1598 = tpu.memref_slice %arg12[%add3A_114, %dma_wait3A_1597] : memref<491520x64xf32, #tpu.memory_space<hbm>> -> memref<512x64xf32, #tpu.memory_space<hbm>>
    %dma_wait3A_1599 = arith.constant 0 : i32
    %dma_wait3A_1600 = arith.constant 0 : i32
    %dma_wait3A_1601 = tpu.memref_slice %arg14[%dma_wait3A_1590, %dma_wait3A_1599, %dma_wait3A_1600] : memref<2x512x64xf32, #tpu.memory_space<vmem>> -> memref<1x512x64xf32, #tpu.memory_space<vmem>>
    %dma_wait3A_1602 = tpu.memref_squeeze %dma_wait3A_1601 : memref<1x512x64xf32, #tpu.memory_space<vmem>> -> memref<512x64xf32, #tpu.memory_space<vmem>>
    tpu.wait_dma2 semaphore(%arg20 : memref<!tpu.dma_semaphore, #tpu.memory_space<semaphore_mem>>) src(%dma_wait3A_1602 : memref<512x64xf32, #tpu.memory_space<vmem>>) dst(%dma_wait3A_1598 : memref<512x64xf32, #tpu.memory_space<hbm>>)
    %dma_start3A_1603 = arith.constant 1 : i32
    %dma_start3A_1604 = arith.constant 0 : i32
    %dma_start3A_1605 = arith.constant 0 : i32
    %dma_start3A_1606 = tpu.memref_slice %arg14[%dma_start3A_1603, %dma_start3A_1604, %dma_start3A_1605] : memref<2x512x64xf32, #tpu.memory_space<vmem>> -> memref<1x512x64xf32, #tpu.memory_space<vmem>>
    %dma_start3A_1607 = tpu.memref_squeeze %dma_start3A_1606 : memref<1x512x64xf32, #tpu.memory_space<vmem>> -> memref<512x64xf32, #tpu.memory_space<vmem>>
    %dma_start3A_1608 = arith.constant 16896 : i32
    %dma_start3A_1609 = tpu.memref_slice %arg13[%dma_start3A_1608] : memref<18432xi32, #tpu.memory_space<vmem>> -> memref<512xi32, #tpu.memory_space<vmem>>
    %dma_start3A_1610 = arith.constant 0 : i32
    %dma_start3A_1611 = arith.constant 0 : i32
    %dma_start3A_1612 = tpu.memref_slice %arg16[%dma_start3A_1610, %dma_start3A_1611] : memref<1000x64xf32, #tpu.memory_space<vmem_shared>> -> memref<1000x64xf32, #tpu.memory_space<vmem_shared>>
    tpu.enqueue_indirect_dma source(%dma_start3A_1612 : memref<1000x64xf32, #tpu.memory_space<vmem_shared>>) target(%dma_start3A_1607 : memref<512x64xf32, #tpu.memory_space<vmem>>) offsets(%dma_start3A_1609 : memref<512xi32, #tpu.memory_space<vmem>>) semaphore(%arg18 : memref<!tpu.dma_semaphore, #tpu.memory_space<semaphore_mem>>)
    %dma_wait3A_1613 = arith.constant 0 : i32
    %dma_wait3A_1614 = arith.constant 0 : i32
    %dma_wait3A_1615 = arith.constant 0 : i32
    %dma_wait3A_1616 = tpu.memref_slice %arg14[%dma_wait3A_1613, %dma_wait3A_1614, %dma_wait3A_1615] : memref<2x512x64xf32, #tpu.memory_space<vmem>> -> memref<1x512x64xf32, #tpu.memory_space<vmem>>
    %dma_wait3A_1617 = tpu.memref_squeeze %dma_wait3A_1616 : memref<1x512x64xf32, #tpu.memory_space<vmem>> -> memref<512x64xf32, #tpu.memory_space<vmem>>
    %dma_wait3A_1618 = arith.constant 16384 : i32
    %dma_wait3A_1619 = tpu.memref_slice %arg13[%dma_wait3A_1618] : memref<18432xi32, #tpu.memory_space<vmem>> -> memref<512xi32, #tpu.memory_space<vmem>>
    %dma_wait3A_1620 = arith.constant 0 : i32
    %dma_wait3A_1621 = arith.constant 0 : i32
    %dma_wait3A_1622 = tpu.memref_slice %arg16[%dma_wait3A_1620, %dma_wait3A_1621] : memref<1000x64xf32, #tpu.memory_space<vmem_shared>> -> memref<1000x64xf32, #tpu.memory_space<vmem_shared>>
    tpu.wait_indirect_dma semaphore(%arg17 : memref<!tpu.dma_semaphore, #tpu.memory_space<semaphore_mem>>) src(%dma_wait3A_1622 : memref<1000x64xf32, #tpu.memory_space<vmem_shared>>) dst(%dma_wait3A_1617 : memref<512x64xf32, #tpu.memory_space<vmem>>)
    %dma_start3A_1623 = arith.constant 0 : i32
    %dma_start3A_1624 = arith.constant 0 : i32
    %dma_start3A_1625 = arith.constant 0 : i32
    %dma_start3A_1626 = tpu.memref_slice %arg14[%dma_start3A_1623, %dma_start3A_1624, %dma_start3A_1625] : memref<2x512x64xf32, #tpu.memory_space<vmem>> -> memref<1x512x64xf32, #tpu.memory_space<vmem>>
    %dma_start3A_1627 = tpu.memref_squeeze %dma_start3A_1626 : memref<1x512x64xf32, #tpu.memory_space<vmem>> -> memref<512x64xf32, #tpu.memory_space<vmem>>
    %dma_start3A_1628 = arith.constant 0 : i32
    %dma_start3A_1629 = tpu.memref_slice %arg12[%add3A_116, %dma_start3A_1628] : memref<491520x64xf32, #tpu.memory_space<hbm>> -> memref<512x64xf32, #tpu.memory_space<hbm>>
    %dma_start3A_1630 = arith.constant 0 : i32
    %dma_start3A_1631 = tpu.memref_slice %arg12[%add3A_116, %dma_start3A_1630] : memref<491520x64xf32, #tpu.memory_space<hbm>> -> memref<512x64xf32, #tpu.memory_space<hbm>>
    %dma_start3A_1632 = arith.constant 0 : i32
    %dma_start3A_1633 = arith.constant 0 : i32
    %dma_start3A_1634 = tpu.memref_slice %arg14[%dma_start3A_1623, %dma_start3A_1632, %dma_start3A_1633] : memref<2x512x64xf32, #tpu.memory_space<vmem>> -> memref<1x512x64xf32, #tpu.memory_space<vmem>>
    %dma_start3A_1635 = tpu.memref_squeeze %dma_start3A_1634 : memref<1x512x64xf32, #tpu.memory_space<vmem>> -> memref<512x64xf32, #tpu.memory_space<vmem>>
    tpu.enqueue_dma source(%dma_start3A_1635 : memref<512x64xf32, #tpu.memory_space<vmem>>) target(%dma_start3A_1631 : memref<512x64xf32, #tpu.memory_space<hbm>>) target_semaphore(%arg19 : memref<!tpu.dma_semaphore, #tpu.memory_space<semaphore_mem>>)
    %dma_wait3A_1636 = arith.constant 0 : i32
    %dma_wait3A_1637 = arith.constant 0 : i32
    %dma_wait3A_1638 = arith.constant 0 : i32
    %dma_wait3A_1639 = tpu.memref_slice %arg14[%dma_wait3A_1636, %dma_wait3A_1637, %dma_wait3A_1638] : memref<2x512x64xf32, #tpu.memory_space<vmem>> -> memref<1x512x64xf32, #tpu.memory_space<vmem>>
    %dma_wait3A_1640 = tpu.memref_squeeze %dma_wait3A_1639 : memref<1x512x64xf32, #tpu.memory_space<vmem>> -> memref<512x64xf32, #tpu.memory_space<vmem>>
    %dma_wait3A_1641 = arith.constant 0 : i32
    %dma_wait3A_1642 = tpu.memref_slice %arg12[%add3A_116, %dma_wait3A_1641] : memref<491520x64xf32, #tpu.memory_space<hbm>> -> memref<512x64xf32, #tpu.memory_space<hbm>>
    %dma_wait3A_1643 = arith.constant 0 : i32
    %dma_wait3A_1644 = tpu.memref_slice %arg12[%add3A_116, %dma_wait3A_1643] : memref<491520x64xf32, #tpu.memory_space<hbm>> -> memref<512x64xf32, #tpu.memory_space<hbm>>
    %dma_wait3A_1645 = arith.constant 0 : i32
    %dma_wait3A_1646 = arith.constant 0 : i32
    %dma_wait3A_1647 = tpu.memref_slice %arg14[%dma_wait3A_1636, %dma_wait3A_1645, %dma_wait3A_1646] : memref<2x512x64xf32, #tpu.memory_space<vmem>> -> memref<1x512x64xf32, #tpu.memory_space<vmem>>
    %dma_wait3A_1648 = tpu.memref_squeeze %dma_wait3A_1647 : memref<1x512x64xf32, #tpu.memory_space<vmem>> -> memref<512x64xf32, #tpu.memory_space<vmem>>
    tpu.wait_dma2 semaphore(%arg19 : memref<!tpu.dma_semaphore, #tpu.memory_space<semaphore_mem>>) src(%dma_wait3A_1648 : memref<512x64xf32, #tpu.memory_space<vmem>>) dst(%dma_wait3A_1644 : memref<512x64xf32, #tpu.memory_space<hbm>>)
    %dma_start3A_1649 = arith.constant 0 : i32
    %dma_start3A_1650 = arith.constant 0 : i32
    %dma_start3A_1651 = arith.constant 0 : i32
    %dma_start3A_1652 = tpu.memref_slice %arg14[%dma_start3A_1649, %dma_start3A_1650, %dma_start3A_1651] : memref<2x512x64xf32, #tpu.memory_space<vmem>> -> memref<1x512x64xf32, #tpu.memory_space<vmem>>
    %dma_start3A_1653 = tpu.memref_squeeze %dma_start3A_1652 : memref<1x512x64xf32, #tpu.memory_space<vmem>> -> memref<512x64xf32, #tpu.memory_space<vmem>>
    %dma_start3A_1654 = arith.constant 17408 : i32
    %dma_start3A_1655 = tpu.memref_slice %arg13[%dma_start3A_1654] : memref<18432xi32, #tpu.memory_space<vmem>> -> memref<512xi32, #tpu.memory_space<vmem>>
    %dma_start3A_1656 = arith.constant 0 : i32
    %dma_start3A_1657 = arith.constant 0 : i32
    %dma_start3A_1658 = tpu.memref_slice %arg16[%dma_start3A_1656, %dma_start3A_1657] : memref<1000x64xf32, #tpu.memory_space<vmem_shared>> -> memref<1000x64xf32, #tpu.memory_space<vmem_shared>>
    tpu.enqueue_indirect_dma source(%dma_start3A_1658 : memref<1000x64xf32, #tpu.memory_space<vmem_shared>>) target(%dma_start3A_1653 : memref<512x64xf32, #tpu.memory_space<vmem>>) offsets(%dma_start3A_1655 : memref<512xi32, #tpu.memory_space<vmem>>) semaphore(%arg17 : memref<!tpu.dma_semaphore, #tpu.memory_space<semaphore_mem>>)
    %dma_wait3A_1659 = arith.constant 1 : i32
    %dma_wait3A_1660 = arith.constant 0 : i32
    %dma_wait3A_1661 = arith.constant 0 : i32
    %dma_wait3A_1662 = tpu.memref_slice %arg14[%dma_wait3A_1659, %dma_wait3A_1660, %dma_wait3A_1661] : memref<2x512x64xf32, #tpu.memory_space<vmem>> -> memref<1x512x64xf32, #tpu.memory_space<vmem>>
    %dma_wait3A_1663 = tpu.memref_squeeze %dma_wait3A_1662 : memref<1x512x64xf32, #tpu.memory_space<vmem>> -> memref<512x64xf32, #tpu.memory_space<vmem>>
    %dma_wait3A_1664 = arith.constant 16896 : i32
    %dma_wait3A_1665 = tpu.memref_slice %arg13[%dma_wait3A_1664] : memref<18432xi32, #tpu.memory_space<vmem>> -> memref<512xi32, #tpu.memory_space<vmem>>
    %dma_wait3A_1666 = arith.constant 0 : i32
    %dma_wait3A_1667 = arith.constant 0 : i32
    %dma_wait3A_1668 = tpu.memref_slice %arg16[%dma_wait3A_1666, %dma_wait3A_1667] : memref<1000x64xf32, #tpu.memory_space<vmem_shared>> -> memref<1000x64xf32, #tpu.memory_space<vmem_shared>>
    tpu.wait_indirect_dma semaphore(%arg18 : memref<!tpu.dma_semaphore, #tpu.memory_space<semaphore_mem>>) src(%dma_wait3A_1668 : memref<1000x64xf32, #tpu.memory_space<vmem_shared>>) dst(%dma_wait3A_1663 : memref<512x64xf32, #tpu.memory_space<vmem>>)
    %dma_start3A_1669 = arith.constant 1 : i32
    %dma_start3A_1670 = arith.constant 0 : i32
    %dma_start3A_1671 = arith.constant 0 : i32
    %dma_start3A_1672 = tpu.memref_slice %arg14[%dma_start3A_1669, %dma_start3A_1670, %dma_start3A_1671] : memref<2x512x64xf32, #tpu.memory_space<vmem>> -> memref<1x512x64xf32, #tpu.memory_space<vmem>>
    %dma_start3A_1673 = tpu.memref_squeeze %dma_start3A_1672 : memref<1x512x64xf32, #tpu.memory_space<vmem>> -> memref<512x64xf32, #tpu.memory_space<vmem>>
    %dma_start3A_1674 = arith.constant 0 : i32
    %dma_start3A_1675 = tpu.memref_slice %arg12[%add3A_118, %dma_start3A_1674] : memref<491520x64xf32, #tpu.memory_space<hbm>> -> memref<512x64xf32, #tpu.memory_space<hbm>>
    %dma_start3A_1676 = arith.constant 0 : i32
    %dma_start3A_1677 = tpu.memref_slice %arg12[%add3A_118, %dma_start3A_1676] : memref<491520x64xf32, #tpu.memory_space<hbm>> -> memref<512x64xf32, #tpu.memory_space<hbm>>
    %dma_start3A_1678 = arith.constant 0 : i32
    %dma_start3A_1679 = arith.constant 0 : i32
    %dma_start3A_1680 = tpu.memref_slice %arg14[%dma_start3A_1669, %dma_start3A_1678, %dma_start3A_1679] : memref<2x512x64xf32, #tpu.memory_space<vmem>> -> memref<1x512x64xf32, #tpu.memory_space<vmem>>
    %dma_start3A_1681 = tpu.memref_squeeze %dma_start3A_1680 : memref<1x512x64xf32, #tpu.memory_space<vmem>> -> memref<512x64xf32, #tpu.memory_space<vmem>>
    tpu.enqueue_dma source(%dma_start3A_1681 : memref<512x64xf32, #tpu.memory_space<vmem>>) target(%dma_start3A_1677 : memref<512x64xf32, #tpu.memory_space<hbm>>) target_semaphore(%arg20 : memref<!tpu.dma_semaphore, #tpu.memory_space<semaphore_mem>>)
    %dma_wait3A_1682 = arith.constant 1 : i32
    %dma_wait3A_1683 = arith.constant 0 : i32
    %dma_wait3A_1684 = arith.constant 0 : i32
    %dma_wait3A_1685 = tpu.memref_slice %arg14[%dma_wait3A_1682, %dma_wait3A_1683, %dma_wait3A_1684] : memref<2x512x64xf32, #tpu.memory_space<vmem>> -> memref<1x512x64xf32, #tpu.memory_space<vmem>>
    %dma_wait3A_1686 = tpu.memref_squeeze %dma_wait3A_1685 : memref<1x512x64xf32, #tpu.memory_space<vmem>> -> memref<512x64xf32, #tpu.memory_space<vmem>>
    %dma_wait3A_1687 = arith.constant 0 : i32
    %dma_wait3A_1688 = tpu.memref_slice %arg12[%add3A_118, %dma_wait3A_1687] : memref<491520x64xf32, #tpu.memory_space<hbm>> -> memref<512x64xf32, #tpu.memory_space<hbm>>
    %dma_wait3A_1689 = arith.constant 0 : i32
    %dma_wait3A_1690 = tpu.memref_slice %arg12[%add3A_118, %dma_wait3A_1689] : memref<491520x64xf32, #tpu.memory_space<hbm>> -> memref<512x64xf32, #tpu.memory_space<hbm>>
    %dma_wait3A_1691 = arith.constant 0 : i32
    %dma_wait3A_1692 = arith.constant 0 : i32
    %dma_wait3A_1693 = tpu.memref_slice %arg14[%dma_wait3A_1682, %dma_wait3A_1691, %dma_wait3A_1692] : memref<2x512x64xf32, #tpu.memory_space<vmem>> -> memref<1x512x64xf32, #tpu.memory_space<vmem>>
    %dma_wait3A_1694 = tpu.memref_squeeze %dma_wait3A_1693 : memref<1x512x64xf32, #tpu.memory_space<vmem>> -> memref<512x64xf32, #tpu.memory_space<vmem>>
    tpu.wait_dma2 semaphore(%arg20 : memref<!tpu.dma_semaphore, #tpu.memory_space<semaphore_mem>>) src(%dma_wait3A_1694 : memref<512x64xf32, #tpu.memory_space<vmem>>) dst(%dma_wait3A_1690 : memref<512x64xf32, #tpu.memory_space<hbm>>)
    %dma_start3A_1695 = arith.constant 1 : i32
    %dma_start3A_1696 = arith.constant 0 : i32
    %dma_start3A_1697 = arith.constant 0 : i32
    %dma_start3A_1698 = tpu.memref_slice %arg14[%dma_start3A_1695, %dma_start3A_1696, %dma_start3A_1697] : memref<2x512x64xf32, #tpu.memory_space<vmem>> -> memref<1x512x64xf32, #tpu.memory_space<vmem>>
    %dma_start3A_1699 = tpu.memref_squeeze %dma_start3A_1698 : memref<1x512x64xf32, #tpu.memory_space<vmem>> -> memref<512x64xf32, #tpu.memory_space<vmem>>
    %dma_start3A_1700 = arith.constant 17920 : i32
    %dma_start3A_1701 = tpu.memref_slice %arg13[%dma_start3A_1700] : memref<18432xi32, #tpu.memory_space<vmem>> -> memref<512xi32, #tpu.memory_space<vmem>>
    %dma_start3A_1702 = arith.constant 0 : i32
    %dma_start3A_1703 = arith.constant 0 : i32
    %dma_start3A_1704 = tpu.memref_slice %arg16[%dma_start3A_1702, %dma_start3A_1703] : memref<1000x64xf32, #tpu.memory_space<vmem_shared>> -> memref<1000x64xf32, #tpu.memory_space<vmem_shared>>
    tpu.enqueue_indirect_dma source(%dma_start3A_1704 : memref<1000x64xf32, #tpu.memory_space<vmem_shared>>) target(%dma_start3A_1699 : memref<512x64xf32, #tpu.memory_space<vmem>>) offsets(%dma_start3A_1701 : memref<512xi32, #tpu.memory_space<vmem>>) semaphore(%arg18 : memref<!tpu.dma_semaphore, #tpu.memory_space<semaphore_mem>>)
    %dma_wait3A_1705 = arith.constant 0 : i32
    %dma_wait3A_1706 = arith.constant 0 : i32
    %dma_wait3A_1707 = arith.constant 0 : i32
    %dma_wait3A_1708 = tpu.memref_slice %arg14[%dma_wait3A_1705, %dma_wait3A_1706, %dma_wait3A_1707] : memref<2x512x64xf32, #tpu.memory_space<vmem>> -> memref<1x512x64xf32, #tpu.memory_space<vmem>>
    %dma_wait3A_1709 = tpu.memref_squeeze %dma_wait3A_1708 : memref<1x512x64xf32, #tpu.memory_space<vmem>> -> memref<512x64xf32, #tpu.memory_space<vmem>>
    %dma_wait3A_1710 = arith.constant 17408 : i32
    %dma_wait3A_1711 = tpu.memref_slice %arg13[%dma_wait3A_1710] : memref<18432xi32, #tpu.memory_space<vmem>> -> memref<512xi32, #tpu.memory_space<vmem>>
    %dma_wait3A_1712 = arith.constant 0 : i32
    %dma_wait3A_1713 = arith.constant 0 : i32
    %dma_wait3A_1714 = tpu.memref_slice %arg16[%dma_wait3A_1712, %dma_wait3A_1713] : memref<1000x64xf32, #tpu.memory_space<vmem_shared>> -> memref<1000x64xf32, #tpu.memory_space<vmem_shared>>
    tpu.wait_indirect_dma semaphore(%arg17 : memref<!tpu.dma_semaphore, #tpu.memory_space<semaphore_mem>>) src(%dma_wait3A_1714 : memref<1000x64xf32, #tpu.memory_space<vmem_shared>>) dst(%dma_wait3A_1709 : memref<512x64xf32, #tpu.memory_space<vmem>>)
    %dma_start3A_1715 = arith.constant 0 : i32
    %dma_start3A_1716 = arith.constant 0 : i32
    %dma_start3A_1717 = arith.constant 0 : i32
    %dma_start3A_1718 = tpu.memref_slice %arg14[%dma_start3A_1715, %dma_start3A_1716, %dma_start3A_1717] : memref<2x512x64xf32, #tpu.memory_space<vmem>> -> memref<1x512x64xf32, #tpu.memory_space<vmem>>
    %dma_start3A_1719 = tpu.memref_squeeze %dma_start3A_1718 : memref<1x512x64xf32, #tpu.memory_space<vmem>> -> memref<512x64xf32, #tpu.memory_space<vmem>>
    %dma_start3A_1720 = arith.constant 0 : i32
    %dma_start3A_1721 = tpu.memref_slice %arg12[%add3A_120, %dma_start3A_1720] : memref<491520x64xf32, #tpu.memory_space<hbm>> -> memref<512x64xf32, #tpu.memory_space<hbm>>
    %dma_start3A_1722 = arith.constant 0 : i32
    %dma_start3A_1723 = tpu.memref_slice %arg12[%add3A_120, %dma_start3A_1722] : memref<491520x64xf32, #tpu.memory_space<hbm>> -> memref<512x64xf32, #tpu.memory_space<hbm>>
    %dma_start3A_1724 = arith.constant 0 : i32
    %dma_start3A_1725 = arith.constant 0 : i32
    %dma_start3A_1726 = tpu.memref_slice %arg14[%dma_start3A_1715, %dma_start3A_1724, %dma_start3A_1725] : memref<2x512x64xf32, #tpu.memory_space<vmem>> -> memref<1x512x64xf32, #tpu.memory_space<vmem>>
    %dma_start3A_1727 = tpu.memref_squeeze %dma_start3A_1726 : memref<1x512x64xf32, #tpu.memory_space<vmem>> -> memref<512x64xf32, #tpu.memory_space<vmem>>
    tpu.enqueue_dma source(%dma_start3A_1727 : memref<512x64xf32, #tpu.memory_space<vmem>>) target(%dma_start3A_1723 : memref<512x64xf32, #tpu.memory_space<hbm>>) target_semaphore(%arg19 : memref<!tpu.dma_semaphore, #tpu.memory_space<semaphore_mem>>)
    %dma_wait3A_1728 = arith.constant 1 : i32
    %dma_wait3A_1729 = arith.constant 0 : i32
    %dma_wait3A_1730 = arith.constant 0 : i32
    %dma_wait3A_1731 = tpu.memref_slice %arg14[%dma_wait3A_1728, %dma_wait3A_1729, %dma_wait3A_1730] : memref<2x512x64xf32, #tpu.memory_space<vmem>> -> memref<1x512x64xf32, #tpu.memory_space<vmem>>
    %dma_wait3A_1732 = tpu.memref_squeeze %dma_wait3A_1731 : memref<1x512x64xf32, #tpu.memory_space<vmem>> -> memref<512x64xf32, #tpu.memory_space<vmem>>
    %dma_wait3A_1733 = arith.constant 17920 : i32
    %dma_wait3A_1734 = tpu.memref_slice %arg13[%dma_wait3A_1733] : memref<18432xi32, #tpu.memory_space<vmem>> -> memref<512xi32, #tpu.memory_space<vmem>>
    %dma_wait3A_1735 = arith.constant 0 : i32
    %dma_wait3A_1736 = arith.constant 0 : i32
    %dma_wait3A_1737 = tpu.memref_slice %arg16[%dma_wait3A_1735, %dma_wait3A_1736] : memref<1000x64xf32, #tpu.memory_space<vmem_shared>> -> memref<1000x64xf32, #tpu.memory_space<vmem_shared>>
    tpu.wait_indirect_dma semaphore(%arg18 : memref<!tpu.dma_semaphore, #tpu.memory_space<semaphore_mem>>) src(%dma_wait3A_1737 : memref<1000x64xf32, #tpu.memory_space<vmem_shared>>) dst(%dma_wait3A_1732 : memref<512x64xf32, #tpu.memory_space<vmem>>)
    %dma_start3A_1738 = arith.constant 1 : i32
    %dma_start3A_1739 = arith.constant 0 : i32
    %dma_start3A_1740 = arith.constant 0 : i32
    %dma_start3A_1741 = tpu.memref_slice %arg14[%dma_start3A_1738, %dma_start3A_1739, %dma_start3A_1740] : memref<2x512x64xf32, #tpu.memory_space<vmem>> -> memref<1x512x64xf32, #tpu.memory_space<vmem>>
    %dma_start3A_1742 = tpu.memref_squeeze %dma_start3A_1741 : memref<1x512x64xf32, #tpu.memory_space<vmem>> -> memref<512x64xf32, #tpu.memory_space<vmem>>
    %dma_start3A_1743 = arith.constant 0 : i32
    %dma_start3A_1744 = tpu.memref_slice %arg12[%add3A_122, %dma_start3A_1743] : memref<491520x64xf32, #tpu.memory_space<hbm>> -> memref<512x64xf32, #tpu.memory_space<hbm>>
    %dma_start3A_1745 = arith.constant 0 : i32
    %dma_start3A_1746 = tpu.memref_slice %arg12[%add3A_122, %dma_start3A_1745] : memref<491520x64xf32, #tpu.memory_space<hbm>> -> memref<512x64xf32, #tpu.memory_space<hbm>>
    %dma_start3A_1747 = arith.constant 0 : i32
    %dma_start3A_1748 = arith.constant 0 : i32
    %dma_start3A_1749 = tpu.memref_slice %arg14[%dma_start3A_1738, %dma_start3A_1747, %dma_start3A_1748] : memref<2x512x64xf32, #tpu.memory_space<vmem>> -> memref<1x512x64xf32, #tpu.memory_space<vmem>>
    %dma_start3A_1750 = tpu.memref_squeeze %dma_start3A_1749 : memref<1x512x64xf32, #tpu.memory_space<vmem>> -> memref<512x64xf32, #tpu.memory_space<vmem>>
    tpu.enqueue_dma source(%dma_start3A_1750 : memref<512x64xf32, #tpu.memory_space<vmem>>) target(%dma_start3A_1746 : memref<512x64xf32, #tpu.memory_space<hbm>>) target_semaphore(%arg20 : memref<!tpu.dma_semaphore, #tpu.memory_space<semaphore_mem>>)
    %dma_wait3A_1751 = arith.constant 0 : i32
    %dma_wait3A_1752 = arith.constant 0 : i32
    %dma_wait3A_1753 = arith.constant 0 : i32
    %dma_wait3A_1754 = tpu.memref_slice %arg14[%dma_wait3A_1751, %dma_wait3A_1752, %dma_wait3A_1753] : memref<2x512x64xf32, #tpu.memory_space<vmem>> -> memref<1x512x64xf32, #tpu.memory_space<vmem>>
    %dma_wait3A_1755 = tpu.memref_squeeze %dma_wait3A_1754 : memref<1x512x64xf32, #tpu.memory_space<vmem>> -> memref<512x64xf32, #tpu.memory_space<vmem>>
    %dma_wait3A_1756 = arith.constant 0 : i32
    %dma_wait3A_1757 = tpu.memref_slice %arg12[%add3A_120, %dma_wait3A_1756] : memref<491520x64xf32, #tpu.memory_space<hbm>> -> memref<512x64xf32, #tpu.memory_space<hbm>>
    %dma_wait3A_1758 = arith.constant 0 : i32
    %dma_wait3A_1759 = tpu.memref_slice %arg12[%add3A_120, %dma_wait3A_1758] : memref<491520x64xf32, #tpu.memory_space<hbm>> -> memref<512x64xf32, #tpu.memory_space<hbm>>
    %dma_wait3A_1760 = arith.constant 0 : i32
    %dma_wait3A_1761 = arith.constant 0 : i32
    %dma_wait3A_1762 = tpu.memref_slice %arg14[%dma_wait3A_1751, %dma_wait3A_1760, %dma_wait3A_1761] : memref<2x512x64xf32, #tpu.memory_space<vmem>> -> memref<1x512x64xf32, #tpu.memory_space<vmem>>
    %dma_wait3A_1763 = tpu.memref_squeeze %dma_wait3A_1762 : memref<1x512x64xf32, #tpu.memory_space<vmem>> -> memref<512x64xf32, #tpu.memory_space<vmem>>
    tpu.wait_dma2 semaphore(%arg19 : memref<!tpu.dma_semaphore, #tpu.memory_space<semaphore_mem>>) src(%dma_wait3A_1763 : memref<512x64xf32, #tpu.memory_space<vmem>>) dst(%dma_wait3A_1759 : memref<512x64xf32, #tpu.memory_space<hbm>>)
    %dma_wait3A_1764 = arith.constant 1 : i32
    %dma_wait3A_1765 = arith.constant 0 : i32
    %dma_wait3A_1766 = arith.constant 0 : i32
    %dma_wait3A_1767 = tpu.memref_slice %arg14[%dma_wait3A_1764, %dma_wait3A_1765, %dma_wait3A_1766] : memref<2x512x64xf32, #tpu.memory_space<vmem>> -> memref<1x512x64xf32, #tpu.memory_space<vmem>>
    %dma_wait3A_1768 = tpu.memref_squeeze %dma_wait3A_1767 : memref<1x512x64xf32, #tpu.memory_space<vmem>> -> memref<512x64xf32, #tpu.memory_space<vmem>>
    %dma_wait3A_1769 = arith.constant 0 : i32
    %dma_wait3A_1770 = tpu.memref_slice %arg12[%add3A_122, %dma_wait3A_1769] : memref<491520x64xf32, #tpu.memory_space<hbm>> -> memref<512x64xf32, #tpu.memory_space<hbm>>
    %dma_wait3A_1771 = arith.constant 0 : i32
    %dma_wait3A_1772 = tpu.memref_slice %arg12[%add3A_122, %dma_wait3A_1771] : memref<491520x64xf32, #tpu.memory_space<hbm>> -> memref<512x64xf32, #tpu.memory_space<hbm>>
    %dma_wait3A_1773 = arith.constant 0 : i32
    %dma_wait3A_1774 = arith.constant 0 : i32
    %dma_wait3A_1775 = tpu.memref_slice %arg14[%dma_wait3A_1764, %dma_wait3A_1773, %dma_wait3A_1774] : memref<2x512x64xf32, #tpu.memory_space<vmem>> -> memref<1x512x64xf32, #tpu.memory_space<vmem>>
    %dma_wait3A_1776 = tpu.memref_squeeze %dma_wait3A_1775 : memref<1x512x64xf32, #tpu.memory_space<vmem>> -> memref<512x64xf32, #tpu.memory_space<vmem>>
    tpu.wait_dma2 semaphore(%arg20 : memref<!tpu.dma_semaphore, #tpu.memory_space<semaphore_mem>>) src(%dma_wait3A_1776 : memref<512x64xf32, #tpu.memory_space<vmem>>) dst(%dma_wait3A_1772 : memref<512x64xf32, #tpu.memory_space<hbm>>)
    return
  }
}

module attributes {stable_mosaic.version = 14 : i64} {
  func.func @_loss_body(%arg0: i32, %arg1: memref<3x512x128xf32, #tpu.memory_space<vmem>>, %arg2: memref<3x512x128xf32, #tpu.memory_space<vmem>>, %arg3: memref<3x10x512x128xf32, #tpu.memory_space<vmem>>, %arg4: memref<1x1xf32, #tpu.memory_space<smem>>, %arg5: memref<1xf32, #tpu.memory_space<smem>>) attributes {dimension_semantics = [#tpu.dimension_semantics<arbitrary>], iteration_bounds = array<i64: 16>, scalar_prefetch = 0 : i64, scratch_operands = 1 : i64, tpu.core_type = #tpu.core_type<tc>, window_params = [{transform_indices = @transform_0, window_bounds = array<i64: 3, 512, 128>}, {transform_indices = @transform_1, window_bounds = array<i64: 3, 512, 128>}, {transform_indices = @transform_2, window_bounds = array<i64: 3, 10, 512, 128>}, {transform_indices = @transform_3, window_bounds = array<i64: 1, 1>}]} {
    %eq3A = arith.constant 0 : i32
    %eq3A_0 = arith.cmpi eq, %arg0, %eq3A : i32
    %convert_element_type3A = arith.extui %eq3A_0 : i1 to i32
    %cond3A = arith.constant 0 : i32
    %cond3A_1 = arith.cmpi ne, %convert_element_type3A, %cond3A : i32
    scf.if %cond3A_1 {
      %swap3A_2556 = arith.constant 0.000000e+00 : f32
      %swap3A_2557 = arith.constant 0 : index
      %swap3A_2558 = memref.load %arg5[%swap3A_2557] : memref<1xf32, #tpu.memory_space<smem>>
      memref.store %swap3A_2556, %arg5[%swap3A_2557] : memref<1xf32, #tpu.memory_space<smem>>
    } else {
    }
    %iota3A = tpu.iota {dimensions = array<i32: 1>} : vector<512x128xi32>
    %lt3A = arith.constant 64 : i32
    %lt3A_2 = vector.broadcast %lt3A : i32 to vector<512x128xi32>
    %lt3A_3 = arith.cmpi slt, %iota3A, %lt3A_2 : vector<512x128xi32>
    %convert_element_type3A_4 = arith.extui %lt3A_3 : vector<512x128xi1> to vector<512x128xi32>
    %convert_element_type3A_5 = arith.sitofp %convert_element_type3A_4 : vector<512x128xi32> to vector<512x128xf32>
    %get3A = arith.constant 0 : index
    %get3A_6 = arith.constant 0 : index
    %get3A_7 = arith.constant 0 : index
    %get3A_8 = vector.load %arg1[%get3A, %get3A_6, %get3A_7] : memref<3x512x128xf32, #tpu.memory_space<vmem>>, vector<1x512x128xf32>
    %get3A_9 = vector.shape_cast %get3A_8 : vector<1x512x128xf32> to vector<512x128xf32>
    %get3A_10 = arith.constant 0 : index
    %get3A_11 = arith.constant 0 : index
    %get3A_12 = arith.constant 0 : index
    %get3A_13 = vector.load %arg2[%get3A_10, %get3A_11, %get3A_12] : memref<3x512x128xf32, #tpu.memory_space<vmem>>, vector<1x512x128xf32>
    %get3A_14 = vector.shape_cast %get3A_13 : vector<1x512x128xf32> to vector<512x128xf32>
    %mul3A = arith.mulf %get3A_9, %get3A_14 : vector<512x128xf32>
    %reduce_sum3A = arith.constant dense<0.000000e+00> : vector<512xf32>
    %reduce_sum3A_15 = vector.multi_reduction <add>, %mul3A, %reduce_sum3A [1] : vector<512x128xf32> to vector<512xf32>
    %mul3A_16 = arith.mulf %mul3A, %convert_element_type3A_5 : vector<512x128xf32>
    %reduce_sum3A_17 = arith.constant dense<0.000000e+00> : vector<512xf32>
    %reduce_sum3A_18 = vector.multi_reduction <add>, %mul3A_16, %reduce_sum3A_17 [1] : vector<512x128xf32> to vector<512xf32>
    %sub3A = arith.subf %reduce_sum3A_15, %reduce_sum3A_18 : vector<512xf32>
    %mul3A_19 = arith.constant 1.000000e+00 : f32
    %mul3A_20 = vector.broadcast %mul3A_19 : f32 to vector<512xf32>
    %mul3A_21 = arith.mulf %mul3A_20, %reduce_sum3A_18 : vector<512xf32>
    %neg3A = arith.constant 0.000000e+00 : f32
    %neg3A_22 = vector.broadcast %neg3A : f32 to vector<512xf32>
    %neg3A_23 = arith.subf %neg3A_22, %mul3A_21 : vector<512xf32>
    %custom_jvp_call3A = arith.constant 0.000000e+00 : f32
    %max3A = vector.broadcast %custom_jvp_call3A : f32 to vector<512xf32>
    %max3A_24 = arith.maximumf %neg3A_23, %max3A : vector<512xf32>
    %sub3A_25 = vector.broadcast %custom_jvp_call3A : f32 to vector<512xf32>
    %sub3A_26 = arith.subf %neg3A_23, %sub3A_25 : vector<512xf32>
    %ne3A = arith.cmpf one, %sub3A_26, %sub3A_26 : vector<512xf32>
    %add3A = vector.broadcast %custom_jvp_call3A : f32 to vector<512xf32>
    %add3A_27 = arith.addf %neg3A_23, %add3A : vector<512xf32>
    %abs3A = math.absf %sub3A_26 : vector<512xf32>
    %neg3A_28 = arith.constant 0.000000e+00 : f32
    %neg3A_29 = vector.broadcast %neg3A_28 : f32 to vector<512xf32>
    %neg3A_30 = arith.subf %neg3A_29, %abs3A : vector<512xf32>
    %exp3A = math.exp %neg3A_30 : vector<512xf32>
    %log1p3A = math.log1p %exp3A : vector<512xf32>
    %add3A_31 = arith.addf %max3A_24, %log1p3A : vector<512xf32>
    %select_n3A = arith.select %ne3A, %add3A_27, %add3A_31 : vector<512xi1>, vector<512xf32>
    %neg3A_32 = arith.constant 0.000000e+00 : f32
    %neg3A_33 = vector.broadcast %neg3A_32 : f32 to vector<512xf32>
    %neg3A_34 = arith.subf %neg3A_33, %select_n3A : vector<512xf32>
    %reduce_sum3A_35 = vector.shape_cast %neg3A_34 : vector<512xf32> to vector<1x512xf32>
    %reduce_sum3A_36 = arith.constant dense<0.000000e+00> : vector<1xf32>
    %reduce_sum3A_37 = vector.multi_reduction <add>, %reduce_sum3A_35, %reduce_sum3A_36 [1] : vector<1x512xf32> to vector<1xf32>
    %reduce_sum3A_38 = vector.shape_cast %reduce_sum3A_37 : vector<1xf32> to vector<1x1xf32>
    %reduce_sum3A_39 = vector.extract %reduce_sum3A_38[0, 0] : f32 from vector<1x1xf32>
    %mul3A_40 = arith.constant 1.000000e+00 : f32
    %mul3A_41 = vector.broadcast %mul3A_40 : f32 to vector<512xf32>
    %mul3A_42 = arith.mulf %mul3A_41, %sub3A : vector<512xf32>
    %neg3A_43 = arith.constant 0.000000e+00 : f32
    %neg3A_44 = vector.broadcast %neg3A_43 : f32 to vector<512xf32>
    %neg3A_45 = arith.subf %neg3A_44, %mul3A_42 : vector<512xf32>
    %custom_jvp_call3A_46 = arith.constant 0.000000e+00 : f32
    %max3A_47 = vector.broadcast %custom_jvp_call3A_46 : f32 to vector<512xf32>
    %max3A_48 = arith.maximumf %neg3A_45, %max3A_47 : vector<512xf32>
    %sub3A_49 = vector.broadcast %custom_jvp_call3A_46 : f32 to vector<512xf32>
    %sub3A_50 = arith.subf %neg3A_45, %sub3A_49 : vector<512xf32>
    %ne3A_51 = arith.cmpf one, %sub3A_50, %sub3A_50 : vector<512xf32>
    %add3A_52 = vector.broadcast %custom_jvp_call3A_46 : f32 to vector<512xf32>
    %add3A_53 = arith.addf %neg3A_45, %add3A_52 : vector<512xf32>
    %abs3A_54 = math.absf %sub3A_50 : vector<512xf32>
    %neg3A_55 = arith.constant 0.000000e+00 : f32
    %neg3A_56 = vector.broadcast %neg3A_55 : f32 to vector<512xf32>
    %neg3A_57 = arith.subf %neg3A_56, %abs3A_54 : vector<512xf32>
    %exp3A_58 = math.exp %neg3A_57 : vector<512xf32>
    %log1p3A_59 = math.log1p %exp3A_58 : vector<512xf32>
    %add3A_60 = arith.addf %max3A_48, %log1p3A_59 : vector<512xf32>
    %select_n3A_61 = arith.select %ne3A_51, %add3A_53, %add3A_60 : vector<512xi1>, vector<512xf32>
    %neg3A_62 = arith.constant 0.000000e+00 : f32
    %neg3A_63 = vector.broadcast %neg3A_62 : f32 to vector<512xf32>
    %neg3A_64 = arith.subf %neg3A_63, %select_n3A_61 : vector<512xf32>
    %reduce_sum3A_65 = vector.shape_cast %neg3A_64 : vector<512xf32> to vector<1x512xf32>
    %reduce_sum3A_66 = arith.constant dense<0.000000e+00> : vector<1xf32>
    %reduce_sum3A_67 = vector.multi_reduction <add>, %reduce_sum3A_65, %reduce_sum3A_66 [1] : vector<1x512xf32> to vector<1xf32>
    %reduce_sum3A_68 = vector.shape_cast %reduce_sum3A_67 : vector<1xf32> to vector<1x1xf32>
    %reduce_sum3A_69 = vector.extract %reduce_sum3A_68[0, 0] : f32 from vector<1x1xf32>
    %add3A_70 = arith.addf %reduce_sum3A_39, %reduce_sum3A_69 : f32
    %mul3A_71 = arith.constant 1.000000e+00 : f32
    %mul3A_72 = arith.mulf %mul3A_71, %add3A_70 : f32
    %add3A_73 = arith.constant 0.000000e+00 : f32
    %add3A_74 = arith.addf %add3A_73, %mul3A_72 : f32
    %get3A_75 = arith.constant 0 : index
    %get3A_76 = arith.constant 0 : index
    %get3A_77 = arith.constant 0 : index
    %get3A_78 = arith.constant 0 : index
    %get3A_79 = vector.load %arg3[%get3A_75, %get3A_76, %get3A_77, %get3A_78] : memref<3x10x512x128xf32, #tpu.memory_space<vmem>>, vector<1x1x512x128xf32>
    %get3A_80 = vector.shape_cast %get3A_79 : vector<1x1x512x128xf32> to vector<512x128xf32>
    %mul3A_81 = arith.mulf %get3A_9, %get3A_80 : vector<512x128xf32>
    %reduce_sum3A_82 = arith.constant dense<0.000000e+00> : vector<512xf32>
    %reduce_sum3A_83 = vector.multi_reduction <add>, %mul3A_81, %reduce_sum3A_82 [1] : vector<512x128xf32> to vector<512xf32>
    %mul3A_84 = arith.mulf %mul3A_81, %convert_element_type3A_5 : vector<512x128xf32>
    %reduce_sum3A_85 = arith.constant dense<0.000000e+00> : vector<512xf32>
    %reduce_sum3A_86 = vector.multi_reduction <add>, %mul3A_84, %reduce_sum3A_85 [1] : vector<512x128xf32> to vector<512xf32>
    %sub3A_87 = arith.subf %reduce_sum3A_83, %reduce_sum3A_86 : vector<512xf32>
    %mul3A_88 = arith.constant -1.000000e+00 : f32
    %mul3A_89 = vector.broadcast %mul3A_88 : f32 to vector<512xf32>
    %mul3A_90 = arith.mulf %mul3A_89, %reduce_sum3A_86 : vector<512xf32>
    %neg3A_91 = arith.constant 0.000000e+00 : f32
    %neg3A_92 = vector.broadcast %neg3A_91 : f32 to vector<512xf32>
    %neg3A_93 = arith.subf %neg3A_92, %mul3A_90 : vector<512xf32>
    %custom_jvp_call3A_94 = arith.constant 0.000000e+00 : f32
    %max3A_95 = vector.broadcast %custom_jvp_call3A_94 : f32 to vector<512xf32>
    %max3A_96 = arith.maximumf %neg3A_93, %max3A_95 : vector<512xf32>
    %sub3A_97 = vector.broadcast %custom_jvp_call3A_94 : f32 to vector<512xf32>
    %sub3A_98 = arith.subf %neg3A_93, %sub3A_97 : vector<512xf32>
    %ne3A_99 = arith.cmpf one, %sub3A_98, %sub3A_98 : vector<512xf32>
    %add3A_100 = vector.broadcast %custom_jvp_call3A_94 : f32 to vector<512xf32>
    %add3A_101 = arith.addf %neg3A_93, %add3A_100 : vector<512xf32>
    %abs3A_102 = math.absf %sub3A_98 : vector<512xf32>
    %neg3A_103 = arith.constant 0.000000e+00 : f32
    %neg3A_104 = vector.broadcast %neg3A_103 : f32 to vector<512xf32>
    %neg3A_105 = arith.subf %neg3A_104, %abs3A_102 : vector<512xf32>
    %exp3A_106 = math.exp %neg3A_105 : vector<512xf32>
    %log1p3A_107 = math.log1p %exp3A_106 : vector<512xf32>
    %add3A_108 = arith.addf %max3A_96, %log1p3A_107 : vector<512xf32>
    %select_n3A_109 = arith.select %ne3A_99, %add3A_101, %add3A_108 : vector<512xi1>, vector<512xf32>
    %neg3A_110 = arith.constant 0.000000e+00 : f32
    %neg3A_111 = vector.broadcast %neg3A_110 : f32 to vector<512xf32>
    %neg3A_112 = arith.subf %neg3A_111, %select_n3A_109 : vector<512xf32>
    %reduce_sum3A_113 = vector.shape_cast %neg3A_112 : vector<512xf32> to vector<1x512xf32>
    %reduce_sum3A_114 = arith.constant dense<0.000000e+00> : vector<1xf32>
    %reduce_sum3A_115 = vector.multi_reduction <add>, %reduce_sum3A_113, %reduce_sum3A_114 [1] : vector<1x512xf32> to vector<1xf32>
    %reduce_sum3A_116 = vector.shape_cast %reduce_sum3A_115 : vector<1xf32> to vector<1x1xf32>
    %reduce_sum3A_117 = vector.extract %reduce_sum3A_116[0, 0] : f32 from vector<1x1xf32>
    %mul3A_118 = arith.constant -1.000000e+00 : f32
    %mul3A_119 = vector.broadcast %mul3A_118 : f32 to vector<512xf32>
    %mul3A_120 = arith.mulf %mul3A_119, %sub3A_87 : vector<512xf32>
    %neg3A_121 = arith.constant 0.000000e+00 : f32
    %neg3A_122 = vector.broadcast %neg3A_121 : f32 to vector<512xf32>
    %neg3A_123 = arith.subf %neg3A_122, %mul3A_120 : vector<512xf32>
    %custom_jvp_call3A_124 = arith.constant 0.000000e+00 : f32
    %max3A_125 = vector.broadcast %custom_jvp_call3A_124 : f32 to vector<512xf32>
    %max3A_126 = arith.maximumf %neg3A_123, %max3A_125 : vector<512xf32>
    %sub3A_127 = vector.broadcast %custom_jvp_call3A_124 : f32 to vector<512xf32>
    %sub3A_128 = arith.subf %neg3A_123, %sub3A_127 : vector<512xf32>
    %ne3A_129 = arith.cmpf one, %sub3A_128, %sub3A_128 : vector<512xf32>
    %add3A_130 = vector.broadcast %custom_jvp_call3A_124 : f32 to vector<512xf32>
    %add3A_131 = arith.addf %neg3A_123, %add3A_130 : vector<512xf32>
    %abs3A_132 = math.absf %sub3A_128 : vector<512xf32>
    %neg3A_133 = arith.constant 0.000000e+00 : f32
    %neg3A_134 = vector.broadcast %neg3A_133 : f32 to vector<512xf32>
    %neg3A_135 = arith.subf %neg3A_134, %abs3A_132 : vector<512xf32>
    %exp3A_136 = math.exp %neg3A_135 : vector<512xf32>
    %log1p3A_137 = math.log1p %exp3A_136 : vector<512xf32>
    %add3A_138 = arith.addf %max3A_126, %log1p3A_137 : vector<512xf32>
    %select_n3A_139 = arith.select %ne3A_129, %add3A_131, %add3A_138 : vector<512xi1>, vector<512xf32>
    %neg3A_140 = arith.constant 0.000000e+00 : f32
    %neg3A_141 = vector.broadcast %neg3A_140 : f32 to vector<512xf32>
    %neg3A_142 = arith.subf %neg3A_141, %select_n3A_139 : vector<512xf32>
    %reduce_sum3A_143 = vector.shape_cast %neg3A_142 : vector<512xf32> to vector<1x512xf32>
    %reduce_sum3A_144 = arith.constant dense<0.000000e+00> : vector<1xf32>
    %reduce_sum3A_145 = vector.multi_reduction <add>, %reduce_sum3A_143, %reduce_sum3A_144 [1] : vector<1x512xf32> to vector<1xf32>
    %reduce_sum3A_146 = vector.shape_cast %reduce_sum3A_145 : vector<1xf32> to vector<1x1xf32>
    %reduce_sum3A_147 = vector.extract %reduce_sum3A_146[0, 0] : f32 from vector<1x1xf32>
    %add3A_148 = arith.addf %reduce_sum3A_117, %reduce_sum3A_147 : f32
    %mul3A_149 = arith.constant 1.000000e+00 : f32
    %mul3A_150 = arith.mulf %mul3A_149, %add3A_148 : f32
    %add3A_151 = arith.addf %add3A_74, %mul3A_150 : f32
    %get3A_152 = arith.constant 0 : index
    %get3A_153 = arith.constant 1 : index
    %get3A_154 = arith.constant 0 : index
    %get3A_155 = arith.constant 0 : index
    %get3A_156 = vector.load %arg3[%get3A_152, %get3A_153, %get3A_154, %get3A_155] : memref<3x10x512x128xf32, #tpu.memory_space<vmem>>, vector<1x1x512x128xf32>
    %get3A_157 = vector.shape_cast %get3A_156 : vector<1x1x512x128xf32> to vector<512x128xf32>
    %mul3A_158 = arith.mulf %get3A_9, %get3A_157 : vector<512x128xf32>
    %reduce_sum3A_159 = arith.constant dense<0.000000e+00> : vector<512xf32>
    %reduce_sum3A_160 = vector.multi_reduction <add>, %mul3A_158, %reduce_sum3A_159 [1] : vector<512x128xf32> to vector<512xf32>
    %mul3A_161 = arith.mulf %mul3A_158, %convert_element_type3A_5 : vector<512x128xf32>
    %reduce_sum3A_162 = arith.constant dense<0.000000e+00> : vector<512xf32>
    %reduce_sum3A_163 = vector.multi_reduction <add>, %mul3A_161, %reduce_sum3A_162 [1] : vector<512x128xf32> to vector<512xf32>
    %sub3A_164 = arith.subf %reduce_sum3A_160, %reduce_sum3A_163 : vector<512xf32>
    %mul3A_165 = arith.constant -1.000000e+00 : f32
    %mul3A_166 = vector.broadcast %mul3A_165 : f32 to vector<512xf32>
    %mul3A_167 = arith.mulf %mul3A_166, %reduce_sum3A_163 : vector<512xf32>
    %neg3A_168 = arith.constant 0.000000e+00 : f32
    %neg3A_169 = vector.broadcast %neg3A_168 : f32 to vector<512xf32>
    %neg3A_170 = arith.subf %neg3A_169, %mul3A_167 : vector<512xf32>
    %custom_jvp_call3A_171 = arith.constant 0.000000e+00 : f32
    %max3A_172 = vector.broadcast %custom_jvp_call3A_171 : f32 to vector<512xf32>
    %max3A_173 = arith.maximumf %neg3A_170, %max3A_172 : vector<512xf32>
    %sub3A_174 = vector.broadcast %custom_jvp_call3A_171 : f32 to vector<512xf32>
    %sub3A_175 = arith.subf %neg3A_170, %sub3A_174 : vector<512xf32>
    %ne3A_176 = arith.cmpf one, %sub3A_175, %sub3A_175 : vector<512xf32>
    %add3A_177 = vector.broadcast %custom_jvp_call3A_171 : f32 to vector<512xf32>
    %add3A_178 = arith.addf %neg3A_170, %add3A_177 : vector<512xf32>
    %abs3A_179 = math.absf %sub3A_175 : vector<512xf32>
    %neg3A_180 = arith.constant 0.000000e+00 : f32
    %neg3A_181 = vector.broadcast %neg3A_180 : f32 to vector<512xf32>
    %neg3A_182 = arith.subf %neg3A_181, %abs3A_179 : vector<512xf32>
    %exp3A_183 = math.exp %neg3A_182 : vector<512xf32>
    %log1p3A_184 = math.log1p %exp3A_183 : vector<512xf32>
    %add3A_185 = arith.addf %max3A_173, %log1p3A_184 : vector<512xf32>
    %select_n3A_186 = arith.select %ne3A_176, %add3A_178, %add3A_185 : vector<512xi1>, vector<512xf32>
    %neg3A_187 = arith.constant 0.000000e+00 : f32
    %neg3A_188 = vector.broadcast %neg3A_187 : f32 to vector<512xf32>
    %neg3A_189 = arith.subf %neg3A_188, %select_n3A_186 : vector<512xf32>
    %reduce_sum3A_190 = vector.shape_cast %neg3A_189 : vector<512xf32> to vector<1x512xf32>
    %reduce_sum3A_191 = arith.constant dense<0.000000e+00> : vector<1xf32>
    %reduce_sum3A_192 = vector.multi_reduction <add>, %reduce_sum3A_190, %reduce_sum3A_191 [1] : vector<1x512xf32> to vector<1xf32>
    %reduce_sum3A_193 = vector.shape_cast %reduce_sum3A_192 : vector<1xf32> to vector<1x1xf32>
    %reduce_sum3A_194 = vector.extract %reduce_sum3A_193[0, 0] : f32 from vector<1x1xf32>
    %mul3A_195 = arith.constant -1.000000e+00 : f32
    %mul3A_196 = vector.broadcast %mul3A_195 : f32 to vector<512xf32>
    %mul3A_197 = arith.mulf %mul3A_196, %sub3A_164 : vector<512xf32>
    %neg3A_198 = arith.constant 0.000000e+00 : f32
    %neg3A_199 = vector.broadcast %neg3A_198 : f32 to vector<512xf32>
    %neg3A_200 = arith.subf %neg3A_199, %mul3A_197 : vector<512xf32>
    %custom_jvp_call3A_201 = arith.constant 0.000000e+00 : f32
    %max3A_202 = vector.broadcast %custom_jvp_call3A_201 : f32 to vector<512xf32>
    %max3A_203 = arith.maximumf %neg3A_200, %max3A_202 : vector<512xf32>
    %sub3A_204 = vector.broadcast %custom_jvp_call3A_201 : f32 to vector<512xf32>
    %sub3A_205 = arith.subf %neg3A_200, %sub3A_204 : vector<512xf32>
    %ne3A_206 = arith.cmpf one, %sub3A_205, %sub3A_205 : vector<512xf32>
    %add3A_207 = vector.broadcast %custom_jvp_call3A_201 : f32 to vector<512xf32>
    %add3A_208 = arith.addf %neg3A_200, %add3A_207 : vector<512xf32>
    %abs3A_209 = math.absf %sub3A_205 : vector<512xf32>
    %neg3A_210 = arith.constant 0.000000e+00 : f32
    %neg3A_211 = vector.broadcast %neg3A_210 : f32 to vector<512xf32>
    %neg3A_212 = arith.subf %neg3A_211, %abs3A_209 : vector<512xf32>
    %exp3A_213 = math.exp %neg3A_212 : vector<512xf32>
    %log1p3A_214 = math.log1p %exp3A_213 : vector<512xf32>
    %add3A_215 = arith.addf %max3A_203, %log1p3A_214 : vector<512xf32>
    %select_n3A_216 = arith.select %ne3A_206, %add3A_208, %add3A_215 : vector<512xi1>, vector<512xf32>
    %neg3A_217 = arith.constant 0.000000e+00 : f32
    %neg3A_218 = vector.broadcast %neg3A_217 : f32 to vector<512xf32>
    %neg3A_219 = arith.subf %neg3A_218, %select_n3A_216 : vector<512xf32>
    %reduce_sum3A_220 = vector.shape_cast %neg3A_219 : vector<512xf32> to vector<1x512xf32>
    %reduce_sum3A_221 = arith.constant dense<0.000000e+00> : vector<1xf32>
    %reduce_sum3A_222 = vector.multi_reduction <add>, %reduce_sum3A_220, %reduce_sum3A_221 [1] : vector<1x512xf32> to vector<1xf32>
    %reduce_sum3A_223 = vector.shape_cast %reduce_sum3A_222 : vector<1xf32> to vector<1x1xf32>
    %reduce_sum3A_224 = vector.extract %reduce_sum3A_223[0, 0] : f32 from vector<1x1xf32>
    %add3A_225 = arith.addf %reduce_sum3A_194, %reduce_sum3A_224 : f32
    %mul3A_226 = arith.constant 1.000000e+00 : f32
    %mul3A_227 = arith.mulf %mul3A_226, %add3A_225 : f32
    %add3A_228 = arith.addf %add3A_151, %mul3A_227 : f32
    %get3A_229 = arith.constant 0 : index
    %get3A_230 = arith.constant 2 : index
    %get3A_231 = arith.constant 0 : index
    %get3A_232 = arith.constant 0 : index
    %get3A_233 = vector.load %arg3[%get3A_229, %get3A_230, %get3A_231, %get3A_232] : memref<3x10x512x128xf32, #tpu.memory_space<vmem>>, vector<1x1x512x128xf32>
    %get3A_234 = vector.shape_cast %get3A_233 : vector<1x1x512x128xf32> to vector<512x128xf32>
    %mul3A_235 = arith.mulf %get3A_9, %get3A_234 : vector<512x128xf32>
    %reduce_sum3A_236 = arith.constant dense<0.000000e+00> : vector<512xf32>
    %reduce_sum3A_237 = vector.multi_reduction <add>, %mul3A_235, %reduce_sum3A_236 [1] : vector<512x128xf32> to vector<512xf32>
    %mul3A_238 = arith.mulf %mul3A_235, %convert_element_type3A_5 : vector<512x128xf32>
    %reduce_sum3A_239 = arith.constant dense<0.000000e+00> : vector<512xf32>
    %reduce_sum3A_240 = vector.multi_reduction <add>, %mul3A_238, %reduce_sum3A_239 [1] : vector<512x128xf32> to vector<512xf32>
    %sub3A_241 = arith.subf %reduce_sum3A_237, %reduce_sum3A_240 : vector<512xf32>
    %mul3A_242 = arith.constant -1.000000e+00 : f32
    %mul3A_243 = vector.broadcast %mul3A_242 : f32 to vector<512xf32>
    %mul3A_244 = arith.mulf %mul3A_243, %reduce_sum3A_240 : vector<512xf32>
    %neg3A_245 = arith.constant 0.000000e+00 : f32
    %neg3A_246 = vector.broadcast %neg3A_245 : f32 to vector<512xf32>
    %neg3A_247 = arith.subf %neg3A_246, %mul3A_244 : vector<512xf32>
    %custom_jvp_call3A_248 = arith.constant 0.000000e+00 : f32
    %max3A_249 = vector.broadcast %custom_jvp_call3A_248 : f32 to vector<512xf32>
    %max3A_250 = arith.maximumf %neg3A_247, %max3A_249 : vector<512xf32>
    %sub3A_251 = vector.broadcast %custom_jvp_call3A_248 : f32 to vector<512xf32>
    %sub3A_252 = arith.subf %neg3A_247, %sub3A_251 : vector<512xf32>
    %ne3A_253 = arith.cmpf one, %sub3A_252, %sub3A_252 : vector<512xf32>
    %add3A_254 = vector.broadcast %custom_jvp_call3A_248 : f32 to vector<512xf32>
    %add3A_255 = arith.addf %neg3A_247, %add3A_254 : vector<512xf32>
    %abs3A_256 = math.absf %sub3A_252 : vector<512xf32>
    %neg3A_257 = arith.constant 0.000000e+00 : f32
    %neg3A_258 = vector.broadcast %neg3A_257 : f32 to vector<512xf32>
    %neg3A_259 = arith.subf %neg3A_258, %abs3A_256 : vector<512xf32>
    %exp3A_260 = math.exp %neg3A_259 : vector<512xf32>
    %log1p3A_261 = math.log1p %exp3A_260 : vector<512xf32>
    %add3A_262 = arith.addf %max3A_250, %log1p3A_261 : vector<512xf32>
    %select_n3A_263 = arith.select %ne3A_253, %add3A_255, %add3A_262 : vector<512xi1>, vector<512xf32>
    %neg3A_264 = arith.constant 0.000000e+00 : f32
    %neg3A_265 = vector.broadcast %neg3A_264 : f32 to vector<512xf32>
    %neg3A_266 = arith.subf %neg3A_265, %select_n3A_263 : vector<512xf32>
    %reduce_sum3A_267 = vector.shape_cast %neg3A_266 : vector<512xf32> to vector<1x512xf32>
    %reduce_sum3A_268 = arith.constant dense<0.000000e+00> : vector<1xf32>
    %reduce_sum3A_269 = vector.multi_reduction <add>, %reduce_sum3A_267, %reduce_sum3A_268 [1] : vector<1x512xf32> to vector<1xf32>
    %reduce_sum3A_270 = vector.shape_cast %reduce_sum3A_269 : vector<1xf32> to vector<1x1xf32>
    %reduce_sum3A_271 = vector.extract %reduce_sum3A_270[0, 0] : f32 from vector<1x1xf32>
    %mul3A_272 = arith.constant -1.000000e+00 : f32
    %mul3A_273 = vector.broadcast %mul3A_272 : f32 to vector<512xf32>
    %mul3A_274 = arith.mulf %mul3A_273, %sub3A_241 : vector<512xf32>
    %neg3A_275 = arith.constant 0.000000e+00 : f32
    %neg3A_276 = vector.broadcast %neg3A_275 : f32 to vector<512xf32>
    %neg3A_277 = arith.subf %neg3A_276, %mul3A_274 : vector<512xf32>
    %custom_jvp_call3A_278 = arith.constant 0.000000e+00 : f32
    %max3A_279 = vector.broadcast %custom_jvp_call3A_278 : f32 to vector<512xf32>
    %max3A_280 = arith.maximumf %neg3A_277, %max3A_279 : vector<512xf32>
    %sub3A_281 = vector.broadcast %custom_jvp_call3A_278 : f32 to vector<512xf32>
    %sub3A_282 = arith.subf %neg3A_277, %sub3A_281 : vector<512xf32>
    %ne3A_283 = arith.cmpf one, %sub3A_282, %sub3A_282 : vector<512xf32>
    %add3A_284 = vector.broadcast %custom_jvp_call3A_278 : f32 to vector<512xf32>
    %add3A_285 = arith.addf %neg3A_277, %add3A_284 : vector<512xf32>
    %abs3A_286 = math.absf %sub3A_282 : vector<512xf32>
    %neg3A_287 = arith.constant 0.000000e+00 : f32
    %neg3A_288 = vector.broadcast %neg3A_287 : f32 to vector<512xf32>
    %neg3A_289 = arith.subf %neg3A_288, %abs3A_286 : vector<512xf32>
    %exp3A_290 = math.exp %neg3A_289 : vector<512xf32>
    %log1p3A_291 = math.log1p %exp3A_290 : vector<512xf32>
    %add3A_292 = arith.addf %max3A_280, %log1p3A_291 : vector<512xf32>
    %select_n3A_293 = arith.select %ne3A_283, %add3A_285, %add3A_292 : vector<512xi1>, vector<512xf32>
    %neg3A_294 = arith.constant 0.000000e+00 : f32
    %neg3A_295 = vector.broadcast %neg3A_294 : f32 to vector<512xf32>
    %neg3A_296 = arith.subf %neg3A_295, %select_n3A_293 : vector<512xf32>
    %reduce_sum3A_297 = vector.shape_cast %neg3A_296 : vector<512xf32> to vector<1x512xf32>
    %reduce_sum3A_298 = arith.constant dense<0.000000e+00> : vector<1xf32>
    %reduce_sum3A_299 = vector.multi_reduction <add>, %reduce_sum3A_297, %reduce_sum3A_298 [1] : vector<1x512xf32> to vector<1xf32>
    %reduce_sum3A_300 = vector.shape_cast %reduce_sum3A_299 : vector<1xf32> to vector<1x1xf32>
    %reduce_sum3A_301 = vector.extract %reduce_sum3A_300[0, 0] : f32 from vector<1x1xf32>
    %add3A_302 = arith.addf %reduce_sum3A_271, %reduce_sum3A_301 : f32
    %mul3A_303 = arith.constant 1.000000e+00 : f32
    %mul3A_304 = arith.mulf %mul3A_303, %add3A_302 : f32
    %add3A_305 = arith.addf %add3A_228, %mul3A_304 : f32
    %get3A_306 = arith.constant 0 : index
    %get3A_307 = arith.constant 3 : index
    %get3A_308 = arith.constant 0 : index
    %get3A_309 = arith.constant 0 : index
    %get3A_310 = vector.load %arg3[%get3A_306, %get3A_307, %get3A_308, %get3A_309] : memref<3x10x512x128xf32, #tpu.memory_space<vmem>>, vector<1x1x512x128xf32>
    %get3A_311 = vector.shape_cast %get3A_310 : vector<1x1x512x128xf32> to vector<512x128xf32>
    %mul3A_312 = arith.mulf %get3A_9, %get3A_311 : vector<512x128xf32>
    %reduce_sum3A_313 = arith.constant dense<0.000000e+00> : vector<512xf32>
    %reduce_sum3A_314 = vector.multi_reduction <add>, %mul3A_312, %reduce_sum3A_313 [1] : vector<512x128xf32> to vector<512xf32>
    %mul3A_315 = arith.mulf %mul3A_312, %convert_element_type3A_5 : vector<512x128xf32>
    %reduce_sum3A_316 = arith.constant dense<0.000000e+00> : vector<512xf32>
    %reduce_sum3A_317 = vector.multi_reduction <add>, %mul3A_315, %reduce_sum3A_316 [1] : vector<512x128xf32> to vector<512xf32>
    %sub3A_318 = arith.subf %reduce_sum3A_314, %reduce_sum3A_317 : vector<512xf32>
    %mul3A_319 = arith.constant -1.000000e+00 : f32
    %mul3A_320 = vector.broadcast %mul3A_319 : f32 to vector<512xf32>
    %mul3A_321 = arith.mulf %mul3A_320, %reduce_sum3A_317 : vector<512xf32>
    %neg3A_322 = arith.constant 0.000000e+00 : f32
    %neg3A_323 = vector.broadcast %neg3A_322 : f32 to vector<512xf32>
    %neg3A_324 = arith.subf %neg3A_323, %mul3A_321 : vector<512xf32>
    %custom_jvp_call3A_325 = arith.constant 0.000000e+00 : f32
    %max3A_326 = vector.broadcast %custom_jvp_call3A_325 : f32 to vector<512xf32>
    %max3A_327 = arith.maximumf %neg3A_324, %max3A_326 : vector<512xf32>
    %sub3A_328 = vector.broadcast %custom_jvp_call3A_325 : f32 to vector<512xf32>
    %sub3A_329 = arith.subf %neg3A_324, %sub3A_328 : vector<512xf32>
    %ne3A_330 = arith.cmpf one, %sub3A_329, %sub3A_329 : vector<512xf32>
    %add3A_331 = vector.broadcast %custom_jvp_call3A_325 : f32 to vector<512xf32>
    %add3A_332 = arith.addf %neg3A_324, %add3A_331 : vector<512xf32>
    %abs3A_333 = math.absf %sub3A_329 : vector<512xf32>
    %neg3A_334 = arith.constant 0.000000e+00 : f32
    %neg3A_335 = vector.broadcast %neg3A_334 : f32 to vector<512xf32>
    %neg3A_336 = arith.subf %neg3A_335, %abs3A_333 : vector<512xf32>
    %exp3A_337 = math.exp %neg3A_336 : vector<512xf32>
    %log1p3A_338 = math.log1p %exp3A_337 : vector<512xf32>
    %add3A_339 = arith.addf %max3A_327, %log1p3A_338 : vector<512xf32>
    %select_n3A_340 = arith.select %ne3A_330, %add3A_332, %add3A_339 : vector<512xi1>, vector<512xf32>
    %neg3A_341 = arith.constant 0.000000e+00 : f32
    %neg3A_342 = vector.broadcast %neg3A_341 : f32 to vector<512xf32>
    %neg3A_343 = arith.subf %neg3A_342, %select_n3A_340 : vector<512xf32>
    %reduce_sum3A_344 = vector.shape_cast %neg3A_343 : vector<512xf32> to vector<1x512xf32>
    %reduce_sum3A_345 = arith.constant dense<0.000000e+00> : vector<1xf32>
    %reduce_sum3A_346 = vector.multi_reduction <add>, %reduce_sum3A_344, %reduce_sum3A_345 [1] : vector<1x512xf32> to vector<1xf32>
    %reduce_sum3A_347 = vector.shape_cast %reduce_sum3A_346 : vector<1xf32> to vector<1x1xf32>
    %reduce_sum3A_348 = vector.extract %reduce_sum3A_347[0, 0] : f32 from vector<1x1xf32>
    %mul3A_349 = arith.constant -1.000000e+00 : f32
    %mul3A_350 = vector.broadcast %mul3A_349 : f32 to vector<512xf32>
    %mul3A_351 = arith.mulf %mul3A_350, %sub3A_318 : vector<512xf32>
    %neg3A_352 = arith.constant 0.000000e+00 : f32
    %neg3A_353 = vector.broadcast %neg3A_352 : f32 to vector<512xf32>
    %neg3A_354 = arith.subf %neg3A_353, %mul3A_351 : vector<512xf32>
    %custom_jvp_call3A_355 = arith.constant 0.000000e+00 : f32
    %max3A_356 = vector.broadcast %custom_jvp_call3A_355 : f32 to vector<512xf32>
    %max3A_357 = arith.maximumf %neg3A_354, %max3A_356 : vector<512xf32>
    %sub3A_358 = vector.broadcast %custom_jvp_call3A_355 : f32 to vector<512xf32>
    %sub3A_359 = arith.subf %neg3A_354, %sub3A_358 : vector<512xf32>
    %ne3A_360 = arith.cmpf one, %sub3A_359, %sub3A_359 : vector<512xf32>
    %add3A_361 = vector.broadcast %custom_jvp_call3A_355 : f32 to vector<512xf32>
    %add3A_362 = arith.addf %neg3A_354, %add3A_361 : vector<512xf32>
    %abs3A_363 = math.absf %sub3A_359 : vector<512xf32>
    %neg3A_364 = arith.constant 0.000000e+00 : f32
    %neg3A_365 = vector.broadcast %neg3A_364 : f32 to vector<512xf32>
    %neg3A_366 = arith.subf %neg3A_365, %abs3A_363 : vector<512xf32>
    %exp3A_367 = math.exp %neg3A_366 : vector<512xf32>
    %log1p3A_368 = math.log1p %exp3A_367 : vector<512xf32>
    %add3A_369 = arith.addf %max3A_357, %log1p3A_368 : vector<512xf32>
    %select_n3A_370 = arith.select %ne3A_360, %add3A_362, %add3A_369 : vector<512xi1>, vector<512xf32>
    %neg3A_371 = arith.constant 0.000000e+00 : f32
    %neg3A_372 = vector.broadcast %neg3A_371 : f32 to vector<512xf32>
    %neg3A_373 = arith.subf %neg3A_372, %select_n3A_370 : vector<512xf32>
    %reduce_sum3A_374 = vector.shape_cast %neg3A_373 : vector<512xf32> to vector<1x512xf32>
    %reduce_sum3A_375 = arith.constant dense<0.000000e+00> : vector<1xf32>
    %reduce_sum3A_376 = vector.multi_reduction <add>, %reduce_sum3A_374, %reduce_sum3A_375 [1] : vector<1x512xf32> to vector<1xf32>
    %reduce_sum3A_377 = vector.shape_cast %reduce_sum3A_376 : vector<1xf32> to vector<1x1xf32>
    %reduce_sum3A_378 = vector.extract %reduce_sum3A_377[0, 0] : f32 from vector<1x1xf32>
    %add3A_379 = arith.addf %reduce_sum3A_348, %reduce_sum3A_378 : f32
    %mul3A_380 = arith.constant 1.000000e+00 : f32
    %mul3A_381 = arith.mulf %mul3A_380, %add3A_379 : f32
    %add3A_382 = arith.addf %add3A_305, %mul3A_381 : f32
    %get3A_383 = arith.constant 0 : index
    %get3A_384 = arith.constant 4 : index
    %get3A_385 = arith.constant 0 : index
    %get3A_386 = arith.constant 0 : index
    %get3A_387 = vector.load %arg3[%get3A_383, %get3A_384, %get3A_385, %get3A_386] : memref<3x10x512x128xf32, #tpu.memory_space<vmem>>, vector<1x1x512x128xf32>
    %get3A_388 = vector.shape_cast %get3A_387 : vector<1x1x512x128xf32> to vector<512x128xf32>
    %mul3A_389 = arith.mulf %get3A_9, %get3A_388 : vector<512x128xf32>
    %reduce_sum3A_390 = arith.constant dense<0.000000e+00> : vector<512xf32>
    %reduce_sum3A_391 = vector.multi_reduction <add>, %mul3A_389, %reduce_sum3A_390 [1] : vector<512x128xf32> to vector<512xf32>
    %mul3A_392 = arith.mulf %mul3A_389, %convert_element_type3A_5 : vector<512x128xf32>
    %reduce_sum3A_393 = arith.constant dense<0.000000e+00> : vector<512xf32>
    %reduce_sum3A_394 = vector.multi_reduction <add>, %mul3A_392, %reduce_sum3A_393 [1] : vector<512x128xf32> to vector<512xf32>
    %sub3A_395 = arith.subf %reduce_sum3A_391, %reduce_sum3A_394 : vector<512xf32>
    %mul3A_396 = arith.constant -1.000000e+00 : f32
    %mul3A_397 = vector.broadcast %mul3A_396 : f32 to vector<512xf32>
    %mul3A_398 = arith.mulf %mul3A_397, %reduce_sum3A_394 : vector<512xf32>
    %neg3A_399 = arith.constant 0.000000e+00 : f32
    %neg3A_400 = vector.broadcast %neg3A_399 : f32 to vector<512xf32>
    %neg3A_401 = arith.subf %neg3A_400, %mul3A_398 : vector<512xf32>
    %custom_jvp_call3A_402 = arith.constant 0.000000e+00 : f32
    %max3A_403 = vector.broadcast %custom_jvp_call3A_402 : f32 to vector<512xf32>
    %max3A_404 = arith.maximumf %neg3A_401, %max3A_403 : vector<512xf32>
    %sub3A_405 = vector.broadcast %custom_jvp_call3A_402 : f32 to vector<512xf32>
    %sub3A_406 = arith.subf %neg3A_401, %sub3A_405 : vector<512xf32>
    %ne3A_407 = arith.cmpf one, %sub3A_406, %sub3A_406 : vector<512xf32>
    %add3A_408 = vector.broadcast %custom_jvp_call3A_402 : f32 to vector<512xf32>
    %add3A_409 = arith.addf %neg3A_401, %add3A_408 : vector<512xf32>
    %abs3A_410 = math.absf %sub3A_406 : vector<512xf32>
    %neg3A_411 = arith.constant 0.000000e+00 : f32
    %neg3A_412 = vector.broadcast %neg3A_411 : f32 to vector<512xf32>
    %neg3A_413 = arith.subf %neg3A_412, %abs3A_410 : vector<512xf32>
    %exp3A_414 = math.exp %neg3A_413 : vector<512xf32>
    %log1p3A_415 = math.log1p %exp3A_414 : vector<512xf32>
    %add3A_416 = arith.addf %max3A_404, %log1p3A_415 : vector<512xf32>
    %select_n3A_417 = arith.select %ne3A_407, %add3A_409, %add3A_416 : vector<512xi1>, vector<512xf32>
    %neg3A_418 = arith.constant 0.000000e+00 : f32
    %neg3A_419 = vector.broadcast %neg3A_418 : f32 to vector<512xf32>
    %neg3A_420 = arith.subf %neg3A_419, %select_n3A_417 : vector<512xf32>
    %reduce_sum3A_421 = vector.shape_cast %neg3A_420 : vector<512xf32> to vector<1x512xf32>
    %reduce_sum3A_422 = arith.constant dense<0.000000e+00> : vector<1xf32>
    %reduce_sum3A_423 = vector.multi_reduction <add>, %reduce_sum3A_421, %reduce_sum3A_422 [1] : vector<1x512xf32> to vector<1xf32>
    %reduce_sum3A_424 = vector.shape_cast %reduce_sum3A_423 : vector<1xf32> to vector<1x1xf32>
    %reduce_sum3A_425 = vector.extract %reduce_sum3A_424[0, 0] : f32 from vector<1x1xf32>
    %mul3A_426 = arith.constant -1.000000e+00 : f32
    %mul3A_427 = vector.broadcast %mul3A_426 : f32 to vector<512xf32>
    %mul3A_428 = arith.mulf %mul3A_427, %sub3A_395 : vector<512xf32>
    %neg3A_429 = arith.constant 0.000000e+00 : f32
    %neg3A_430 = vector.broadcast %neg3A_429 : f32 to vector<512xf32>
    %neg3A_431 = arith.subf %neg3A_430, %mul3A_428 : vector<512xf32>
    %custom_jvp_call3A_432 = arith.constant 0.000000e+00 : f32
    %max3A_433 = vector.broadcast %custom_jvp_call3A_432 : f32 to vector<512xf32>
    %max3A_434 = arith.maximumf %neg3A_431, %max3A_433 : vector<512xf32>
    %sub3A_435 = vector.broadcast %custom_jvp_call3A_432 : f32 to vector<512xf32>
    %sub3A_436 = arith.subf %neg3A_431, %sub3A_435 : vector<512xf32>
    %ne3A_437 = arith.cmpf one, %sub3A_436, %sub3A_436 : vector<512xf32>
    %add3A_438 = vector.broadcast %custom_jvp_call3A_432 : f32 to vector<512xf32>
    %add3A_439 = arith.addf %neg3A_431, %add3A_438 : vector<512xf32>
    %abs3A_440 = math.absf %sub3A_436 : vector<512xf32>
    %neg3A_441 = arith.constant 0.000000e+00 : f32
    %neg3A_442 = vector.broadcast %neg3A_441 : f32 to vector<512xf32>
    %neg3A_443 = arith.subf %neg3A_442, %abs3A_440 : vector<512xf32>
    %exp3A_444 = math.exp %neg3A_443 : vector<512xf32>
    %log1p3A_445 = math.log1p %exp3A_444 : vector<512xf32>
    %add3A_446 = arith.addf %max3A_434, %log1p3A_445 : vector<512xf32>
    %select_n3A_447 = arith.select %ne3A_437, %add3A_439, %add3A_446 : vector<512xi1>, vector<512xf32>
    %neg3A_448 = arith.constant 0.000000e+00 : f32
    %neg3A_449 = vector.broadcast %neg3A_448 : f32 to vector<512xf32>
    %neg3A_450 = arith.subf %neg3A_449, %select_n3A_447 : vector<512xf32>
    %reduce_sum3A_451 = vector.shape_cast %neg3A_450 : vector<512xf32> to vector<1x512xf32>
    %reduce_sum3A_452 = arith.constant dense<0.000000e+00> : vector<1xf32>
    %reduce_sum3A_453 = vector.multi_reduction <add>, %reduce_sum3A_451, %reduce_sum3A_452 [1] : vector<1x512xf32> to vector<1xf32>
    %reduce_sum3A_454 = vector.shape_cast %reduce_sum3A_453 : vector<1xf32> to vector<1x1xf32>
    %reduce_sum3A_455 = vector.extract %reduce_sum3A_454[0, 0] : f32 from vector<1x1xf32>
    %add3A_456 = arith.addf %reduce_sum3A_425, %reduce_sum3A_455 : f32
    %mul3A_457 = arith.constant 1.000000e+00 : f32
    %mul3A_458 = arith.mulf %mul3A_457, %add3A_456 : f32
    %add3A_459 = arith.addf %add3A_382, %mul3A_458 : f32
    %get3A_460 = arith.constant 0 : index
    %get3A_461 = arith.constant 5 : index
    %get3A_462 = arith.constant 0 : index
    %get3A_463 = arith.constant 0 : index
    %get3A_464 = vector.load %arg3[%get3A_460, %get3A_461, %get3A_462, %get3A_463] : memref<3x10x512x128xf32, #tpu.memory_space<vmem>>, vector<1x1x512x128xf32>
    %get3A_465 = vector.shape_cast %get3A_464 : vector<1x1x512x128xf32> to vector<512x128xf32>
    %mul3A_466 = arith.mulf %get3A_9, %get3A_465 : vector<512x128xf32>
    %reduce_sum3A_467 = arith.constant dense<0.000000e+00> : vector<512xf32>
    %reduce_sum3A_468 = vector.multi_reduction <add>, %mul3A_466, %reduce_sum3A_467 [1] : vector<512x128xf32> to vector<512xf32>
    %mul3A_469 = arith.mulf %mul3A_466, %convert_element_type3A_5 : vector<512x128xf32>
    %reduce_sum3A_470 = arith.constant dense<0.000000e+00> : vector<512xf32>
    %reduce_sum3A_471 = vector.multi_reduction <add>, %mul3A_469, %reduce_sum3A_470 [1] : vector<512x128xf32> to vector<512xf32>
    %sub3A_472 = arith.subf %reduce_sum3A_468, %reduce_sum3A_471 : vector<512xf32>
    %mul3A_473 = arith.constant -1.000000e+00 : f32
    %mul3A_474 = vector.broadcast %mul3A_473 : f32 to vector<512xf32>
    %mul3A_475 = arith.mulf %mul3A_474, %reduce_sum3A_471 : vector<512xf32>
    %neg3A_476 = arith.constant 0.000000e+00 : f32
    %neg3A_477 = vector.broadcast %neg3A_476 : f32 to vector<512xf32>
    %neg3A_478 = arith.subf %neg3A_477, %mul3A_475 : vector<512xf32>
    %custom_jvp_call3A_479 = arith.constant 0.000000e+00 : f32
    %max3A_480 = vector.broadcast %custom_jvp_call3A_479 : f32 to vector<512xf32>
    %max3A_481 = arith.maximumf %neg3A_478, %max3A_480 : vector<512xf32>
    %sub3A_482 = vector.broadcast %custom_jvp_call3A_479 : f32 to vector<512xf32>
    %sub3A_483 = arith.subf %neg3A_478, %sub3A_482 : vector<512xf32>
    %ne3A_484 = arith.cmpf one, %sub3A_483, %sub3A_483 : vector<512xf32>
    %add3A_485 = vector.broadcast %custom_jvp_call3A_479 : f32 to vector<512xf32>
    %add3A_486 = arith.addf %neg3A_478, %add3A_485 : vector<512xf32>
    %abs3A_487 = math.absf %sub3A_483 : vector<512xf32>
    %neg3A_488 = arith.constant 0.000000e+00 : f32
    %neg3A_489 = vector.broadcast %neg3A_488 : f32 to vector<512xf32>
    %neg3A_490 = arith.subf %neg3A_489, %abs3A_487 : vector<512xf32>
    %exp3A_491 = math.exp %neg3A_490 : vector<512xf32>
    %log1p3A_492 = math.log1p %exp3A_491 : vector<512xf32>
    %add3A_493 = arith.addf %max3A_481, %log1p3A_492 : vector<512xf32>
    %select_n3A_494 = arith.select %ne3A_484, %add3A_486, %add3A_493 : vector<512xi1>, vector<512xf32>
    %neg3A_495 = arith.constant 0.000000e+00 : f32
    %neg3A_496 = vector.broadcast %neg3A_495 : f32 to vector<512xf32>
    %neg3A_497 = arith.subf %neg3A_496, %select_n3A_494 : vector<512xf32>
    %reduce_sum3A_498 = vector.shape_cast %neg3A_497 : vector<512xf32> to vector<1x512xf32>
    %reduce_sum3A_499 = arith.constant dense<0.000000e+00> : vector<1xf32>
    %reduce_sum3A_500 = vector.multi_reduction <add>, %reduce_sum3A_498, %reduce_sum3A_499 [1] : vector<1x512xf32> to vector<1xf32>
    %reduce_sum3A_501 = vector.shape_cast %reduce_sum3A_500 : vector<1xf32> to vector<1x1xf32>
    %reduce_sum3A_502 = vector.extract %reduce_sum3A_501[0, 0] : f32 from vector<1x1xf32>
    %mul3A_503 = arith.constant -1.000000e+00 : f32
    %mul3A_504 = vector.broadcast %mul3A_503 : f32 to vector<512xf32>
    %mul3A_505 = arith.mulf %mul3A_504, %sub3A_472 : vector<512xf32>
    %neg3A_506 = arith.constant 0.000000e+00 : f32
    %neg3A_507 = vector.broadcast %neg3A_506 : f32 to vector<512xf32>
    %neg3A_508 = arith.subf %neg3A_507, %mul3A_505 : vector<512xf32>
    %custom_jvp_call3A_509 = arith.constant 0.000000e+00 : f32
    %max3A_510 = vector.broadcast %custom_jvp_call3A_509 : f32 to vector<512xf32>
    %max3A_511 = arith.maximumf %neg3A_508, %max3A_510 : vector<512xf32>
    %sub3A_512 = vector.broadcast %custom_jvp_call3A_509 : f32 to vector<512xf32>
    %sub3A_513 = arith.subf %neg3A_508, %sub3A_512 : vector<512xf32>
    %ne3A_514 = arith.cmpf one, %sub3A_513, %sub3A_513 : vector<512xf32>
    %add3A_515 = vector.broadcast %custom_jvp_call3A_509 : f32 to vector<512xf32>
    %add3A_516 = arith.addf %neg3A_508, %add3A_515 : vector<512xf32>
    %abs3A_517 = math.absf %sub3A_513 : vector<512xf32>
    %neg3A_518 = arith.constant 0.000000e+00 : f32
    %neg3A_519 = vector.broadcast %neg3A_518 : f32 to vector<512xf32>
    %neg3A_520 = arith.subf %neg3A_519, %abs3A_517 : vector<512xf32>
    %exp3A_521 = math.exp %neg3A_520 : vector<512xf32>
    %log1p3A_522 = math.log1p %exp3A_521 : vector<512xf32>
    %add3A_523 = arith.addf %max3A_511, %log1p3A_522 : vector<512xf32>
    %select_n3A_524 = arith.select %ne3A_514, %add3A_516, %add3A_523 : vector<512xi1>, vector<512xf32>
    %neg3A_525 = arith.constant 0.000000e+00 : f32
    %neg3A_526 = vector.broadcast %neg3A_525 : f32 to vector<512xf32>
    %neg3A_527 = arith.subf %neg3A_526, %select_n3A_524 : vector<512xf32>
    %reduce_sum3A_528 = vector.shape_cast %neg3A_527 : vector<512xf32> to vector<1x512xf32>
    %reduce_sum3A_529 = arith.constant dense<0.000000e+00> : vector<1xf32>
    %reduce_sum3A_530 = vector.multi_reduction <add>, %reduce_sum3A_528, %reduce_sum3A_529 [1] : vector<1x512xf32> to vector<1xf32>
    %reduce_sum3A_531 = vector.shape_cast %reduce_sum3A_530 : vector<1xf32> to vector<1x1xf32>
    %reduce_sum3A_532 = vector.extract %reduce_sum3A_531[0, 0] : f32 from vector<1x1xf32>
    %add3A_533 = arith.addf %reduce_sum3A_502, %reduce_sum3A_532 : f32
    %mul3A_534 = arith.constant 1.000000e+00 : f32
    %mul3A_535 = arith.mulf %mul3A_534, %add3A_533 : f32
    %add3A_536 = arith.addf %add3A_459, %mul3A_535 : f32
    %get3A_537 = arith.constant 0 : index
    %get3A_538 = arith.constant 6 : index
    %get3A_539 = arith.constant 0 : index
    %get3A_540 = arith.constant 0 : index
    %get3A_541 = vector.load %arg3[%get3A_537, %get3A_538, %get3A_539, %get3A_540] : memref<3x10x512x128xf32, #tpu.memory_space<vmem>>, vector<1x1x512x128xf32>
    %get3A_542 = vector.shape_cast %get3A_541 : vector<1x1x512x128xf32> to vector<512x128xf32>
    %mul3A_543 = arith.mulf %get3A_9, %get3A_542 : vector<512x128xf32>
    %reduce_sum3A_544 = arith.constant dense<0.000000e+00> : vector<512xf32>
    %reduce_sum3A_545 = vector.multi_reduction <add>, %mul3A_543, %reduce_sum3A_544 [1] : vector<512x128xf32> to vector<512xf32>
    %mul3A_546 = arith.mulf %mul3A_543, %convert_element_type3A_5 : vector<512x128xf32>
    %reduce_sum3A_547 = arith.constant dense<0.000000e+00> : vector<512xf32>
    %reduce_sum3A_548 = vector.multi_reduction <add>, %mul3A_546, %reduce_sum3A_547 [1] : vector<512x128xf32> to vector<512xf32>
    %sub3A_549 = arith.subf %reduce_sum3A_545, %reduce_sum3A_548 : vector<512xf32>
    %mul3A_550 = arith.constant -1.000000e+00 : f32
    %mul3A_551 = vector.broadcast %mul3A_550 : f32 to vector<512xf32>
    %mul3A_552 = arith.mulf %mul3A_551, %reduce_sum3A_548 : vector<512xf32>
    %neg3A_553 = arith.constant 0.000000e+00 : f32
    %neg3A_554 = vector.broadcast %neg3A_553 : f32 to vector<512xf32>
    %neg3A_555 = arith.subf %neg3A_554, %mul3A_552 : vector<512xf32>
    %custom_jvp_call3A_556 = arith.constant 0.000000e+00 : f32
    %max3A_557 = vector.broadcast %custom_jvp_call3A_556 : f32 to vector<512xf32>
    %max3A_558 = arith.maximumf %neg3A_555, %max3A_557 : vector<512xf32>
    %sub3A_559 = vector.broadcast %custom_jvp_call3A_556 : f32 to vector<512xf32>
    %sub3A_560 = arith.subf %neg3A_555, %sub3A_559 : vector<512xf32>
    %ne3A_561 = arith.cmpf one, %sub3A_560, %sub3A_560 : vector<512xf32>
    %add3A_562 = vector.broadcast %custom_jvp_call3A_556 : f32 to vector<512xf32>
    %add3A_563 = arith.addf %neg3A_555, %add3A_562 : vector<512xf32>
    %abs3A_564 = math.absf %sub3A_560 : vector<512xf32>
    %neg3A_565 = arith.constant 0.000000e+00 : f32
    %neg3A_566 = vector.broadcast %neg3A_565 : f32 to vector<512xf32>
    %neg3A_567 = arith.subf %neg3A_566, %abs3A_564 : vector<512xf32>
    %exp3A_568 = math.exp %neg3A_567 : vector<512xf32>
    %log1p3A_569 = math.log1p %exp3A_568 : vector<512xf32>
    %add3A_570 = arith.addf %max3A_558, %log1p3A_569 : vector<512xf32>
    %select_n3A_571 = arith.select %ne3A_561, %add3A_563, %add3A_570 : vector<512xi1>, vector<512xf32>
    %neg3A_572 = arith.constant 0.000000e+00 : f32
    %neg3A_573 = vector.broadcast %neg3A_572 : f32 to vector<512xf32>
    %neg3A_574 = arith.subf %neg3A_573, %select_n3A_571 : vector<512xf32>
    %reduce_sum3A_575 = vector.shape_cast %neg3A_574 : vector<512xf32> to vector<1x512xf32>
    %reduce_sum3A_576 = arith.constant dense<0.000000e+00> : vector<1xf32>
    %reduce_sum3A_577 = vector.multi_reduction <add>, %reduce_sum3A_575, %reduce_sum3A_576 [1] : vector<1x512xf32> to vector<1xf32>
    %reduce_sum3A_578 = vector.shape_cast %reduce_sum3A_577 : vector<1xf32> to vector<1x1xf32>
    %reduce_sum3A_579 = vector.extract %reduce_sum3A_578[0, 0] : f32 from vector<1x1xf32>
    %mul3A_580 = arith.constant -1.000000e+00 : f32
    %mul3A_581 = vector.broadcast %mul3A_580 : f32 to vector<512xf32>
    %mul3A_582 = arith.mulf %mul3A_581, %sub3A_549 : vector<512xf32>
    %neg3A_583 = arith.constant 0.000000e+00 : f32
    %neg3A_584 = vector.broadcast %neg3A_583 : f32 to vector<512xf32>
    %neg3A_585 = arith.subf %neg3A_584, %mul3A_582 : vector<512xf32>
    %custom_jvp_call3A_586 = arith.constant 0.000000e+00 : f32
    %max3A_587 = vector.broadcast %custom_jvp_call3A_586 : f32 to vector<512xf32>
    %max3A_588 = arith.maximumf %neg3A_585, %max3A_587 : vector<512xf32>
    %sub3A_589 = vector.broadcast %custom_jvp_call3A_586 : f32 to vector<512xf32>
    %sub3A_590 = arith.subf %neg3A_585, %sub3A_589 : vector<512xf32>
    %ne3A_591 = arith.cmpf one, %sub3A_590, %sub3A_590 : vector<512xf32>
    %add3A_592 = vector.broadcast %custom_jvp_call3A_586 : f32 to vector<512xf32>
    %add3A_593 = arith.addf %neg3A_585, %add3A_592 : vector<512xf32>
    %abs3A_594 = math.absf %sub3A_590 : vector<512xf32>
    %neg3A_595 = arith.constant 0.000000e+00 : f32
    %neg3A_596 = vector.broadcast %neg3A_595 : f32 to vector<512xf32>
    %neg3A_597 = arith.subf %neg3A_596, %abs3A_594 : vector<512xf32>
    %exp3A_598 = math.exp %neg3A_597 : vector<512xf32>
    %log1p3A_599 = math.log1p %exp3A_598 : vector<512xf32>
    %add3A_600 = arith.addf %max3A_588, %log1p3A_599 : vector<512xf32>
    %select_n3A_601 = arith.select %ne3A_591, %add3A_593, %add3A_600 : vector<512xi1>, vector<512xf32>
    %neg3A_602 = arith.constant 0.000000e+00 : f32
    %neg3A_603 = vector.broadcast %neg3A_602 : f32 to vector<512xf32>
    %neg3A_604 = arith.subf %neg3A_603, %select_n3A_601 : vector<512xf32>
    %reduce_sum3A_605 = vector.shape_cast %neg3A_604 : vector<512xf32> to vector<1x512xf32>
    %reduce_sum3A_606 = arith.constant dense<0.000000e+00> : vector<1xf32>
    %reduce_sum3A_607 = vector.multi_reduction <add>, %reduce_sum3A_605, %reduce_sum3A_606 [1] : vector<1x512xf32> to vector<1xf32>
    %reduce_sum3A_608 = vector.shape_cast %reduce_sum3A_607 : vector<1xf32> to vector<1x1xf32>
    %reduce_sum3A_609 = vector.extract %reduce_sum3A_608[0, 0] : f32 from vector<1x1xf32>
    %add3A_610 = arith.addf %reduce_sum3A_579, %reduce_sum3A_609 : f32
    %mul3A_611 = arith.constant 1.000000e+00 : f32
    %mul3A_612 = arith.mulf %mul3A_611, %add3A_610 : f32
    %add3A_613 = arith.addf %add3A_536, %mul3A_612 : f32
    %get3A_614 = arith.constant 0 : index
    %get3A_615 = arith.constant 7 : index
    %get3A_616 = arith.constant 0 : index
    %get3A_617 = arith.constant 0 : index
    %get3A_618 = vector.load %arg3[%get3A_614, %get3A_615, %get3A_616, %get3A_617] : memref<3x10x512x128xf32, #tpu.memory_space<vmem>>, vector<1x1x512x128xf32>
    %get3A_619 = vector.shape_cast %get3A_618 : vector<1x1x512x128xf32> to vector<512x128xf32>
    %mul3A_620 = arith.mulf %get3A_9, %get3A_619 : vector<512x128xf32>
    %reduce_sum3A_621 = arith.constant dense<0.000000e+00> : vector<512xf32>
    %reduce_sum3A_622 = vector.multi_reduction <add>, %mul3A_620, %reduce_sum3A_621 [1] : vector<512x128xf32> to vector<512xf32>
    %mul3A_623 = arith.mulf %mul3A_620, %convert_element_type3A_5 : vector<512x128xf32>
    %reduce_sum3A_624 = arith.constant dense<0.000000e+00> : vector<512xf32>
    %reduce_sum3A_625 = vector.multi_reduction <add>, %mul3A_623, %reduce_sum3A_624 [1] : vector<512x128xf32> to vector<512xf32>
    %sub3A_626 = arith.subf %reduce_sum3A_622, %reduce_sum3A_625 : vector<512xf32>
    %mul3A_627 = arith.constant -1.000000e+00 : f32
    %mul3A_628 = vector.broadcast %mul3A_627 : f32 to vector<512xf32>
    %mul3A_629 = arith.mulf %mul3A_628, %reduce_sum3A_625 : vector<512xf32>
    %neg3A_630 = arith.constant 0.000000e+00 : f32
    %neg3A_631 = vector.broadcast %neg3A_630 : f32 to vector<512xf32>
    %neg3A_632 = arith.subf %neg3A_631, %mul3A_629 : vector<512xf32>
    %custom_jvp_call3A_633 = arith.constant 0.000000e+00 : f32
    %max3A_634 = vector.broadcast %custom_jvp_call3A_633 : f32 to vector<512xf32>
    %max3A_635 = arith.maximumf %neg3A_632, %max3A_634 : vector<512xf32>
    %sub3A_636 = vector.broadcast %custom_jvp_call3A_633 : f32 to vector<512xf32>
    %sub3A_637 = arith.subf %neg3A_632, %sub3A_636 : vector<512xf32>
    %ne3A_638 = arith.cmpf one, %sub3A_637, %sub3A_637 : vector<512xf32>
    %add3A_639 = vector.broadcast %custom_jvp_call3A_633 : f32 to vector<512xf32>
    %add3A_640 = arith.addf %neg3A_632, %add3A_639 : vector<512xf32>
    %abs3A_641 = math.absf %sub3A_637 : vector<512xf32>
    %neg3A_642 = arith.constant 0.000000e+00 : f32
    %neg3A_643 = vector.broadcast %neg3A_642 : f32 to vector<512xf32>
    %neg3A_644 = arith.subf %neg3A_643, %abs3A_641 : vector<512xf32>
    %exp3A_645 = math.exp %neg3A_644 : vector<512xf32>
    %log1p3A_646 = math.log1p %exp3A_645 : vector<512xf32>
    %add3A_647 = arith.addf %max3A_635, %log1p3A_646 : vector<512xf32>
    %select_n3A_648 = arith.select %ne3A_638, %add3A_640, %add3A_647 : vector<512xi1>, vector<512xf32>
    %neg3A_649 = arith.constant 0.000000e+00 : f32
    %neg3A_650 = vector.broadcast %neg3A_649 : f32 to vector<512xf32>
    %neg3A_651 = arith.subf %neg3A_650, %select_n3A_648 : vector<512xf32>
    %reduce_sum3A_652 = vector.shape_cast %neg3A_651 : vector<512xf32> to vector<1x512xf32>
    %reduce_sum3A_653 = arith.constant dense<0.000000e+00> : vector<1xf32>
    %reduce_sum3A_654 = vector.multi_reduction <add>, %reduce_sum3A_652, %reduce_sum3A_653 [1] : vector<1x512xf32> to vector<1xf32>
    %reduce_sum3A_655 = vector.shape_cast %reduce_sum3A_654 : vector<1xf32> to vector<1x1xf32>
    %reduce_sum3A_656 = vector.extract %reduce_sum3A_655[0, 0] : f32 from vector<1x1xf32>
    %mul3A_657 = arith.constant -1.000000e+00 : f32
    %mul3A_658 = vector.broadcast %mul3A_657 : f32 to vector<512xf32>
    %mul3A_659 = arith.mulf %mul3A_658, %sub3A_626 : vector<512xf32>
    %neg3A_660 = arith.constant 0.000000e+00 : f32
    %neg3A_661 = vector.broadcast %neg3A_660 : f32 to vector<512xf32>
    %neg3A_662 = arith.subf %neg3A_661, %mul3A_659 : vector<512xf32>
    %custom_jvp_call3A_663 = arith.constant 0.000000e+00 : f32
    %max3A_664 = vector.broadcast %custom_jvp_call3A_663 : f32 to vector<512xf32>
    %max3A_665 = arith.maximumf %neg3A_662, %max3A_664 : vector<512xf32>
    %sub3A_666 = vector.broadcast %custom_jvp_call3A_663 : f32 to vector<512xf32>
    %sub3A_667 = arith.subf %neg3A_662, %sub3A_666 : vector<512xf32>
    %ne3A_668 = arith.cmpf one, %sub3A_667, %sub3A_667 : vector<512xf32>
    %add3A_669 = vector.broadcast %custom_jvp_call3A_663 : f32 to vector<512xf32>
    %add3A_670 = arith.addf %neg3A_662, %add3A_669 : vector<512xf32>
    %abs3A_671 = math.absf %sub3A_667 : vector<512xf32>
    %neg3A_672 = arith.constant 0.000000e+00 : f32
    %neg3A_673 = vector.broadcast %neg3A_672 : f32 to vector<512xf32>
    %neg3A_674 = arith.subf %neg3A_673, %abs3A_671 : vector<512xf32>
    %exp3A_675 = math.exp %neg3A_674 : vector<512xf32>
    %log1p3A_676 = math.log1p %exp3A_675 : vector<512xf32>
    %add3A_677 = arith.addf %max3A_665, %log1p3A_676 : vector<512xf32>
    %select_n3A_678 = arith.select %ne3A_668, %add3A_670, %add3A_677 : vector<512xi1>, vector<512xf32>
    %neg3A_679 = arith.constant 0.000000e+00 : f32
    %neg3A_680 = vector.broadcast %neg3A_679 : f32 to vector<512xf32>
    %neg3A_681 = arith.subf %neg3A_680, %select_n3A_678 : vector<512xf32>
    %reduce_sum3A_682 = vector.shape_cast %neg3A_681 : vector<512xf32> to vector<1x512xf32>
    %reduce_sum3A_683 = arith.constant dense<0.000000e+00> : vector<1xf32>
    %reduce_sum3A_684 = vector.multi_reduction <add>, %reduce_sum3A_682, %reduce_sum3A_683 [1] : vector<1x512xf32> to vector<1xf32>
    %reduce_sum3A_685 = vector.shape_cast %reduce_sum3A_684 : vector<1xf32> to vector<1x1xf32>
    %reduce_sum3A_686 = vector.extract %reduce_sum3A_685[0, 0] : f32 from vector<1x1xf32>
    %add3A_687 = arith.addf %reduce_sum3A_656, %reduce_sum3A_686 : f32
    %mul3A_688 = arith.constant 1.000000e+00 : f32
    %mul3A_689 = arith.mulf %mul3A_688, %add3A_687 : f32
    %add3A_690 = arith.addf %add3A_613, %mul3A_689 : f32
    %get3A_691 = arith.constant 0 : index
    %get3A_692 = arith.constant 8 : index
    %get3A_693 = arith.constant 0 : index
    %get3A_694 = arith.constant 0 : index
    %get3A_695 = vector.load %arg3[%get3A_691, %get3A_692, %get3A_693, %get3A_694] : memref<3x10x512x128xf32, #tpu.memory_space<vmem>>, vector<1x1x512x128xf32>
    %get3A_696 = vector.shape_cast %get3A_695 : vector<1x1x512x128xf32> to vector<512x128xf32>
    %mul3A_697 = arith.mulf %get3A_9, %get3A_696 : vector<512x128xf32>
    %reduce_sum3A_698 = arith.constant dense<0.000000e+00> : vector<512xf32>
    %reduce_sum3A_699 = vector.multi_reduction <add>, %mul3A_697, %reduce_sum3A_698 [1] : vector<512x128xf32> to vector<512xf32>
    %mul3A_700 = arith.mulf %mul3A_697, %convert_element_type3A_5 : vector<512x128xf32>
    %reduce_sum3A_701 = arith.constant dense<0.000000e+00> : vector<512xf32>
    %reduce_sum3A_702 = vector.multi_reduction <add>, %mul3A_700, %reduce_sum3A_701 [1] : vector<512x128xf32> to vector<512xf32>
    %sub3A_703 = arith.subf %reduce_sum3A_699, %reduce_sum3A_702 : vector<512xf32>
    %mul3A_704 = arith.constant -1.000000e+00 : f32
    %mul3A_705 = vector.broadcast %mul3A_704 : f32 to vector<512xf32>
    %mul3A_706 = arith.mulf %mul3A_705, %reduce_sum3A_702 : vector<512xf32>
    %neg3A_707 = arith.constant 0.000000e+00 : f32
    %neg3A_708 = vector.broadcast %neg3A_707 : f32 to vector<512xf32>
    %neg3A_709 = arith.subf %neg3A_708, %mul3A_706 : vector<512xf32>
    %custom_jvp_call3A_710 = arith.constant 0.000000e+00 : f32
    %max3A_711 = vector.broadcast %custom_jvp_call3A_710 : f32 to vector<512xf32>
    %max3A_712 = arith.maximumf %neg3A_709, %max3A_711 : vector<512xf32>
    %sub3A_713 = vector.broadcast %custom_jvp_call3A_710 : f32 to vector<512xf32>
    %sub3A_714 = arith.subf %neg3A_709, %sub3A_713 : vector<512xf32>
    %ne3A_715 = arith.cmpf one, %sub3A_714, %sub3A_714 : vector<512xf32>
    %add3A_716 = vector.broadcast %custom_jvp_call3A_710 : f32 to vector<512xf32>
    %add3A_717 = arith.addf %neg3A_709, %add3A_716 : vector<512xf32>
    %abs3A_718 = math.absf %sub3A_714 : vector<512xf32>
    %neg3A_719 = arith.constant 0.000000e+00 : f32
    %neg3A_720 = vector.broadcast %neg3A_719 : f32 to vector<512xf32>
    %neg3A_721 = arith.subf %neg3A_720, %abs3A_718 : vector<512xf32>
    %exp3A_722 = math.exp %neg3A_721 : vector<512xf32>
    %log1p3A_723 = math.log1p %exp3A_722 : vector<512xf32>
    %add3A_724 = arith.addf %max3A_712, %log1p3A_723 : vector<512xf32>
    %select_n3A_725 = arith.select %ne3A_715, %add3A_717, %add3A_724 : vector<512xi1>, vector<512xf32>
    %neg3A_726 = arith.constant 0.000000e+00 : f32
    %neg3A_727 = vector.broadcast %neg3A_726 : f32 to vector<512xf32>
    %neg3A_728 = arith.subf %neg3A_727, %select_n3A_725 : vector<512xf32>
    %reduce_sum3A_729 = vector.shape_cast %neg3A_728 : vector<512xf32> to vector<1x512xf32>
    %reduce_sum3A_730 = arith.constant dense<0.000000e+00> : vector<1xf32>
    %reduce_sum3A_731 = vector.multi_reduction <add>, %reduce_sum3A_729, %reduce_sum3A_730 [1] : vector<1x512xf32> to vector<1xf32>
    %reduce_sum3A_732 = vector.shape_cast %reduce_sum3A_731 : vector<1xf32> to vector<1x1xf32>
    %reduce_sum3A_733 = vector.extract %reduce_sum3A_732[0, 0] : f32 from vector<1x1xf32>
    %mul3A_734 = arith.constant -1.000000e+00 : f32
    %mul3A_735 = vector.broadcast %mul3A_734 : f32 to vector<512xf32>
    %mul3A_736 = arith.mulf %mul3A_735, %sub3A_703 : vector<512xf32>
    %neg3A_737 = arith.constant 0.000000e+00 : f32
    %neg3A_738 = vector.broadcast %neg3A_737 : f32 to vector<512xf32>
    %neg3A_739 = arith.subf %neg3A_738, %mul3A_736 : vector<512xf32>
    %custom_jvp_call3A_740 = arith.constant 0.000000e+00 : f32
    %max3A_741 = vector.broadcast %custom_jvp_call3A_740 : f32 to vector<512xf32>
    %max3A_742 = arith.maximumf %neg3A_739, %max3A_741 : vector<512xf32>
    %sub3A_743 = vector.broadcast %custom_jvp_call3A_740 : f32 to vector<512xf32>
    %sub3A_744 = arith.subf %neg3A_739, %sub3A_743 : vector<512xf32>
    %ne3A_745 = arith.cmpf one, %sub3A_744, %sub3A_744 : vector<512xf32>
    %add3A_746 = vector.broadcast %custom_jvp_call3A_740 : f32 to vector<512xf32>
    %add3A_747 = arith.addf %neg3A_739, %add3A_746 : vector<512xf32>
    %abs3A_748 = math.absf %sub3A_744 : vector<512xf32>
    %neg3A_749 = arith.constant 0.000000e+00 : f32
    %neg3A_750 = vector.broadcast %neg3A_749 : f32 to vector<512xf32>
    %neg3A_751 = arith.subf %neg3A_750, %abs3A_748 : vector<512xf32>
    %exp3A_752 = math.exp %neg3A_751 : vector<512xf32>
    %log1p3A_753 = math.log1p %exp3A_752 : vector<512xf32>
    %add3A_754 = arith.addf %max3A_742, %log1p3A_753 : vector<512xf32>
    %select_n3A_755 = arith.select %ne3A_745, %add3A_747, %add3A_754 : vector<512xi1>, vector<512xf32>
    %neg3A_756 = arith.constant 0.000000e+00 : f32
    %neg3A_757 = vector.broadcast %neg3A_756 : f32 to vector<512xf32>
    %neg3A_758 = arith.subf %neg3A_757, %select_n3A_755 : vector<512xf32>
    %reduce_sum3A_759 = vector.shape_cast %neg3A_758 : vector<512xf32> to vector<1x512xf32>
    %reduce_sum3A_760 = arith.constant dense<0.000000e+00> : vector<1xf32>
    %reduce_sum3A_761 = vector.multi_reduction <add>, %reduce_sum3A_759, %reduce_sum3A_760 [1] : vector<1x512xf32> to vector<1xf32>
    %reduce_sum3A_762 = vector.shape_cast %reduce_sum3A_761 : vector<1xf32> to vector<1x1xf32>
    %reduce_sum3A_763 = vector.extract %reduce_sum3A_762[0, 0] : f32 from vector<1x1xf32>
    %add3A_764 = arith.addf %reduce_sum3A_733, %reduce_sum3A_763 : f32
    %mul3A_765 = arith.constant 1.000000e+00 : f32
    %mul3A_766 = arith.mulf %mul3A_765, %add3A_764 : f32
    %add3A_767 = arith.addf %add3A_690, %mul3A_766 : f32
    %get3A_768 = arith.constant 0 : index
    %get3A_769 = arith.constant 9 : index
    %get3A_770 = arith.constant 0 : index
    %get3A_771 = arith.constant 0 : index
    %get3A_772 = vector.load %arg3[%get3A_768, %get3A_769, %get3A_770, %get3A_771] : memref<3x10x512x128xf32, #tpu.memory_space<vmem>>, vector<1x1x512x128xf32>
    %get3A_773 = vector.shape_cast %get3A_772 : vector<1x1x512x128xf32> to vector<512x128xf32>
    %mul3A_774 = arith.mulf %get3A_9, %get3A_773 : vector<512x128xf32>
    %reduce_sum3A_775 = arith.constant dense<0.000000e+00> : vector<512xf32>
    %reduce_sum3A_776 = vector.multi_reduction <add>, %mul3A_774, %reduce_sum3A_775 [1] : vector<512x128xf32> to vector<512xf32>
    %mul3A_777 = arith.mulf %mul3A_774, %convert_element_type3A_5 : vector<512x128xf32>
    %reduce_sum3A_778 = arith.constant dense<0.000000e+00> : vector<512xf32>
    %reduce_sum3A_779 = vector.multi_reduction <add>, %mul3A_777, %reduce_sum3A_778 [1] : vector<512x128xf32> to vector<512xf32>
    %sub3A_780 = arith.subf %reduce_sum3A_776, %reduce_sum3A_779 : vector<512xf32>
    %mul3A_781 = arith.constant -1.000000e+00 : f32
    %mul3A_782 = vector.broadcast %mul3A_781 : f32 to vector<512xf32>
    %mul3A_783 = arith.mulf %mul3A_782, %reduce_sum3A_779 : vector<512xf32>
    %neg3A_784 = arith.constant 0.000000e+00 : f32
    %neg3A_785 = vector.broadcast %neg3A_784 : f32 to vector<512xf32>
    %neg3A_786 = arith.subf %neg3A_785, %mul3A_783 : vector<512xf32>
    %custom_jvp_call3A_787 = arith.constant 0.000000e+00 : f32
    %max3A_788 = vector.broadcast %custom_jvp_call3A_787 : f32 to vector<512xf32>
    %max3A_789 = arith.maximumf %neg3A_786, %max3A_788 : vector<512xf32>
    %sub3A_790 = vector.broadcast %custom_jvp_call3A_787 : f32 to vector<512xf32>
    %sub3A_791 = arith.subf %neg3A_786, %sub3A_790 : vector<512xf32>
    %ne3A_792 = arith.cmpf one, %sub3A_791, %sub3A_791 : vector<512xf32>
    %add3A_793 = vector.broadcast %custom_jvp_call3A_787 : f32 to vector<512xf32>
    %add3A_794 = arith.addf %neg3A_786, %add3A_793 : vector<512xf32>
    %abs3A_795 = math.absf %sub3A_791 : vector<512xf32>
    %neg3A_796 = arith.constant 0.000000e+00 : f32
    %neg3A_797 = vector.broadcast %neg3A_796 : f32 to vector<512xf32>
    %neg3A_798 = arith.subf %neg3A_797, %abs3A_795 : vector<512xf32>
    %exp3A_799 = math.exp %neg3A_798 : vector<512xf32>
    %log1p3A_800 = math.log1p %exp3A_799 : vector<512xf32>
    %add3A_801 = arith.addf %max3A_789, %log1p3A_800 : vector<512xf32>
    %select_n3A_802 = arith.select %ne3A_792, %add3A_794, %add3A_801 : vector<512xi1>, vector<512xf32>
    %neg3A_803 = arith.constant 0.000000e+00 : f32
    %neg3A_804 = vector.broadcast %neg3A_803 : f32 to vector<512xf32>
    %neg3A_805 = arith.subf %neg3A_804, %select_n3A_802 : vector<512xf32>
    %reduce_sum3A_806 = vector.shape_cast %neg3A_805 : vector<512xf32> to vector<1x512xf32>
    %reduce_sum3A_807 = arith.constant dense<0.000000e+00> : vector<1xf32>
    %reduce_sum3A_808 = vector.multi_reduction <add>, %reduce_sum3A_806, %reduce_sum3A_807 [1] : vector<1x512xf32> to vector<1xf32>
    %reduce_sum3A_809 = vector.shape_cast %reduce_sum3A_808 : vector<1xf32> to vector<1x1xf32>
    %reduce_sum3A_810 = vector.extract %reduce_sum3A_809[0, 0] : f32 from vector<1x1xf32>
    %mul3A_811 = arith.constant -1.000000e+00 : f32
    %mul3A_812 = vector.broadcast %mul3A_811 : f32 to vector<512xf32>
    %mul3A_813 = arith.mulf %mul3A_812, %sub3A_780 : vector<512xf32>
    %neg3A_814 = arith.constant 0.000000e+00 : f32
    %neg3A_815 = vector.broadcast %neg3A_814 : f32 to vector<512xf32>
    %neg3A_816 = arith.subf %neg3A_815, %mul3A_813 : vector<512xf32>
    %custom_jvp_call3A_817 = arith.constant 0.000000e+00 : f32
    %max3A_818 = vector.broadcast %custom_jvp_call3A_817 : f32 to vector<512xf32>
    %max3A_819 = arith.maximumf %neg3A_816, %max3A_818 : vector<512xf32>
    %sub3A_820 = vector.broadcast %custom_jvp_call3A_817 : f32 to vector<512xf32>
    %sub3A_821 = arith.subf %neg3A_816, %sub3A_820 : vector<512xf32>
    %ne3A_822 = arith.cmpf one, %sub3A_821, %sub3A_821 : vector<512xf32>
    %add3A_823 = vector.broadcast %custom_jvp_call3A_817 : f32 to vector<512xf32>
    %add3A_824 = arith.addf %neg3A_816, %add3A_823 : vector<512xf32>
    %abs3A_825 = math.absf %sub3A_821 : vector<512xf32>
    %neg3A_826 = arith.constant 0.000000e+00 : f32
    %neg3A_827 = vector.broadcast %neg3A_826 : f32 to vector<512xf32>
    %neg3A_828 = arith.subf %neg3A_827, %abs3A_825 : vector<512xf32>
    %exp3A_829 = math.exp %neg3A_828 : vector<512xf32>
    %log1p3A_830 = math.log1p %exp3A_829 : vector<512xf32>
    %add3A_831 = arith.addf %max3A_819, %log1p3A_830 : vector<512xf32>
    %select_n3A_832 = arith.select %ne3A_822, %add3A_824, %add3A_831 : vector<512xi1>, vector<512xf32>
    %neg3A_833 = arith.constant 0.000000e+00 : f32
    %neg3A_834 = vector.broadcast %neg3A_833 : f32 to vector<512xf32>
    %neg3A_835 = arith.subf %neg3A_834, %select_n3A_832 : vector<512xf32>
    %reduce_sum3A_836 = vector.shape_cast %neg3A_835 : vector<512xf32> to vector<1x512xf32>
    %reduce_sum3A_837 = arith.constant dense<0.000000e+00> : vector<1xf32>
    %reduce_sum3A_838 = vector.multi_reduction <add>, %reduce_sum3A_836, %reduce_sum3A_837 [1] : vector<1x512xf32> to vector<1xf32>
    %reduce_sum3A_839 = vector.shape_cast %reduce_sum3A_838 : vector<1xf32> to vector<1x1xf32>
    %reduce_sum3A_840 = vector.extract %reduce_sum3A_839[0, 0] : f32 from vector<1x1xf32>
    %add3A_841 = arith.addf %reduce_sum3A_810, %reduce_sum3A_840 : f32
    %mul3A_842 = arith.constant 1.000000e+00 : f32
    %mul3A_843 = arith.mulf %mul3A_842, %add3A_841 : f32
    %add3A_844 = arith.addf %add3A_767, %mul3A_843 : f32
    %get3A_845 = arith.constant 1 : index
    %get3A_846 = arith.constant 0 : index
    %get3A_847 = arith.constant 0 : index
    %get3A_848 = vector.load %arg1[%get3A_845, %get3A_846, %get3A_847] : memref<3x512x128xf32, #tpu.memory_space<vmem>>, vector<1x512x128xf32>
    %get3A_849 = vector.shape_cast %get3A_848 : vector<1x512x128xf32> to vector<512x128xf32>
    %get3A_850 = arith.constant 2 : index
    %get3A_851 = arith.constant 0 : index
    %get3A_852 = arith.constant 0 : index
    %get3A_853 = vector.load %arg2[%get3A_850, %get3A_851, %get3A_852] : memref<3x512x128xf32, #tpu.memory_space<vmem>>, vector<1x512x128xf32>
    %get3A_854 = vector.shape_cast %get3A_853 : vector<1x512x128xf32> to vector<512x128xf32>
    %mul3A_855 = arith.mulf %get3A_849, %get3A_854 : vector<512x128xf32>
    %reduce_sum3A_856 = arith.constant dense<0.000000e+00> : vector<512xf32>
    %reduce_sum3A_857 = vector.multi_reduction <add>, %mul3A_855, %reduce_sum3A_856 [1] : vector<512x128xf32> to vector<512xf32>
    %mul3A_858 = arith.mulf %mul3A_855, %convert_element_type3A_5 : vector<512x128xf32>
    %reduce_sum3A_859 = arith.constant dense<0.000000e+00> : vector<512xf32>
    %reduce_sum3A_860 = vector.multi_reduction <add>, %mul3A_858, %reduce_sum3A_859 [1] : vector<512x128xf32> to vector<512xf32>
    %sub3A_861 = arith.subf %reduce_sum3A_857, %reduce_sum3A_860 : vector<512xf32>
    %mul3A_862 = arith.constant 1.000000e+00 : f32
    %mul3A_863 = vector.broadcast %mul3A_862 : f32 to vector<512xf32>
    %mul3A_864 = arith.mulf %mul3A_863, %reduce_sum3A_860 : vector<512xf32>
    %neg3A_865 = arith.constant 0.000000e+00 : f32
    %neg3A_866 = vector.broadcast %neg3A_865 : f32 to vector<512xf32>
    %neg3A_867 = arith.subf %neg3A_866, %mul3A_864 : vector<512xf32>
    %custom_jvp_call3A_868 = arith.constant 0.000000e+00 : f32
    %max3A_869 = vector.broadcast %custom_jvp_call3A_868 : f32 to vector<512xf32>
    %max3A_870 = arith.maximumf %neg3A_867, %max3A_869 : vector<512xf32>
    %sub3A_871 = vector.broadcast %custom_jvp_call3A_868 : f32 to vector<512xf32>
    %sub3A_872 = arith.subf %neg3A_867, %sub3A_871 : vector<512xf32>
    %ne3A_873 = arith.cmpf one, %sub3A_872, %sub3A_872 : vector<512xf32>
    %add3A_874 = vector.broadcast %custom_jvp_call3A_868 : f32 to vector<512xf32>
    %add3A_875 = arith.addf %neg3A_867, %add3A_874 : vector<512xf32>
    %abs3A_876 = math.absf %sub3A_872 : vector<512xf32>
    %neg3A_877 = arith.constant 0.000000e+00 : f32
    %neg3A_878 = vector.broadcast %neg3A_877 : f32 to vector<512xf32>
    %neg3A_879 = arith.subf %neg3A_878, %abs3A_876 : vector<512xf32>
    %exp3A_880 = math.exp %neg3A_879 : vector<512xf32>
    %log1p3A_881 = math.log1p %exp3A_880 : vector<512xf32>
    %add3A_882 = arith.addf %max3A_870, %log1p3A_881 : vector<512xf32>
    %select_n3A_883 = arith.select %ne3A_873, %add3A_875, %add3A_882 : vector<512xi1>, vector<512xf32>
    %neg3A_884 = arith.constant 0.000000e+00 : f32
    %neg3A_885 = vector.broadcast %neg3A_884 : f32 to vector<512xf32>
    %neg3A_886 = arith.subf %neg3A_885, %select_n3A_883 : vector<512xf32>
    %reduce_sum3A_887 = vector.shape_cast %neg3A_886 : vector<512xf32> to vector<1x512xf32>
    %reduce_sum3A_888 = arith.constant dense<0.000000e+00> : vector<1xf32>
    %reduce_sum3A_889 = vector.multi_reduction <add>, %reduce_sum3A_887, %reduce_sum3A_888 [1] : vector<1x512xf32> to vector<1xf32>
    %reduce_sum3A_890 = vector.shape_cast %reduce_sum3A_889 : vector<1xf32> to vector<1x1xf32>
    %reduce_sum3A_891 = vector.extract %reduce_sum3A_890[0, 0] : f32 from vector<1x1xf32>
    %mul3A_892 = arith.constant 1.000000e+00 : f32
    %mul3A_893 = vector.broadcast %mul3A_892 : f32 to vector<512xf32>
    %mul3A_894 = arith.mulf %mul3A_893, %sub3A_861 : vector<512xf32>
    %neg3A_895 = arith.constant 0.000000e+00 : f32
    %neg3A_896 = vector.broadcast %neg3A_895 : f32 to vector<512xf32>
    %neg3A_897 = arith.subf %neg3A_896, %mul3A_894 : vector<512xf32>
    %custom_jvp_call3A_898 = arith.constant 0.000000e+00 : f32
    %max3A_899 = vector.broadcast %custom_jvp_call3A_898 : f32 to vector<512xf32>
    %max3A_900 = arith.maximumf %neg3A_897, %max3A_899 : vector<512xf32>
    %sub3A_901 = vector.broadcast %custom_jvp_call3A_898 : f32 to vector<512xf32>
    %sub3A_902 = arith.subf %neg3A_897, %sub3A_901 : vector<512xf32>
    %ne3A_903 = arith.cmpf one, %sub3A_902, %sub3A_902 : vector<512xf32>
    %add3A_904 = vector.broadcast %custom_jvp_call3A_898 : f32 to vector<512xf32>
    %add3A_905 = arith.addf %neg3A_897, %add3A_904 : vector<512xf32>
    %abs3A_906 = math.absf %sub3A_902 : vector<512xf32>
    %neg3A_907 = arith.constant 0.000000e+00 : f32
    %neg3A_908 = vector.broadcast %neg3A_907 : f32 to vector<512xf32>
    %neg3A_909 = arith.subf %neg3A_908, %abs3A_906 : vector<512xf32>
    %exp3A_910 = math.exp %neg3A_909 : vector<512xf32>
    %log1p3A_911 = math.log1p %exp3A_910 : vector<512xf32>
    %add3A_912 = arith.addf %max3A_900, %log1p3A_911 : vector<512xf32>
    %select_n3A_913 = arith.select %ne3A_903, %add3A_905, %add3A_912 : vector<512xi1>, vector<512xf32>
    %neg3A_914 = arith.constant 0.000000e+00 : f32
    %neg3A_915 = vector.broadcast %neg3A_914 : f32 to vector<512xf32>
    %neg3A_916 = arith.subf %neg3A_915, %select_n3A_913 : vector<512xf32>
    %reduce_sum3A_917 = vector.shape_cast %neg3A_916 : vector<512xf32> to vector<1x512xf32>
    %reduce_sum3A_918 = arith.constant dense<0.000000e+00> : vector<1xf32>
    %reduce_sum3A_919 = vector.multi_reduction <add>, %reduce_sum3A_917, %reduce_sum3A_918 [1] : vector<1x512xf32> to vector<1xf32>
    %reduce_sum3A_920 = vector.shape_cast %reduce_sum3A_919 : vector<1xf32> to vector<1x1xf32>
    %reduce_sum3A_921 = vector.extract %reduce_sum3A_920[0, 0] : f32 from vector<1x1xf32>
    %add3A_922 = arith.addf %reduce_sum3A_891, %reduce_sum3A_921 : f32
    %mul3A_923 = arith.constant 1.000000e+00 : f32
    %mul3A_924 = arith.mulf %mul3A_923, %add3A_922 : f32
    %add3A_925 = arith.addf %add3A_844, %mul3A_924 : f32
    %get3A_926 = arith.constant 2 : index
    %get3A_927 = arith.constant 0 : index
    %get3A_928 = arith.constant 0 : index
    %get3A_929 = arith.constant 0 : index
    %get3A_930 = vector.load %arg3[%get3A_926, %get3A_927, %get3A_928, %get3A_929] : memref<3x10x512x128xf32, #tpu.memory_space<vmem>>, vector<1x1x512x128xf32>
    %get3A_931 = vector.shape_cast %get3A_930 : vector<1x1x512x128xf32> to vector<512x128xf32>
    %mul3A_932 = arith.mulf %get3A_849, %get3A_931 : vector<512x128xf32>
    %reduce_sum3A_933 = arith.constant dense<0.000000e+00> : vector<512xf32>
    %reduce_sum3A_934 = vector.multi_reduction <add>, %mul3A_932, %reduce_sum3A_933 [1] : vector<512x128xf32> to vector<512xf32>
    %mul3A_935 = arith.mulf %mul3A_932, %convert_element_type3A_5 : vector<512x128xf32>
    %reduce_sum3A_936 = arith.constant dense<0.000000e+00> : vector<512xf32>
    %reduce_sum3A_937 = vector.multi_reduction <add>, %mul3A_935, %reduce_sum3A_936 [1] : vector<512x128xf32> to vector<512xf32>
    %sub3A_938 = arith.subf %reduce_sum3A_934, %reduce_sum3A_937 : vector<512xf32>
    %mul3A_939 = arith.constant -1.000000e+00 : f32
    %mul3A_940 = vector.broadcast %mul3A_939 : f32 to vector<512xf32>
    %mul3A_941 = arith.mulf %mul3A_940, %reduce_sum3A_937 : vector<512xf32>
    %neg3A_942 = arith.constant 0.000000e+00 : f32
    %neg3A_943 = vector.broadcast %neg3A_942 : f32 to vector<512xf32>
    %neg3A_944 = arith.subf %neg3A_943, %mul3A_941 : vector<512xf32>
    %custom_jvp_call3A_945 = arith.constant 0.000000e+00 : f32
    %max3A_946 = vector.broadcast %custom_jvp_call3A_945 : f32 to vector<512xf32>
    %max3A_947 = arith.maximumf %neg3A_944, %max3A_946 : vector<512xf32>
    %sub3A_948 = vector.broadcast %custom_jvp_call3A_945 : f32 to vector<512xf32>
    %sub3A_949 = arith.subf %neg3A_944, %sub3A_948 : vector<512xf32>
    %ne3A_950 = arith.cmpf one, %sub3A_949, %sub3A_949 : vector<512xf32>
    %add3A_951 = vector.broadcast %custom_jvp_call3A_945 : f32 to vector<512xf32>
    %add3A_952 = arith.addf %neg3A_944, %add3A_951 : vector<512xf32>
    %abs3A_953 = math.absf %sub3A_949 : vector<512xf32>
    %neg3A_954 = arith.constant 0.000000e+00 : f32
    %neg3A_955 = vector.broadcast %neg3A_954 : f32 to vector<512xf32>
    %neg3A_956 = arith.subf %neg3A_955, %abs3A_953 : vector<512xf32>
    %exp3A_957 = math.exp %neg3A_956 : vector<512xf32>
    %log1p3A_958 = math.log1p %exp3A_957 : vector<512xf32>
    %add3A_959 = arith.addf %max3A_947, %log1p3A_958 : vector<512xf32>
    %select_n3A_960 = arith.select %ne3A_950, %add3A_952, %add3A_959 : vector<512xi1>, vector<512xf32>
    %neg3A_961 = arith.constant 0.000000e+00 : f32
    %neg3A_962 = vector.broadcast %neg3A_961 : f32 to vector<512xf32>
    %neg3A_963 = arith.subf %neg3A_962, %select_n3A_960 : vector<512xf32>
    %reduce_sum3A_964 = vector.shape_cast %neg3A_963 : vector<512xf32> to vector<1x512xf32>
    %reduce_sum3A_965 = arith.constant dense<0.000000e+00> : vector<1xf32>
    %reduce_sum3A_966 = vector.multi_reduction <add>, %reduce_sum3A_964, %reduce_sum3A_965 [1] : vector<1x512xf32> to vector<1xf32>
    %reduce_sum3A_967 = vector.shape_cast %reduce_sum3A_966 : vector<1xf32> to vector<1x1xf32>
    %reduce_sum3A_968 = vector.extract %reduce_sum3A_967[0, 0] : f32 from vector<1x1xf32>
    %mul3A_969 = arith.constant -1.000000e+00 : f32
    %mul3A_970 = vector.broadcast %mul3A_969 : f32 to vector<512xf32>
    %mul3A_971 = arith.mulf %mul3A_970, %sub3A_938 : vector<512xf32>
    %neg3A_972 = arith.constant 0.000000e+00 : f32
    %neg3A_973 = vector.broadcast %neg3A_972 : f32 to vector<512xf32>
    %neg3A_974 = arith.subf %neg3A_973, %mul3A_971 : vector<512xf32>
    %custom_jvp_call3A_975 = arith.constant 0.000000e+00 : f32
    %max3A_976 = vector.broadcast %custom_jvp_call3A_975 : f32 to vector<512xf32>
    %max3A_977 = arith.maximumf %neg3A_974, %max3A_976 : vector<512xf32>
    %sub3A_978 = vector.broadcast %custom_jvp_call3A_975 : f32 to vector<512xf32>
    %sub3A_979 = arith.subf %neg3A_974, %sub3A_978 : vector<512xf32>
    %ne3A_980 = arith.cmpf one, %sub3A_979, %sub3A_979 : vector<512xf32>
    %add3A_981 = vector.broadcast %custom_jvp_call3A_975 : f32 to vector<512xf32>
    %add3A_982 = arith.addf %neg3A_974, %add3A_981 : vector<512xf32>
    %abs3A_983 = math.absf %sub3A_979 : vector<512xf32>
    %neg3A_984 = arith.constant 0.000000e+00 : f32
    %neg3A_985 = vector.broadcast %neg3A_984 : f32 to vector<512xf32>
    %neg3A_986 = arith.subf %neg3A_985, %abs3A_983 : vector<512xf32>
    %exp3A_987 = math.exp %neg3A_986 : vector<512xf32>
    %log1p3A_988 = math.log1p %exp3A_987 : vector<512xf32>
    %add3A_989 = arith.addf %max3A_977, %log1p3A_988 : vector<512xf32>
    %select_n3A_990 = arith.select %ne3A_980, %add3A_982, %add3A_989 : vector<512xi1>, vector<512xf32>
    %neg3A_991 = arith.constant 0.000000e+00 : f32
    %neg3A_992 = vector.broadcast %neg3A_991 : f32 to vector<512xf32>
    %neg3A_993 = arith.subf %neg3A_992, %select_n3A_990 : vector<512xf32>
    %reduce_sum3A_994 = vector.shape_cast %neg3A_993 : vector<512xf32> to vector<1x512xf32>
    %reduce_sum3A_995 = arith.constant dense<0.000000e+00> : vector<1xf32>
    %reduce_sum3A_996 = vector.multi_reduction <add>, %reduce_sum3A_994, %reduce_sum3A_995 [1] : vector<1x512xf32> to vector<1xf32>
    %reduce_sum3A_997 = vector.shape_cast %reduce_sum3A_996 : vector<1xf32> to vector<1x1xf32>
    %reduce_sum3A_998 = vector.extract %reduce_sum3A_997[0, 0] : f32 from vector<1x1xf32>
    %add3A_999 = arith.addf %reduce_sum3A_968, %reduce_sum3A_998 : f32
    %mul3A_1000 = arith.constant 1.000000e+00 : f32
    %mul3A_1001 = arith.mulf %mul3A_1000, %add3A_999 : f32
    %add3A_1002 = arith.addf %add3A_925, %mul3A_1001 : f32
    %get3A_1003 = arith.constant 2 : index
    %get3A_1004 = arith.constant 1 : index
    %get3A_1005 = arith.constant 0 : index
    %get3A_1006 = arith.constant 0 : index
    %get3A_1007 = vector.load %arg3[%get3A_1003, %get3A_1004, %get3A_1005, %get3A_1006] : memref<3x10x512x128xf32, #tpu.memory_space<vmem>>, vector<1x1x512x128xf32>
    %get3A_1008 = vector.shape_cast %get3A_1007 : vector<1x1x512x128xf32> to vector<512x128xf32>
    %mul3A_1009 = arith.mulf %get3A_849, %get3A_1008 : vector<512x128xf32>
    %reduce_sum3A_1010 = arith.constant dense<0.000000e+00> : vector<512xf32>
    %reduce_sum3A_1011 = vector.multi_reduction <add>, %mul3A_1009, %reduce_sum3A_1010 [1] : vector<512x128xf32> to vector<512xf32>
    %mul3A_1012 = arith.mulf %mul3A_1009, %convert_element_type3A_5 : vector<512x128xf32>
    %reduce_sum3A_1013 = arith.constant dense<0.000000e+00> : vector<512xf32>
    %reduce_sum3A_1014 = vector.multi_reduction <add>, %mul3A_1012, %reduce_sum3A_1013 [1] : vector<512x128xf32> to vector<512xf32>
    %sub3A_1015 = arith.subf %reduce_sum3A_1011, %reduce_sum3A_1014 : vector<512xf32>
    %mul3A_1016 = arith.constant -1.000000e+00 : f32
    %mul3A_1017 = vector.broadcast %mul3A_1016 : f32 to vector<512xf32>
    %mul3A_1018 = arith.mulf %mul3A_1017, %reduce_sum3A_1014 : vector<512xf32>
    %neg3A_1019 = arith.constant 0.000000e+00 : f32
    %neg3A_1020 = vector.broadcast %neg3A_1019 : f32 to vector<512xf32>
    %neg3A_1021 = arith.subf %neg3A_1020, %mul3A_1018 : vector<512xf32>
    %custom_jvp_call3A_1022 = arith.constant 0.000000e+00 : f32
    %max3A_1023 = vector.broadcast %custom_jvp_call3A_1022 : f32 to vector<512xf32>
    %max3A_1024 = arith.maximumf %neg3A_1021, %max3A_1023 : vector<512xf32>
    %sub3A_1025 = vector.broadcast %custom_jvp_call3A_1022 : f32 to vector<512xf32>
    %sub3A_1026 = arith.subf %neg3A_1021, %sub3A_1025 : vector<512xf32>
    %ne3A_1027 = arith.cmpf one, %sub3A_1026, %sub3A_1026 : vector<512xf32>
    %add3A_1028 = vector.broadcast %custom_jvp_call3A_1022 : f32 to vector<512xf32>
    %add3A_1029 = arith.addf %neg3A_1021, %add3A_1028 : vector<512xf32>
    %abs3A_1030 = math.absf %sub3A_1026 : vector<512xf32>
    %neg3A_1031 = arith.constant 0.000000e+00 : f32
    %neg3A_1032 = vector.broadcast %neg3A_1031 : f32 to vector<512xf32>
    %neg3A_1033 = arith.subf %neg3A_1032, %abs3A_1030 : vector<512xf32>
    %exp3A_1034 = math.exp %neg3A_1033 : vector<512xf32>
    %log1p3A_1035 = math.log1p %exp3A_1034 : vector<512xf32>
    %add3A_1036 = arith.addf %max3A_1024, %log1p3A_1035 : vector<512xf32>
    %select_n3A_1037 = arith.select %ne3A_1027, %add3A_1029, %add3A_1036 : vector<512xi1>, vector<512xf32>
    %neg3A_1038 = arith.constant 0.000000e+00 : f32
    %neg3A_1039 = vector.broadcast %neg3A_1038 : f32 to vector<512xf32>
    %neg3A_1040 = arith.subf %neg3A_1039, %select_n3A_1037 : vector<512xf32>
    %reduce_sum3A_1041 = vector.shape_cast %neg3A_1040 : vector<512xf32> to vector<1x512xf32>
    %reduce_sum3A_1042 = arith.constant dense<0.000000e+00> : vector<1xf32>
    %reduce_sum3A_1043 = vector.multi_reduction <add>, %reduce_sum3A_1041, %reduce_sum3A_1042 [1] : vector<1x512xf32> to vector<1xf32>
    %reduce_sum3A_1044 = vector.shape_cast %reduce_sum3A_1043 : vector<1xf32> to vector<1x1xf32>
    %reduce_sum3A_1045 = vector.extract %reduce_sum3A_1044[0, 0] : f32 from vector<1x1xf32>
    %mul3A_1046 = arith.constant -1.000000e+00 : f32
    %mul3A_1047 = vector.broadcast %mul3A_1046 : f32 to vector<512xf32>
    %mul3A_1048 = arith.mulf %mul3A_1047, %sub3A_1015 : vector<512xf32>
    %neg3A_1049 = arith.constant 0.000000e+00 : f32
    %neg3A_1050 = vector.broadcast %neg3A_1049 : f32 to vector<512xf32>
    %neg3A_1051 = arith.subf %neg3A_1050, %mul3A_1048 : vector<512xf32>
    %custom_jvp_call3A_1052 = arith.constant 0.000000e+00 : f32
    %max3A_1053 = vector.broadcast %custom_jvp_call3A_1052 : f32 to vector<512xf32>
    %max3A_1054 = arith.maximumf %neg3A_1051, %max3A_1053 : vector<512xf32>
    %sub3A_1055 = vector.broadcast %custom_jvp_call3A_1052 : f32 to vector<512xf32>
    %sub3A_1056 = arith.subf %neg3A_1051, %sub3A_1055 : vector<512xf32>
    %ne3A_1057 = arith.cmpf one, %sub3A_1056, %sub3A_1056 : vector<512xf32>
    %add3A_1058 = vector.broadcast %custom_jvp_call3A_1052 : f32 to vector<512xf32>
    %add3A_1059 = arith.addf %neg3A_1051, %add3A_1058 : vector<512xf32>
    %abs3A_1060 = math.absf %sub3A_1056 : vector<512xf32>
    %neg3A_1061 = arith.constant 0.000000e+00 : f32
    %neg3A_1062 = vector.broadcast %neg3A_1061 : f32 to vector<512xf32>
    %neg3A_1063 = arith.subf %neg3A_1062, %abs3A_1060 : vector<512xf32>
    %exp3A_1064 = math.exp %neg3A_1063 : vector<512xf32>
    %log1p3A_1065 = math.log1p %exp3A_1064 : vector<512xf32>
    %add3A_1066 = arith.addf %max3A_1054, %log1p3A_1065 : vector<512xf32>
    %select_n3A_1067 = arith.select %ne3A_1057, %add3A_1059, %add3A_1066 : vector<512xi1>, vector<512xf32>
    %neg3A_1068 = arith.constant 0.000000e+00 : f32
    %neg3A_1069 = vector.broadcast %neg3A_1068 : f32 to vector<512xf32>
    %neg3A_1070 = arith.subf %neg3A_1069, %select_n3A_1067 : vector<512xf32>
    %reduce_sum3A_1071 = vector.shape_cast %neg3A_1070 : vector<512xf32> to vector<1x512xf32>
    %reduce_sum3A_1072 = arith.constant dense<0.000000e+00> : vector<1xf32>
    %reduce_sum3A_1073 = vector.multi_reduction <add>, %reduce_sum3A_1071, %reduce_sum3A_1072 [1] : vector<1x512xf32> to vector<1xf32>
    %reduce_sum3A_1074 = vector.shape_cast %reduce_sum3A_1073 : vector<1xf32> to vector<1x1xf32>
    %reduce_sum3A_1075 = vector.extract %reduce_sum3A_1074[0, 0] : f32 from vector<1x1xf32>
    %add3A_1076 = arith.addf %reduce_sum3A_1045, %reduce_sum3A_1075 : f32
    %mul3A_1077 = arith.constant 1.000000e+00 : f32
    %mul3A_1078 = arith.mulf %mul3A_1077, %add3A_1076 : f32
    %add3A_1079 = arith.addf %add3A_1002, %mul3A_1078 : f32
    %get3A_1080 = arith.constant 2 : index
    %get3A_1081 = arith.constant 2 : index
    %get3A_1082 = arith.constant 0 : index
    %get3A_1083 = arith.constant 0 : index
    %get3A_1084 = vector.load %arg3[%get3A_1080, %get3A_1081, %get3A_1082, %get3A_1083] : memref<3x10x512x128xf32, #tpu.memory_space<vmem>>, vector<1x1x512x128xf32>
    %get3A_1085 = vector.shape_cast %get3A_1084 : vector<1x1x512x128xf32> to vector<512x128xf32>
    %mul3A_1086 = arith.mulf %get3A_849, %get3A_1085 : vector<512x128xf32>
    %reduce_sum3A_1087 = arith.constant dense<0.000000e+00> : vector<512xf32>
    %reduce_sum3A_1088 = vector.multi_reduction <add>, %mul3A_1086, %reduce_sum3A_1087 [1] : vector<512x128xf32> to vector<512xf32>
    %mul3A_1089 = arith.mulf %mul3A_1086, %convert_element_type3A_5 : vector<512x128xf32>
    %reduce_sum3A_1090 = arith.constant dense<0.000000e+00> : vector<512xf32>
    %reduce_sum3A_1091 = vector.multi_reduction <add>, %mul3A_1089, %reduce_sum3A_1090 [1] : vector<512x128xf32> to vector<512xf32>
    %sub3A_1092 = arith.subf %reduce_sum3A_1088, %reduce_sum3A_1091 : vector<512xf32>
    %mul3A_1093 = arith.constant -1.000000e+00 : f32
    %mul3A_1094 = vector.broadcast %mul3A_1093 : f32 to vector<512xf32>
    %mul3A_1095 = arith.mulf %mul3A_1094, %reduce_sum3A_1091 : vector<512xf32>
    %neg3A_1096 = arith.constant 0.000000e+00 : f32
    %neg3A_1097 = vector.broadcast %neg3A_1096 : f32 to vector<512xf32>
    %neg3A_1098 = arith.subf %neg3A_1097, %mul3A_1095 : vector<512xf32>
    %custom_jvp_call3A_1099 = arith.constant 0.000000e+00 : f32
    %max3A_1100 = vector.broadcast %custom_jvp_call3A_1099 : f32 to vector<512xf32>
    %max3A_1101 = arith.maximumf %neg3A_1098, %max3A_1100 : vector<512xf32>
    %sub3A_1102 = vector.broadcast %custom_jvp_call3A_1099 : f32 to vector<512xf32>
    %sub3A_1103 = arith.subf %neg3A_1098, %sub3A_1102 : vector<512xf32>
    %ne3A_1104 = arith.cmpf one, %sub3A_1103, %sub3A_1103 : vector<512xf32>
    %add3A_1105 = vector.broadcast %custom_jvp_call3A_1099 : f32 to vector<512xf32>
    %add3A_1106 = arith.addf %neg3A_1098, %add3A_1105 : vector<512xf32>
    %abs3A_1107 = math.absf %sub3A_1103 : vector<512xf32>
    %neg3A_1108 = arith.constant 0.000000e+00 : f32
    %neg3A_1109 = vector.broadcast %neg3A_1108 : f32 to vector<512xf32>
    %neg3A_1110 = arith.subf %neg3A_1109, %abs3A_1107 : vector<512xf32>
    %exp3A_1111 = math.exp %neg3A_1110 : vector<512xf32>
    %log1p3A_1112 = math.log1p %exp3A_1111 : vector<512xf32>
    %add3A_1113 = arith.addf %max3A_1101, %log1p3A_1112 : vector<512xf32>
    %select_n3A_1114 = arith.select %ne3A_1104, %add3A_1106, %add3A_1113 : vector<512xi1>, vector<512xf32>
    %neg3A_1115 = arith.constant 0.000000e+00 : f32
    %neg3A_1116 = vector.broadcast %neg3A_1115 : f32 to vector<512xf32>
    %neg3A_1117 = arith.subf %neg3A_1116, %select_n3A_1114 : vector<512xf32>
    %reduce_sum3A_1118 = vector.shape_cast %neg3A_1117 : vector<512xf32> to vector<1x512xf32>
    %reduce_sum3A_1119 = arith.constant dense<0.000000e+00> : vector<1xf32>
    %reduce_sum3A_1120 = vector.multi_reduction <add>, %reduce_sum3A_1118, %reduce_sum3A_1119 [1] : vector<1x512xf32> to vector<1xf32>
    %reduce_sum3A_1121 = vector.shape_cast %reduce_sum3A_1120 : vector<1xf32> to vector<1x1xf32>
    %reduce_sum3A_1122 = vector.extract %reduce_sum3A_1121[0, 0] : f32 from vector<1x1xf32>
    %mul3A_1123 = arith.constant -1.000000e+00 : f32
    %mul3A_1124 = vector.broadcast %mul3A_1123 : f32 to vector<512xf32>
    %mul3A_1125 = arith.mulf %mul3A_1124, %sub3A_1092 : vector<512xf32>
    %neg3A_1126 = arith.constant 0.000000e+00 : f32
    %neg3A_1127 = vector.broadcast %neg3A_1126 : f32 to vector<512xf32>
    %neg3A_1128 = arith.subf %neg3A_1127, %mul3A_1125 : vector<512xf32>
    %custom_jvp_call3A_1129 = arith.constant 0.000000e+00 : f32
    %max3A_1130 = vector.broadcast %custom_jvp_call3A_1129 : f32 to vector<512xf32>
    %max3A_1131 = arith.maximumf %neg3A_1128, %max3A_1130 : vector<512xf32>
    %sub3A_1132 = vector.broadcast %custom_jvp_call3A_1129 : f32 to vector<512xf32>
    %sub3A_1133 = arith.subf %neg3A_1128, %sub3A_1132 : vector<512xf32>
    %ne3A_1134 = arith.cmpf one, %sub3A_1133, %sub3A_1133 : vector<512xf32>
    %add3A_1135 = vector.broadcast %custom_jvp_call3A_1129 : f32 to vector<512xf32>
    %add3A_1136 = arith.addf %neg3A_1128, %add3A_1135 : vector<512xf32>
    %abs3A_1137 = math.absf %sub3A_1133 : vector<512xf32>
    %neg3A_1138 = arith.constant 0.000000e+00 : f32
    %neg3A_1139 = vector.broadcast %neg3A_1138 : f32 to vector<512xf32>
    %neg3A_1140 = arith.subf %neg3A_1139, %abs3A_1137 : vector<512xf32>
    %exp3A_1141 = math.exp %neg3A_1140 : vector<512xf32>
    %log1p3A_1142 = math.log1p %exp3A_1141 : vector<512xf32>
    %add3A_1143 = arith.addf %max3A_1131, %log1p3A_1142 : vector<512xf32>
    %select_n3A_1144 = arith.select %ne3A_1134, %add3A_1136, %add3A_1143 : vector<512xi1>, vector<512xf32>
    %neg3A_1145 = arith.constant 0.000000e+00 : f32
    %neg3A_1146 = vector.broadcast %neg3A_1145 : f32 to vector<512xf32>
    %neg3A_1147 = arith.subf %neg3A_1146, %select_n3A_1144 : vector<512xf32>
    %reduce_sum3A_1148 = vector.shape_cast %neg3A_1147 : vector<512xf32> to vector<1x512xf32>
    %reduce_sum3A_1149 = arith.constant dense<0.000000e+00> : vector<1xf32>
    %reduce_sum3A_1150 = vector.multi_reduction <add>, %reduce_sum3A_1148, %reduce_sum3A_1149 [1] : vector<1x512xf32> to vector<1xf32>
    %reduce_sum3A_1151 = vector.shape_cast %reduce_sum3A_1150 : vector<1xf32> to vector<1x1xf32>
    %reduce_sum3A_1152 = vector.extract %reduce_sum3A_1151[0, 0] : f32 from vector<1x1xf32>
    %add3A_1153 = arith.addf %reduce_sum3A_1122, %reduce_sum3A_1152 : f32
    %mul3A_1154 = arith.constant 1.000000e+00 : f32
    %mul3A_1155 = arith.mulf %mul3A_1154, %add3A_1153 : f32
    %add3A_1156 = arith.addf %add3A_1079, %mul3A_1155 : f32
    %get3A_1157 = arith.constant 2 : index
    %get3A_1158 = arith.constant 3 : index
    %get3A_1159 = arith.constant 0 : index
    %get3A_1160 = arith.constant 0 : index
    %get3A_1161 = vector.load %arg3[%get3A_1157, %get3A_1158, %get3A_1159, %get3A_1160] : memref<3x10x512x128xf32, #tpu.memory_space<vmem>>, vector<1x1x512x128xf32>
    %get3A_1162 = vector.shape_cast %get3A_1161 : vector<1x1x512x128xf32> to vector<512x128xf32>
    %mul3A_1163 = arith.mulf %get3A_849, %get3A_1162 : vector<512x128xf32>
    %reduce_sum3A_1164 = arith.constant dense<0.000000e+00> : vector<512xf32>
    %reduce_sum3A_1165 = vector.multi_reduction <add>, %mul3A_1163, %reduce_sum3A_1164 [1] : vector<512x128xf32> to vector<512xf32>
    %mul3A_1166 = arith.mulf %mul3A_1163, %convert_element_type3A_5 : vector<512x128xf32>
    %reduce_sum3A_1167 = arith.constant dense<0.000000e+00> : vector<512xf32>
    %reduce_sum3A_1168 = vector.multi_reduction <add>, %mul3A_1166, %reduce_sum3A_1167 [1] : vector<512x128xf32> to vector<512xf32>
    %sub3A_1169 = arith.subf %reduce_sum3A_1165, %reduce_sum3A_1168 : vector<512xf32>
    %mul3A_1170 = arith.constant -1.000000e+00 : f32
    %mul3A_1171 = vector.broadcast %mul3A_1170 : f32 to vector<512xf32>
    %mul3A_1172 = arith.mulf %mul3A_1171, %reduce_sum3A_1168 : vector<512xf32>
    %neg3A_1173 = arith.constant 0.000000e+00 : f32
    %neg3A_1174 = vector.broadcast %neg3A_1173 : f32 to vector<512xf32>
    %neg3A_1175 = arith.subf %neg3A_1174, %mul3A_1172 : vector<512xf32>
    %custom_jvp_call3A_1176 = arith.constant 0.000000e+00 : f32
    %max3A_1177 = vector.broadcast %custom_jvp_call3A_1176 : f32 to vector<512xf32>
    %max3A_1178 = arith.maximumf %neg3A_1175, %max3A_1177 : vector<512xf32>
    %sub3A_1179 = vector.broadcast %custom_jvp_call3A_1176 : f32 to vector<512xf32>
    %sub3A_1180 = arith.subf %neg3A_1175, %sub3A_1179 : vector<512xf32>
    %ne3A_1181 = arith.cmpf one, %sub3A_1180, %sub3A_1180 : vector<512xf32>
    %add3A_1182 = vector.broadcast %custom_jvp_call3A_1176 : f32 to vector<512xf32>
    %add3A_1183 = arith.addf %neg3A_1175, %add3A_1182 : vector<512xf32>
    %abs3A_1184 = math.absf %sub3A_1180 : vector<512xf32>
    %neg3A_1185 = arith.constant 0.000000e+00 : f32
    %neg3A_1186 = vector.broadcast %neg3A_1185 : f32 to vector<512xf32>
    %neg3A_1187 = arith.subf %neg3A_1186, %abs3A_1184 : vector<512xf32>
    %exp3A_1188 = math.exp %neg3A_1187 : vector<512xf32>
    %log1p3A_1189 = math.log1p %exp3A_1188 : vector<512xf32>
    %add3A_1190 = arith.addf %max3A_1178, %log1p3A_1189 : vector<512xf32>
    %select_n3A_1191 = arith.select %ne3A_1181, %add3A_1183, %add3A_1190 : vector<512xi1>, vector<512xf32>
    %neg3A_1192 = arith.constant 0.000000e+00 : f32
    %neg3A_1193 = vector.broadcast %neg3A_1192 : f32 to vector<512xf32>
    %neg3A_1194 = arith.subf %neg3A_1193, %select_n3A_1191 : vector<512xf32>
    %reduce_sum3A_1195 = vector.shape_cast %neg3A_1194 : vector<512xf32> to vector<1x512xf32>
    %reduce_sum3A_1196 = arith.constant dense<0.000000e+00> : vector<1xf32>
    %reduce_sum3A_1197 = vector.multi_reduction <add>, %reduce_sum3A_1195, %reduce_sum3A_1196 [1] : vector<1x512xf32> to vector<1xf32>
    %reduce_sum3A_1198 = vector.shape_cast %reduce_sum3A_1197 : vector<1xf32> to vector<1x1xf32>
    %reduce_sum3A_1199 = vector.extract %reduce_sum3A_1198[0, 0] : f32 from vector<1x1xf32>
    %mul3A_1200 = arith.constant -1.000000e+00 : f32
    %mul3A_1201 = vector.broadcast %mul3A_1200 : f32 to vector<512xf32>
    %mul3A_1202 = arith.mulf %mul3A_1201, %sub3A_1169 : vector<512xf32>
    %neg3A_1203 = arith.constant 0.000000e+00 : f32
    %neg3A_1204 = vector.broadcast %neg3A_1203 : f32 to vector<512xf32>
    %neg3A_1205 = arith.subf %neg3A_1204, %mul3A_1202 : vector<512xf32>
    %custom_jvp_call3A_1206 = arith.constant 0.000000e+00 : f32
    %max3A_1207 = vector.broadcast %custom_jvp_call3A_1206 : f32 to vector<512xf32>
    %max3A_1208 = arith.maximumf %neg3A_1205, %max3A_1207 : vector<512xf32>
    %sub3A_1209 = vector.broadcast %custom_jvp_call3A_1206 : f32 to vector<512xf32>
    %sub3A_1210 = arith.subf %neg3A_1205, %sub3A_1209 : vector<512xf32>
    %ne3A_1211 = arith.cmpf one, %sub3A_1210, %sub3A_1210 : vector<512xf32>
    %add3A_1212 = vector.broadcast %custom_jvp_call3A_1206 : f32 to vector<512xf32>
    %add3A_1213 = arith.addf %neg3A_1205, %add3A_1212 : vector<512xf32>
    %abs3A_1214 = math.absf %sub3A_1210 : vector<512xf32>
    %neg3A_1215 = arith.constant 0.000000e+00 : f32
    %neg3A_1216 = vector.broadcast %neg3A_1215 : f32 to vector<512xf32>
    %neg3A_1217 = arith.subf %neg3A_1216, %abs3A_1214 : vector<512xf32>
    %exp3A_1218 = math.exp %neg3A_1217 : vector<512xf32>
    %log1p3A_1219 = math.log1p %exp3A_1218 : vector<512xf32>
    %add3A_1220 = arith.addf %max3A_1208, %log1p3A_1219 : vector<512xf32>
    %select_n3A_1221 = arith.select %ne3A_1211, %add3A_1213, %add3A_1220 : vector<512xi1>, vector<512xf32>
    %neg3A_1222 = arith.constant 0.000000e+00 : f32
    %neg3A_1223 = vector.broadcast %neg3A_1222 : f32 to vector<512xf32>
    %neg3A_1224 = arith.subf %neg3A_1223, %select_n3A_1221 : vector<512xf32>
    %reduce_sum3A_1225 = vector.shape_cast %neg3A_1224 : vector<512xf32> to vector<1x512xf32>
    %reduce_sum3A_1226 = arith.constant dense<0.000000e+00> : vector<1xf32>
    %reduce_sum3A_1227 = vector.multi_reduction <add>, %reduce_sum3A_1225, %reduce_sum3A_1226 [1] : vector<1x512xf32> to vector<1xf32>
    %reduce_sum3A_1228 = vector.shape_cast %reduce_sum3A_1227 : vector<1xf32> to vector<1x1xf32>
    %reduce_sum3A_1229 = vector.extract %reduce_sum3A_1228[0, 0] : f32 from vector<1x1xf32>
    %add3A_1230 = arith.addf %reduce_sum3A_1199, %reduce_sum3A_1229 : f32
    %mul3A_1231 = arith.constant 1.000000e+00 : f32
    %mul3A_1232 = arith.mulf %mul3A_1231, %add3A_1230 : f32
    %add3A_1233 = arith.addf %add3A_1156, %mul3A_1232 : f32
    %get3A_1234 = arith.constant 2 : index
    %get3A_1235 = arith.constant 4 : index
    %get3A_1236 = arith.constant 0 : index
    %get3A_1237 = arith.constant 0 : index
    %get3A_1238 = vector.load %arg3[%get3A_1234, %get3A_1235, %get3A_1236, %get3A_1237] : memref<3x10x512x128xf32, #tpu.memory_space<vmem>>, vector<1x1x512x128xf32>
    %get3A_1239 = vector.shape_cast %get3A_1238 : vector<1x1x512x128xf32> to vector<512x128xf32>
    %mul3A_1240 = arith.mulf %get3A_849, %get3A_1239 : vector<512x128xf32>
    %reduce_sum3A_1241 = arith.constant dense<0.000000e+00> : vector<512xf32>
    %reduce_sum3A_1242 = vector.multi_reduction <add>, %mul3A_1240, %reduce_sum3A_1241 [1] : vector<512x128xf32> to vector<512xf32>
    %mul3A_1243 = arith.mulf %mul3A_1240, %convert_element_type3A_5 : vector<512x128xf32>
    %reduce_sum3A_1244 = arith.constant dense<0.000000e+00> : vector<512xf32>
    %reduce_sum3A_1245 = vector.multi_reduction <add>, %mul3A_1243, %reduce_sum3A_1244 [1] : vector<512x128xf32> to vector<512xf32>
    %sub3A_1246 = arith.subf %reduce_sum3A_1242, %reduce_sum3A_1245 : vector<512xf32>
    %mul3A_1247 = arith.constant -1.000000e+00 : f32
    %mul3A_1248 = vector.broadcast %mul3A_1247 : f32 to vector<512xf32>
    %mul3A_1249 = arith.mulf %mul3A_1248, %reduce_sum3A_1245 : vector<512xf32>
    %neg3A_1250 = arith.constant 0.000000e+00 : f32
    %neg3A_1251 = vector.broadcast %neg3A_1250 : f32 to vector<512xf32>
    %neg3A_1252 = arith.subf %neg3A_1251, %mul3A_1249 : vector<512xf32>
    %custom_jvp_call3A_1253 = arith.constant 0.000000e+00 : f32
    %max3A_1254 = vector.broadcast %custom_jvp_call3A_1253 : f32 to vector<512xf32>
    %max3A_1255 = arith.maximumf %neg3A_1252, %max3A_1254 : vector<512xf32>
    %sub3A_1256 = vector.broadcast %custom_jvp_call3A_1253 : f32 to vector<512xf32>
    %sub3A_1257 = arith.subf %neg3A_1252, %sub3A_1256 : vector<512xf32>
    %ne3A_1258 = arith.cmpf one, %sub3A_1257, %sub3A_1257 : vector<512xf32>
    %add3A_1259 = vector.broadcast %custom_jvp_call3A_1253 : f32 to vector<512xf32>
    %add3A_1260 = arith.addf %neg3A_1252, %add3A_1259 : vector<512xf32>
    %abs3A_1261 = math.absf %sub3A_1257 : vector<512xf32>
    %neg3A_1262 = arith.constant 0.000000e+00 : f32
    %neg3A_1263 = vector.broadcast %neg3A_1262 : f32 to vector<512xf32>
    %neg3A_1264 = arith.subf %neg3A_1263, %abs3A_1261 : vector<512xf32>
    %exp3A_1265 = math.exp %neg3A_1264 : vector<512xf32>
    %log1p3A_1266 = math.log1p %exp3A_1265 : vector<512xf32>
    %add3A_1267 = arith.addf %max3A_1255, %log1p3A_1266 : vector<512xf32>
    %select_n3A_1268 = arith.select %ne3A_1258, %add3A_1260, %add3A_1267 : vector<512xi1>, vector<512xf32>
    %neg3A_1269 = arith.constant 0.000000e+00 : f32
    %neg3A_1270 = vector.broadcast %neg3A_1269 : f32 to vector<512xf32>
    %neg3A_1271 = arith.subf %neg3A_1270, %select_n3A_1268 : vector<512xf32>
    %reduce_sum3A_1272 = vector.shape_cast %neg3A_1271 : vector<512xf32> to vector<1x512xf32>
    %reduce_sum3A_1273 = arith.constant dense<0.000000e+00> : vector<1xf32>
    %reduce_sum3A_1274 = vector.multi_reduction <add>, %reduce_sum3A_1272, %reduce_sum3A_1273 [1] : vector<1x512xf32> to vector<1xf32>
    %reduce_sum3A_1275 = vector.shape_cast %reduce_sum3A_1274 : vector<1xf32> to vector<1x1xf32>
    %reduce_sum3A_1276 = vector.extract %reduce_sum3A_1275[0, 0] : f32 from vector<1x1xf32>
    %mul3A_1277 = arith.constant -1.000000e+00 : f32
    %mul3A_1278 = vector.broadcast %mul3A_1277 : f32 to vector<512xf32>
    %mul3A_1279 = arith.mulf %mul3A_1278, %sub3A_1246 : vector<512xf32>
    %neg3A_1280 = arith.constant 0.000000e+00 : f32
    %neg3A_1281 = vector.broadcast %neg3A_1280 : f32 to vector<512xf32>
    %neg3A_1282 = arith.subf %neg3A_1281, %mul3A_1279 : vector<512xf32>
    %custom_jvp_call3A_1283 = arith.constant 0.000000e+00 : f32
    %max3A_1284 = vector.broadcast %custom_jvp_call3A_1283 : f32 to vector<512xf32>
    %max3A_1285 = arith.maximumf %neg3A_1282, %max3A_1284 : vector<512xf32>
    %sub3A_1286 = vector.broadcast %custom_jvp_call3A_1283 : f32 to vector<512xf32>
    %sub3A_1287 = arith.subf %neg3A_1282, %sub3A_1286 : vector<512xf32>
    %ne3A_1288 = arith.cmpf one, %sub3A_1287, %sub3A_1287 : vector<512xf32>
    %add3A_1289 = vector.broadcast %custom_jvp_call3A_1283 : f32 to vector<512xf32>
    %add3A_1290 = arith.addf %neg3A_1282, %add3A_1289 : vector<512xf32>
    %abs3A_1291 = math.absf %sub3A_1287 : vector<512xf32>
    %neg3A_1292 = arith.constant 0.000000e+00 : f32
    %neg3A_1293 = vector.broadcast %neg3A_1292 : f32 to vector<512xf32>
    %neg3A_1294 = arith.subf %neg3A_1293, %abs3A_1291 : vector<512xf32>
    %exp3A_1295 = math.exp %neg3A_1294 : vector<512xf32>
    %log1p3A_1296 = math.log1p %exp3A_1295 : vector<512xf32>
    %add3A_1297 = arith.addf %max3A_1285, %log1p3A_1296 : vector<512xf32>
    %select_n3A_1298 = arith.select %ne3A_1288, %add3A_1290, %add3A_1297 : vector<512xi1>, vector<512xf32>
    %neg3A_1299 = arith.constant 0.000000e+00 : f32
    %neg3A_1300 = vector.broadcast %neg3A_1299 : f32 to vector<512xf32>
    %neg3A_1301 = arith.subf %neg3A_1300, %select_n3A_1298 : vector<512xf32>
    %reduce_sum3A_1302 = vector.shape_cast %neg3A_1301 : vector<512xf32> to vector<1x512xf32>
    %reduce_sum3A_1303 = arith.constant dense<0.000000e+00> : vector<1xf32>
    %reduce_sum3A_1304 = vector.multi_reduction <add>, %reduce_sum3A_1302, %reduce_sum3A_1303 [1] : vector<1x512xf32> to vector<1xf32>
    %reduce_sum3A_1305 = vector.shape_cast %reduce_sum3A_1304 : vector<1xf32> to vector<1x1xf32>
    %reduce_sum3A_1306 = vector.extract %reduce_sum3A_1305[0, 0] : f32 from vector<1x1xf32>
    %add3A_1307 = arith.addf %reduce_sum3A_1276, %reduce_sum3A_1306 : f32
    %mul3A_1308 = arith.constant 1.000000e+00 : f32
    %mul3A_1309 = arith.mulf %mul3A_1308, %add3A_1307 : f32
    %add3A_1310 = arith.addf %add3A_1233, %mul3A_1309 : f32
    %get3A_1311 = arith.constant 2 : index
    %get3A_1312 = arith.constant 5 : index
    %get3A_1313 = arith.constant 0 : index
    %get3A_1314 = arith.constant 0 : index
    %get3A_1315 = vector.load %arg3[%get3A_1311, %get3A_1312, %get3A_1313, %get3A_1314] : memref<3x10x512x128xf32, #tpu.memory_space<vmem>>, vector<1x1x512x128xf32>
    %get3A_1316 = vector.shape_cast %get3A_1315 : vector<1x1x512x128xf32> to vector<512x128xf32>
    %mul3A_1317 = arith.mulf %get3A_849, %get3A_1316 : vector<512x128xf32>
    %reduce_sum3A_1318 = arith.constant dense<0.000000e+00> : vector<512xf32>
    %reduce_sum3A_1319 = vector.multi_reduction <add>, %mul3A_1317, %reduce_sum3A_1318 [1] : vector<512x128xf32> to vector<512xf32>
    %mul3A_1320 = arith.mulf %mul3A_1317, %convert_element_type3A_5 : vector<512x128xf32>
    %reduce_sum3A_1321 = arith.constant dense<0.000000e+00> : vector<512xf32>
    %reduce_sum3A_1322 = vector.multi_reduction <add>, %mul3A_1320, %reduce_sum3A_1321 [1] : vector<512x128xf32> to vector<512xf32>
    %sub3A_1323 = arith.subf %reduce_sum3A_1319, %reduce_sum3A_1322 : vector<512xf32>
    %mul3A_1324 = arith.constant -1.000000e+00 : f32
    %mul3A_1325 = vector.broadcast %mul3A_1324 : f32 to vector<512xf32>
    %mul3A_1326 = arith.mulf %mul3A_1325, %reduce_sum3A_1322 : vector<512xf32>
    %neg3A_1327 = arith.constant 0.000000e+00 : f32
    %neg3A_1328 = vector.broadcast %neg3A_1327 : f32 to vector<512xf32>
    %neg3A_1329 = arith.subf %neg3A_1328, %mul3A_1326 : vector<512xf32>
    %custom_jvp_call3A_1330 = arith.constant 0.000000e+00 : f32
    %max3A_1331 = vector.broadcast %custom_jvp_call3A_1330 : f32 to vector<512xf32>
    %max3A_1332 = arith.maximumf %neg3A_1329, %max3A_1331 : vector<512xf32>
    %sub3A_1333 = vector.broadcast %custom_jvp_call3A_1330 : f32 to vector<512xf32>
    %sub3A_1334 = arith.subf %neg3A_1329, %sub3A_1333 : vector<512xf32>
    %ne3A_1335 = arith.cmpf one, %sub3A_1334, %sub3A_1334 : vector<512xf32>
    %add3A_1336 = vector.broadcast %custom_jvp_call3A_1330 : f32 to vector<512xf32>
    %add3A_1337 = arith.addf %neg3A_1329, %add3A_1336 : vector<512xf32>
    %abs3A_1338 = math.absf %sub3A_1334 : vector<512xf32>
    %neg3A_1339 = arith.constant 0.000000e+00 : f32
    %neg3A_1340 = vector.broadcast %neg3A_1339 : f32 to vector<512xf32>
    %neg3A_1341 = arith.subf %neg3A_1340, %abs3A_1338 : vector<512xf32>
    %exp3A_1342 = math.exp %neg3A_1341 : vector<512xf32>
    %log1p3A_1343 = math.log1p %exp3A_1342 : vector<512xf32>
    %add3A_1344 = arith.addf %max3A_1332, %log1p3A_1343 : vector<512xf32>
    %select_n3A_1345 = arith.select %ne3A_1335, %add3A_1337, %add3A_1344 : vector<512xi1>, vector<512xf32>
    %neg3A_1346 = arith.constant 0.000000e+00 : f32
    %neg3A_1347 = vector.broadcast %neg3A_1346 : f32 to vector<512xf32>
    %neg3A_1348 = arith.subf %neg3A_1347, %select_n3A_1345 : vector<512xf32>
    %reduce_sum3A_1349 = vector.shape_cast %neg3A_1348 : vector<512xf32> to vector<1x512xf32>
    %reduce_sum3A_1350 = arith.constant dense<0.000000e+00> : vector<1xf32>
    %reduce_sum3A_1351 = vector.multi_reduction <add>, %reduce_sum3A_1349, %reduce_sum3A_1350 [1] : vector<1x512xf32> to vector<1xf32>
    %reduce_sum3A_1352 = vector.shape_cast %reduce_sum3A_1351 : vector<1xf32> to vector<1x1xf32>
    %reduce_sum3A_1353 = vector.extract %reduce_sum3A_1352[0, 0] : f32 from vector<1x1xf32>
    %mul3A_1354 = arith.constant -1.000000e+00 : f32
    %mul3A_1355 = vector.broadcast %mul3A_1354 : f32 to vector<512xf32>
    %mul3A_1356 = arith.mulf %mul3A_1355, %sub3A_1323 : vector<512xf32>
    %neg3A_1357 = arith.constant 0.000000e+00 : f32
    %neg3A_1358 = vector.broadcast %neg3A_1357 : f32 to vector<512xf32>
    %neg3A_1359 = arith.subf %neg3A_1358, %mul3A_1356 : vector<512xf32>
    %custom_jvp_call3A_1360 = arith.constant 0.000000e+00 : f32
    %max3A_1361 = vector.broadcast %custom_jvp_call3A_1360 : f32 to vector<512xf32>
    %max3A_1362 = arith.maximumf %neg3A_1359, %max3A_1361 : vector<512xf32>
    %sub3A_1363 = vector.broadcast %custom_jvp_call3A_1360 : f32 to vector<512xf32>
    %sub3A_1364 = arith.subf %neg3A_1359, %sub3A_1363 : vector<512xf32>
    %ne3A_1365 = arith.cmpf one, %sub3A_1364, %sub3A_1364 : vector<512xf32>
    %add3A_1366 = vector.broadcast %custom_jvp_call3A_1360 : f32 to vector<512xf32>
    %add3A_1367 = arith.addf %neg3A_1359, %add3A_1366 : vector<512xf32>
    %abs3A_1368 = math.absf %sub3A_1364 : vector<512xf32>
    %neg3A_1369 = arith.constant 0.000000e+00 : f32
    %neg3A_1370 = vector.broadcast %neg3A_1369 : f32 to vector<512xf32>
    %neg3A_1371 = arith.subf %neg3A_1370, %abs3A_1368 : vector<512xf32>
    %exp3A_1372 = math.exp %neg3A_1371 : vector<512xf32>
    %log1p3A_1373 = math.log1p %exp3A_1372 : vector<512xf32>
    %add3A_1374 = arith.addf %max3A_1362, %log1p3A_1373 : vector<512xf32>
    %select_n3A_1375 = arith.select %ne3A_1365, %add3A_1367, %add3A_1374 : vector<512xi1>, vector<512xf32>
    %neg3A_1376 = arith.constant 0.000000e+00 : f32
    %neg3A_1377 = vector.broadcast %neg3A_1376 : f32 to vector<512xf32>
    %neg3A_1378 = arith.subf %neg3A_1377, %select_n3A_1375 : vector<512xf32>
    %reduce_sum3A_1379 = vector.shape_cast %neg3A_1378 : vector<512xf32> to vector<1x512xf32>
    %reduce_sum3A_1380 = arith.constant dense<0.000000e+00> : vector<1xf32>
    %reduce_sum3A_1381 = vector.multi_reduction <add>, %reduce_sum3A_1379, %reduce_sum3A_1380 [1] : vector<1x512xf32> to vector<1xf32>
    %reduce_sum3A_1382 = vector.shape_cast %reduce_sum3A_1381 : vector<1xf32> to vector<1x1xf32>
    %reduce_sum3A_1383 = vector.extract %reduce_sum3A_1382[0, 0] : f32 from vector<1x1xf32>
    %add3A_1384 = arith.addf %reduce_sum3A_1353, %reduce_sum3A_1383 : f32
    %mul3A_1385 = arith.constant 1.000000e+00 : f32
    %mul3A_1386 = arith.mulf %mul3A_1385, %add3A_1384 : f32
    %add3A_1387 = arith.addf %add3A_1310, %mul3A_1386 : f32
    %get3A_1388 = arith.constant 2 : index
    %get3A_1389 = arith.constant 6 : index
    %get3A_1390 = arith.constant 0 : index
    %get3A_1391 = arith.constant 0 : index
    %get3A_1392 = vector.load %arg3[%get3A_1388, %get3A_1389, %get3A_1390, %get3A_1391] : memref<3x10x512x128xf32, #tpu.memory_space<vmem>>, vector<1x1x512x128xf32>
    %get3A_1393 = vector.shape_cast %get3A_1392 : vector<1x1x512x128xf32> to vector<512x128xf32>
    %mul3A_1394 = arith.mulf %get3A_849, %get3A_1393 : vector<512x128xf32>
    %reduce_sum3A_1395 = arith.constant dense<0.000000e+00> : vector<512xf32>
    %reduce_sum3A_1396 = vector.multi_reduction <add>, %mul3A_1394, %reduce_sum3A_1395 [1] : vector<512x128xf32> to vector<512xf32>
    %mul3A_1397 = arith.mulf %mul3A_1394, %convert_element_type3A_5 : vector<512x128xf32>
    %reduce_sum3A_1398 = arith.constant dense<0.000000e+00> : vector<512xf32>
    %reduce_sum3A_1399 = vector.multi_reduction <add>, %mul3A_1397, %reduce_sum3A_1398 [1] : vector<512x128xf32> to vector<512xf32>
    %sub3A_1400 = arith.subf %reduce_sum3A_1396, %reduce_sum3A_1399 : vector<512xf32>
    %mul3A_1401 = arith.constant -1.000000e+00 : f32
    %mul3A_1402 = vector.broadcast %mul3A_1401 : f32 to vector<512xf32>
    %mul3A_1403 = arith.mulf %mul3A_1402, %reduce_sum3A_1399 : vector<512xf32>
    %neg3A_1404 = arith.constant 0.000000e+00 : f32
    %neg3A_1405 = vector.broadcast %neg3A_1404 : f32 to vector<512xf32>
    %neg3A_1406 = arith.subf %neg3A_1405, %mul3A_1403 : vector<512xf32>
    %custom_jvp_call3A_1407 = arith.constant 0.000000e+00 : f32
    %max3A_1408 = vector.broadcast %custom_jvp_call3A_1407 : f32 to vector<512xf32>
    %max3A_1409 = arith.maximumf %neg3A_1406, %max3A_1408 : vector<512xf32>
    %sub3A_1410 = vector.broadcast %custom_jvp_call3A_1407 : f32 to vector<512xf32>
    %sub3A_1411 = arith.subf %neg3A_1406, %sub3A_1410 : vector<512xf32>
    %ne3A_1412 = arith.cmpf one, %sub3A_1411, %sub3A_1411 : vector<512xf32>
    %add3A_1413 = vector.broadcast %custom_jvp_call3A_1407 : f32 to vector<512xf32>
    %add3A_1414 = arith.addf %neg3A_1406, %add3A_1413 : vector<512xf32>
    %abs3A_1415 = math.absf %sub3A_1411 : vector<512xf32>
    %neg3A_1416 = arith.constant 0.000000e+00 : f32
    %neg3A_1417 = vector.broadcast %neg3A_1416 : f32 to vector<512xf32>
    %neg3A_1418 = arith.subf %neg3A_1417, %abs3A_1415 : vector<512xf32>
    %exp3A_1419 = math.exp %neg3A_1418 : vector<512xf32>
    %log1p3A_1420 = math.log1p %exp3A_1419 : vector<512xf32>
    %add3A_1421 = arith.addf %max3A_1409, %log1p3A_1420 : vector<512xf32>
    %select_n3A_1422 = arith.select %ne3A_1412, %add3A_1414, %add3A_1421 : vector<512xi1>, vector<512xf32>
    %neg3A_1423 = arith.constant 0.000000e+00 : f32
    %neg3A_1424 = vector.broadcast %neg3A_1423 : f32 to vector<512xf32>
    %neg3A_1425 = arith.subf %neg3A_1424, %select_n3A_1422 : vector<512xf32>
    %reduce_sum3A_1426 = vector.shape_cast %neg3A_1425 : vector<512xf32> to vector<1x512xf32>
    %reduce_sum3A_1427 = arith.constant dense<0.000000e+00> : vector<1xf32>
    %reduce_sum3A_1428 = vector.multi_reduction <add>, %reduce_sum3A_1426, %reduce_sum3A_1427 [1] : vector<1x512xf32> to vector<1xf32>
    %reduce_sum3A_1429 = vector.shape_cast %reduce_sum3A_1428 : vector<1xf32> to vector<1x1xf32>
    %reduce_sum3A_1430 = vector.extract %reduce_sum3A_1429[0, 0] : f32 from vector<1x1xf32>
    %mul3A_1431 = arith.constant -1.000000e+00 : f32
    %mul3A_1432 = vector.broadcast %mul3A_1431 : f32 to vector<512xf32>
    %mul3A_1433 = arith.mulf %mul3A_1432, %sub3A_1400 : vector<512xf32>
    %neg3A_1434 = arith.constant 0.000000e+00 : f32
    %neg3A_1435 = vector.broadcast %neg3A_1434 : f32 to vector<512xf32>
    %neg3A_1436 = arith.subf %neg3A_1435, %mul3A_1433 : vector<512xf32>
    %custom_jvp_call3A_1437 = arith.constant 0.000000e+00 : f32
    %max3A_1438 = vector.broadcast %custom_jvp_call3A_1437 : f32 to vector<512xf32>
    %max3A_1439 = arith.maximumf %neg3A_1436, %max3A_1438 : vector<512xf32>
    %sub3A_1440 = vector.broadcast %custom_jvp_call3A_1437 : f32 to vector<512xf32>
    %sub3A_1441 = arith.subf %neg3A_1436, %sub3A_1440 : vector<512xf32>
    %ne3A_1442 = arith.cmpf one, %sub3A_1441, %sub3A_1441 : vector<512xf32>
    %add3A_1443 = vector.broadcast %custom_jvp_call3A_1437 : f32 to vector<512xf32>
    %add3A_1444 = arith.addf %neg3A_1436, %add3A_1443 : vector<512xf32>
    %abs3A_1445 = math.absf %sub3A_1441 : vector<512xf32>
    %neg3A_1446 = arith.constant 0.000000e+00 : f32
    %neg3A_1447 = vector.broadcast %neg3A_1446 : f32 to vector<512xf32>
    %neg3A_1448 = arith.subf %neg3A_1447, %abs3A_1445 : vector<512xf32>
    %exp3A_1449 = math.exp %neg3A_1448 : vector<512xf32>
    %log1p3A_1450 = math.log1p %exp3A_1449 : vector<512xf32>
    %add3A_1451 = arith.addf %max3A_1439, %log1p3A_1450 : vector<512xf32>
    %select_n3A_1452 = arith.select %ne3A_1442, %add3A_1444, %add3A_1451 : vector<512xi1>, vector<512xf32>
    %neg3A_1453 = arith.constant 0.000000e+00 : f32
    %neg3A_1454 = vector.broadcast %neg3A_1453 : f32 to vector<512xf32>
    %neg3A_1455 = arith.subf %neg3A_1454, %select_n3A_1452 : vector<512xf32>
    %reduce_sum3A_1456 = vector.shape_cast %neg3A_1455 : vector<512xf32> to vector<1x512xf32>
    %reduce_sum3A_1457 = arith.constant dense<0.000000e+00> : vector<1xf32>
    %reduce_sum3A_1458 = vector.multi_reduction <add>, %reduce_sum3A_1456, %reduce_sum3A_1457 [1] : vector<1x512xf32> to vector<1xf32>
    %reduce_sum3A_1459 = vector.shape_cast %reduce_sum3A_1458 : vector<1xf32> to vector<1x1xf32>
    %reduce_sum3A_1460 = vector.extract %reduce_sum3A_1459[0, 0] : f32 from vector<1x1xf32>
    %add3A_1461 = arith.addf %reduce_sum3A_1430, %reduce_sum3A_1460 : f32
    %mul3A_1462 = arith.constant 1.000000e+00 : f32
    %mul3A_1463 = arith.mulf %mul3A_1462, %add3A_1461 : f32
    %add3A_1464 = arith.addf %add3A_1387, %mul3A_1463 : f32
    %get3A_1465 = arith.constant 2 : index
    %get3A_1466 = arith.constant 7 : index
    %get3A_1467 = arith.constant 0 : index
    %get3A_1468 = arith.constant 0 : index
    %get3A_1469 = vector.load %arg3[%get3A_1465, %get3A_1466, %get3A_1467, %get3A_1468] : memref<3x10x512x128xf32, #tpu.memory_space<vmem>>, vector<1x1x512x128xf32>
    %get3A_1470 = vector.shape_cast %get3A_1469 : vector<1x1x512x128xf32> to vector<512x128xf32>
    %mul3A_1471 = arith.mulf %get3A_849, %get3A_1470 : vector<512x128xf32>
    %reduce_sum3A_1472 = arith.constant dense<0.000000e+00> : vector<512xf32>
    %reduce_sum3A_1473 = vector.multi_reduction <add>, %mul3A_1471, %reduce_sum3A_1472 [1] : vector<512x128xf32> to vector<512xf32>
    %mul3A_1474 = arith.mulf %mul3A_1471, %convert_element_type3A_5 : vector<512x128xf32>
    %reduce_sum3A_1475 = arith.constant dense<0.000000e+00> : vector<512xf32>
    %reduce_sum3A_1476 = vector.multi_reduction <add>, %mul3A_1474, %reduce_sum3A_1475 [1] : vector<512x128xf32> to vector<512xf32>
    %sub3A_1477 = arith.subf %reduce_sum3A_1473, %reduce_sum3A_1476 : vector<512xf32>
    %mul3A_1478 = arith.constant -1.000000e+00 : f32
    %mul3A_1479 = vector.broadcast %mul3A_1478 : f32 to vector<512xf32>
    %mul3A_1480 = arith.mulf %mul3A_1479, %reduce_sum3A_1476 : vector<512xf32>
    %neg3A_1481 = arith.constant 0.000000e+00 : f32
    %neg3A_1482 = vector.broadcast %neg3A_1481 : f32 to vector<512xf32>
    %neg3A_1483 = arith.subf %neg3A_1482, %mul3A_1480 : vector<512xf32>
    %custom_jvp_call3A_1484 = arith.constant 0.000000e+00 : f32
    %max3A_1485 = vector.broadcast %custom_jvp_call3A_1484 : f32 to vector<512xf32>
    %max3A_1486 = arith.maximumf %neg3A_1483, %max3A_1485 : vector<512xf32>
    %sub3A_1487 = vector.broadcast %custom_jvp_call3A_1484 : f32 to vector<512xf32>
    %sub3A_1488 = arith.subf %neg3A_1483, %sub3A_1487 : vector<512xf32>
    %ne3A_1489 = arith.cmpf one, %sub3A_1488, %sub3A_1488 : vector<512xf32>
    %add3A_1490 = vector.broadcast %custom_jvp_call3A_1484 : f32 to vector<512xf32>
    %add3A_1491 = arith.addf %neg3A_1483, %add3A_1490 : vector<512xf32>
    %abs3A_1492 = math.absf %sub3A_1488 : vector<512xf32>
    %neg3A_1493 = arith.constant 0.000000e+00 : f32
    %neg3A_1494 = vector.broadcast %neg3A_1493 : f32 to vector<512xf32>
    %neg3A_1495 = arith.subf %neg3A_1494, %abs3A_1492 : vector<512xf32>
    %exp3A_1496 = math.exp %neg3A_1495 : vector<512xf32>
    %log1p3A_1497 = math.log1p %exp3A_1496 : vector<512xf32>
    %add3A_1498 = arith.addf %max3A_1486, %log1p3A_1497 : vector<512xf32>
    %select_n3A_1499 = arith.select %ne3A_1489, %add3A_1491, %add3A_1498 : vector<512xi1>, vector<512xf32>
    %neg3A_1500 = arith.constant 0.000000e+00 : f32
    %neg3A_1501 = vector.broadcast %neg3A_1500 : f32 to vector<512xf32>
    %neg3A_1502 = arith.subf %neg3A_1501, %select_n3A_1499 : vector<512xf32>
    %reduce_sum3A_1503 = vector.shape_cast %neg3A_1502 : vector<512xf32> to vector<1x512xf32>
    %reduce_sum3A_1504 = arith.constant dense<0.000000e+00> : vector<1xf32>
    %reduce_sum3A_1505 = vector.multi_reduction <add>, %reduce_sum3A_1503, %reduce_sum3A_1504 [1] : vector<1x512xf32> to vector<1xf32>
    %reduce_sum3A_1506 = vector.shape_cast %reduce_sum3A_1505 : vector<1xf32> to vector<1x1xf32>
    %reduce_sum3A_1507 = vector.extract %reduce_sum3A_1506[0, 0] : f32 from vector<1x1xf32>
    %mul3A_1508 = arith.constant -1.000000e+00 : f32
    %mul3A_1509 = vector.broadcast %mul3A_1508 : f32 to vector<512xf32>
    %mul3A_1510 = arith.mulf %mul3A_1509, %sub3A_1477 : vector<512xf32>
    %neg3A_1511 = arith.constant 0.000000e+00 : f32
    %neg3A_1512 = vector.broadcast %neg3A_1511 : f32 to vector<512xf32>
    %neg3A_1513 = arith.subf %neg3A_1512, %mul3A_1510 : vector<512xf32>
    %custom_jvp_call3A_1514 = arith.constant 0.000000e+00 : f32
    %max3A_1515 = vector.broadcast %custom_jvp_call3A_1514 : f32 to vector<512xf32>
    %max3A_1516 = arith.maximumf %neg3A_1513, %max3A_1515 : vector<512xf32>
    %sub3A_1517 = vector.broadcast %custom_jvp_call3A_1514 : f32 to vector<512xf32>
    %sub3A_1518 = arith.subf %neg3A_1513, %sub3A_1517 : vector<512xf32>
    %ne3A_1519 = arith.cmpf one, %sub3A_1518, %sub3A_1518 : vector<512xf32>
    %add3A_1520 = vector.broadcast %custom_jvp_call3A_1514 : f32 to vector<512xf32>
    %add3A_1521 = arith.addf %neg3A_1513, %add3A_1520 : vector<512xf32>
    %abs3A_1522 = math.absf %sub3A_1518 : vector<512xf32>
    %neg3A_1523 = arith.constant 0.000000e+00 : f32
    %neg3A_1524 = vector.broadcast %neg3A_1523 : f32 to vector<512xf32>
    %neg3A_1525 = arith.subf %neg3A_1524, %abs3A_1522 : vector<512xf32>
    %exp3A_1526 = math.exp %neg3A_1525 : vector<512xf32>
    %log1p3A_1527 = math.log1p %exp3A_1526 : vector<512xf32>
    %add3A_1528 = arith.addf %max3A_1516, %log1p3A_1527 : vector<512xf32>
    %select_n3A_1529 = arith.select %ne3A_1519, %add3A_1521, %add3A_1528 : vector<512xi1>, vector<512xf32>
    %neg3A_1530 = arith.constant 0.000000e+00 : f32
    %neg3A_1531 = vector.broadcast %neg3A_1530 : f32 to vector<512xf32>
    %neg3A_1532 = arith.subf %neg3A_1531, %select_n3A_1529 : vector<512xf32>
    %reduce_sum3A_1533 = vector.shape_cast %neg3A_1532 : vector<512xf32> to vector<1x512xf32>
    %reduce_sum3A_1534 = arith.constant dense<0.000000e+00> : vector<1xf32>
    %reduce_sum3A_1535 = vector.multi_reduction <add>, %reduce_sum3A_1533, %reduce_sum3A_1534 [1] : vector<1x512xf32> to vector<1xf32>
    %reduce_sum3A_1536 = vector.shape_cast %reduce_sum3A_1535 : vector<1xf32> to vector<1x1xf32>
    %reduce_sum3A_1537 = vector.extract %reduce_sum3A_1536[0, 0] : f32 from vector<1x1xf32>
    %add3A_1538 = arith.addf %reduce_sum3A_1507, %reduce_sum3A_1537 : f32
    %mul3A_1539 = arith.constant 1.000000e+00 : f32
    %mul3A_1540 = arith.mulf %mul3A_1539, %add3A_1538 : f32
    %add3A_1541 = arith.addf %add3A_1464, %mul3A_1540 : f32
    %get3A_1542 = arith.constant 2 : index
    %get3A_1543 = arith.constant 8 : index
    %get3A_1544 = arith.constant 0 : index
    %get3A_1545 = arith.constant 0 : index
    %get3A_1546 = vector.load %arg3[%get3A_1542, %get3A_1543, %get3A_1544, %get3A_1545] : memref<3x10x512x128xf32, #tpu.memory_space<vmem>>, vector<1x1x512x128xf32>
    %get3A_1547 = vector.shape_cast %get3A_1546 : vector<1x1x512x128xf32> to vector<512x128xf32>
    %mul3A_1548 = arith.mulf %get3A_849, %get3A_1547 : vector<512x128xf32>
    %reduce_sum3A_1549 = arith.constant dense<0.000000e+00> : vector<512xf32>
    %reduce_sum3A_1550 = vector.multi_reduction <add>, %mul3A_1548, %reduce_sum3A_1549 [1] : vector<512x128xf32> to vector<512xf32>
    %mul3A_1551 = arith.mulf %mul3A_1548, %convert_element_type3A_5 : vector<512x128xf32>
    %reduce_sum3A_1552 = arith.constant dense<0.000000e+00> : vector<512xf32>
    %reduce_sum3A_1553 = vector.multi_reduction <add>, %mul3A_1551, %reduce_sum3A_1552 [1] : vector<512x128xf32> to vector<512xf32>
    %sub3A_1554 = arith.subf %reduce_sum3A_1550, %reduce_sum3A_1553 : vector<512xf32>
    %mul3A_1555 = arith.constant -1.000000e+00 : f32
    %mul3A_1556 = vector.broadcast %mul3A_1555 : f32 to vector<512xf32>
    %mul3A_1557 = arith.mulf %mul3A_1556, %reduce_sum3A_1553 : vector<512xf32>
    %neg3A_1558 = arith.constant 0.000000e+00 : f32
    %neg3A_1559 = vector.broadcast %neg3A_1558 : f32 to vector<512xf32>
    %neg3A_1560 = arith.subf %neg3A_1559, %mul3A_1557 : vector<512xf32>
    %custom_jvp_call3A_1561 = arith.constant 0.000000e+00 : f32
    %max3A_1562 = vector.broadcast %custom_jvp_call3A_1561 : f32 to vector<512xf32>
    %max3A_1563 = arith.maximumf %neg3A_1560, %max3A_1562 : vector<512xf32>
    %sub3A_1564 = vector.broadcast %custom_jvp_call3A_1561 : f32 to vector<512xf32>
    %sub3A_1565 = arith.subf %neg3A_1560, %sub3A_1564 : vector<512xf32>
    %ne3A_1566 = arith.cmpf one, %sub3A_1565, %sub3A_1565 : vector<512xf32>
    %add3A_1567 = vector.broadcast %custom_jvp_call3A_1561 : f32 to vector<512xf32>
    %add3A_1568 = arith.addf %neg3A_1560, %add3A_1567 : vector<512xf32>
    %abs3A_1569 = math.absf %sub3A_1565 : vector<512xf32>
    %neg3A_1570 = arith.constant 0.000000e+00 : f32
    %neg3A_1571 = vector.broadcast %neg3A_1570 : f32 to vector<512xf32>
    %neg3A_1572 = arith.subf %neg3A_1571, %abs3A_1569 : vector<512xf32>
    %exp3A_1573 = math.exp %neg3A_1572 : vector<512xf32>
    %log1p3A_1574 = math.log1p %exp3A_1573 : vector<512xf32>
    %add3A_1575 = arith.addf %max3A_1563, %log1p3A_1574 : vector<512xf32>
    %select_n3A_1576 = arith.select %ne3A_1566, %add3A_1568, %add3A_1575 : vector<512xi1>, vector<512xf32>
    %neg3A_1577 = arith.constant 0.000000e+00 : f32
    %neg3A_1578 = vector.broadcast %neg3A_1577 : f32 to vector<512xf32>
    %neg3A_1579 = arith.subf %neg3A_1578, %select_n3A_1576 : vector<512xf32>
    %reduce_sum3A_1580 = vector.shape_cast %neg3A_1579 : vector<512xf32> to vector<1x512xf32>
    %reduce_sum3A_1581 = arith.constant dense<0.000000e+00> : vector<1xf32>
    %reduce_sum3A_1582 = vector.multi_reduction <add>, %reduce_sum3A_1580, %reduce_sum3A_1581 [1] : vector<1x512xf32> to vector<1xf32>
    %reduce_sum3A_1583 = vector.shape_cast %reduce_sum3A_1582 : vector<1xf32> to vector<1x1xf32>
    %reduce_sum3A_1584 = vector.extract %reduce_sum3A_1583[0, 0] : f32 from vector<1x1xf32>
    %mul3A_1585 = arith.constant -1.000000e+00 : f32
    %mul3A_1586 = vector.broadcast %mul3A_1585 : f32 to vector<512xf32>
    %mul3A_1587 = arith.mulf %mul3A_1586, %sub3A_1554 : vector<512xf32>
    %neg3A_1588 = arith.constant 0.000000e+00 : f32
    %neg3A_1589 = vector.broadcast %neg3A_1588 : f32 to vector<512xf32>
    %neg3A_1590 = arith.subf %neg3A_1589, %mul3A_1587 : vector<512xf32>
    %custom_jvp_call3A_1591 = arith.constant 0.000000e+00 : f32
    %max3A_1592 = vector.broadcast %custom_jvp_call3A_1591 : f32 to vector<512xf32>
    %max3A_1593 = arith.maximumf %neg3A_1590, %max3A_1592 : vector<512xf32>
    %sub3A_1594 = vector.broadcast %custom_jvp_call3A_1591 : f32 to vector<512xf32>
    %sub3A_1595 = arith.subf %neg3A_1590, %sub3A_1594 : vector<512xf32>
    %ne3A_1596 = arith.cmpf one, %sub3A_1595, %sub3A_1595 : vector<512xf32>
    %add3A_1597 = vector.broadcast %custom_jvp_call3A_1591 : f32 to vector<512xf32>
    %add3A_1598 = arith.addf %neg3A_1590, %add3A_1597 : vector<512xf32>
    %abs3A_1599 = math.absf %sub3A_1595 : vector<512xf32>
    %neg3A_1600 = arith.constant 0.000000e+00 : f32
    %neg3A_1601 = vector.broadcast %neg3A_1600 : f32 to vector<512xf32>
    %neg3A_1602 = arith.subf %neg3A_1601, %abs3A_1599 : vector<512xf32>
    %exp3A_1603 = math.exp %neg3A_1602 : vector<512xf32>
    %log1p3A_1604 = math.log1p %exp3A_1603 : vector<512xf32>
    %add3A_1605 = arith.addf %max3A_1593, %log1p3A_1604 : vector<512xf32>
    %select_n3A_1606 = arith.select %ne3A_1596, %add3A_1598, %add3A_1605 : vector<512xi1>, vector<512xf32>
    %neg3A_1607 = arith.constant 0.000000e+00 : f32
    %neg3A_1608 = vector.broadcast %neg3A_1607 : f32 to vector<512xf32>
    %neg3A_1609 = arith.subf %neg3A_1608, %select_n3A_1606 : vector<512xf32>
    %reduce_sum3A_1610 = vector.shape_cast %neg3A_1609 : vector<512xf32> to vector<1x512xf32>
    %reduce_sum3A_1611 = arith.constant dense<0.000000e+00> : vector<1xf32>
    %reduce_sum3A_1612 = vector.multi_reduction <add>, %reduce_sum3A_1610, %reduce_sum3A_1611 [1] : vector<1x512xf32> to vector<1xf32>
    %reduce_sum3A_1613 = vector.shape_cast %reduce_sum3A_1612 : vector<1xf32> to vector<1x1xf32>
    %reduce_sum3A_1614 = vector.extract %reduce_sum3A_1613[0, 0] : f32 from vector<1x1xf32>
    %add3A_1615 = arith.addf %reduce_sum3A_1584, %reduce_sum3A_1614 : f32
    %mul3A_1616 = arith.constant 1.000000e+00 : f32
    %mul3A_1617 = arith.mulf %mul3A_1616, %add3A_1615 : f32
    %add3A_1618 = arith.addf %add3A_1541, %mul3A_1617 : f32
    %get3A_1619 = arith.constant 2 : index
    %get3A_1620 = arith.constant 9 : index
    %get3A_1621 = arith.constant 0 : index
    %get3A_1622 = arith.constant 0 : index
    %get3A_1623 = vector.load %arg3[%get3A_1619, %get3A_1620, %get3A_1621, %get3A_1622] : memref<3x10x512x128xf32, #tpu.memory_space<vmem>>, vector<1x1x512x128xf32>
    %get3A_1624 = vector.shape_cast %get3A_1623 : vector<1x1x512x128xf32> to vector<512x128xf32>
    %mul3A_1625 = arith.mulf %get3A_849, %get3A_1624 : vector<512x128xf32>
    %reduce_sum3A_1626 = arith.constant dense<0.000000e+00> : vector<512xf32>
    %reduce_sum3A_1627 = vector.multi_reduction <add>, %mul3A_1625, %reduce_sum3A_1626 [1] : vector<512x128xf32> to vector<512xf32>
    %mul3A_1628 = arith.mulf %mul3A_1625, %convert_element_type3A_5 : vector<512x128xf32>
    %reduce_sum3A_1629 = arith.constant dense<0.000000e+00> : vector<512xf32>
    %reduce_sum3A_1630 = vector.multi_reduction <add>, %mul3A_1628, %reduce_sum3A_1629 [1] : vector<512x128xf32> to vector<512xf32>
    %sub3A_1631 = arith.subf %reduce_sum3A_1627, %reduce_sum3A_1630 : vector<512xf32>
    %mul3A_1632 = arith.constant -1.000000e+00 : f32
    %mul3A_1633 = vector.broadcast %mul3A_1632 : f32 to vector<512xf32>
    %mul3A_1634 = arith.mulf %mul3A_1633, %reduce_sum3A_1630 : vector<512xf32>
    %neg3A_1635 = arith.constant 0.000000e+00 : f32
    %neg3A_1636 = vector.broadcast %neg3A_1635 : f32 to vector<512xf32>
    %neg3A_1637 = arith.subf %neg3A_1636, %mul3A_1634 : vector<512xf32>
    %custom_jvp_call3A_1638 = arith.constant 0.000000e+00 : f32
    %max3A_1639 = vector.broadcast %custom_jvp_call3A_1638 : f32 to vector<512xf32>
    %max3A_1640 = arith.maximumf %neg3A_1637, %max3A_1639 : vector<512xf32>
    %sub3A_1641 = vector.broadcast %custom_jvp_call3A_1638 : f32 to vector<512xf32>
    %sub3A_1642 = arith.subf %neg3A_1637, %sub3A_1641 : vector<512xf32>
    %ne3A_1643 = arith.cmpf one, %sub3A_1642, %sub3A_1642 : vector<512xf32>
    %add3A_1644 = vector.broadcast %custom_jvp_call3A_1638 : f32 to vector<512xf32>
    %add3A_1645 = arith.addf %neg3A_1637, %add3A_1644 : vector<512xf32>
    %abs3A_1646 = math.absf %sub3A_1642 : vector<512xf32>
    %neg3A_1647 = arith.constant 0.000000e+00 : f32
    %neg3A_1648 = vector.broadcast %neg3A_1647 : f32 to vector<512xf32>
    %neg3A_1649 = arith.subf %neg3A_1648, %abs3A_1646 : vector<512xf32>
    %exp3A_1650 = math.exp %neg3A_1649 : vector<512xf32>
    %log1p3A_1651 = math.log1p %exp3A_1650 : vector<512xf32>
    %add3A_1652 = arith.addf %max3A_1640, %log1p3A_1651 : vector<512xf32>
    %select_n3A_1653 = arith.select %ne3A_1643, %add3A_1645, %add3A_1652 : vector<512xi1>, vector<512xf32>
    %neg3A_1654 = arith.constant 0.000000e+00 : f32
    %neg3A_1655 = vector.broadcast %neg3A_1654 : f32 to vector<512xf32>
    %neg3A_1656 = arith.subf %neg3A_1655, %select_n3A_1653 : vector<512xf32>
    %reduce_sum3A_1657 = vector.shape_cast %neg3A_1656 : vector<512xf32> to vector<1x512xf32>
    %reduce_sum3A_1658 = arith.constant dense<0.000000e+00> : vector<1xf32>
    %reduce_sum3A_1659 = vector.multi_reduction <add>, %reduce_sum3A_1657, %reduce_sum3A_1658 [1] : vector<1x512xf32> to vector<1xf32>
    %reduce_sum3A_1660 = vector.shape_cast %reduce_sum3A_1659 : vector<1xf32> to vector<1x1xf32>
    %reduce_sum3A_1661 = vector.extract %reduce_sum3A_1660[0, 0] : f32 from vector<1x1xf32>
    %mul3A_1662 = arith.constant -1.000000e+00 : f32
    %mul3A_1663 = vector.broadcast %mul3A_1662 : f32 to vector<512xf32>
    %mul3A_1664 = arith.mulf %mul3A_1663, %sub3A_1631 : vector<512xf32>
    %neg3A_1665 = arith.constant 0.000000e+00 : f32
    %neg3A_1666 = vector.broadcast %neg3A_1665 : f32 to vector<512xf32>
    %neg3A_1667 = arith.subf %neg3A_1666, %mul3A_1664 : vector<512xf32>
    %custom_jvp_call3A_1668 = arith.constant 0.000000e+00 : f32
    %max3A_1669 = vector.broadcast %custom_jvp_call3A_1668 : f32 to vector<512xf32>
    %max3A_1670 = arith.maximumf %neg3A_1667, %max3A_1669 : vector<512xf32>
    %sub3A_1671 = vector.broadcast %custom_jvp_call3A_1668 : f32 to vector<512xf32>
    %sub3A_1672 = arith.subf %neg3A_1667, %sub3A_1671 : vector<512xf32>
    %ne3A_1673 = arith.cmpf one, %sub3A_1672, %sub3A_1672 : vector<512xf32>
    %add3A_1674 = vector.broadcast %custom_jvp_call3A_1668 : f32 to vector<512xf32>
    %add3A_1675 = arith.addf %neg3A_1667, %add3A_1674 : vector<512xf32>
    %abs3A_1676 = math.absf %sub3A_1672 : vector<512xf32>
    %neg3A_1677 = arith.constant 0.000000e+00 : f32
    %neg3A_1678 = vector.broadcast %neg3A_1677 : f32 to vector<512xf32>
    %neg3A_1679 = arith.subf %neg3A_1678, %abs3A_1676 : vector<512xf32>
    %exp3A_1680 = math.exp %neg3A_1679 : vector<512xf32>
    %log1p3A_1681 = math.log1p %exp3A_1680 : vector<512xf32>
    %add3A_1682 = arith.addf %max3A_1670, %log1p3A_1681 : vector<512xf32>
    %select_n3A_1683 = arith.select %ne3A_1673, %add3A_1675, %add3A_1682 : vector<512xi1>, vector<512xf32>
    %neg3A_1684 = arith.constant 0.000000e+00 : f32
    %neg3A_1685 = vector.broadcast %neg3A_1684 : f32 to vector<512xf32>
    %neg3A_1686 = arith.subf %neg3A_1685, %select_n3A_1683 : vector<512xf32>
    %reduce_sum3A_1687 = vector.shape_cast %neg3A_1686 : vector<512xf32> to vector<1x512xf32>
    %reduce_sum3A_1688 = arith.constant dense<0.000000e+00> : vector<1xf32>
    %reduce_sum3A_1689 = vector.multi_reduction <add>, %reduce_sum3A_1687, %reduce_sum3A_1688 [1] : vector<1x512xf32> to vector<1xf32>
    %reduce_sum3A_1690 = vector.shape_cast %reduce_sum3A_1689 : vector<1xf32> to vector<1x1xf32>
    %reduce_sum3A_1691 = vector.extract %reduce_sum3A_1690[0, 0] : f32 from vector<1x1xf32>
    %add3A_1692 = arith.addf %reduce_sum3A_1661, %reduce_sum3A_1691 : f32
    %mul3A_1693 = arith.constant 1.000000e+00 : f32
    %mul3A_1694 = arith.mulf %mul3A_1693, %add3A_1692 : f32
    %add3A_1695 = arith.addf %add3A_1618, %mul3A_1694 : f32
    %get3A_1696 = arith.constant 2 : index
    %get3A_1697 = arith.constant 0 : index
    %get3A_1698 = arith.constant 0 : index
    %get3A_1699 = vector.load %arg1[%get3A_1696, %get3A_1697, %get3A_1698] : memref<3x512x128xf32, #tpu.memory_space<vmem>>, vector<1x512x128xf32>
    %get3A_1700 = vector.shape_cast %get3A_1699 : vector<1x512x128xf32> to vector<512x128xf32>
    %get3A_1701 = arith.constant 1 : index
    %get3A_1702 = arith.constant 0 : index
    %get3A_1703 = arith.constant 0 : index
    %get3A_1704 = vector.load %arg2[%get3A_1701, %get3A_1702, %get3A_1703] : memref<3x512x128xf32, #tpu.memory_space<vmem>>, vector<1x512x128xf32>
    %get3A_1705 = vector.shape_cast %get3A_1704 : vector<1x512x128xf32> to vector<512x128xf32>
    %mul3A_1706 = arith.mulf %get3A_1700, %get3A_1705 : vector<512x128xf32>
    %reduce_sum3A_1707 = arith.constant dense<0.000000e+00> : vector<512xf32>
    %reduce_sum3A_1708 = vector.multi_reduction <add>, %mul3A_1706, %reduce_sum3A_1707 [1] : vector<512x128xf32> to vector<512xf32>
    %mul3A_1709 = arith.mulf %mul3A_1706, %convert_element_type3A_5 : vector<512x128xf32>
    %reduce_sum3A_1710 = arith.constant dense<0.000000e+00> : vector<512xf32>
    %reduce_sum3A_1711 = vector.multi_reduction <add>, %mul3A_1709, %reduce_sum3A_1710 [1] : vector<512x128xf32> to vector<512xf32>
    %sub3A_1712 = arith.subf %reduce_sum3A_1708, %reduce_sum3A_1711 : vector<512xf32>
    %mul3A_1713 = arith.constant 1.000000e+00 : f32
    %mul3A_1714 = vector.broadcast %mul3A_1713 : f32 to vector<512xf32>
    %mul3A_1715 = arith.mulf %mul3A_1714, %reduce_sum3A_1711 : vector<512xf32>
    %neg3A_1716 = arith.constant 0.000000e+00 : f32
    %neg3A_1717 = vector.broadcast %neg3A_1716 : f32 to vector<512xf32>
    %neg3A_1718 = arith.subf %neg3A_1717, %mul3A_1715 : vector<512xf32>
    %custom_jvp_call3A_1719 = arith.constant 0.000000e+00 : f32
    %max3A_1720 = vector.broadcast %custom_jvp_call3A_1719 : f32 to vector<512xf32>
    %max3A_1721 = arith.maximumf %neg3A_1718, %max3A_1720 : vector<512xf32>
    %sub3A_1722 = vector.broadcast %custom_jvp_call3A_1719 : f32 to vector<512xf32>
    %sub3A_1723 = arith.subf %neg3A_1718, %sub3A_1722 : vector<512xf32>
    %ne3A_1724 = arith.cmpf one, %sub3A_1723, %sub3A_1723 : vector<512xf32>
    %add3A_1725 = vector.broadcast %custom_jvp_call3A_1719 : f32 to vector<512xf32>
    %add3A_1726 = arith.addf %neg3A_1718, %add3A_1725 : vector<512xf32>
    %abs3A_1727 = math.absf %sub3A_1723 : vector<512xf32>
    %neg3A_1728 = arith.constant 0.000000e+00 : f32
    %neg3A_1729 = vector.broadcast %neg3A_1728 : f32 to vector<512xf32>
    %neg3A_1730 = arith.subf %neg3A_1729, %abs3A_1727 : vector<512xf32>
    %exp3A_1731 = math.exp %neg3A_1730 : vector<512xf32>
    %log1p3A_1732 = math.log1p %exp3A_1731 : vector<512xf32>
    %add3A_1733 = arith.addf %max3A_1721, %log1p3A_1732 : vector<512xf32>
    %select_n3A_1734 = arith.select %ne3A_1724, %add3A_1726, %add3A_1733 : vector<512xi1>, vector<512xf32>
    %neg3A_1735 = arith.constant 0.000000e+00 : f32
    %neg3A_1736 = vector.broadcast %neg3A_1735 : f32 to vector<512xf32>
    %neg3A_1737 = arith.subf %neg3A_1736, %select_n3A_1734 : vector<512xf32>
    %reduce_sum3A_1738 = vector.shape_cast %neg3A_1737 : vector<512xf32> to vector<1x512xf32>
    %reduce_sum3A_1739 = arith.constant dense<0.000000e+00> : vector<1xf32>
    %reduce_sum3A_1740 = vector.multi_reduction <add>, %reduce_sum3A_1738, %reduce_sum3A_1739 [1] : vector<1x512xf32> to vector<1xf32>
    %reduce_sum3A_1741 = vector.shape_cast %reduce_sum3A_1740 : vector<1xf32> to vector<1x1xf32>
    %reduce_sum3A_1742 = vector.extract %reduce_sum3A_1741[0, 0] : f32 from vector<1x1xf32>
    %mul3A_1743 = arith.constant 1.000000e+00 : f32
    %mul3A_1744 = vector.broadcast %mul3A_1743 : f32 to vector<512xf32>
    %mul3A_1745 = arith.mulf %mul3A_1744, %sub3A_1712 : vector<512xf32>
    %neg3A_1746 = arith.constant 0.000000e+00 : f32
    %neg3A_1747 = vector.broadcast %neg3A_1746 : f32 to vector<512xf32>
    %neg3A_1748 = arith.subf %neg3A_1747, %mul3A_1745 : vector<512xf32>
    %custom_jvp_call3A_1749 = arith.constant 0.000000e+00 : f32
    %max3A_1750 = vector.broadcast %custom_jvp_call3A_1749 : f32 to vector<512xf32>
    %max3A_1751 = arith.maximumf %neg3A_1748, %max3A_1750 : vector<512xf32>
    %sub3A_1752 = vector.broadcast %custom_jvp_call3A_1749 : f32 to vector<512xf32>
    %sub3A_1753 = arith.subf %neg3A_1748, %sub3A_1752 : vector<512xf32>
    %ne3A_1754 = arith.cmpf one, %sub3A_1753, %sub3A_1753 : vector<512xf32>
    %add3A_1755 = vector.broadcast %custom_jvp_call3A_1749 : f32 to vector<512xf32>
    %add3A_1756 = arith.addf %neg3A_1748, %add3A_1755 : vector<512xf32>
    %abs3A_1757 = math.absf %sub3A_1753 : vector<512xf32>
    %neg3A_1758 = arith.constant 0.000000e+00 : f32
    %neg3A_1759 = vector.broadcast %neg3A_1758 : f32 to vector<512xf32>
    %neg3A_1760 = arith.subf %neg3A_1759, %abs3A_1757 : vector<512xf32>
    %exp3A_1761 = math.exp %neg3A_1760 : vector<512xf32>
    %log1p3A_1762 = math.log1p %exp3A_1761 : vector<512xf32>
    %add3A_1763 = arith.addf %max3A_1751, %log1p3A_1762 : vector<512xf32>
    %select_n3A_1764 = arith.select %ne3A_1754, %add3A_1756, %add3A_1763 : vector<512xi1>, vector<512xf32>
    %neg3A_1765 = arith.constant 0.000000e+00 : f32
    %neg3A_1766 = vector.broadcast %neg3A_1765 : f32 to vector<512xf32>
    %neg3A_1767 = arith.subf %neg3A_1766, %select_n3A_1764 : vector<512xf32>
    %reduce_sum3A_1768 = vector.shape_cast %neg3A_1767 : vector<512xf32> to vector<1x512xf32>
    %reduce_sum3A_1769 = arith.constant dense<0.000000e+00> : vector<1xf32>
    %reduce_sum3A_1770 = vector.multi_reduction <add>, %reduce_sum3A_1768, %reduce_sum3A_1769 [1] : vector<1x512xf32> to vector<1xf32>
    %reduce_sum3A_1771 = vector.shape_cast %reduce_sum3A_1770 : vector<1xf32> to vector<1x1xf32>
    %reduce_sum3A_1772 = vector.extract %reduce_sum3A_1771[0, 0] : f32 from vector<1x1xf32>
    %add3A_1773 = arith.addf %reduce_sum3A_1742, %reduce_sum3A_1772 : f32
    %mul3A_1774 = arith.constant 5.000000e-01 : f32
    %mul3A_1775 = arith.mulf %mul3A_1774, %add3A_1773 : f32
    %add3A_1776 = arith.addf %add3A_1695, %mul3A_1775 : f32
    %get3A_1777 = arith.constant 1 : index
    %get3A_1778 = arith.constant 0 : index
    %get3A_1779 = arith.constant 0 : index
    %get3A_1780 = arith.constant 0 : index
    %get3A_1781 = vector.load %arg3[%get3A_1777, %get3A_1778, %get3A_1779, %get3A_1780] : memref<3x10x512x128xf32, #tpu.memory_space<vmem>>, vector<1x1x512x128xf32>
    %get3A_1782 = vector.shape_cast %get3A_1781 : vector<1x1x512x128xf32> to vector<512x128xf32>
    %mul3A_1783 = arith.mulf %get3A_1700, %get3A_1782 : vector<512x128xf32>
    %reduce_sum3A_1784 = arith.constant dense<0.000000e+00> : vector<512xf32>
    %reduce_sum3A_1785 = vector.multi_reduction <add>, %mul3A_1783, %reduce_sum3A_1784 [1] : vector<512x128xf32> to vector<512xf32>
    %mul3A_1786 = arith.mulf %mul3A_1783, %convert_element_type3A_5 : vector<512x128xf32>
    %reduce_sum3A_1787 = arith.constant dense<0.000000e+00> : vector<512xf32>
    %reduce_sum3A_1788 = vector.multi_reduction <add>, %mul3A_1786, %reduce_sum3A_1787 [1] : vector<512x128xf32> to vector<512xf32>
    %sub3A_1789 = arith.subf %reduce_sum3A_1785, %reduce_sum3A_1788 : vector<512xf32>
    %mul3A_1790 = arith.constant -1.000000e+00 : f32
    %mul3A_1791 = vector.broadcast %mul3A_1790 : f32 to vector<512xf32>
    %mul3A_1792 = arith.mulf %mul3A_1791, %reduce_sum3A_1788 : vector<512xf32>
    %neg3A_1793 = arith.constant 0.000000e+00 : f32
    %neg3A_1794 = vector.broadcast %neg3A_1793 : f32 to vector<512xf32>
    %neg3A_1795 = arith.subf %neg3A_1794, %mul3A_1792 : vector<512xf32>
    %custom_jvp_call3A_1796 = arith.constant 0.000000e+00 : f32
    %max3A_1797 = vector.broadcast %custom_jvp_call3A_1796 : f32 to vector<512xf32>
    %max3A_1798 = arith.maximumf %neg3A_1795, %max3A_1797 : vector<512xf32>
    %sub3A_1799 = vector.broadcast %custom_jvp_call3A_1796 : f32 to vector<512xf32>
    %sub3A_1800 = arith.subf %neg3A_1795, %sub3A_1799 : vector<512xf32>
    %ne3A_1801 = arith.cmpf one, %sub3A_1800, %sub3A_1800 : vector<512xf32>
    %add3A_1802 = vector.broadcast %custom_jvp_call3A_1796 : f32 to vector<512xf32>
    %add3A_1803 = arith.addf %neg3A_1795, %add3A_1802 : vector<512xf32>
    %abs3A_1804 = math.absf %sub3A_1800 : vector<512xf32>
    %neg3A_1805 = arith.constant 0.000000e+00 : f32
    %neg3A_1806 = vector.broadcast %neg3A_1805 : f32 to vector<512xf32>
    %neg3A_1807 = arith.subf %neg3A_1806, %abs3A_1804 : vector<512xf32>
    %exp3A_1808 = math.exp %neg3A_1807 : vector<512xf32>
    %log1p3A_1809 = math.log1p %exp3A_1808 : vector<512xf32>
    %add3A_1810 = arith.addf %max3A_1798, %log1p3A_1809 : vector<512xf32>
    %select_n3A_1811 = arith.select %ne3A_1801, %add3A_1803, %add3A_1810 : vector<512xi1>, vector<512xf32>
    %neg3A_1812 = arith.constant 0.000000e+00 : f32
    %neg3A_1813 = vector.broadcast %neg3A_1812 : f32 to vector<512xf32>
    %neg3A_1814 = arith.subf %neg3A_1813, %select_n3A_1811 : vector<512xf32>
    %reduce_sum3A_1815 = vector.shape_cast %neg3A_1814 : vector<512xf32> to vector<1x512xf32>
    %reduce_sum3A_1816 = arith.constant dense<0.000000e+00> : vector<1xf32>
    %reduce_sum3A_1817 = vector.multi_reduction <add>, %reduce_sum3A_1815, %reduce_sum3A_1816 [1] : vector<1x512xf32> to vector<1xf32>
    %reduce_sum3A_1818 = vector.shape_cast %reduce_sum3A_1817 : vector<1xf32> to vector<1x1xf32>
    %reduce_sum3A_1819 = vector.extract %reduce_sum3A_1818[0, 0] : f32 from vector<1x1xf32>
    %mul3A_1820 = arith.constant -1.000000e+00 : f32
    %mul3A_1821 = vector.broadcast %mul3A_1820 : f32 to vector<512xf32>
    %mul3A_1822 = arith.mulf %mul3A_1821, %sub3A_1789 : vector<512xf32>
    %neg3A_1823 = arith.constant 0.000000e+00 : f32
    %neg3A_1824 = vector.broadcast %neg3A_1823 : f32 to vector<512xf32>
    %neg3A_1825 = arith.subf %neg3A_1824, %mul3A_1822 : vector<512xf32>
    %custom_jvp_call3A_1826 = arith.constant 0.000000e+00 : f32
    %max3A_1827 = vector.broadcast %custom_jvp_call3A_1826 : f32 to vector<512xf32>
    %max3A_1828 = arith.maximumf %neg3A_1825, %max3A_1827 : vector<512xf32>
    %sub3A_1829 = vector.broadcast %custom_jvp_call3A_1826 : f32 to vector<512xf32>
    %sub3A_1830 = arith.subf %neg3A_1825, %sub3A_1829 : vector<512xf32>
    %ne3A_1831 = arith.cmpf one, %sub3A_1830, %sub3A_1830 : vector<512xf32>
    %add3A_1832 = vector.broadcast %custom_jvp_call3A_1826 : f32 to vector<512xf32>
    %add3A_1833 = arith.addf %neg3A_1825, %add3A_1832 : vector<512xf32>
    %abs3A_1834 = math.absf %sub3A_1830 : vector<512xf32>
    %neg3A_1835 = arith.constant 0.000000e+00 : f32
    %neg3A_1836 = vector.broadcast %neg3A_1835 : f32 to vector<512xf32>
    %neg3A_1837 = arith.subf %neg3A_1836, %abs3A_1834 : vector<512xf32>
    %exp3A_1838 = math.exp %neg3A_1837 : vector<512xf32>
    %log1p3A_1839 = math.log1p %exp3A_1838 : vector<512xf32>
    %add3A_1840 = arith.addf %max3A_1828, %log1p3A_1839 : vector<512xf32>
    %select_n3A_1841 = arith.select %ne3A_1831, %add3A_1833, %add3A_1840 : vector<512xi1>, vector<512xf32>
    %neg3A_1842 = arith.constant 0.000000e+00 : f32
    %neg3A_1843 = vector.broadcast %neg3A_1842 : f32 to vector<512xf32>
    %neg3A_1844 = arith.subf %neg3A_1843, %select_n3A_1841 : vector<512xf32>
    %reduce_sum3A_1845 = vector.shape_cast %neg3A_1844 : vector<512xf32> to vector<1x512xf32>
    %reduce_sum3A_1846 = arith.constant dense<0.000000e+00> : vector<1xf32>
    %reduce_sum3A_1847 = vector.multi_reduction <add>, %reduce_sum3A_1845, %reduce_sum3A_1846 [1] : vector<1x512xf32> to vector<1xf32>
    %reduce_sum3A_1848 = vector.shape_cast %reduce_sum3A_1847 : vector<1xf32> to vector<1x1xf32>
    %reduce_sum3A_1849 = vector.extract %reduce_sum3A_1848[0, 0] : f32 from vector<1x1xf32>
    %add3A_1850 = arith.addf %reduce_sum3A_1819, %reduce_sum3A_1849 : f32
    %mul3A_1851 = arith.constant 5.000000e-01 : f32
    %mul3A_1852 = arith.mulf %mul3A_1851, %add3A_1850 : f32
    %add3A_1853 = arith.addf %add3A_1776, %mul3A_1852 : f32
    %get3A_1854 = arith.constant 1 : index
    %get3A_1855 = arith.constant 1 : index
    %get3A_1856 = arith.constant 0 : index
    %get3A_1857 = arith.constant 0 : index
    %get3A_1858 = vector.load %arg3[%get3A_1854, %get3A_1855, %get3A_1856, %get3A_1857] : memref<3x10x512x128xf32, #tpu.memory_space<vmem>>, vector<1x1x512x128xf32>
    %get3A_1859 = vector.shape_cast %get3A_1858 : vector<1x1x512x128xf32> to vector<512x128xf32>
    %mul3A_1860 = arith.mulf %get3A_1700, %get3A_1859 : vector<512x128xf32>
    %reduce_sum3A_1861 = arith.constant dense<0.000000e+00> : vector<512xf32>
    %reduce_sum3A_1862 = vector.multi_reduction <add>, %mul3A_1860, %reduce_sum3A_1861 [1] : vector<512x128xf32> to vector<512xf32>
    %mul3A_1863 = arith.mulf %mul3A_1860, %convert_element_type3A_5 : vector<512x128xf32>
    %reduce_sum3A_1864 = arith.constant dense<0.000000e+00> : vector<512xf32>
    %reduce_sum3A_1865 = vector.multi_reduction <add>, %mul3A_1863, %reduce_sum3A_1864 [1] : vector<512x128xf32> to vector<512xf32>
    %sub3A_1866 = arith.subf %reduce_sum3A_1862, %reduce_sum3A_1865 : vector<512xf32>
    %mul3A_1867 = arith.constant -1.000000e+00 : f32
    %mul3A_1868 = vector.broadcast %mul3A_1867 : f32 to vector<512xf32>
    %mul3A_1869 = arith.mulf %mul3A_1868, %reduce_sum3A_1865 : vector<512xf32>
    %neg3A_1870 = arith.constant 0.000000e+00 : f32
    %neg3A_1871 = vector.broadcast %neg3A_1870 : f32 to vector<512xf32>
    %neg3A_1872 = arith.subf %neg3A_1871, %mul3A_1869 : vector<512xf32>
    %custom_jvp_call3A_1873 = arith.constant 0.000000e+00 : f32
    %max3A_1874 = vector.broadcast %custom_jvp_call3A_1873 : f32 to vector<512xf32>
    %max3A_1875 = arith.maximumf %neg3A_1872, %max3A_1874 : vector<512xf32>
    %sub3A_1876 = vector.broadcast %custom_jvp_call3A_1873 : f32 to vector<512xf32>
    %sub3A_1877 = arith.subf %neg3A_1872, %sub3A_1876 : vector<512xf32>
    %ne3A_1878 = arith.cmpf one, %sub3A_1877, %sub3A_1877 : vector<512xf32>
    %add3A_1879 = vector.broadcast %custom_jvp_call3A_1873 : f32 to vector<512xf32>
    %add3A_1880 = arith.addf %neg3A_1872, %add3A_1879 : vector<512xf32>
    %abs3A_1881 = math.absf %sub3A_1877 : vector<512xf32>
    %neg3A_1882 = arith.constant 0.000000e+00 : f32
    %neg3A_1883 = vector.broadcast %neg3A_1882 : f32 to vector<512xf32>
    %neg3A_1884 = arith.subf %neg3A_1883, %abs3A_1881 : vector<512xf32>
    %exp3A_1885 = math.exp %neg3A_1884 : vector<512xf32>
    %log1p3A_1886 = math.log1p %exp3A_1885 : vector<512xf32>
    %add3A_1887 = arith.addf %max3A_1875, %log1p3A_1886 : vector<512xf32>
    %select_n3A_1888 = arith.select %ne3A_1878, %add3A_1880, %add3A_1887 : vector<512xi1>, vector<512xf32>
    %neg3A_1889 = arith.constant 0.000000e+00 : f32
    %neg3A_1890 = vector.broadcast %neg3A_1889 : f32 to vector<512xf32>
    %neg3A_1891 = arith.subf %neg3A_1890, %select_n3A_1888 : vector<512xf32>
    %reduce_sum3A_1892 = vector.shape_cast %neg3A_1891 : vector<512xf32> to vector<1x512xf32>
    %reduce_sum3A_1893 = arith.constant dense<0.000000e+00> : vector<1xf32>
    %reduce_sum3A_1894 = vector.multi_reduction <add>, %reduce_sum3A_1892, %reduce_sum3A_1893 [1] : vector<1x512xf32> to vector<1xf32>
    %reduce_sum3A_1895 = vector.shape_cast %reduce_sum3A_1894 : vector<1xf32> to vector<1x1xf32>
    %reduce_sum3A_1896 = vector.extract %reduce_sum3A_1895[0, 0] : f32 from vector<1x1xf32>
    %mul3A_1897 = arith.constant -1.000000e+00 : f32
    %mul3A_1898 = vector.broadcast %mul3A_1897 : f32 to vector<512xf32>
    %mul3A_1899 = arith.mulf %mul3A_1898, %sub3A_1866 : vector<512xf32>
    %neg3A_1900 = arith.constant 0.000000e+00 : f32
    %neg3A_1901 = vector.broadcast %neg3A_1900 : f32 to vector<512xf32>
    %neg3A_1902 = arith.subf %neg3A_1901, %mul3A_1899 : vector<512xf32>
    %custom_jvp_call3A_1903 = arith.constant 0.000000e+00 : f32
    %max3A_1904 = vector.broadcast %custom_jvp_call3A_1903 : f32 to vector<512xf32>
    %max3A_1905 = arith.maximumf %neg3A_1902, %max3A_1904 : vector<512xf32>
    %sub3A_1906 = vector.broadcast %custom_jvp_call3A_1903 : f32 to vector<512xf32>
    %sub3A_1907 = arith.subf %neg3A_1902, %sub3A_1906 : vector<512xf32>
    %ne3A_1908 = arith.cmpf one, %sub3A_1907, %sub3A_1907 : vector<512xf32>
    %add3A_1909 = vector.broadcast %custom_jvp_call3A_1903 : f32 to vector<512xf32>
    %add3A_1910 = arith.addf %neg3A_1902, %add3A_1909 : vector<512xf32>
    %abs3A_1911 = math.absf %sub3A_1907 : vector<512xf32>
    %neg3A_1912 = arith.constant 0.000000e+00 : f32
    %neg3A_1913 = vector.broadcast %neg3A_1912 : f32 to vector<512xf32>
    %neg3A_1914 = arith.subf %neg3A_1913, %abs3A_1911 : vector<512xf32>
    %exp3A_1915 = math.exp %neg3A_1914 : vector<512xf32>
    %log1p3A_1916 = math.log1p %exp3A_1915 : vector<512xf32>
    %add3A_1917 = arith.addf %max3A_1905, %log1p3A_1916 : vector<512xf32>
    %select_n3A_1918 = arith.select %ne3A_1908, %add3A_1910, %add3A_1917 : vector<512xi1>, vector<512xf32>
    %neg3A_1919 = arith.constant 0.000000e+00 : f32
    %neg3A_1920 = vector.broadcast %neg3A_1919 : f32 to vector<512xf32>
    %neg3A_1921 = arith.subf %neg3A_1920, %select_n3A_1918 : vector<512xf32>
    %reduce_sum3A_1922 = vector.shape_cast %neg3A_1921 : vector<512xf32> to vector<1x512xf32>
    %reduce_sum3A_1923 = arith.constant dense<0.000000e+00> : vector<1xf32>
    %reduce_sum3A_1924 = vector.multi_reduction <add>, %reduce_sum3A_1922, %reduce_sum3A_1923 [1] : vector<1x512xf32> to vector<1xf32>
    %reduce_sum3A_1925 = vector.shape_cast %reduce_sum3A_1924 : vector<1xf32> to vector<1x1xf32>
    %reduce_sum3A_1926 = vector.extract %reduce_sum3A_1925[0, 0] : f32 from vector<1x1xf32>
    %add3A_1927 = arith.addf %reduce_sum3A_1896, %reduce_sum3A_1926 : f32
    %mul3A_1928 = arith.constant 5.000000e-01 : f32
    %mul3A_1929 = arith.mulf %mul3A_1928, %add3A_1927 : f32
    %add3A_1930 = arith.addf %add3A_1853, %mul3A_1929 : f32
    %get3A_1931 = arith.constant 1 : index
    %get3A_1932 = arith.constant 2 : index
    %get3A_1933 = arith.constant 0 : index
    %get3A_1934 = arith.constant 0 : index
    %get3A_1935 = vector.load %arg3[%get3A_1931, %get3A_1932, %get3A_1933, %get3A_1934] : memref<3x10x512x128xf32, #tpu.memory_space<vmem>>, vector<1x1x512x128xf32>
    %get3A_1936 = vector.shape_cast %get3A_1935 : vector<1x1x512x128xf32> to vector<512x128xf32>
    %mul3A_1937 = arith.mulf %get3A_1700, %get3A_1936 : vector<512x128xf32>
    %reduce_sum3A_1938 = arith.constant dense<0.000000e+00> : vector<512xf32>
    %reduce_sum3A_1939 = vector.multi_reduction <add>, %mul3A_1937, %reduce_sum3A_1938 [1] : vector<512x128xf32> to vector<512xf32>
    %mul3A_1940 = arith.mulf %mul3A_1937, %convert_element_type3A_5 : vector<512x128xf32>
    %reduce_sum3A_1941 = arith.constant dense<0.000000e+00> : vector<512xf32>
    %reduce_sum3A_1942 = vector.multi_reduction <add>, %mul3A_1940, %reduce_sum3A_1941 [1] : vector<512x128xf32> to vector<512xf32>
    %sub3A_1943 = arith.subf %reduce_sum3A_1939, %reduce_sum3A_1942 : vector<512xf32>
    %mul3A_1944 = arith.constant -1.000000e+00 : f32
    %mul3A_1945 = vector.broadcast %mul3A_1944 : f32 to vector<512xf32>
    %mul3A_1946 = arith.mulf %mul3A_1945, %reduce_sum3A_1942 : vector<512xf32>
    %neg3A_1947 = arith.constant 0.000000e+00 : f32
    %neg3A_1948 = vector.broadcast %neg3A_1947 : f32 to vector<512xf32>
    %neg3A_1949 = arith.subf %neg3A_1948, %mul3A_1946 : vector<512xf32>
    %custom_jvp_call3A_1950 = arith.constant 0.000000e+00 : f32
    %max3A_1951 = vector.broadcast %custom_jvp_call3A_1950 : f32 to vector<512xf32>
    %max3A_1952 = arith.maximumf %neg3A_1949, %max3A_1951 : vector<512xf32>
    %sub3A_1953 = vector.broadcast %custom_jvp_call3A_1950 : f32 to vector<512xf32>
    %sub3A_1954 = arith.subf %neg3A_1949, %sub3A_1953 : vector<512xf32>
    %ne3A_1955 = arith.cmpf one, %sub3A_1954, %sub3A_1954 : vector<512xf32>
    %add3A_1956 = vector.broadcast %custom_jvp_call3A_1950 : f32 to vector<512xf32>
    %add3A_1957 = arith.addf %neg3A_1949, %add3A_1956 : vector<512xf32>
    %abs3A_1958 = math.absf %sub3A_1954 : vector<512xf32>
    %neg3A_1959 = arith.constant 0.000000e+00 : f32
    %neg3A_1960 = vector.broadcast %neg3A_1959 : f32 to vector<512xf32>
    %neg3A_1961 = arith.subf %neg3A_1960, %abs3A_1958 : vector<512xf32>
    %exp3A_1962 = math.exp %neg3A_1961 : vector<512xf32>
    %log1p3A_1963 = math.log1p %exp3A_1962 : vector<512xf32>
    %add3A_1964 = arith.addf %max3A_1952, %log1p3A_1963 : vector<512xf32>
    %select_n3A_1965 = arith.select %ne3A_1955, %add3A_1957, %add3A_1964 : vector<512xi1>, vector<512xf32>
    %neg3A_1966 = arith.constant 0.000000e+00 : f32
    %neg3A_1967 = vector.broadcast %neg3A_1966 : f32 to vector<512xf32>
    %neg3A_1968 = arith.subf %neg3A_1967, %select_n3A_1965 : vector<512xf32>
    %reduce_sum3A_1969 = vector.shape_cast %neg3A_1968 : vector<512xf32> to vector<1x512xf32>
    %reduce_sum3A_1970 = arith.constant dense<0.000000e+00> : vector<1xf32>
    %reduce_sum3A_1971 = vector.multi_reduction <add>, %reduce_sum3A_1969, %reduce_sum3A_1970 [1] : vector<1x512xf32> to vector<1xf32>
    %reduce_sum3A_1972 = vector.shape_cast %reduce_sum3A_1971 : vector<1xf32> to vector<1x1xf32>
    %reduce_sum3A_1973 = vector.extract %reduce_sum3A_1972[0, 0] : f32 from vector<1x1xf32>
    %mul3A_1974 = arith.constant -1.000000e+00 : f32
    %mul3A_1975 = vector.broadcast %mul3A_1974 : f32 to vector<512xf32>
    %mul3A_1976 = arith.mulf %mul3A_1975, %sub3A_1943 : vector<512xf32>
    %neg3A_1977 = arith.constant 0.000000e+00 : f32
    %neg3A_1978 = vector.broadcast %neg3A_1977 : f32 to vector<512xf32>
    %neg3A_1979 = arith.subf %neg3A_1978, %mul3A_1976 : vector<512xf32>
    %custom_jvp_call3A_1980 = arith.constant 0.000000e+00 : f32
    %max3A_1981 = vector.broadcast %custom_jvp_call3A_1980 : f32 to vector<512xf32>
    %max3A_1982 = arith.maximumf %neg3A_1979, %max3A_1981 : vector<512xf32>
    %sub3A_1983 = vector.broadcast %custom_jvp_call3A_1980 : f32 to vector<512xf32>
    %sub3A_1984 = arith.subf %neg3A_1979, %sub3A_1983 : vector<512xf32>
    %ne3A_1985 = arith.cmpf one, %sub3A_1984, %sub3A_1984 : vector<512xf32>
    %add3A_1986 = vector.broadcast %custom_jvp_call3A_1980 : f32 to vector<512xf32>
    %add3A_1987 = arith.addf %neg3A_1979, %add3A_1986 : vector<512xf32>
    %abs3A_1988 = math.absf %sub3A_1984 : vector<512xf32>
    %neg3A_1989 = arith.constant 0.000000e+00 : f32
    %neg3A_1990 = vector.broadcast %neg3A_1989 : f32 to vector<512xf32>
    %neg3A_1991 = arith.subf %neg3A_1990, %abs3A_1988 : vector<512xf32>
    %exp3A_1992 = math.exp %neg3A_1991 : vector<512xf32>
    %log1p3A_1993 = math.log1p %exp3A_1992 : vector<512xf32>
    %add3A_1994 = arith.addf %max3A_1982, %log1p3A_1993 : vector<512xf32>
    %select_n3A_1995 = arith.select %ne3A_1985, %add3A_1987, %add3A_1994 : vector<512xi1>, vector<512xf32>
    %neg3A_1996 = arith.constant 0.000000e+00 : f32
    %neg3A_1997 = vector.broadcast %neg3A_1996 : f32 to vector<512xf32>
    %neg3A_1998 = arith.subf %neg3A_1997, %select_n3A_1995 : vector<512xf32>
    %reduce_sum3A_1999 = vector.shape_cast %neg3A_1998 : vector<512xf32> to vector<1x512xf32>
    %reduce_sum3A_2000 = arith.constant dense<0.000000e+00> : vector<1xf32>
    %reduce_sum3A_2001 = vector.multi_reduction <add>, %reduce_sum3A_1999, %reduce_sum3A_2000 [1] : vector<1x512xf32> to vector<1xf32>
    %reduce_sum3A_2002 = vector.shape_cast %reduce_sum3A_2001 : vector<1xf32> to vector<1x1xf32>
    %reduce_sum3A_2003 = vector.extract %reduce_sum3A_2002[0, 0] : f32 from vector<1x1xf32>
    %add3A_2004 = arith.addf %reduce_sum3A_1973, %reduce_sum3A_2003 : f32
    %mul3A_2005 = arith.constant 5.000000e-01 : f32
    %mul3A_2006 = arith.mulf %mul3A_2005, %add3A_2004 : f32
    %add3A_2007 = arith.addf %add3A_1930, %mul3A_2006 : f32
    %get3A_2008 = arith.constant 1 : index
    %get3A_2009 = arith.constant 3 : index
    %get3A_2010 = arith.constant 0 : index
    %get3A_2011 = arith.constant 0 : index
    %get3A_2012 = vector.load %arg3[%get3A_2008, %get3A_2009, %get3A_2010, %get3A_2011] : memref<3x10x512x128xf32, #tpu.memory_space<vmem>>, vector<1x1x512x128xf32>
    %get3A_2013 = vector.shape_cast %get3A_2012 : vector<1x1x512x128xf32> to vector<512x128xf32>
    %mul3A_2014 = arith.mulf %get3A_1700, %get3A_2013 : vector<512x128xf32>
    %reduce_sum3A_2015 = arith.constant dense<0.000000e+00> : vector<512xf32>
    %reduce_sum3A_2016 = vector.multi_reduction <add>, %mul3A_2014, %reduce_sum3A_2015 [1] : vector<512x128xf32> to vector<512xf32>
    %mul3A_2017 = arith.mulf %mul3A_2014, %convert_element_type3A_5 : vector<512x128xf32>
    %reduce_sum3A_2018 = arith.constant dense<0.000000e+00> : vector<512xf32>
    %reduce_sum3A_2019 = vector.multi_reduction <add>, %mul3A_2017, %reduce_sum3A_2018 [1] : vector<512x128xf32> to vector<512xf32>
    %sub3A_2020 = arith.subf %reduce_sum3A_2016, %reduce_sum3A_2019 : vector<512xf32>
    %mul3A_2021 = arith.constant -1.000000e+00 : f32
    %mul3A_2022 = vector.broadcast %mul3A_2021 : f32 to vector<512xf32>
    %mul3A_2023 = arith.mulf %mul3A_2022, %reduce_sum3A_2019 : vector<512xf32>
    %neg3A_2024 = arith.constant 0.000000e+00 : f32
    %neg3A_2025 = vector.broadcast %neg3A_2024 : f32 to vector<512xf32>
    %neg3A_2026 = arith.subf %neg3A_2025, %mul3A_2023 : vector<512xf32>
    %custom_jvp_call3A_2027 = arith.constant 0.000000e+00 : f32
    %max3A_2028 = vector.broadcast %custom_jvp_call3A_2027 : f32 to vector<512xf32>
    %max3A_2029 = arith.maximumf %neg3A_2026, %max3A_2028 : vector<512xf32>
    %sub3A_2030 = vector.broadcast %custom_jvp_call3A_2027 : f32 to vector<512xf32>
    %sub3A_2031 = arith.subf %neg3A_2026, %sub3A_2030 : vector<512xf32>
    %ne3A_2032 = arith.cmpf one, %sub3A_2031, %sub3A_2031 : vector<512xf32>
    %add3A_2033 = vector.broadcast %custom_jvp_call3A_2027 : f32 to vector<512xf32>
    %add3A_2034 = arith.addf %neg3A_2026, %add3A_2033 : vector<512xf32>
    %abs3A_2035 = math.absf %sub3A_2031 : vector<512xf32>
    %neg3A_2036 = arith.constant 0.000000e+00 : f32
    %neg3A_2037 = vector.broadcast %neg3A_2036 : f32 to vector<512xf32>
    %neg3A_2038 = arith.subf %neg3A_2037, %abs3A_2035 : vector<512xf32>
    %exp3A_2039 = math.exp %neg3A_2038 : vector<512xf32>
    %log1p3A_2040 = math.log1p %exp3A_2039 : vector<512xf32>
    %add3A_2041 = arith.addf %max3A_2029, %log1p3A_2040 : vector<512xf32>
    %select_n3A_2042 = arith.select %ne3A_2032, %add3A_2034, %add3A_2041 : vector<512xi1>, vector<512xf32>
    %neg3A_2043 = arith.constant 0.000000e+00 : f32
    %neg3A_2044 = vector.broadcast %neg3A_2043 : f32 to vector<512xf32>
    %neg3A_2045 = arith.subf %neg3A_2044, %select_n3A_2042 : vector<512xf32>
    %reduce_sum3A_2046 = vector.shape_cast %neg3A_2045 : vector<512xf32> to vector<1x512xf32>
    %reduce_sum3A_2047 = arith.constant dense<0.000000e+00> : vector<1xf32>
    %reduce_sum3A_2048 = vector.multi_reduction <add>, %reduce_sum3A_2046, %reduce_sum3A_2047 [1] : vector<1x512xf32> to vector<1xf32>
    %reduce_sum3A_2049 = vector.shape_cast %reduce_sum3A_2048 : vector<1xf32> to vector<1x1xf32>
    %reduce_sum3A_2050 = vector.extract %reduce_sum3A_2049[0, 0] : f32 from vector<1x1xf32>
    %mul3A_2051 = arith.constant -1.000000e+00 : f32
    %mul3A_2052 = vector.broadcast %mul3A_2051 : f32 to vector<512xf32>
    %mul3A_2053 = arith.mulf %mul3A_2052, %sub3A_2020 : vector<512xf32>
    %neg3A_2054 = arith.constant 0.000000e+00 : f32
    %neg3A_2055 = vector.broadcast %neg3A_2054 : f32 to vector<512xf32>
    %neg3A_2056 = arith.subf %neg3A_2055, %mul3A_2053 : vector<512xf32>
    %custom_jvp_call3A_2057 = arith.constant 0.000000e+00 : f32
    %max3A_2058 = vector.broadcast %custom_jvp_call3A_2057 : f32 to vector<512xf32>
    %max3A_2059 = arith.maximumf %neg3A_2056, %max3A_2058 : vector<512xf32>
    %sub3A_2060 = vector.broadcast %custom_jvp_call3A_2057 : f32 to vector<512xf32>
    %sub3A_2061 = arith.subf %neg3A_2056, %sub3A_2060 : vector<512xf32>
    %ne3A_2062 = arith.cmpf one, %sub3A_2061, %sub3A_2061 : vector<512xf32>
    %add3A_2063 = vector.broadcast %custom_jvp_call3A_2057 : f32 to vector<512xf32>
    %add3A_2064 = arith.addf %neg3A_2056, %add3A_2063 : vector<512xf32>
    %abs3A_2065 = math.absf %sub3A_2061 : vector<512xf32>
    %neg3A_2066 = arith.constant 0.000000e+00 : f32
    %neg3A_2067 = vector.broadcast %neg3A_2066 : f32 to vector<512xf32>
    %neg3A_2068 = arith.subf %neg3A_2067, %abs3A_2065 : vector<512xf32>
    %exp3A_2069 = math.exp %neg3A_2068 : vector<512xf32>
    %log1p3A_2070 = math.log1p %exp3A_2069 : vector<512xf32>
    %add3A_2071 = arith.addf %max3A_2059, %log1p3A_2070 : vector<512xf32>
    %select_n3A_2072 = arith.select %ne3A_2062, %add3A_2064, %add3A_2071 : vector<512xi1>, vector<512xf32>
    %neg3A_2073 = arith.constant 0.000000e+00 : f32
    %neg3A_2074 = vector.broadcast %neg3A_2073 : f32 to vector<512xf32>
    %neg3A_2075 = arith.subf %neg3A_2074, %select_n3A_2072 : vector<512xf32>
    %reduce_sum3A_2076 = vector.shape_cast %neg3A_2075 : vector<512xf32> to vector<1x512xf32>
    %reduce_sum3A_2077 = arith.constant dense<0.000000e+00> : vector<1xf32>
    %reduce_sum3A_2078 = vector.multi_reduction <add>, %reduce_sum3A_2076, %reduce_sum3A_2077 [1] : vector<1x512xf32> to vector<1xf32>
    %reduce_sum3A_2079 = vector.shape_cast %reduce_sum3A_2078 : vector<1xf32> to vector<1x1xf32>
    %reduce_sum3A_2080 = vector.extract %reduce_sum3A_2079[0, 0] : f32 from vector<1x1xf32>
    %add3A_2081 = arith.addf %reduce_sum3A_2050, %reduce_sum3A_2080 : f32
    %mul3A_2082 = arith.constant 5.000000e-01 : f32
    %mul3A_2083 = arith.mulf %mul3A_2082, %add3A_2081 : f32
    %add3A_2084 = arith.addf %add3A_2007, %mul3A_2083 : f32
    %get3A_2085 = arith.constant 1 : index
    %get3A_2086 = arith.constant 4 : index
    %get3A_2087 = arith.constant 0 : index
    %get3A_2088 = arith.constant 0 : index
    %get3A_2089 = vector.load %arg3[%get3A_2085, %get3A_2086, %get3A_2087, %get3A_2088] : memref<3x10x512x128xf32, #tpu.memory_space<vmem>>, vector<1x1x512x128xf32>
    %get3A_2090 = vector.shape_cast %get3A_2089 : vector<1x1x512x128xf32> to vector<512x128xf32>
    %mul3A_2091 = arith.mulf %get3A_1700, %get3A_2090 : vector<512x128xf32>
    %reduce_sum3A_2092 = arith.constant dense<0.000000e+00> : vector<512xf32>
    %reduce_sum3A_2093 = vector.multi_reduction <add>, %mul3A_2091, %reduce_sum3A_2092 [1] : vector<512x128xf32> to vector<512xf32>
    %mul3A_2094 = arith.mulf %mul3A_2091, %convert_element_type3A_5 : vector<512x128xf32>
    %reduce_sum3A_2095 = arith.constant dense<0.000000e+00> : vector<512xf32>
    %reduce_sum3A_2096 = vector.multi_reduction <add>, %mul3A_2094, %reduce_sum3A_2095 [1] : vector<512x128xf32> to vector<512xf32>
    %sub3A_2097 = arith.subf %reduce_sum3A_2093, %reduce_sum3A_2096 : vector<512xf32>
    %mul3A_2098 = arith.constant -1.000000e+00 : f32
    %mul3A_2099 = vector.broadcast %mul3A_2098 : f32 to vector<512xf32>
    %mul3A_2100 = arith.mulf %mul3A_2099, %reduce_sum3A_2096 : vector<512xf32>
    %neg3A_2101 = arith.constant 0.000000e+00 : f32
    %neg3A_2102 = vector.broadcast %neg3A_2101 : f32 to vector<512xf32>
    %neg3A_2103 = arith.subf %neg3A_2102, %mul3A_2100 : vector<512xf32>
    %custom_jvp_call3A_2104 = arith.constant 0.000000e+00 : f32
    %max3A_2105 = vector.broadcast %custom_jvp_call3A_2104 : f32 to vector<512xf32>
    %max3A_2106 = arith.maximumf %neg3A_2103, %max3A_2105 : vector<512xf32>
    %sub3A_2107 = vector.broadcast %custom_jvp_call3A_2104 : f32 to vector<512xf32>
    %sub3A_2108 = arith.subf %neg3A_2103, %sub3A_2107 : vector<512xf32>
    %ne3A_2109 = arith.cmpf one, %sub3A_2108, %sub3A_2108 : vector<512xf32>
    %add3A_2110 = vector.broadcast %custom_jvp_call3A_2104 : f32 to vector<512xf32>
    %add3A_2111 = arith.addf %neg3A_2103, %add3A_2110 : vector<512xf32>
    %abs3A_2112 = math.absf %sub3A_2108 : vector<512xf32>
    %neg3A_2113 = arith.constant 0.000000e+00 : f32
    %neg3A_2114 = vector.broadcast %neg3A_2113 : f32 to vector<512xf32>
    %neg3A_2115 = arith.subf %neg3A_2114, %abs3A_2112 : vector<512xf32>
    %exp3A_2116 = math.exp %neg3A_2115 : vector<512xf32>
    %log1p3A_2117 = math.log1p %exp3A_2116 : vector<512xf32>
    %add3A_2118 = arith.addf %max3A_2106, %log1p3A_2117 : vector<512xf32>
    %select_n3A_2119 = arith.select %ne3A_2109, %add3A_2111, %add3A_2118 : vector<512xi1>, vector<512xf32>
    %neg3A_2120 = arith.constant 0.000000e+00 : f32
    %neg3A_2121 = vector.broadcast %neg3A_2120 : f32 to vector<512xf32>
    %neg3A_2122 = arith.subf %neg3A_2121, %select_n3A_2119 : vector<512xf32>
    %reduce_sum3A_2123 = vector.shape_cast %neg3A_2122 : vector<512xf32> to vector<1x512xf32>
    %reduce_sum3A_2124 = arith.constant dense<0.000000e+00> : vector<1xf32>
    %reduce_sum3A_2125 = vector.multi_reduction <add>, %reduce_sum3A_2123, %reduce_sum3A_2124 [1] : vector<1x512xf32> to vector<1xf32>
    %reduce_sum3A_2126 = vector.shape_cast %reduce_sum3A_2125 : vector<1xf32> to vector<1x1xf32>
    %reduce_sum3A_2127 = vector.extract %reduce_sum3A_2126[0, 0] : f32 from vector<1x1xf32>
    %mul3A_2128 = arith.constant -1.000000e+00 : f32
    %mul3A_2129 = vector.broadcast %mul3A_2128 : f32 to vector<512xf32>
    %mul3A_2130 = arith.mulf %mul3A_2129, %sub3A_2097 : vector<512xf32>
    %neg3A_2131 = arith.constant 0.000000e+00 : f32
    %neg3A_2132 = vector.broadcast %neg3A_2131 : f32 to vector<512xf32>
    %neg3A_2133 = arith.subf %neg3A_2132, %mul3A_2130 : vector<512xf32>
    %custom_jvp_call3A_2134 = arith.constant 0.000000e+00 : f32
    %max3A_2135 = vector.broadcast %custom_jvp_call3A_2134 : f32 to vector<512xf32>
    %max3A_2136 = arith.maximumf %neg3A_2133, %max3A_2135 : vector<512xf32>
    %sub3A_2137 = vector.broadcast %custom_jvp_call3A_2134 : f32 to vector<512xf32>
    %sub3A_2138 = arith.subf %neg3A_2133, %sub3A_2137 : vector<512xf32>
    %ne3A_2139 = arith.cmpf one, %sub3A_2138, %sub3A_2138 : vector<512xf32>
    %add3A_2140 = vector.broadcast %custom_jvp_call3A_2134 : f32 to vector<512xf32>
    %add3A_2141 = arith.addf %neg3A_2133, %add3A_2140 : vector<512xf32>
    %abs3A_2142 = math.absf %sub3A_2138 : vector<512xf32>
    %neg3A_2143 = arith.constant 0.000000e+00 : f32
    %neg3A_2144 = vector.broadcast %neg3A_2143 : f32 to vector<512xf32>
    %neg3A_2145 = arith.subf %neg3A_2144, %abs3A_2142 : vector<512xf32>
    %exp3A_2146 = math.exp %neg3A_2145 : vector<512xf32>
    %log1p3A_2147 = math.log1p %exp3A_2146 : vector<512xf32>
    %add3A_2148 = arith.addf %max3A_2136, %log1p3A_2147 : vector<512xf32>
    %select_n3A_2149 = arith.select %ne3A_2139, %add3A_2141, %add3A_2148 : vector<512xi1>, vector<512xf32>
    %neg3A_2150 = arith.constant 0.000000e+00 : f32
    %neg3A_2151 = vector.broadcast %neg3A_2150 : f32 to vector<512xf32>
    %neg3A_2152 = arith.subf %neg3A_2151, %select_n3A_2149 : vector<512xf32>
    %reduce_sum3A_2153 = vector.shape_cast %neg3A_2152 : vector<512xf32> to vector<1x512xf32>
    %reduce_sum3A_2154 = arith.constant dense<0.000000e+00> : vector<1xf32>
    %reduce_sum3A_2155 = vector.multi_reduction <add>, %reduce_sum3A_2153, %reduce_sum3A_2154 [1] : vector<1x512xf32> to vector<1xf32>
    %reduce_sum3A_2156 = vector.shape_cast %reduce_sum3A_2155 : vector<1xf32> to vector<1x1xf32>
    %reduce_sum3A_2157 = vector.extract %reduce_sum3A_2156[0, 0] : f32 from vector<1x1xf32>
    %add3A_2158 = arith.addf %reduce_sum3A_2127, %reduce_sum3A_2157 : f32
    %mul3A_2159 = arith.constant 5.000000e-01 : f32
    %mul3A_2160 = arith.mulf %mul3A_2159, %add3A_2158 : f32
    %add3A_2161 = arith.addf %add3A_2084, %mul3A_2160 : f32
    %get3A_2162 = arith.constant 1 : index
    %get3A_2163 = arith.constant 5 : index
    %get3A_2164 = arith.constant 0 : index
    %get3A_2165 = arith.constant 0 : index
    %get3A_2166 = vector.load %arg3[%get3A_2162, %get3A_2163, %get3A_2164, %get3A_2165] : memref<3x10x512x128xf32, #tpu.memory_space<vmem>>, vector<1x1x512x128xf32>
    %get3A_2167 = vector.shape_cast %get3A_2166 : vector<1x1x512x128xf32> to vector<512x128xf32>
    %mul3A_2168 = arith.mulf %get3A_1700, %get3A_2167 : vector<512x128xf32>
    %reduce_sum3A_2169 = arith.constant dense<0.000000e+00> : vector<512xf32>
    %reduce_sum3A_2170 = vector.multi_reduction <add>, %mul3A_2168, %reduce_sum3A_2169 [1] : vector<512x128xf32> to vector<512xf32>
    %mul3A_2171 = arith.mulf %mul3A_2168, %convert_element_type3A_5 : vector<512x128xf32>
    %reduce_sum3A_2172 = arith.constant dense<0.000000e+00> : vector<512xf32>
    %reduce_sum3A_2173 = vector.multi_reduction <add>, %mul3A_2171, %reduce_sum3A_2172 [1] : vector<512x128xf32> to vector<512xf32>
    %sub3A_2174 = arith.subf %reduce_sum3A_2170, %reduce_sum3A_2173 : vector<512xf32>
    %mul3A_2175 = arith.constant -1.000000e+00 : f32
    %mul3A_2176 = vector.broadcast %mul3A_2175 : f32 to vector<512xf32>
    %mul3A_2177 = arith.mulf %mul3A_2176, %reduce_sum3A_2173 : vector<512xf32>
    %neg3A_2178 = arith.constant 0.000000e+00 : f32
    %neg3A_2179 = vector.broadcast %neg3A_2178 : f32 to vector<512xf32>
    %neg3A_2180 = arith.subf %neg3A_2179, %mul3A_2177 : vector<512xf32>
    %custom_jvp_call3A_2181 = arith.constant 0.000000e+00 : f32
    %max3A_2182 = vector.broadcast %custom_jvp_call3A_2181 : f32 to vector<512xf32>
    %max3A_2183 = arith.maximumf %neg3A_2180, %max3A_2182 : vector<512xf32>
    %sub3A_2184 = vector.broadcast %custom_jvp_call3A_2181 : f32 to vector<512xf32>
    %sub3A_2185 = arith.subf %neg3A_2180, %sub3A_2184 : vector<512xf32>
    %ne3A_2186 = arith.cmpf one, %sub3A_2185, %sub3A_2185 : vector<512xf32>
    %add3A_2187 = vector.broadcast %custom_jvp_call3A_2181 : f32 to vector<512xf32>
    %add3A_2188 = arith.addf %neg3A_2180, %add3A_2187 : vector<512xf32>
    %abs3A_2189 = math.absf %sub3A_2185 : vector<512xf32>
    %neg3A_2190 = arith.constant 0.000000e+00 : f32
    %neg3A_2191 = vector.broadcast %neg3A_2190 : f32 to vector<512xf32>
    %neg3A_2192 = arith.subf %neg3A_2191, %abs3A_2189 : vector<512xf32>
    %exp3A_2193 = math.exp %neg3A_2192 : vector<512xf32>
    %log1p3A_2194 = math.log1p %exp3A_2193 : vector<512xf32>
    %add3A_2195 = arith.addf %max3A_2183, %log1p3A_2194 : vector<512xf32>
    %select_n3A_2196 = arith.select %ne3A_2186, %add3A_2188, %add3A_2195 : vector<512xi1>, vector<512xf32>
    %neg3A_2197 = arith.constant 0.000000e+00 : f32
    %neg3A_2198 = vector.broadcast %neg3A_2197 : f32 to vector<512xf32>
    %neg3A_2199 = arith.subf %neg3A_2198, %select_n3A_2196 : vector<512xf32>
    %reduce_sum3A_2200 = vector.shape_cast %neg3A_2199 : vector<512xf32> to vector<1x512xf32>
    %reduce_sum3A_2201 = arith.constant dense<0.000000e+00> : vector<1xf32>
    %reduce_sum3A_2202 = vector.multi_reduction <add>, %reduce_sum3A_2200, %reduce_sum3A_2201 [1] : vector<1x512xf32> to vector<1xf32>
    %reduce_sum3A_2203 = vector.shape_cast %reduce_sum3A_2202 : vector<1xf32> to vector<1x1xf32>
    %reduce_sum3A_2204 = vector.extract %reduce_sum3A_2203[0, 0] : f32 from vector<1x1xf32>
    %mul3A_2205 = arith.constant -1.000000e+00 : f32
    %mul3A_2206 = vector.broadcast %mul3A_2205 : f32 to vector<512xf32>
    %mul3A_2207 = arith.mulf %mul3A_2206, %sub3A_2174 : vector<512xf32>
    %neg3A_2208 = arith.constant 0.000000e+00 : f32
    %neg3A_2209 = vector.broadcast %neg3A_2208 : f32 to vector<512xf32>
    %neg3A_2210 = arith.subf %neg3A_2209, %mul3A_2207 : vector<512xf32>
    %custom_jvp_call3A_2211 = arith.constant 0.000000e+00 : f32
    %max3A_2212 = vector.broadcast %custom_jvp_call3A_2211 : f32 to vector<512xf32>
    %max3A_2213 = arith.maximumf %neg3A_2210, %max3A_2212 : vector<512xf32>
    %sub3A_2214 = vector.broadcast %custom_jvp_call3A_2211 : f32 to vector<512xf32>
    %sub3A_2215 = arith.subf %neg3A_2210, %sub3A_2214 : vector<512xf32>
    %ne3A_2216 = arith.cmpf one, %sub3A_2215, %sub3A_2215 : vector<512xf32>
    %add3A_2217 = vector.broadcast %custom_jvp_call3A_2211 : f32 to vector<512xf32>
    %add3A_2218 = arith.addf %neg3A_2210, %add3A_2217 : vector<512xf32>
    %abs3A_2219 = math.absf %sub3A_2215 : vector<512xf32>
    %neg3A_2220 = arith.constant 0.000000e+00 : f32
    %neg3A_2221 = vector.broadcast %neg3A_2220 : f32 to vector<512xf32>
    %neg3A_2222 = arith.subf %neg3A_2221, %abs3A_2219 : vector<512xf32>
    %exp3A_2223 = math.exp %neg3A_2222 : vector<512xf32>
    %log1p3A_2224 = math.log1p %exp3A_2223 : vector<512xf32>
    %add3A_2225 = arith.addf %max3A_2213, %log1p3A_2224 : vector<512xf32>
    %select_n3A_2226 = arith.select %ne3A_2216, %add3A_2218, %add3A_2225 : vector<512xi1>, vector<512xf32>
    %neg3A_2227 = arith.constant 0.000000e+00 : f32
    %neg3A_2228 = vector.broadcast %neg3A_2227 : f32 to vector<512xf32>
    %neg3A_2229 = arith.subf %neg3A_2228, %select_n3A_2226 : vector<512xf32>
    %reduce_sum3A_2230 = vector.shape_cast %neg3A_2229 : vector<512xf32> to vector<1x512xf32>
    %reduce_sum3A_2231 = arith.constant dense<0.000000e+00> : vector<1xf32>
    %reduce_sum3A_2232 = vector.multi_reduction <add>, %reduce_sum3A_2230, %reduce_sum3A_2231 [1] : vector<1x512xf32> to vector<1xf32>
    %reduce_sum3A_2233 = vector.shape_cast %reduce_sum3A_2232 : vector<1xf32> to vector<1x1xf32>
    %reduce_sum3A_2234 = vector.extract %reduce_sum3A_2233[0, 0] : f32 from vector<1x1xf32>
    %add3A_2235 = arith.addf %reduce_sum3A_2204, %reduce_sum3A_2234 : f32
    %mul3A_2236 = arith.constant 5.000000e-01 : f32
    %mul3A_2237 = arith.mulf %mul3A_2236, %add3A_2235 : f32
    %add3A_2238 = arith.addf %add3A_2161, %mul3A_2237 : f32
    %get3A_2239 = arith.constant 1 : index
    %get3A_2240 = arith.constant 6 : index
    %get3A_2241 = arith.constant 0 : index
    %get3A_2242 = arith.constant 0 : index
    %get3A_2243 = vector.load %arg3[%get3A_2239, %get3A_2240, %get3A_2241, %get3A_2242] : memref<3x10x512x128xf32, #tpu.memory_space<vmem>>, vector<1x1x512x128xf32>
    %get3A_2244 = vector.shape_cast %get3A_2243 : vector<1x1x512x128xf32> to vector<512x128xf32>
    %mul3A_2245 = arith.mulf %get3A_1700, %get3A_2244 : vector<512x128xf32>
    %reduce_sum3A_2246 = arith.constant dense<0.000000e+00> : vector<512xf32>
    %reduce_sum3A_2247 = vector.multi_reduction <add>, %mul3A_2245, %reduce_sum3A_2246 [1] : vector<512x128xf32> to vector<512xf32>
    %mul3A_2248 = arith.mulf %mul3A_2245, %convert_element_type3A_5 : vector<512x128xf32>
    %reduce_sum3A_2249 = arith.constant dense<0.000000e+00> : vector<512xf32>
    %reduce_sum3A_2250 = vector.multi_reduction <add>, %mul3A_2248, %reduce_sum3A_2249 [1] : vector<512x128xf32> to vector<512xf32>
    %sub3A_2251 = arith.subf %reduce_sum3A_2247, %reduce_sum3A_2250 : vector<512xf32>
    %mul3A_2252 = arith.constant -1.000000e+00 : f32
    %mul3A_2253 = vector.broadcast %mul3A_2252 : f32 to vector<512xf32>
    %mul3A_2254 = arith.mulf %mul3A_2253, %reduce_sum3A_2250 : vector<512xf32>
    %neg3A_2255 = arith.constant 0.000000e+00 : f32
    %neg3A_2256 = vector.broadcast %neg3A_2255 : f32 to vector<512xf32>
    %neg3A_2257 = arith.subf %neg3A_2256, %mul3A_2254 : vector<512xf32>
    %custom_jvp_call3A_2258 = arith.constant 0.000000e+00 : f32
    %max3A_2259 = vector.broadcast %custom_jvp_call3A_2258 : f32 to vector<512xf32>
    %max3A_2260 = arith.maximumf %neg3A_2257, %max3A_2259 : vector<512xf32>
    %sub3A_2261 = vector.broadcast %custom_jvp_call3A_2258 : f32 to vector<512xf32>
    %sub3A_2262 = arith.subf %neg3A_2257, %sub3A_2261 : vector<512xf32>
    %ne3A_2263 = arith.cmpf one, %sub3A_2262, %sub3A_2262 : vector<512xf32>
    %add3A_2264 = vector.broadcast %custom_jvp_call3A_2258 : f32 to vector<512xf32>
    %add3A_2265 = arith.addf %neg3A_2257, %add3A_2264 : vector<512xf32>
    %abs3A_2266 = math.absf %sub3A_2262 : vector<512xf32>
    %neg3A_2267 = arith.constant 0.000000e+00 : f32
    %neg3A_2268 = vector.broadcast %neg3A_2267 : f32 to vector<512xf32>
    %neg3A_2269 = arith.subf %neg3A_2268, %abs3A_2266 : vector<512xf32>
    %exp3A_2270 = math.exp %neg3A_2269 : vector<512xf32>
    %log1p3A_2271 = math.log1p %exp3A_2270 : vector<512xf32>
    %add3A_2272 = arith.addf %max3A_2260, %log1p3A_2271 : vector<512xf32>
    %select_n3A_2273 = arith.select %ne3A_2263, %add3A_2265, %add3A_2272 : vector<512xi1>, vector<512xf32>
    %neg3A_2274 = arith.constant 0.000000e+00 : f32
    %neg3A_2275 = vector.broadcast %neg3A_2274 : f32 to vector<512xf32>
    %neg3A_2276 = arith.subf %neg3A_2275, %select_n3A_2273 : vector<512xf32>
    %reduce_sum3A_2277 = vector.shape_cast %neg3A_2276 : vector<512xf32> to vector<1x512xf32>
    %reduce_sum3A_2278 = arith.constant dense<0.000000e+00> : vector<1xf32>
    %reduce_sum3A_2279 = vector.multi_reduction <add>, %reduce_sum3A_2277, %reduce_sum3A_2278 [1] : vector<1x512xf32> to vector<1xf32>
    %reduce_sum3A_2280 = vector.shape_cast %reduce_sum3A_2279 : vector<1xf32> to vector<1x1xf32>
    %reduce_sum3A_2281 = vector.extract %reduce_sum3A_2280[0, 0] : f32 from vector<1x1xf32>
    %mul3A_2282 = arith.constant -1.000000e+00 : f32
    %mul3A_2283 = vector.broadcast %mul3A_2282 : f32 to vector<512xf32>
    %mul3A_2284 = arith.mulf %mul3A_2283, %sub3A_2251 : vector<512xf32>
    %neg3A_2285 = arith.constant 0.000000e+00 : f32
    %neg3A_2286 = vector.broadcast %neg3A_2285 : f32 to vector<512xf32>
    %neg3A_2287 = arith.subf %neg3A_2286, %mul3A_2284 : vector<512xf32>
    %custom_jvp_call3A_2288 = arith.constant 0.000000e+00 : f32
    %max3A_2289 = vector.broadcast %custom_jvp_call3A_2288 : f32 to vector<512xf32>
    %max3A_2290 = arith.maximumf %neg3A_2287, %max3A_2289 : vector<512xf32>
    %sub3A_2291 = vector.broadcast %custom_jvp_call3A_2288 : f32 to vector<512xf32>
    %sub3A_2292 = arith.subf %neg3A_2287, %sub3A_2291 : vector<512xf32>
    %ne3A_2293 = arith.cmpf one, %sub3A_2292, %sub3A_2292 : vector<512xf32>
    %add3A_2294 = vector.broadcast %custom_jvp_call3A_2288 : f32 to vector<512xf32>
    %add3A_2295 = arith.addf %neg3A_2287, %add3A_2294 : vector<512xf32>
    %abs3A_2296 = math.absf %sub3A_2292 : vector<512xf32>
    %neg3A_2297 = arith.constant 0.000000e+00 : f32
    %neg3A_2298 = vector.broadcast %neg3A_2297 : f32 to vector<512xf32>
    %neg3A_2299 = arith.subf %neg3A_2298, %abs3A_2296 : vector<512xf32>
    %exp3A_2300 = math.exp %neg3A_2299 : vector<512xf32>
    %log1p3A_2301 = math.log1p %exp3A_2300 : vector<512xf32>
    %add3A_2302 = arith.addf %max3A_2290, %log1p3A_2301 : vector<512xf32>
    %select_n3A_2303 = arith.select %ne3A_2293, %add3A_2295, %add3A_2302 : vector<512xi1>, vector<512xf32>
    %neg3A_2304 = arith.constant 0.000000e+00 : f32
    %neg3A_2305 = vector.broadcast %neg3A_2304 : f32 to vector<512xf32>
    %neg3A_2306 = arith.subf %neg3A_2305, %select_n3A_2303 : vector<512xf32>
    %reduce_sum3A_2307 = vector.shape_cast %neg3A_2306 : vector<512xf32> to vector<1x512xf32>
    %reduce_sum3A_2308 = arith.constant dense<0.000000e+00> : vector<1xf32>
    %reduce_sum3A_2309 = vector.multi_reduction <add>, %reduce_sum3A_2307, %reduce_sum3A_2308 [1] : vector<1x512xf32> to vector<1xf32>
    %reduce_sum3A_2310 = vector.shape_cast %reduce_sum3A_2309 : vector<1xf32> to vector<1x1xf32>
    %reduce_sum3A_2311 = vector.extract %reduce_sum3A_2310[0, 0] : f32 from vector<1x1xf32>
    %add3A_2312 = arith.addf %reduce_sum3A_2281, %reduce_sum3A_2311 : f32
    %mul3A_2313 = arith.constant 5.000000e-01 : f32
    %mul3A_2314 = arith.mulf %mul3A_2313, %add3A_2312 : f32
    %add3A_2315 = arith.addf %add3A_2238, %mul3A_2314 : f32
    %get3A_2316 = arith.constant 1 : index
    %get3A_2317 = arith.constant 7 : index
    %get3A_2318 = arith.constant 0 : index
    %get3A_2319 = arith.constant 0 : index
    %get3A_2320 = vector.load %arg3[%get3A_2316, %get3A_2317, %get3A_2318, %get3A_2319] : memref<3x10x512x128xf32, #tpu.memory_space<vmem>>, vector<1x1x512x128xf32>
    %get3A_2321 = vector.shape_cast %get3A_2320 : vector<1x1x512x128xf32> to vector<512x128xf32>
    %mul3A_2322 = arith.mulf %get3A_1700, %get3A_2321 : vector<512x128xf32>
    %reduce_sum3A_2323 = arith.constant dense<0.000000e+00> : vector<512xf32>
    %reduce_sum3A_2324 = vector.multi_reduction <add>, %mul3A_2322, %reduce_sum3A_2323 [1] : vector<512x128xf32> to vector<512xf32>
    %mul3A_2325 = arith.mulf %mul3A_2322, %convert_element_type3A_5 : vector<512x128xf32>
    %reduce_sum3A_2326 = arith.constant dense<0.000000e+00> : vector<512xf32>
    %reduce_sum3A_2327 = vector.multi_reduction <add>, %mul3A_2325, %reduce_sum3A_2326 [1] : vector<512x128xf32> to vector<512xf32>
    %sub3A_2328 = arith.subf %reduce_sum3A_2324, %reduce_sum3A_2327 : vector<512xf32>
    %mul3A_2329 = arith.constant -1.000000e+00 : f32
    %mul3A_2330 = vector.broadcast %mul3A_2329 : f32 to vector<512xf32>
    %mul3A_2331 = arith.mulf %mul3A_2330, %reduce_sum3A_2327 : vector<512xf32>
    %neg3A_2332 = arith.constant 0.000000e+00 : f32
    %neg3A_2333 = vector.broadcast %neg3A_2332 : f32 to vector<512xf32>
    %neg3A_2334 = arith.subf %neg3A_2333, %mul3A_2331 : vector<512xf32>
    %custom_jvp_call3A_2335 = arith.constant 0.000000e+00 : f32
    %max3A_2336 = vector.broadcast %custom_jvp_call3A_2335 : f32 to vector<512xf32>
    %max3A_2337 = arith.maximumf %neg3A_2334, %max3A_2336 : vector<512xf32>
    %sub3A_2338 = vector.broadcast %custom_jvp_call3A_2335 : f32 to vector<512xf32>
    %sub3A_2339 = arith.subf %neg3A_2334, %sub3A_2338 : vector<512xf32>
    %ne3A_2340 = arith.cmpf one, %sub3A_2339, %sub3A_2339 : vector<512xf32>
    %add3A_2341 = vector.broadcast %custom_jvp_call3A_2335 : f32 to vector<512xf32>
    %add3A_2342 = arith.addf %neg3A_2334, %add3A_2341 : vector<512xf32>
    %abs3A_2343 = math.absf %sub3A_2339 : vector<512xf32>
    %neg3A_2344 = arith.constant 0.000000e+00 : f32
    %neg3A_2345 = vector.broadcast %neg3A_2344 : f32 to vector<512xf32>
    %neg3A_2346 = arith.subf %neg3A_2345, %abs3A_2343 : vector<512xf32>
    %exp3A_2347 = math.exp %neg3A_2346 : vector<512xf32>
    %log1p3A_2348 = math.log1p %exp3A_2347 : vector<512xf32>
    %add3A_2349 = arith.addf %max3A_2337, %log1p3A_2348 : vector<512xf32>
    %select_n3A_2350 = arith.select %ne3A_2340, %add3A_2342, %add3A_2349 : vector<512xi1>, vector<512xf32>
    %neg3A_2351 = arith.constant 0.000000e+00 : f32
    %neg3A_2352 = vector.broadcast %neg3A_2351 : f32 to vector<512xf32>
    %neg3A_2353 = arith.subf %neg3A_2352, %select_n3A_2350 : vector<512xf32>
    %reduce_sum3A_2354 = vector.shape_cast %neg3A_2353 : vector<512xf32> to vector<1x512xf32>
    %reduce_sum3A_2355 = arith.constant dense<0.000000e+00> : vector<1xf32>
    %reduce_sum3A_2356 = vector.multi_reduction <add>, %reduce_sum3A_2354, %reduce_sum3A_2355 [1] : vector<1x512xf32> to vector<1xf32>
    %reduce_sum3A_2357 = vector.shape_cast %reduce_sum3A_2356 : vector<1xf32> to vector<1x1xf32>
    %reduce_sum3A_2358 = vector.extract %reduce_sum3A_2357[0, 0] : f32 from vector<1x1xf32>
    %mul3A_2359 = arith.constant -1.000000e+00 : f32
    %mul3A_2360 = vector.broadcast %mul3A_2359 : f32 to vector<512xf32>
    %mul3A_2361 = arith.mulf %mul3A_2360, %sub3A_2328 : vector<512xf32>
    %neg3A_2362 = arith.constant 0.000000e+00 : f32
    %neg3A_2363 = vector.broadcast %neg3A_2362 : f32 to vector<512xf32>
    %neg3A_2364 = arith.subf %neg3A_2363, %mul3A_2361 : vector<512xf32>
    %custom_jvp_call3A_2365 = arith.constant 0.000000e+00 : f32
    %max3A_2366 = vector.broadcast %custom_jvp_call3A_2365 : f32 to vector<512xf32>
    %max3A_2367 = arith.maximumf %neg3A_2364, %max3A_2366 : vector<512xf32>
    %sub3A_2368 = vector.broadcast %custom_jvp_call3A_2365 : f32 to vector<512xf32>
    %sub3A_2369 = arith.subf %neg3A_2364, %sub3A_2368 : vector<512xf32>
    %ne3A_2370 = arith.cmpf one, %sub3A_2369, %sub3A_2369 : vector<512xf32>
    %add3A_2371 = vector.broadcast %custom_jvp_call3A_2365 : f32 to vector<512xf32>
    %add3A_2372 = arith.addf %neg3A_2364, %add3A_2371 : vector<512xf32>
    %abs3A_2373 = math.absf %sub3A_2369 : vector<512xf32>
    %neg3A_2374 = arith.constant 0.000000e+00 : f32
    %neg3A_2375 = vector.broadcast %neg3A_2374 : f32 to vector<512xf32>
    %neg3A_2376 = arith.subf %neg3A_2375, %abs3A_2373 : vector<512xf32>
    %exp3A_2377 = math.exp %neg3A_2376 : vector<512xf32>
    %log1p3A_2378 = math.log1p %exp3A_2377 : vector<512xf32>
    %add3A_2379 = arith.addf %max3A_2367, %log1p3A_2378 : vector<512xf32>
    %select_n3A_2380 = arith.select %ne3A_2370, %add3A_2372, %add3A_2379 : vector<512xi1>, vector<512xf32>
    %neg3A_2381 = arith.constant 0.000000e+00 : f32
    %neg3A_2382 = vector.broadcast %neg3A_2381 : f32 to vector<512xf32>
    %neg3A_2383 = arith.subf %neg3A_2382, %select_n3A_2380 : vector<512xf32>
    %reduce_sum3A_2384 = vector.shape_cast %neg3A_2383 : vector<512xf32> to vector<1x512xf32>
    %reduce_sum3A_2385 = arith.constant dense<0.000000e+00> : vector<1xf32>
    %reduce_sum3A_2386 = vector.multi_reduction <add>, %reduce_sum3A_2384, %reduce_sum3A_2385 [1] : vector<1x512xf32> to vector<1xf32>
    %reduce_sum3A_2387 = vector.shape_cast %reduce_sum3A_2386 : vector<1xf32> to vector<1x1xf32>
    %reduce_sum3A_2388 = vector.extract %reduce_sum3A_2387[0, 0] : f32 from vector<1x1xf32>
    %add3A_2389 = arith.addf %reduce_sum3A_2358, %reduce_sum3A_2388 : f32
    %mul3A_2390 = arith.constant 5.000000e-01 : f32
    %mul3A_2391 = arith.mulf %mul3A_2390, %add3A_2389 : f32
    %add3A_2392 = arith.addf %add3A_2315, %mul3A_2391 : f32
    %get3A_2393 = arith.constant 1 : index
    %get3A_2394 = arith.constant 8 : index
    %get3A_2395 = arith.constant 0 : index
    %get3A_2396 = arith.constant 0 : index
    %get3A_2397 = vector.load %arg3[%get3A_2393, %get3A_2394, %get3A_2395, %get3A_2396] : memref<3x10x512x128xf32, #tpu.memory_space<vmem>>, vector<1x1x512x128xf32>
    %get3A_2398 = vector.shape_cast %get3A_2397 : vector<1x1x512x128xf32> to vector<512x128xf32>
    %mul3A_2399 = arith.mulf %get3A_1700, %get3A_2398 : vector<512x128xf32>
    %reduce_sum3A_2400 = arith.constant dense<0.000000e+00> : vector<512xf32>
    %reduce_sum3A_2401 = vector.multi_reduction <add>, %mul3A_2399, %reduce_sum3A_2400 [1] : vector<512x128xf32> to vector<512xf32>
    %mul3A_2402 = arith.mulf %mul3A_2399, %convert_element_type3A_5 : vector<512x128xf32>
    %reduce_sum3A_2403 = arith.constant dense<0.000000e+00> : vector<512xf32>
    %reduce_sum3A_2404 = vector.multi_reduction <add>, %mul3A_2402, %reduce_sum3A_2403 [1] : vector<512x128xf32> to vector<512xf32>
    %sub3A_2405 = arith.subf %reduce_sum3A_2401, %reduce_sum3A_2404 : vector<512xf32>
    %mul3A_2406 = arith.constant -1.000000e+00 : f32
    %mul3A_2407 = vector.broadcast %mul3A_2406 : f32 to vector<512xf32>
    %mul3A_2408 = arith.mulf %mul3A_2407, %reduce_sum3A_2404 : vector<512xf32>
    %neg3A_2409 = arith.constant 0.000000e+00 : f32
    %neg3A_2410 = vector.broadcast %neg3A_2409 : f32 to vector<512xf32>
    %neg3A_2411 = arith.subf %neg3A_2410, %mul3A_2408 : vector<512xf32>
    %custom_jvp_call3A_2412 = arith.constant 0.000000e+00 : f32
    %max3A_2413 = vector.broadcast %custom_jvp_call3A_2412 : f32 to vector<512xf32>
    %max3A_2414 = arith.maximumf %neg3A_2411, %max3A_2413 : vector<512xf32>
    %sub3A_2415 = vector.broadcast %custom_jvp_call3A_2412 : f32 to vector<512xf32>
    %sub3A_2416 = arith.subf %neg3A_2411, %sub3A_2415 : vector<512xf32>
    %ne3A_2417 = arith.cmpf one, %sub3A_2416, %sub3A_2416 : vector<512xf32>
    %add3A_2418 = vector.broadcast %custom_jvp_call3A_2412 : f32 to vector<512xf32>
    %add3A_2419 = arith.addf %neg3A_2411, %add3A_2418 : vector<512xf32>
    %abs3A_2420 = math.absf %sub3A_2416 : vector<512xf32>
    %neg3A_2421 = arith.constant 0.000000e+00 : f32
    %neg3A_2422 = vector.broadcast %neg3A_2421 : f32 to vector<512xf32>
    %neg3A_2423 = arith.subf %neg3A_2422, %abs3A_2420 : vector<512xf32>
    %exp3A_2424 = math.exp %neg3A_2423 : vector<512xf32>
    %log1p3A_2425 = math.log1p %exp3A_2424 : vector<512xf32>
    %add3A_2426 = arith.addf %max3A_2414, %log1p3A_2425 : vector<512xf32>
    %select_n3A_2427 = arith.select %ne3A_2417, %add3A_2419, %add3A_2426 : vector<512xi1>, vector<512xf32>
    %neg3A_2428 = arith.constant 0.000000e+00 : f32
    %neg3A_2429 = vector.broadcast %neg3A_2428 : f32 to vector<512xf32>
    %neg3A_2430 = arith.subf %neg3A_2429, %select_n3A_2427 : vector<512xf32>
    %reduce_sum3A_2431 = vector.shape_cast %neg3A_2430 : vector<512xf32> to vector<1x512xf32>
    %reduce_sum3A_2432 = arith.constant dense<0.000000e+00> : vector<1xf32>
    %reduce_sum3A_2433 = vector.multi_reduction <add>, %reduce_sum3A_2431, %reduce_sum3A_2432 [1] : vector<1x512xf32> to vector<1xf32>
    %reduce_sum3A_2434 = vector.shape_cast %reduce_sum3A_2433 : vector<1xf32> to vector<1x1xf32>
    %reduce_sum3A_2435 = vector.extract %reduce_sum3A_2434[0, 0] : f32 from vector<1x1xf32>
    %mul3A_2436 = arith.constant -1.000000e+00 : f32
    %mul3A_2437 = vector.broadcast %mul3A_2436 : f32 to vector<512xf32>
    %mul3A_2438 = arith.mulf %mul3A_2437, %sub3A_2405 : vector<512xf32>
    %neg3A_2439 = arith.constant 0.000000e+00 : f32
    %neg3A_2440 = vector.broadcast %neg3A_2439 : f32 to vector<512xf32>
    %neg3A_2441 = arith.subf %neg3A_2440, %mul3A_2438 : vector<512xf32>
    %custom_jvp_call3A_2442 = arith.constant 0.000000e+00 : f32
    %max3A_2443 = vector.broadcast %custom_jvp_call3A_2442 : f32 to vector<512xf32>
    %max3A_2444 = arith.maximumf %neg3A_2441, %max3A_2443 : vector<512xf32>
    %sub3A_2445 = vector.broadcast %custom_jvp_call3A_2442 : f32 to vector<512xf32>
    %sub3A_2446 = arith.subf %neg3A_2441, %sub3A_2445 : vector<512xf32>
    %ne3A_2447 = arith.cmpf one, %sub3A_2446, %sub3A_2446 : vector<512xf32>
    %add3A_2448 = vector.broadcast %custom_jvp_call3A_2442 : f32 to vector<512xf32>
    %add3A_2449 = arith.addf %neg3A_2441, %add3A_2448 : vector<512xf32>
    %abs3A_2450 = math.absf %sub3A_2446 : vector<512xf32>
    %neg3A_2451 = arith.constant 0.000000e+00 : f32
    %neg3A_2452 = vector.broadcast %neg3A_2451 : f32 to vector<512xf32>
    %neg3A_2453 = arith.subf %neg3A_2452, %abs3A_2450 : vector<512xf32>
    %exp3A_2454 = math.exp %neg3A_2453 : vector<512xf32>
    %log1p3A_2455 = math.log1p %exp3A_2454 : vector<512xf32>
    %add3A_2456 = arith.addf %max3A_2444, %log1p3A_2455 : vector<512xf32>
    %select_n3A_2457 = arith.select %ne3A_2447, %add3A_2449, %add3A_2456 : vector<512xi1>, vector<512xf32>
    %neg3A_2458 = arith.constant 0.000000e+00 : f32
    %neg3A_2459 = vector.broadcast %neg3A_2458 : f32 to vector<512xf32>
    %neg3A_2460 = arith.subf %neg3A_2459, %select_n3A_2457 : vector<512xf32>
    %reduce_sum3A_2461 = vector.shape_cast %neg3A_2460 : vector<512xf32> to vector<1x512xf32>
    %reduce_sum3A_2462 = arith.constant dense<0.000000e+00> : vector<1xf32>
    %reduce_sum3A_2463 = vector.multi_reduction <add>, %reduce_sum3A_2461, %reduce_sum3A_2462 [1] : vector<1x512xf32> to vector<1xf32>
    %reduce_sum3A_2464 = vector.shape_cast %reduce_sum3A_2463 : vector<1xf32> to vector<1x1xf32>
    %reduce_sum3A_2465 = vector.extract %reduce_sum3A_2464[0, 0] : f32 from vector<1x1xf32>
    %add3A_2466 = arith.addf %reduce_sum3A_2435, %reduce_sum3A_2465 : f32
    %mul3A_2467 = arith.constant 5.000000e-01 : f32
    %mul3A_2468 = arith.mulf %mul3A_2467, %add3A_2466 : f32
    %add3A_2469 = arith.addf %add3A_2392, %mul3A_2468 : f32
    %get3A_2470 = arith.constant 1 : index
    %get3A_2471 = arith.constant 9 : index
    %get3A_2472 = arith.constant 0 : index
    %get3A_2473 = arith.constant 0 : index
    %get3A_2474 = vector.load %arg3[%get3A_2470, %get3A_2471, %get3A_2472, %get3A_2473] : memref<3x10x512x128xf32, #tpu.memory_space<vmem>>, vector<1x1x512x128xf32>
    %get3A_2475 = vector.shape_cast %get3A_2474 : vector<1x1x512x128xf32> to vector<512x128xf32>
    %mul3A_2476 = arith.mulf %get3A_1700, %get3A_2475 : vector<512x128xf32>
    %reduce_sum3A_2477 = arith.constant dense<0.000000e+00> : vector<512xf32>
    %reduce_sum3A_2478 = vector.multi_reduction <add>, %mul3A_2476, %reduce_sum3A_2477 [1] : vector<512x128xf32> to vector<512xf32>
    %mul3A_2479 = arith.mulf %mul3A_2476, %convert_element_type3A_5 : vector<512x128xf32>
    %reduce_sum3A_2480 = arith.constant dense<0.000000e+00> : vector<512xf32>
    %reduce_sum3A_2481 = vector.multi_reduction <add>, %mul3A_2479, %reduce_sum3A_2480 [1] : vector<512x128xf32> to vector<512xf32>
    %sub3A_2482 = arith.subf %reduce_sum3A_2478, %reduce_sum3A_2481 : vector<512xf32>
    %mul3A_2483 = arith.constant -1.000000e+00 : f32
    %mul3A_2484 = vector.broadcast %mul3A_2483 : f32 to vector<512xf32>
    %mul3A_2485 = arith.mulf %mul3A_2484, %reduce_sum3A_2481 : vector<512xf32>
    %neg3A_2486 = arith.constant 0.000000e+00 : f32
    %neg3A_2487 = vector.broadcast %neg3A_2486 : f32 to vector<512xf32>
    %neg3A_2488 = arith.subf %neg3A_2487, %mul3A_2485 : vector<512xf32>
    %custom_jvp_call3A_2489 = arith.constant 0.000000e+00 : f32
    %max3A_2490 = vector.broadcast %custom_jvp_call3A_2489 : f32 to vector<512xf32>
    %max3A_2491 = arith.maximumf %neg3A_2488, %max3A_2490 : vector<512xf32>
    %sub3A_2492 = vector.broadcast %custom_jvp_call3A_2489 : f32 to vector<512xf32>
    %sub3A_2493 = arith.subf %neg3A_2488, %sub3A_2492 : vector<512xf32>
    %ne3A_2494 = arith.cmpf one, %sub3A_2493, %sub3A_2493 : vector<512xf32>
    %add3A_2495 = vector.broadcast %custom_jvp_call3A_2489 : f32 to vector<512xf32>
    %add3A_2496 = arith.addf %neg3A_2488, %add3A_2495 : vector<512xf32>
    %abs3A_2497 = math.absf %sub3A_2493 : vector<512xf32>
    %neg3A_2498 = arith.constant 0.000000e+00 : f32
    %neg3A_2499 = vector.broadcast %neg3A_2498 : f32 to vector<512xf32>
    %neg3A_2500 = arith.subf %neg3A_2499, %abs3A_2497 : vector<512xf32>
    %exp3A_2501 = math.exp %neg3A_2500 : vector<512xf32>
    %log1p3A_2502 = math.log1p %exp3A_2501 : vector<512xf32>
    %add3A_2503 = arith.addf %max3A_2491, %log1p3A_2502 : vector<512xf32>
    %select_n3A_2504 = arith.select %ne3A_2494, %add3A_2496, %add3A_2503 : vector<512xi1>, vector<512xf32>
    %neg3A_2505 = arith.constant 0.000000e+00 : f32
    %neg3A_2506 = vector.broadcast %neg3A_2505 : f32 to vector<512xf32>
    %neg3A_2507 = arith.subf %neg3A_2506, %select_n3A_2504 : vector<512xf32>
    %reduce_sum3A_2508 = vector.shape_cast %neg3A_2507 : vector<512xf32> to vector<1x512xf32>
    %reduce_sum3A_2509 = arith.constant dense<0.000000e+00> : vector<1xf32>
    %reduce_sum3A_2510 = vector.multi_reduction <add>, %reduce_sum3A_2508, %reduce_sum3A_2509 [1] : vector<1x512xf32> to vector<1xf32>
    %reduce_sum3A_2511 = vector.shape_cast %reduce_sum3A_2510 : vector<1xf32> to vector<1x1xf32>
    %reduce_sum3A_2512 = vector.extract %reduce_sum3A_2511[0, 0] : f32 from vector<1x1xf32>
    %mul3A_2513 = arith.constant -1.000000e+00 : f32
    %mul3A_2514 = vector.broadcast %mul3A_2513 : f32 to vector<512xf32>
    %mul3A_2515 = arith.mulf %mul3A_2514, %sub3A_2482 : vector<512xf32>
    %neg3A_2516 = arith.constant 0.000000e+00 : f32
    %neg3A_2517 = vector.broadcast %neg3A_2516 : f32 to vector<512xf32>
    %neg3A_2518 = arith.subf %neg3A_2517, %mul3A_2515 : vector<512xf32>
    %custom_jvp_call3A_2519 = arith.constant 0.000000e+00 : f32
    %max3A_2520 = vector.broadcast %custom_jvp_call3A_2519 : f32 to vector<512xf32>
    %max3A_2521 = arith.maximumf %neg3A_2518, %max3A_2520 : vector<512xf32>
    %sub3A_2522 = vector.broadcast %custom_jvp_call3A_2519 : f32 to vector<512xf32>
    %sub3A_2523 = arith.subf %neg3A_2518, %sub3A_2522 : vector<512xf32>
    %ne3A_2524 = arith.cmpf one, %sub3A_2523, %sub3A_2523 : vector<512xf32>
    %add3A_2525 = vector.broadcast %custom_jvp_call3A_2519 : f32 to vector<512xf32>
    %add3A_2526 = arith.addf %neg3A_2518, %add3A_2525 : vector<512xf32>
    %abs3A_2527 = math.absf %sub3A_2523 : vector<512xf32>
    %neg3A_2528 = arith.constant 0.000000e+00 : f32
    %neg3A_2529 = vector.broadcast %neg3A_2528 : f32 to vector<512xf32>
    %neg3A_2530 = arith.subf %neg3A_2529, %abs3A_2527 : vector<512xf32>
    %exp3A_2531 = math.exp %neg3A_2530 : vector<512xf32>
    %log1p3A_2532 = math.log1p %exp3A_2531 : vector<512xf32>
    %add3A_2533 = arith.addf %max3A_2521, %log1p3A_2532 : vector<512xf32>
    %select_n3A_2534 = arith.select %ne3A_2524, %add3A_2526, %add3A_2533 : vector<512xi1>, vector<512xf32>
    %neg3A_2535 = arith.constant 0.000000e+00 : f32
    %neg3A_2536 = vector.broadcast %neg3A_2535 : f32 to vector<512xf32>
    %neg3A_2537 = arith.subf %neg3A_2536, %select_n3A_2534 : vector<512xf32>
    %reduce_sum3A_2538 = vector.shape_cast %neg3A_2537 : vector<512xf32> to vector<1x512xf32>
    %reduce_sum3A_2539 = arith.constant dense<0.000000e+00> : vector<1xf32>
    %reduce_sum3A_2540 = vector.multi_reduction <add>, %reduce_sum3A_2538, %reduce_sum3A_2539 [1] : vector<1x512xf32> to vector<1xf32>
    %reduce_sum3A_2541 = vector.shape_cast %reduce_sum3A_2540 : vector<1xf32> to vector<1x1xf32>
    %reduce_sum3A_2542 = vector.extract %reduce_sum3A_2541[0, 0] : f32 from vector<1x1xf32>
    %add3A_2543 = arith.addf %reduce_sum3A_2512, %reduce_sum3A_2542 : f32
    %mul3A_2544 = arith.constant 5.000000e-01 : f32
    %mul3A_2545 = arith.mulf %mul3A_2544, %add3A_2543 : f32
    %add3A_2546 = arith.addf %add3A_2469, %mul3A_2545 : f32
    %get3A_2547 = arith.constant 0 : index
    %get3A_2548 = memref.load %arg5[%get3A_2547] : memref<1xf32, #tpu.memory_space<smem>>
    %add3A_2549 = arith.addf %get3A_2548, %add3A_2546 : f32
    %swap3A = arith.constant 0 : index
    %swap3A_2550 = memref.load %arg5[%swap3A] : memref<1xf32, #tpu.memory_space<smem>>
    memref.store %add3A_2549, %arg5[%swap3A] : memref<1xf32, #tpu.memory_space<smem>>
    %eq3A_2551 = arith.constant 15 : i32
    %eq3A_2552 = arith.cmpi eq, %arg0, %eq3A_2551 : i32
    %convert_element_type3A_2553 = arith.extui %eq3A_2552 : i1 to i32
    %cond3A_2554 = arith.constant 0 : i32
    %cond3A_2555 = arith.cmpi ne, %convert_element_type3A_2553, %cond3A_2554 : i32
    scf.if %cond3A_2555 {
      %get3A_2556 = arith.constant 0 : index
      %get3A_2557 = memref.load %arg5[%get3A_2556] : memref<1xf32, #tpu.memory_space<smem>>
      %neg3A_2558 = arith.constant 0.000000e+00 : f32
      %neg3A_2559 = arith.subf %neg3A_2558, %get3A_2557 : f32
      %div3A = arith.constant 1.638400e+04 : f32
      %div3A_2560 = arith.divf %neg3A_2559, %div3A : f32
      %swap3A_2561 = arith.constant 0 : index
      %swap3A_2562 = arith.constant 0 : index
      %swap3A_2563 = memref.load %arg4[%swap3A_2561, %swap3A_2562] : memref<1x1xf32, #tpu.memory_space<smem>>
      memref.store %div3A_2560, %arg4[%swap3A_2561, %swap3A_2562] : memref<1x1xf32, #tpu.memory_space<smem>>
    } else {
    }
    return
  }
  func.func @transform_0(%arg0: i32) -> (i32, i32, i32) {
    %c0_i32 = arith.constant 0 : i32
    %c0_i32_0 = arith.constant 0 : i32
    %c0_i32_1 = arith.constant 0 : i32
    return %c0_i32, %arg0, %c0_i32_0 : i32, i32, i32
  }
  func.func @transform_1(%arg0: i32) -> (i32, i32, i32) {
    %c0_i32 = arith.constant 0 : i32
    %c0_i32_0 = arith.constant 0 : i32
    %c0_i32_1 = arith.constant 0 : i32
    return %c0_i32, %arg0, %c0_i32_0 : i32, i32, i32
  }
  func.func @transform_2(%arg0: i32) -> (i32, i32, i32, i32) {
    %c0_i32 = arith.constant 0 : i32
    %c0_i32_0 = arith.constant 0 : i32
    %c0_i32_1 = arith.constant 0 : i32
    %c0_i32_2 = arith.constant 0 : i32
    return %c0_i32, %c0_i32_0, %arg0, %c0_i32_1 : i32, i32, i32, i32
  }
  func.func @transform_3(%arg0: i32) -> (i32, i32) {
    %c0_i32 = arith.constant 0 : i32
    %c0_i32_0 = arith.constant 0 : i32
    %c0_i32_1 = arith.constant 0 : i32
    return %c0_i32, %c0_i32_0 : i32, i32
  }
}

</mosaic_0001>

<sc_bundles>
// kernel: kernel.4.cloned.1.call-start
scs
__scs_entry_jumppad:
0x0: {  	(pc) =	sbr.rel $0x88, $3  }
0x1: {  	(tag) =	ssettag $0x0;
	lr =	simm.s32 $0x1  }
0x2: {  	[smem:$0x3F9A] =	sst lr;
	_ =	strace $0xD0000000  }
0x3: {  	_ = 	snop  }
0x4: {  	_ = 	snop  }
0x5: {  	_ = 	snop  }
0x6: {  	_ = 	snop  }
0x7: {  	_ = 	snop  }
__scs_overlays_trampoline_lowered:
0x8: {  	[smem:$0x3FA9] =	sst s0  }
0x9: {  	[smem:$0x3FAA] =	sst s1  }
0xa: {  	[smem:$0x3FAB] =	sst s2  }
0xb: {  	[smem:$0x3FAC] =	sst s3  }
0xc: {  	[smem:$0x3FAD] =	sst s4  }
0xd: {  	[smem:$0x3FAE] =	sst s5  }
0xe: {  	[smem:$0x3FAF] =	sst s6  }
0xf: {  	[smem:$0x3FB0] =	sst s7  }
0x10: {  	[smem:$0x3FB1] =	sst s8  }
0x11: {  	[smem:$0x3FB2] =	sst s9;
	s0 =	simm.s32 @!p0 $0x0  }
0x12: {  	s1 =	sld [smem:$0x3F98];
	s0 =	simm.s32 @p0 $0x1  }
0x13: {  	[smem:$0x3FB3] =	sst s0;
	s0 =	simm.s32 @!p1 $0x0  }
0x14: {  	s2 =	sld [smem:$0x3F97];
	s0 =	simm.s32 @p1 $0x1  }
0x15: {  	[smem:$0x3FB4] =	sst s0;
	s0 =	simm.s32 @!p2 $0x0  }
0x16: {  	s3 =	sld [smem:$0x3FDB];
	s0 =	simm.s32 @p2 $0x1  }
0x17: {  	s4 =	simm.s32 $0x1BF5;
	[smem:$0x3FB6] =	sst s0  }
0x18: {  	s0 =	sld [smem:$0x3F99];
	_ =	swait.ge [sflag:s4], $0x0  }
0x19: {  	s7 =	sld [smem:$0x3F9A]  }
0x1a: {  	s8 =	sadd.s32 $0xFFFFE003, lr  }
0x1b: {  	s9 =	sadd.s32 $0xFFFFFEF7, lr;
	s5 =	simm.s32 $0xFFFFFFFF;
	p2 =	slt.u32 s8, $0xFFFFF086  }
0x1c: {  	p1 =	slt.u32 s9, $0xF7A;
	s5 =	simm.s32 @!p2 $0x0  }
0x1d: {  	s5 =	simm.s32 @p1 $0x1;
	p0 =	seq.s32 s7, s2  }
0x1e: {  	s7 =	smul.u32 @!p0 $0xF7A, s2;
	p2 =	seq.s32 @!p0 s5, $0x0  }
0x1f: {  	s9 =	smul.u32 $0xF7A, s1;
	s8 =	simm.s32 @!p0 $0x1BF5;
	p2 =	por !p2, p0  }
0x20: {  	[sflag:s8] =	ssyncset.s32 @!p0 $0xFFFFF086;
	s6 =	sadd.s32 @!p0 s3, s7;
	s7 =	simm.s32 @!p0 $0x108  }
0x21: {  	s3 =	sadd.s32 s3, s9;
	s6 =	sadd.s32 @!p0 $0x88, s6;
	s7 =	simm.s32 @p2 $0x1082  }
0x22: {  	[simem:s7], [sflag:s8] =	dma.local @!p0 [hbm:s6], $0xF7A  }
0x23: {  	s9 =	sor.u32 $0xD0000000, s2;
	s6 =	simm.s32 $0x108;
	_ =	swait.ge @!p0 [sflag:s8], $0x0  }
0x24: {  	s3 =	sadd.s32 $0x88, s3;
	s6 =	simm.s32 @!p1 $0x1082;
	[sflag:s4] =	ssyncset.s32 $0xFFFFF086  }
0x25: {  	[simem:s6], [sflag:s4] =	dma.local [hbm:s3], $0xF7A  }
0x26: {  	[smem:$0x3F9A] =	sst s1;
	(tag) =	ssettag s2;
	_ =	strace s9  }
0x27: {  	s1 =	sld [smem:$0x3FAA]  }
0x28: {  	s2 =	sld [smem:$0x3FAB]  }
0x29: {  	s4 =	sld [smem:$0x3FAD]  }
0x2a: {  	p0 =	seq.s32 s5, $0x0;
	s5 =	sld [smem:$0x3FAE]  }
0x2b: {  	s6 =	sld [smem:$0x3FAF]  }
0x2c: {  	s7 =	sld [smem:$0x3FB0]  }
0x2d: {  	s3 =	simm.s32 $0x108;
	s8 =	sld [smem:$0x3FB1]  }
0x2e: {  	s3 =	simm.s32 @!p0 $0x1082;
	s9 =	sld [smem:$0x3FB2]  }
0x2f: {  	lr =	sadd.s32 s0, s3;
	s0 =	sld [smem:$0x3FA9]  }
0x30: {  	s3 =	sld [smem:$0x3FAC]  }
0x31: {  	[smem:$0x3FB5] =	sst s10  }
0x32: {  	s10 =	sld [smem:$0x3FB3];
	_ =	sdelay $0x3  }
0x33: {  	p0 =	seq.s32 s10, $0x1;
	s10 =	sld [smem:$0x3FB5];
	_ =	sdelay $0x3  }
0x34: {  	[smem:$0x3FB5] =	sst s10  }
0x35: {  	s10 =	sld [smem:$0x3FB4];
	_ =	sdelay $0x3  }
0x36: {  	p1 =	seq.s32 s10, $0x1;
	s10 =	sld [smem:$0x3FB5];
	_ =	sdelay $0x3  }
0x37: {  	[smem:$0x3FB5] =	sst s10  }
0x38: {  	s10 =	sld [smem:$0x3FB6]  }
0x39: {  	_ = 	snop;
	(pc) =	sbr.ind lr, $3  }
0x3a: {  	_ = 	snop  }
0x3b: {  	_ = 	snop  }
0x3c: {  	p2 =	seq.s32 s10, $0x1;
	s10 =	sld [smem:$0x3FB5]  }
0x3d: {  	_ =	shalt  }
0x3e: {  	_ =	shalt  }
0x3f: {  	_ =	shalt  }
0x40: {  	_ =	shalt  }
0x41: {  	_ =	shalt  }
0x42: {  	_ =	shalt  }
0x43: {  	_ =	shalt  }
0x44: {  	_ =	shalt  }
0x45: {  	_ =	shalt  }
0x46: {  	_ =	shalt  }
0x47: {  	_ =	shalt  }
0x48: {  	_ =	shalt  }
0x49: {  	_ =	shalt  }
0x4a: {  	_ =	shalt  }
0x4b: {  	_ =	shalt  }
0x4c: {  	_ =	shalt  }
0x4d: {  	_ =	shalt  }
0x4e: {  	_ =	shalt  }
0x4f: {  	_ =	shalt  }
0x50: {  	_ =	shalt  }
0x51: {  	_ =	shalt  }
0x52: {  	_ =	shalt  }
0x53: {  	_ =	shalt  }
0x54: {  	_ =	shalt  }
0x55: {  	_ =	shalt  }
0x56: {  	_ =	shalt  }
0x57: {  	_ =	shalt  }
0x58: {  	_ =	shalt  }
0x59: {  	_ =	shalt  }
0x5a: {  	_ =	shalt  }
0x5b: {  	_ =	shalt  }
0x5c: {  	_ =	shalt  }
0x5d: {  	_ =	shalt  }
0x5e: {  	_ =	shalt  }
0x5f: {  	_ =	shalt  }
0x60: {  	_ =	shalt  }
0x61: {  	_ =	shalt  }
0x62: {  	_ =	shalt  }
0x63: {  	_ =	shalt  }
0x64: {  	_ =	shalt  }
0x65: {  	_ =	shalt  }
0x66: {  	_ =	shalt  }
0x67: {  	_ =	shalt  }
0x68: {  	_ =	shalt  }
0x69: {  	_ =	shalt  }
0x6a: {  	_ =	shalt  }
0x6b: {  	_ =	shalt  }
0x6c: {  	_ =	shalt  }
0x6d: {  	_ =	shalt  }
0x6e: {  	_ =	shalt  }
0x6f: {  	_ =	shalt  }
0x70: {  	_ =	shalt  }
0x71: {  	_ =	shalt  }
0x72: {  	_ =	shalt  }
0x73: {  	_ =	shalt  }
0x74: {  	_ =	shalt  }
0x75: {  	_ =	shalt  }
0x76: {  	_ =	shalt  }
0x77: {  	_ =	shalt  }
0x78: {  	_ =	shalt  }
0x79: {  	_ =	shalt  }
0x7a: {  	_ =	shalt  }
0x7b: {  	_ =	shalt  }
0x7c: {  	_ =	shalt  }
0x7d: {  	_ =	shalt  }
0x7e: {  	_ =	shalt  }
0x7f: {  	_ =	shalt  }
0x80: {  	_ =	shalt  }
0x81: {  	_ =	shalt  }
0x82: {  	_ =	shalt  }
0x83: {  	_ =	shalt  }
0x84: {  	_ =	shalt  }
0x85: {  	_ =	shalt  }
0x86: {  	_ =	shalt  }
0x87: {  	_ =	shalt  }
.Lfunc_end0:
.L_simem_size_0:
called_computation_lowered:
.L_overlay_start_0:
0x88: {  	s2 =	sld [smem:$0x3FD9]  }
0x89: {  	s3 =	sld [smem:$0x3FFE];
	_ =	sdelay $0x1  }
0x8a: {  	s1 =	srdreg.scid  }
0x8b: {  	s0 =	sand.u32 $0x1, s1  }
0x8c: {  	s16 =	sshll.u32 s0, $0xA;
	s2 =	sadd.s32 s3, s2  }
0x8d: {  	s2 =	sadd.s32 s2, s16  }
0x8e: {  	[smem:$0x3FC1] =	sst s2  }
0x8f: {  	_ = 	snop  }
0x90: {  	(tm) =	ssettm $0x1  }
0x91: {  	s17 =	sld [smem:$0x3FFB];
	_ =	sdelay $0x3  }
0x92: {  	_ =	strace s17  }
0x93: {  	s2 =	sld [smem:$0x3FFC];
	_ =	sdelay $0x3  }
0x94: {  	_ =	strace s2  }
0x95: {  	s2 =	sld [smem:$0x3FFD];
	_ =	sdelay $0x3  }
0x96: {  	_ =	strace s2  }
0x97: {  	_ =	strace $0x8FFFFFFF  }
0x98: {  	s18 =	sld [smem:$0x3FDB];
	_ =	sdelay $0x1  }
0x99: {  	s19 =	simm.s32 $_scs_section_size  }
0x9a: {  	s4 =	simm.s32 $_size__tile_overlayer_lowered;
	s5 =	simm.s32 $_tile_overlayer_lowered  }
0x9b: {  	s22 =	simm.s32 $0x1BFF;
	s21 =	sshll.u32 s5, $0x1;
	s2 =	sadd.s32 s19, s18  }
0x9c: {  	s6 =	simm.s32 $0x0;
	s20 =	sshll.u32 s4, $0x1;
	s4 =	sadd.s32 s21, s2  }
0x9d: {  	[timem:s6], [sflag:s22] =	dma.local [hbm:s4], s20  }
0x9e: {  	_ =	swait.ge [sflag:s22], s20  }
0x9f: {  	s3 =	ssub.s32 $0x0, s20;
	[sflag:s22] =	ssyncset.done $0x0  }
0xa0: {  	[sflag:s22] =	ssyncadd.s32 s3;
	_ =	sdelay $0x1  }
0xa1: {  	s23 =	simm.s32 $0x1B8B  }
0xa2: {  	_ =	swait.ge [sflag:s23], $0x1  }
0xa3: {  	[sflag:s23] =	ssyncset.done $0x0  }
0xa4: {  	s25 =	simm.s32 $0x1B8E;
	s24 =	sld [smem:$0x3FFE];
	[sflag:s23] =	ssyncadd.s32 $0xFFFFFFFF  }
0xa5: {  	s26 =	simm.s32 $execute0_lowered;
	[smem:$0x3FD2] =	sst s25  }
0xa6: {  	s4 =	sshll.u32 s26, $0x1;
	_ =	strace $0x80000046;
	[dreg:$0x1] =	wrdreg $0xFFFFFFFF  }
0xa7: {  	s28 =	simm.s32 $_size_execute0_lowered;
	s2 =	sadd.s32 s2, s4;
	[dreg:$0x0] =	wrdreg $0x0  }
0xa8: {  	s4 =	sshll.u32 s28, $0x1;
	[dreg:$0x2] =	wrdreg s2  }
0xa9: {  	[dreg:$0x3] =	wrdreg s4  }
0xaa: {  	[dreg:$0x4] =	wrdreg $0xC0  }
0xab: {  	_ =	task [dreg:s6], $0x5FFFF  }
0xac: {  	[dreg:$0x1] =	wrdreg $0xFFFFFFFF  }
0xad: {  	[dreg:$0x0] =	wrdreg $0x60  }
0xae: {  	[dreg:$0x2] =	wrdreg s24  }
0xaf: {  	[dreg:$0x3] =	wrdreg $0x148000  }
0xb0: {  	[dreg:$0x4] =	wrdreg $0x157A00  }
0xb1: {  	[dreg:$0x5] =	wrdreg $0x9  }
0xb2: {  	_ =	task.clear_ibuf [dreg:s6], $0x6FFFF;
	_ =	strace $0x90000046  }
0xb3: {  	s29 =	simm.s32 $0x9;
	_ =	strace $0x80000048  }
0xb4: {  	_ =	swait.ge [sflag:s29], $0x1  }
0xb5: {  	[sflag:s29] =	ssyncadd.s32 $0xFFFFFFFF  }
0xb6: {  	_ =	strace $0x90000048  }
0xb7: {  	_ =	sfence  }
0xb8: {  	s30 =	sld [smem:$0x0];
	_ =	sdelay $0x2  }
0xb9: {  	s31 =	sshll.u32 s1, $0xD;
	s1 =	sshrl.u32 s1, $0x2  }
0xba: {  	s3 =	sand.u32 $0x4000, s31;
	s1 =	sadd.s32 s1, s30  }
0xbb: {  	s0 =	sor.u32 s3, s0;
	s1 =	sshll.u32 s1, $0x11  }
0xbc: {  	s0 =	sor.u32 s1, s0  }
0xbd: {  	s0 =	sadd.s32 $0x8F2B, s0  }
0xbe: {  	[sflag:s0] =	ssyncadd.remote.s32 $0x1  }
0xbf: {  	_ =	sfence.sel $0xFFFF  }
0xc0: {  	[dreg:$0x0] =	wrdreg $0xFFFFFFFF;
	(pc) =	sbr.abs _section_cstart, $3  }
0xc1: {  	[dreg:$0x1] =	wrdreg $0xFFFFFFFF  }
0xc2: {  	_ =	task.clear_ibuf [dreg:s6], $0x2FFFF;
	_ =	strace $0x9FFFFFFF  }
0xc3: {  	(tm) =	ssettm $0x7FFFFFFF  }
tec
execute0_lowered:
.L_overlay_start_1:
0x0: {  	(tag) =	ssettag $0x1  }
0x1: {  	s4 =	rddreg [dreg:$0x0]  }
0x2: {  	s18 =	rddreg [dreg:$0x1]  }
0x3: {  	s2 =	rddreg [dreg:$0x2]  }
0x4: {  	s30 =	rddreg [dreg:$0x3];
	s1 =	simm.s32 $0x0;
	s0 =	srdreg.scid  }
0x5: {  	s3 =	stileid.u32;
	[smem:$0x7FF] =	sst s1;
	s5 =	sand.u32 $0x1, s0  }
0x6: {  	s20 =	sshll.u32 s3, $0x1;
	s7 =	sadd.s32 $0x5400, s4;
	s21 =	sadd.s32 $0x7400, s4  }
0x7: {  	s10 =	sadd.s32 $0xFC00, s4;
	s11 =	sadd.s32 $0xA400, s4;
	s17 =	sadd.s32 $0x7AC00, s4  }
0x8: {  	_ =	strace $0x80000047;
	s6 =	sor.u32 s5, s20;
	[dreg:$0x4] =	wrdreg s7  }
0x9: {  	[dreg:$0x5] =	wrdreg s21;
	s22 =	sshll.u32 s6, $0x7;
	s25 =	smul.u32 $0x2800, s6  }
0xa: {  	s8 =	sshll.u32 s6, $0x6;
	s29 =	smul.u32 $0x1400, s6;
	s12 =	sshll.u32 s6, $0xD  }
0xb: {  	s15 =	sshll.u32 s6, $0xC;
	s20 =	smul.u32 $0x14000, s6;
	s23 =	sadd.s32 s22, s4  }
0xc: {  	s9 =	sadd.s32 s8, s4;
	s26 =	sadd.s32 s10, s22;
	s8 =	sadd.s32 s11, s8  }
0xd: {  	s14 =	sor.u32 $0x1000, s12;
	s22 =	smul.u32 $0xA0000, s6;
	[dreg:$0x8] =	wrdreg s26  }
0xe: {  	s0 =	sadd.s32 $0x9400, s23;
	s24 =	sadd.s32 $0x4C00, s9;
	[dreg:$0x9] =	wrdreg s8  }
0xf: {  	s9 =	sshrl.u32 s25, $0x3;
	s7 =	sshrl.u32 s29, $0x3;
	[dreg:$0x6] =	wrdreg s0  }
0x10: {  	s19 =	sadd.s32 s17, s14;
	[dreg:$0x7] =	wrdreg s24;
	s0 =	sadd.s32 s10, s9  }
0x11: {  	s7 =	sadd.s32 s11, s7;
	[dreg:$0x10] =	wrdreg s19;
	s0 =	sadd.s32 $0x1000, s0  }
0x12: {  	s11 =	sadd.s32 $0x1AC00, s4;
	s10 =	sadd.s32 $0x800, s7;
	[dreg:$0xa] =	wrdreg s0  }
0x13: {  	s8 =	sadd.s32 $0x316A00, s4;
	s13 =	sadd.s32 s11, s12;
	[dreg:$0xb] =	wrdreg s10  }
0x14: {  	s19 =	sadd.s32 s8, s20;
	s16 =	sadd.s32 s11, s14;
	[dreg:$0xc] =	wrdreg s13  }
0x15: {  	s6 =	smul.u32 $0x50000, s6;
	s23 =	sadd.s32 $0x1000, s19;
	[dreg:$0xd] =	wrdreg s16  }
0x16: {  	s24 =	sadd.s32 $0x2000, s19;
	[dreg:$0x12] =	wrdreg s23  }
0x17: {  	s6 =	sshrl.u32 s6, $0x3;
	s25 =	sadd.s32 $0x3000, s19;
	[dreg:$0x13] =	wrdreg s24  }
0x18: {  	s6 =	sadd.s32 s8, s6;
	s0 =	sadd.s32 s17, s12;
	[dreg:$0x14] =	wrdreg s25  }
0x19: {  	s25 =	sadd.s32 $0x280000, s6;
	[dreg:$0xf] =	wrdreg s0  }
0x1a: {  	s10 =	sor.u32 $0x40000, s15;
	[smem:$0x7DD] =	sst s25  }
0x1b: {  	s7 =	sadd.s32 s11, s10;
	s0 =	rddreg [dreg:$0x4]  }
0x1c: {  	s21 =	sadd.s32 s17, s10;
	[dreg:$0xe] =	wrdreg s7  }
0x1d: {  	s25 =	simm.s32 $0x1A00;
	[dreg:$0x11] =	wrdreg s21;
	s7 =	sshrl.u32 s22, $0x3  }
0x1e: {  	[smem:$0x7EE] =	sst s25;
	s7 =	sadd.s32 s8, s7;
	s8 =	sadd.s32 $0x284000, s6  }
0x1f: {  	s26 =	sadd.s32 $0x4000, s7;
	[smem:$0x7E1] =	sst s8  }
0x20: {  	s29 =	sadd.s32 $0x5000, s7;
	[dreg:$0x15] =	wrdreg s26  }
0x21: {  	s9 =	sadd.s32 $0x6000, s7;
	[dreg:$0x16] =	wrdreg s29  }
0x22: {  	s10 =	sadd.s32 $0x7000, s7;
	[dreg:$0x17] =	wrdreg s9  }
0x23: {  	s11 =	sadd.s32 $0x8000, s7;
	[dreg:$0x18] =	wrdreg s10  }
0x24: {  	s12 =	sadd.s32 $0x9000, s7;
	[dreg:$0x19] =	wrdreg s11  }
0x25: {  	s13 =	sadd.s32 $0xA000, s7;
	[dreg:$0x1a] =	wrdreg s12  }
0x26: {  	s14 =	sadd.s32 $0xB000, s7;
	[dreg:$0x1b] =	wrdreg s13  }
0x27: {  	s15 =	sadd.s32 $0xC000, s7;
	[dreg:$0x1c] =	wrdreg s14  }
0x28: {  	s16 =	sadd.s32 $0xD000, s7;
	[dreg:$0x1d] =	wrdreg s15  }
0x29: {  	s17 =	sadd.s32 $0xE000, s7;
	[dreg:$0x1e] =	wrdreg s16  }
0x2a: {  	s20 =	sadd.s32 $0xF000, s7;
	[dreg:$0x1f] =	wrdreg s17  }
0x2b: {  	s21 =	sadd.s32 $0x10000, s7;
	[smem:$0x7D8] =	sst s20  }
0x2c: {  	s22 =	sadd.s32 $0x11000, s7;
	[smem:$0x7D9] =	sst s21  }
0x2d: {  	s23 =	sadd.s32 $0x12000, s7;
	[smem:$0x7DA] =	sst s22  }
0x2e: {  	s24 =	sadd.s32 $0x13000, s7;
	[smem:$0x7DB] =	sst s23  }
0x2f: {  	s7 =	sadd.s32 $0x283000, s6;
	[smem:$0x7DC] =	sst s24  }
0x30: {  	s8 =	simm.s32 $0x2800;
	[smem:$0x7E0] =	sst s7  }
0x31: {  	s26 =	sadd.s32 $0x281000, s6;
	[smem:$0x7F5] =	sst s8  }
0x32: {  	s29 =	sadd.s32 $0x282000, s6;
	[smem:$0x7DE] =	sst s26  }
0x33: {  	s9 =	sadd.s32 $0x285000, s6;
	[smem:$0x7DF] =	sst s29  }
0x34: {  	s10 =	sadd.s32 $0x286000, s6;
	[smem:$0x7E2] =	sst s9  }
0x35: {  	p1 =	por $0x0, $0x0;
	s11 =	sadd.s32 $0x287000, s6;
	[smem:$0x7E3] =	sst s10  }
0x36: {  	p0 =	sne.s32 s3, $0x0;
	s12 =	sadd.s32 $0x288000, s6;
	[smem:$0x7E4] =	sst s11  }
0x37: {  	s3 =	simm.s32 $0xC800;
	s13 =	sadd.s32 $0x289000, s6;
	[smem:$0x7E5] =	sst s12  }
0x38: {  	s28 =	sshrl.u32 @!p0 s18, $0x3;
	s14 =	simm.s32 $0x800;
	[smem:$0x7E6] =	sst s13  }
0x39: {  	s25 =	simm.s32 $0x5;
	s15 =	simm.s32 $0xE00;
	[smem:$0x7E7] =	sst s14  }
0x3a: {  	s16 =	simm.s32 $0x1000;
	s17 =	simm.s32 $0x1200;
	[smem:$0x7E8] =	sst s15  }
0x3b: {  	s20 =	simm.s32 $0x1400;
	s22 =	sadd.s32 $0x18FE00, s4;
	[smem:$0x7E9] =	sst s16  }
0x3c: {  	s21 =	simm.s32 $0x1600;
	s23 =	simm.s32 $0x1800;
	[smem:$0x7EA] =	sst s17  }
0x3d: {  	s24 =	ssub.s32 $0x2, s5;
	s6 =	simm.s32 $0x2400;
	[smem:$0x7EB] =	sst s20  }
0x3e: {  	s7 =	simm.s32 $0x2600;
	s8 =	simm.s32 $0x1;
	[smem:$0x7EC] =	sst s21  }
0x3f: {  	s15 =	sadd.s32 $0x253400, s4;
	[smem:$0x7ED] =	sst s23;
	s5 =	sshrl.u32 s24, $0x1  }
0x40: {  	s26 =	simm.s32 $0x1C00;
	s29 =	simm.s32 $0x1E00;
	[smem:$0x7F3] =	sst s6  }
0x41: {  	s23 =	simm.s32 $0x600;
	[smem:$0x7F4] =	sst s7;
	s21 =	simm.s32 $0xA00  }
0x42: {  	s9 =	simm.s32 $0x2A00;
	s20 =	simm.s32 $0xC00;
	[smem:$0x7EF] =	sst s26  }
0x43: {  	s11 =	simm.s32 $0x2C00;
	s17 =	simm.s32 $0x3400;
	[smem:$0x7F0] =	sst s29  }
0x44: {  	s12 =	simm.s32 $0x2E00;
	s6 =	simm.s32 $0x200;
	[smem:$0x7F6] =	sst s9  }
0x45: {  	s13 =	simm.s32 $0x3000;
	s14 =	simm.s32 $0x3200;
	[smem:$0x7F7] =	sst s11  }
0x46: {  	s16 =	simm.s32 $0x3600;
	s7 =	simm.s32 $0x4;
	[smem:$0x7F8] =	sst s12  }
0x47: {  	s4 =	ssub.s32 s24, s5;
	s5 =	simm.s32 $0x2200;
	[smem:$0x7F9] =	sst s13  }
0x48: {  	s24 =	simm.s32 $0x400;
	[smem:$0x7FA] =	sst s14;
	s10 =	smax.u32 s4, $0x1  }
0x49: {  	[smem:$0x7FB] =	sst s16;
	s26 =	simm.s32 $0x3800;
	s31 =	sadd.s32 $0xFFFFFFFF, s10  }
0x4a: {  	s29 =	simm.s32 $0x3A00;
	s9 =	simm.s32 $0x2;
	p2 =	sne.s32 s31, $0x0  }
.Ltmp0:
0x4b: {  	s16 =	simm.s32 $0x3C00;
	s14 =	simm.s32 $0x3E00;
	(pc) =	sbr.rel @!p2 .LBB2_5-.Ltmp0, $4  }
0x4c: {  	s13 =	simm.s32 $0x4000;
	s12 =	simm.s32 $0x4200;
	[smem:$0x7F2] =	sst s5  }
0x4d: {  	s11 =	simm.s32 $0x4400;
	s4 =	simm.s32 $0x2000;
	[smem:$0x7FC] =	sst s26  }
0x4e: {  	s5 =	simm.s32 $0x3;
	[smem:$0x7FD] =	sst s29;
	s26 =	sshrl.u32 @!p0 s2, $0x3  }
0x4f: {  	[smem:$0x7F1] =	sst s4;
	s4 =	simm.s32 $0x4800;
	s10 =	simm.s32 $0x4600  }
0x50: {  	s29 =	simm.s32 @!p0 $0x1C05;
	s30 =	simm.s32 @!p0 $0x5  }
0x51: {  	[spmem:s28], [sflag:s29] =	dma.local @!p0 [hbm:s0], $0x1F40  }
0x52: {  	_ =	swait.ge @!p0 [sflag:s30], $0x1F40  }
0x53: {  	[sflag:s30] =	ssyncset.done @!p0 $0x0  }
0x54: {  	s0 =	rddreg [dreg:$0x5];
	[sflag:s30] =	ssyncadd.s32 @!p0 $0xFFFFE0C0  }
0x55: {  	[spmem:s26], [sflag:s29] =	dma.local @!p0 [hbm:s0], $0x1F40  }
0x56: {  	_ =	swait.ge @!p0 [sflag:s30], $0x1F40  }
0x57: {  	[sflag:s30] =	ssyncset.done @!p0 $0x0  }
0x58: {  	[sflag:s30] =	ssyncadd.s32 @!p0 $0xFFFFE0C0  }
0x59: {  	[bflag:$0x0] =	sbarrier.arrive $0xFFFF  }
0x5a: {  	s0 =	rddreg [dreg:$0x6]  }
0x5b: {  	[tilespmem:s1], [sflag:$0x5] =	stream.linear.gather [hbm4b:s0+s1], $0x400, $0x38;
	[tilespmem:$0x16740] =	vst v63  }
0x5c: {  	_ =	swait.ge [sflag:s25], $0x400  }
0x5d: {  	[sflag:s25] =	ssyncset.done $0x0  }
0x5e: {  	s0 =	rddreg [dreg:$0x7];
	[sflag:s25] =	ssyncadd.s32 $0xFFFFFC00  }
0x5f: {  	[tilespmem:s24], [sflag:$0x5] =	stream.linear.gather [hbm4b:s0+s1], $0x200, $0x38;
	[tilespmem:$0x16740] =	vst v63  }
0x60: {  	_ =	swait.ge [sflag:s25], $0x200  }
0x61: {  	[sflag:s25] =	ssyncset.done $0x0  }
0x62: {  	s0 =	rddreg [dreg:$0x8];
	[sflag:s25] =	ssyncadd.s32 $0xFFFFFE00  }
0x63: {  	[tilespmem:s23], [sflag:$0x5] =	stream.linear.gather [hbm4b:s0+s1], $0x400, $0x38;
	[tilespmem:$0x16740] =	vst v63  }
0x64: {  	_ =	swait.ge [sflag:s25], $0x400  }
0x65: {  	[sflag:s25] =	ssyncset.done $0x0  }
0x66: {  	s0 =	rddreg [dreg:$0x9];
	[sflag:s25] =	ssyncadd.s32 $0xFFFFFC00  }
0x67: {  	[tilespmem:s21], [sflag:$0x5] =	stream.linear.gather [hbm4b:s0+s1], $0x200, $0x38;
	[tilespmem:$0x16740] =	vst v63  }
0x68: {  	_ =	swait.ge [sflag:s25], $0x200  }
0x69: {  	[sflag:s25] =	ssyncset.done $0x0  }
0x6a: {  	s0 =	rddreg [dreg:$0xa];
	[sflag:s25] =	ssyncadd.s32 $0xFFFFFE00  }
0x6b: {  	[tilespmem:s20], [sflag:$0x5] =	stream.linear.gather [hbm4b:s0+s1], $0x2800, $0x38;
	[tilespmem:$0x16740] =	vst v63  }
0x6c: {  	_ =	swait.ge [sflag:s25], $0x2800  }
0x6d: {  	[sflag:s25] =	ssyncset.done $0x0  }
0x6e: {  	s0 =	rddreg [dreg:$0xb];
	[sflag:s25] =	ssyncadd.s32 $0xFFFFD800  }
0x6f: {  	[tilespmem:s17], [sflag:$0x5] =	stream.linear.gather [hbm4b:s0+s1], $0x1400, $0x38;
	[tilespmem:$0x16740] =	vst v63  }
0x70: {  	_ =	swait.ge [sflag:s25], $0x1400  }
0x71: {  	[sflag:s25] =	ssyncset.done $0x0  }
0x72: {  	[sflag:s25] =	ssyncadd.s32 $0xFFFFEC00  }
0x73: {  	[tilespmem:s4], [sflag:$0x1] =	stream.indirect.gather [hbm4b:s22+s6], $0x40, s1, s6, $0xb8;
	[tilespmem:$0x16740] =	vst v63  }
0x74: {  	_ = 	snop  }
0x75: {  	[tilespmem:s3], [sflag:$0x2] =	stream.indirect.gather [hbm4b:s22+s6], $0x40, s6, s6, $0xb8;
	[tilespmem:$0x16740] =	vst v63  }
0x76: {  	_ =	swait.ge [sflag:s8], $0x8000  }
0x77: {  	[sflag:s8] =	ssyncset.done $0x0  }
0x78: {  	s0 =	rddreg [dreg:$0xc];
	[sflag:s8] =	ssyncadd.s32 $0xFFFF8000  }
0x79: {  	[hbm4b:s0+s1] =	stream.linear.scatter [tilespmem:s4], [sflag:$0x3], $0x8000, $0x38;
	[tilespmem:$0x16740] =	vst v63  }
0x7a: {  	_ =	swait.ge [sflag:s5], $0x8000  }
0x7b: {  	[sflag:s5] =	ssyncset.done $0x0  }
0x7c: {  	[sflag:s5] =	ssyncadd.s32 $0xFFFF8000  }
0x7d: {  	[tilespmem:s4], [sflag:$0x1] =	stream.indirect.gather [spmem:s18], $0x40, s24, s6, $0xb8;
	[tilespmem:$0x16740] =	vst v63  }
0x7e: {  	_ =	swait.ge [sflag:s9], $0x8000  }
0x7f: {  	[sflag:s9] =	ssyncset.done $0x0  }
0x80: {  	s0 =	rddreg [dreg:$0xd];
	[sflag:s9] =	ssyncadd.s32 $0xFFFF8000  }
0x81: {  	[hbm4b:s0+s1] =	stream.linear.scatter [tilespmem:s3], [sflag:$0x4], $0x8000, $0x38;
	[tilespmem:$0x16740] =	vst v63  }
0x82: {  	_ =	swait.ge [sflag:s7], $0x8000  }
0x83: {  	[sflag:s7] =	ssyncset.done $0x0  }
0x84: {  	[sflag:s7] =	ssyncadd.s32 $0xFFFF8000  }
0x85: {  	[tilespmem:s3], [sflag:$0x2] =	stream.indirect.gather [hbm4b:s15+s6], $0x40, s23, s6, $0xb8;
	[tilespmem:$0x16740] =	vst v63  }
0x86: {  	_ =	swait.ge [sflag:s8], $0x8000  }
0x87: {  	[sflag:s8] =	ssyncset.done $0x0  }
0x88: {  	s0 =	rddreg [dreg:$0xe];
	[sflag:s8] =	ssyncadd.s32 $0xFFFF8000  }
0x89: {  	[hbm4b:s0+s1] =	stream.linear.scatter [tilespmem:s4], [sflag:$0x3], $0x8000, $0x38;
	[tilespmem:$0x16740] =	vst v63  }
0x8a: {  	_ =	swait.ge [sflag:s5], $0x8000  }
0x8b: {  	s0 =	sld [smem:$0x7E7]  }
0x8c: {  	[sflag:s5] =	ssyncset.done $0x0  }
0x8d: {  	[sflag:s5] =	ssyncadd.s32 $0xFFFF8000  }
0x8e: {  	[tilespmem:s4], [sflag:$0x1] =	stream.indirect.gather [hbm4b:s15+s6], $0x40, s0, s6, $0xb8;
	[tilespmem:$0x16740] =	vst v63  }
0x8f: {  	_ =	swait.ge [sflag:s9], $0x8000  }
0x90: {  	[sflag:s9] =	ssyncset.done $0x0  }
0x91: {  	s0 =	rddreg [dreg:$0xf];
	[sflag:s9] =	ssyncadd.s32 $0xFFFF8000  }
0x92: {  	[hbm4b:s0+s1] =	stream.linear.scatter [tilespmem:s3], [sflag:$0x4], $0x8000, $0x38;
	[tilespmem:$0x16740] =	vst v63  }
0x93: {  	_ =	swait.ge [sflag:s7], $0x8000  }
0x94: {  	[sflag:s7] =	ssyncset.done $0x0  }
0x95: {  	[sflag:s7] =	ssyncadd.s32 $0xFFFF8000  }
0x96: {  	[tilespmem:s3], [sflag:$0x2] =	stream.indirect.gather [spmem:s2], $0x40, s21, s6, $0xb8;
	[tilespmem:$0x16740] =	vst v63  }
0x97: {  	_ =	swait.ge [sflag:s8], $0x8000  }
0x98: {  	[sflag:s8] =	ssyncset.done $0x0  }
0x99: {  	s0 =	rddreg [dreg:$0x10];
	[sflag:s8] =	ssyncadd.s32 $0xFFFF8000  }
0x9a: {  	[hbm4b:s0+s1] =	stream.linear.scatter [tilespmem:s4], [sflag:$0x3], $0x8000, $0x38;
	[tilespmem:$0x16740] =	vst v63  }
0x9b: {  	_ =	swait.ge [sflag:s5], $0x8000  }
0x9c: {  	[sflag:s5] =	ssyncset.done $0x0  }
0x9d: {  	[sflag:s5] =	ssyncadd.s32 $0xFFFF8000  }
0x9e: {  	[tilespmem:s4], [sflag:$0x1] =	stream.indirect.gather [hbm4b:s15+s6], $0x40, s20, s6, $0xb8;
	[tilespmem:$0x16740] =	vst v63  }
0x9f: {  	_ =	swait.ge [sflag:s9], $0x8000  }
0xa0: {  	[sflag:s9] =	ssyncset.done $0x0  }
0xa1: {  	s0 =	rddreg [dreg:$0x11];
	[sflag:s9] =	ssyncadd.s32 $0xFFFF8000  }
0xa2: {  	[hbm4b:s0+s1] =	stream.linear.scatter [tilespmem:s3], [sflag:$0x4], $0x8000, $0x38;
	[tilespmem:$0x16740] =	vst v63  }
0xa3: {  	_ =	swait.ge [sflag:s7], $0x8000  }
0xa4: {  	s0 =	sld [smem:$0x7E8]  }
0xa5: {  	[sflag:s7] =	ssyncset.done $0x0  }
0xa6: {  	[sflag:s7] =	ssyncadd.s32 $0xFFFF8000  }
0xa7: {  	[tilespmem:s3], [sflag:$0x2] =	stream.indirect.gather [hbm4b:s15+s6], $0x40, s0, s6, $0xb8;
	[tilespmem:$0x16740] =	vst v63  }
0xa8: {  	_ =	swait.ge [sflag:s8], $0x8000  }
0xa9: {  	[sflag:s8] =	ssyncset.done $0x0  }
0xaa: {  	[sflag:s8] =	ssyncadd.s32 $0xFFFF8000  }
0xab: {  	[hbm4b:s19+s1] =	stream.linear.scatter [tilespmem:s4], [sflag:$0x3], $0x8000, $0x38;
	[tilespmem:$0x16740] =	vst v63  }
0xac: {  	_ =	swait.ge [sflag:s5], $0x8000  }
0xad: {  	s0 =	sld [smem:$0x7E9]  }
0xae: {  	[sflag:s5] =	ssyncset.done $0x0  }
0xaf: {  	[sflag:s5] =	ssyncadd.s32 $0xFFFF8000  }
0xb0: {  	[tilespmem:s4], [sflag:$0x1] =	stream.indirect.gather [hbm4b:s15+s6], $0x40, s0, s6, $0xb8;
	[tilespmem:$0x16740] =	vst v63  }
0xb1: {  	_ =	swait.ge [sflag:s9], $0x8000  }
0xb2: {  	[sflag:s9] =	ssyncset.done $0x0  }
0xb3: {  	s0 =	rddreg [dreg:$0x12];
	[sflag:s9] =	ssyncadd.s32 $0xFFFF8000  }
0xb4: {  	[hbm4b:s0+s1] =	stream.linear.scatter [tilespmem:s3], [sflag:$0x4], $0x8000, $0x38;
	[tilespmem:$0x16740] =	vst v63  }
0xb5: {  	_ =	swait.ge [sflag:s7], $0x8000  }
0xb6: {  	s0 =	sld [smem:$0x7EA]  }
0xb7: {  	[sflag:s7] =	ssyncset.done $0x0  }
0xb8: {  	[sflag:s7] =	ssyncadd.s32 $0xFFFF8000  }
0xb9: {  	[tilespmem:s3], [sflag:$0x2] =	stream.indirect.gather [hbm4b:s15+s6], $0x40, s0, s6, $0xb8;
	[tilespmem:$0x16740] =	vst v63  }
0xba: {  	_ =	swait.ge [sflag:s8], $0x8000  }
0xbb: {  	[sflag:s8] =	ssyncset.done $0x0  }
0xbc: {  	s0 =	rddreg [dreg:$0x13];
	[sflag:s8] =	ssyncadd.s32 $0xFFFF8000  }
0xbd: {  	[hbm4b:s0+s1] =	stream.linear.scatter [tilespmem:s4], [sflag:$0x3], $0x8000, $0x38;
	[tilespmem:$0x16740] =	vst v63  }
0xbe: {  	_ =	swait.ge [sflag:s5], $0x8000  }
0xbf: {  	s0 =	sld [smem:$0x7EB]  }
0xc0: {  	[sflag:s5] =	ssyncset.done $0x0  }
0xc1: {  	[sflag:s5] =	ssyncadd.s32 $0xFFFF8000  }
0xc2: {  	[tilespmem:s4], [sflag:$0x1] =	stream.indirect.gather [hbm4b:s15+s6], $0x40, s0, s6, $0xb8;
	[tilespmem:$0x16740] =	vst v63  }
0xc3: {  	_ =	swait.ge [sflag:s9], $0x8000  }
0xc4: {  	[sflag:s9] =	ssyncset.done $0x0  }
0xc5: {  	s0 =	rddreg [dreg:$0x14];
	[sflag:s9] =	ssyncadd.s32 $0xFFFF8000  }
0xc6: {  	[hbm4b:s0+s1] =	stream.linear.scatter [tilespmem:s3], [sflag:$0x4], $0x8000, $0x38;
	[tilespmem:$0x16740] =	vst v63  }
0xc7: {  	_ =	swait.ge [sflag:s7], $0x8000  }
0xc8: {  	s0 =	sld [smem:$0x7EC]  }
0xc9: {  	[sflag:s7] =	ssyncset.done $0x0  }
0xca: {  	[sflag:s7] =	ssyncadd.s32 $0xFFFF8000  }
0xcb: {  	[tilespmem:s3], [sflag:$0x2] =	stream.indirect.gather [hbm4b:s15+s6], $0x40, s0, s6, $0xb8;
	[tilespmem:$0x16740] =	vst v63  }
0xcc: {  	_ =	swait.ge [sflag:s8], $0x8000  }
0xcd: {  	[sflag:s8] =	ssyncset.done $0x0  }
0xce: {  	s0 =	rddreg [dreg:$0x15];
	[sflag:s8] =	ssyncadd.s32 $0xFFFF8000  }
0xcf: {  	[hbm4b:s0+s1] =	stream.linear.scatter [tilespmem:s4], [sflag:$0x3], $0x8000, $0x38;
	[tilespmem:$0x16740] =	vst v63  }
0xd0: {  	_ =	swait.ge [sflag:s5], $0x8000  }
0xd1: {  	s0 =	sld [smem:$0x7ED]  }
0xd2: {  	[sflag:s5] =	ssyncset.done $0x0  }
0xd3: {  	[sflag:s5] =	ssyncadd.s32 $0xFFFF8000  }
0xd4: {  	[tilespmem:s4], [sflag:$0x1] =	stream.indirect.gather [hbm4b:s15+s6], $0x40, s0, s6, $0xb8;
	[tilespmem:$0x16740] =	vst v63  }
0xd5: {  	_ =	swait.ge [sflag:s9], $0x8000  }
0xd6: {  	[sflag:s9] =	ssyncset.done $0x0  }
0xd7: {  	s0 =	rddreg [dreg:$0x16];
	[sflag:s9] =	ssyncadd.s32 $0xFFFF8000  }
0xd8: {  	[hbm4b:s0+s1] =	stream.linear.scatter [tilespmem:s3], [sflag:$0x4], $0x8000, $0x38;
	[tilespmem:$0x16740] =	vst v63  }
0xd9: {  	_ =	swait.ge [sflag:s7], $0x8000  }
0xda: {  	s0 =	sld [smem:$0x7EE]  }
0xdb: {  	[sflag:s7] =	ssyncset.done $0x0  }
0xdc: {  	[sflag:s7] =	ssyncadd.s32 $0xFFFF8000  }
0xdd: {  	[tilespmem:s3], [sflag:$0x2] =	stream.indirect.gather [hbm4b:s15+s6], $0x40, s0, s6, $0xb8;
	[tilespmem:$0x16740] =	vst v63  }
0xde: {  	_ =	swait.ge [sflag:s8], $0x8000  }
0xdf: {  	[sflag:s8] =	ssyncset.done $0x0  }
0xe0: {  	s0 =	rddreg [dreg:$0x17];
	[sflag:s8] =	ssyncadd.s32 $0xFFFF8000  }
0xe1: {  	[hbm4b:s0+s1] =	stream.linear.scatter [tilespmem:s4], [sflag:$0x3], $0x8000, $0x38;
	[tilespmem:$0x16740] =	vst v63  }
0xe2: {  	_ =	swait.ge [sflag:s5], $0x8000  }
0xe3: {  	s0 =	sld [smem:$0x7EF]  }
0xe4: {  	[sflag:s5] =	ssyncset.done $0x0  }
0xe5: {  	[sflag:s5] =	ssyncadd.s32 $0xFFFF8000  }
0xe6: {  	[tilespmem:s4], [sflag:$0x1] =	stream.indirect.gather [hbm4b:s15+s6], $0x40, s0, s6, $0xb8;
	[tilespmem:$0x16740] =	vst v63  }
0xe7: {  	_ =	swait.ge [sflag:s9], $0x8000  }
0xe8: {  	[sflag:s9] =	ssyncset.done $0x0  }
0xe9: {  	s0 =	rddreg [dreg:$0x18];
	[sflag:s9] =	ssyncadd.s32 $0xFFFF8000  }
0xea: {  	[hbm4b:s0+s1] =	stream.linear.scatter [tilespmem:s3], [sflag:$0x4], $0x8000, $0x38;
	[tilespmem:$0x16740] =	vst v63  }
0xeb: {  	_ =	swait.ge [sflag:s7], $0x8000  }
0xec: {  	s0 =	sld [smem:$0x7F0]  }
0xed: {  	[sflag:s7] =	ssyncset.done $0x0  }
0xee: {  	[sflag:s7] =	ssyncadd.s32 $0xFFFF8000  }
0xef: {  	[tilespmem:s3], [sflag:$0x2] =	stream.indirect.gather [hbm4b:s15+s6], $0x40, s0, s6, $0xb8;
	[tilespmem:$0x16740] =	vst v63  }
0xf0: {  	_ =	swait.ge [sflag:s8], $0x8000  }
0xf1: {  	[sflag:s8] =	ssyncset.done $0x0  }
0xf2: {  	s0 =	rddreg [dreg:$0x19];
	[sflag:s8] =	ssyncadd.s32 $0xFFFF8000  }
0xf3: {  	[hbm4b:s0+s1] =	stream.linear.scatter [tilespmem:s4], [sflag:$0x3], $0x8000, $0x38;
	[tilespmem:$0x16740] =	vst v63  }
0xf4: {  	_ =	swait.ge [sflag:s5], $0x8000  }
0xf5: {  	s0 =	sld [smem:$0x7F1]  }
0xf6: {  	[sflag:s5] =	ssyncset.done $0x0  }
0xf7: {  	[sflag:s5] =	ssyncadd.s32 $0xFFFF8000  }
0xf8: {  	[tilespmem:s4], [sflag:$0x1] =	stream.indirect.gather [hbm4b:s15+s6], $0x40, s0, s6, $0xb8;
	[tilespmem:$0x16740] =	vst v63  }
0xf9: {  	_ =	swait.ge [sflag:s9], $0x8000  }
0xfa: {  	[sflag:s9] =	ssyncset.done $0x0  }
0xfb: {  	s0 =	rddreg [dreg:$0x1a];
	[sflag:s9] =	ssyncadd.s32 $0xFFFF8000  }
0xfc: {  	[hbm4b:s0+s1] =	stream.linear.scatter [tilespmem:s3], [sflag:$0x4], $0x8000, $0x38;
	[tilespmem:$0x16740] =	vst v63  }
0xfd: {  	_ =	swait.ge [sflag:s7], $0x8000  }
0xfe: {  	s0 =	sld [smem:$0x7F2]  }
0xff: {  	[sflag:s7] =	ssyncset.done $0x0  }
0x100: {  	[sflag:s7] =	ssyncadd.s32 $0xFFFF8000  }
0x101: {  	[tilespmem:s3], [sflag:$0x2] =	stream.indirect.gather [hbm4b:s15+s6], $0x40, s0, s6, $0xb8;
	[tilespmem:$0x16740] =	vst v63  }
0x102: {  	_ =	swait.ge [sflag:s8], $0x8000  }
0x103: {  	[sflag:s8] =	ssyncset.done $0x0  }
0x104: {  	s0 =	rddreg [dreg:$0x1b];
	[sflag:s8] =	ssyncadd.s32 $0xFFFF8000  }
0x105: {  	[hbm4b:s0+s1] =	stream.linear.scatter [tilespmem:s4], [sflag:$0x3], $0x8000, $0x38;
	[tilespmem:$0x16740] =	vst v63  }
0x106: {  	_ =	swait.ge [sflag:s5], $0x8000  }
0x107: {  	s0 =	sld [smem:$0x7F3]  }
0x108: {  	[sflag:s5] =	ssyncset.done $0x0  }
0x109: {  	[sflag:s5] =	ssyncadd.s32 $0xFFFF8000  }
0x10a: {  	[tilespmem:s4], [sflag:$0x1] =	stream.indirect.gather [hbm4b:s15+s6], $0x40, s0, s6, $0xb8;
	[tilespmem:$0x16740] =	vst v63  }
0x10b: {  	_ =	swait.ge [sflag:s9], $0x8000  }
0x10c: {  	[sflag:s9] =	ssyncset.done $0x0  }
0x10d: {  	s0 =	rddreg [dreg:$0x1c];
	[sflag:s9] =	ssyncadd.s32 $0xFFFF8000  }
0x10e: {  	[hbm4b:s0+s1] =	stream.linear.scatter [tilespmem:s3], [sflag:$0x4], $0x8000, $0x38;
	[tilespmem:$0x16740] =	vst v63  }
0x10f: {  	_ =	swait.ge [sflag:s7], $0x8000  }
0x110: {  	s0 =	sld [smem:$0x7F4]  }
0x111: {  	[sflag:s7] =	ssyncset.done $0x0  }
0x112: {  	[sflag:s7] =	ssyncadd.s32 $0xFFFF8000  }
0x113: {  	[tilespmem:s3], [sflag:$0x2] =	stream.indirect.gather [hbm4b:s15+s6], $0x40, s0, s6, $0xb8;
	[tilespmem:$0x16740] =	vst v63  }
0x114: {  	_ =	swait.ge [sflag:s8], $0x8000  }
0x115: {  	[sflag:s8] =	ssyncset.done $0x0  }
0x116: {  	s0 =	rddreg [dreg:$0x1d];
	[sflag:s8] =	ssyncadd.s32 $0xFFFF8000  }
0x117: {  	[hbm4b:s0+s1] =	stream.linear.scatter [tilespmem:s4], [sflag:$0x3], $0x8000, $0x38;
	[tilespmem:$0x16740] =	vst v63  }
0x118: {  	_ =	swait.ge [sflag:s5], $0x8000  }
0x119: {  	s0 =	sld [smem:$0x7F5]  }
0x11a: {  	[sflag:s5] =	ssyncset.done $0x0  }
0x11b: {  	[sflag:s5] =	ssyncadd.s32 $0xFFFF8000  }
0x11c: {  	[tilespmem:s4], [sflag:$0x1] =	stream.indirect.gather [hbm4b:s15+s6], $0x40, s0, s6, $0xb8;
	[tilespmem:$0x16740] =	vst v63  }
0x11d: {  	_ =	swait.ge [sflag:s9], $0x8000  }
0x11e: {  	[sflag:s9] =	ssyncset.done $0x0  }
0x11f: {  	s0 =	rddreg [dreg:$0x1e];
	[sflag:s9] =	ssyncadd.s32 $0xFFFF8000  }
0x120: {  	[hbm4b:s0+s1] =	stream.linear.scatter [tilespmem:s3], [sflag:$0x4], $0x8000, $0x38;
	[tilespmem:$0x16740] =	vst v63  }
0x121: {  	_ =	swait.ge [sflag:s7], $0x8000  }
0x122: {  	s0 =	sld [smem:$0x7F6]  }
0x123: {  	[sflag:s7] =	ssyncset.done $0x0  }
0x124: {  	[sflag:s7] =	ssyncadd.s32 $0xFFFF8000  }
0x125: {  	[tilespmem:s3], [sflag:$0x2] =	stream.indirect.gather [hbm4b:s15+s6], $0x40, s0, s6, $0xb8;
	[tilespmem:$0x16740] =	vst v63  }
0x126: {  	_ =	swait.ge [sflag:s8], $0x8000  }
0x127: {  	[sflag:s8] =	ssyncset.done $0x0  }
0x128: {  	s0 =	rddreg [dreg:$0x1f];
	[sflag:s8] =	ssyncadd.s32 $0xFFFF8000  }
0x129: {  	[hbm4b:s0+s1] =	stream.linear.scatter [tilespmem:s4], [sflag:$0x3], $0x8000, $0x38;
	[tilespmem:$0x16740] =	vst v63  }
0x12a: {  	_ =	swait.ge [sflag:s5], $0x8000  }
0x12b: {  	s0 =	sld [smem:$0x7F7]  }
0x12c: {  	[sflag:s5] =	ssyncset.done $0x0  }
0x12d: {  	[sflag:s5] =	ssyncadd.s32 $0xFFFF8000  }
0x12e: {  	[tilespmem:s4], [sflag:$0x1] =	stream.indirect.gather [hbm4b:s15+s6], $0x40, s0, s6, $0xb8;
	[tilespmem:$0x16740] =	vst v63  }
0x12f: {  	_ =	swait.ge [sflag:s9], $0x8000  }
0x130: {  	s0 =	sld [smem:$0x7D8]  }
0x131: {  	[sflag:s9] =	ssyncset.done $0x0  }
0x132: {  	[sflag:s9] =	ssyncadd.s32 $0xFFFF8000  }
0x133: {  	[hbm4b:s0+s1] =	stream.linear.scatter [tilespmem:s3], [sflag:$0x4], $0x8000, $0x38;
	[tilespmem:$0x16740] =	vst v63  }
0x134: {  	_ =	swait.ge [sflag:s7], $0x8000  }
0x135: {  	s0 =	sld [smem:$0x7F8]  }
0x136: {  	[sflag:s7] =	ssyncset.done $0x0  }
0x137: {  	[sflag:s7] =	ssyncadd.s32 $0xFFFF8000  }
0x138: {  	[tilespmem:s3], [sflag:$0x2] =	stream.indirect.gather [hbm4b:s15+s6], $0x40, s0, s6, $0xb8;
	[tilespmem:$0x16740] =	vst v63  }
0x139: {  	_ =	swait.ge [sflag:s8], $0x8000  }
0x13a: {  	s0 =	sld [smem:$0x7D9]  }
0x13b: {  	[sflag:s8] =	ssyncset.done $0x0  }
0x13c: {  	[sflag:s8] =	ssyncadd.s32 $0xFFFF8000  }
0x13d: {  	[hbm4b:s0+s1] =	stream.linear.scatter [tilespmem:s4], [sflag:$0x3], $0x8000, $0x38;
	[tilespmem:$0x16740] =	vst v63  }
0x13e: {  	_ =	swait.ge [sflag:s5], $0x8000  }
0x13f: {  	s0 =	sld [smem:$0x7F9]  }
0x140: {  	[sflag:s5] =	ssyncset.done $0x0  }
0x141: {  	[sflag:s5] =	ssyncadd.s32 $0xFFFF8000  }
0x142: {  	[tilespmem:s4], [sflag:$0x1] =	stream.indirect.gather [hbm4b:s15+s6], $0x40, s0, s6, $0xb8;
	[tilespmem:$0x16740] =	vst v63  }
0x143: {  	_ =	swait.ge [sflag:s9], $0x8000  }
0x144: {  	s0 =	sld [smem:$0x7DA]  }
0x145: {  	[sflag:s9] =	ssyncset.done $0x0  }
0x146: {  	[sflag:s9] =	ssyncadd.s32 $0xFFFF8000  }
0x147: {  	[hbm4b:s0+s1] =	stream.linear.scatter [tilespmem:s3], [sflag:$0x4], $0x8000, $0x38;
	[tilespmem:$0x16740] =	vst v63  }
0x148: {  	_ =	swait.ge [sflag:s7], $0x8000  }
0x149: {  	s0 =	sld [smem:$0x7FA]  }
0x14a: {  	[sflag:s7] =	ssyncset.done $0x0  }
0x14b: {  	[sflag:s7] =	ssyncadd.s32 $0xFFFF8000  }
0x14c: {  	[tilespmem:s3], [sflag:$0x2] =	stream.indirect.gather [hbm4b:s15+s6], $0x40, s0, s6, $0xb8;
	[tilespmem:$0x16740] =	vst v63  }
0x14d: {  	_ =	swait.ge [sflag:s8], $0x8000  }
0x14e: {  	s0 =	sld [smem:$0x7DB]  }
0x14f: {  	[sflag:s8] =	ssyncset.done $0x0  }
0x150: {  	[sflag:s8] =	ssyncadd.s32 $0xFFFF8000  }
0x151: {  	[hbm4b:s0+s1] =	stream.linear.scatter [tilespmem:s4], [sflag:$0x3], $0x8000, $0x38;
	[tilespmem:$0x16740] =	vst v63  }
0x152: {  	_ =	swait.ge [sflag:s5], $0x8000  }
0x153: {  	[sflag:s5] =	ssyncset.done $0x0  }
0x154: {  	[sflag:s5] =	ssyncadd.s32 $0xFFFF8000  }
0x155: {  	[tilespmem:s4], [sflag:$0x1] =	stream.indirect.gather [spmem:s2], $0x40, s17, s6, $0xb8;
	[tilespmem:$0x16740] =	vst v63  }
0x156: {  	_ =	swait.ge [sflag:s9], $0x8000  }
0x157: {  	s0 =	sld [smem:$0x7DC]  }
0x158: {  	[sflag:s9] =	ssyncset.done $0x0  }
0x159: {  	[sflag:s9] =	ssyncadd.s32 $0xFFFF8000  }
0x15a: {  	[hbm4b:s0+s1] =	stream.linear.scatter [tilespmem:s3], [sflag:$0x4], $0x8000, $0x38;
	[tilespmem:$0x16740] =	vst v63  }
0x15b: {  	_ =	swait.ge [sflag:s7], $0x8000  }
0x15c: {  	s0 =	sld [smem:$0x7FB]  }
0x15d: {  	[sflag:s7] =	ssyncset.done $0x0  }
0x15e: {  	[sflag:s7] =	ssyncadd.s32 $0xFFFF8000  }
0x15f: {  	[tilespmem:s3], [sflag:$0x2] =	stream.indirect.gather [spmem:s2], $0x40, s0, s6, $0xb8;
	[tilespmem:$0x16740] =	vst v63  }
0x160: {  	_ =	swait.ge [sflag:s8], $0x8000  }
0x161: {  	s0 =	sld [smem:$0x7DD]  }
0x162: {  	[sflag:s8] =	ssyncset.done $0x0  }
0x163: {  	[sflag:s8] =	ssyncadd.s32 $0xFFFF8000  }
0x164: {  	[hbm4b:s0+s1] =	stream.linear.scatter [tilespmem:s4], [sflag:$0x3], $0x8000, $0x38;
	[tilespmem:$0x16740] =	vst v63  }
0x165: {  	_ =	swait.ge [sflag:s5], $0x8000  }
0x166: {  	s0 =	sld [smem:$0x7FC]  }
0x167: {  	[sflag:s5] =	ssyncset.done $0x0  }
0x168: {  	[sflag:s5] =	ssyncadd.s32 $0xFFFF8000  }
0x169: {  	[tilespmem:s4], [sflag:$0x1] =	stream.indirect.gather [spmem:s2], $0x40, s0, s6, $0xb8;
	[tilespmem:$0x16740] =	vst v63  }
0x16a: {  	_ =	swait.ge [sflag:s9], $0x8000  }
0x16b: {  	s0 =	sld [smem:$0x7DE]  }
0x16c: {  	[sflag:s9] =	ssyncset.done $0x0  }
0x16d: {  	[sflag:s9] =	ssyncadd.s32 $0xFFFF8000  }
0x16e: {  	[hbm4b:s0+s1] =	stream.linear.scatter [tilespmem:s3], [sflag:$0x4], $0x8000, $0x38;
	[tilespmem:$0x16740] =	vst v63  }
0x16f: {  	_ =	swait.ge [sflag:s7], $0x8000  }
0x170: {  	s0 =	sld [smem:$0x7FD]  }
0x171: {  	[sflag:s7] =	ssyncset.done $0x0  }
0x172: {  	[sflag:s7] =	ssyncadd.s32 $0xFFFF8000  }
0x173: {  	[tilespmem:s3], [sflag:$0x2] =	stream.indirect.gather [spmem:s2], $0x40, s0, s6, $0xb8;
	[tilespmem:$0x16740] =	vst v63  }
0x174: {  	_ =	swait.ge [sflag:s8], $0x8000  }
0x175: {  	s0 =	sld [smem:$0x7DF]  }
0x176: {  	[sflag:s8] =	ssyncset.done $0x0  }
0x177: {  	[sflag:s8] =	ssyncadd.s32 $0xFFFF8000  }
0x178: {  	[hbm4b:s0+s1] =	stream.linear.scatter [tilespmem:s4], [sflag:$0x3], $0x8000, $0x38;
	[tilespmem:$0x16740] =	vst v63  }
0x179: {  	_ =	swait.ge [sflag:s5], $0x8000  }
0x17a: {  	[sflag:s5] =	ssyncset.done $0x0  }
0x17b: {  	[sflag:s5] =	ssyncadd.s32 $0xFFFF8000  }
0x17c: {  	[tilespmem:s4], [sflag:$0x1] =	stream.indirect.gather [spmem:s2], $0x40, s16, s6, $0xb8;
	[tilespmem:$0x16740] =	vst v63  }
0x17d: {  	_ =	swait.ge [sflag:s9], $0x8000  }
0x17e: {  	s0 =	sld [smem:$0x7E0]  }
0x17f: {  	[sflag:s9] =	ssyncset.done $0x0  }
0x180: {  	[sflag:s9] =	ssyncadd.s32 $0xFFFF8000  }
0x181: {  	[hbm4b:s0+s1] =	stream.linear.scatter [tilespmem:s3], [sflag:$0x4], $0x8000, $0x38;
	[tilespmem:$0x16740] =	vst v63  }
0x182: {  	_ =	swait.ge [sflag:s7], $0x8000  }
0x183: {  	[sflag:s7] =	ssyncset.done $0x0  }
0x184: {  	[sflag:s7] =	ssyncadd.s32 $0xFFFF8000  }
0x185: {  	[tilespmem:s3], [sflag:$0x2] =	stream.indirect.gather [spmem:s2], $0x40, s14, s6, $0xb8;
	[tilespmem:$0x16740] =	vst v63  }
0x186: {  	_ =	swait.ge [sflag:s8], $0x8000  }
0x187: {  	s0 =	sld [smem:$0x7E1]  }
0x188: {  	[sflag:s8] =	ssyncset.done $0x0  }
0x189: {  	[sflag:s8] =	ssyncadd.s32 $0xFFFF8000  }
0x18a: {  	[hbm4b:s0+s1] =	stream.linear.scatter [tilespmem:s4], [sflag:$0x3], $0x8000, $0x38;
	[tilespmem:$0x16740] =	vst v63  }
0x18b: {  	_ =	swait.ge [sflag:s5], $0x8000  }
0x18c: {  	[sflag:s5] =	ssyncset.done $0x0  }
0x18d: {  	[sflag:s5] =	ssyncadd.s32 $0xFFFF8000  }
0x18e: {  	[tilespmem:s4], [sflag:$0x1] =	stream.indirect.gather [spmem:s2], $0x40, s13, s6, $0xb8;
	[tilespmem:$0x16740] =	vst v63  }
0x18f: {  	_ =	swait.ge [sflag:s9], $0x8000  }
0x190: {  	s0 =	sld [smem:$0x7E2]  }
0x191: {  	[sflag:s9] =	ssyncset.done $0x0  }
0x192: {  	[sflag:s9] =	ssyncadd.s32 $0xFFFF8000  }
0x193: {  	[hbm4b:s0+s1] =	stream.linear.scatter [tilespmem:s3], [sflag:$0x4], $0x8000, $0x38;
	[tilespmem:$0x16740] =	vst v63  }
0x194: {  	_ =	swait.ge [sflag:s7], $0x8000  }
0x195: {  	[sflag:s7] =	ssyncset.done $0x0  }
0x196: {  	[sflag:s7] =	ssyncadd.s32 $0xFFFF8000  }
0x197: {  	[tilespmem:s3], [sflag:$0x2] =	stream.indirect.gather [spmem:s2], $0x40, s12, s6, $0xb8;
	[tilespmem:$0x16740] =	vst v63  }
0x198: {  	_ =	swait.ge [sflag:s8], $0x8000  }
0x199: {  	s0 =	sld [smem:$0x7E3]  }
0x19a: {  	[sflag:s8] =	ssyncset.done $0x0  }
0x19b: {  	[sflag:s8] =	ssyncadd.s32 $0xFFFF8000  }
0x19c: {  	[hbm4b:s0+s1] =	stream.linear.scatter [tilespmem:s4], [sflag:$0x3], $0x8000, $0x38;
	[tilespmem:$0x16740] =	vst v63  }
0x19d: {  	_ =	swait.ge [sflag:s5], $0x8000  }
0x19e: {  	[sflag:s5] =	ssyncset.done $0x0  }
0x19f: {  	[sflag:s5] =	ssyncadd.s32 $0xFFFF8000  }
0x1a0: {  	[tilespmem:s4], [sflag:$0x1] =	stream.indirect.gather [spmem:s2], $0x40, s11, s6, $0xb8;
	[tilespmem:$0x16740] =	vst v63  }
0x1a1: {  	_ =	swait.ge [sflag:s9], $0x8000  }
0x1a2: {  	s0 =	sld [smem:$0x7E4]  }
0x1a3: {  	[sflag:s9] =	ssyncset.done $0x0  }
0x1a4: {  	[sflag:s9] =	ssyncadd.s32 $0xFFFF8000  }
0x1a5: {  	[hbm4b:s0+s1] =	stream.linear.scatter [tilespmem:s3], [sflag:$0x4], $0x8000, $0x38;
	[tilespmem:$0x16740] =	vst v63  }
0x1a6: {  	_ =	swait.ge [sflag:s7], $0x8000  }
0x1a7: {  	[sflag:s7] =	ssyncset.done $0x0  }
0x1a8: {  	[sflag:s7] =	ssyncadd.s32 $0xFFFF8000  }
0x1a9: {  	[tilespmem:s3], [sflag:$0x2] =	stream.indirect.gather [spmem:s2], $0x40, s10, s6, $0xb8;
	[tilespmem:$0x16740] =	vst v63  }
0x1aa: {  	_ =	swait.ge [sflag:s8], $0x8000  }
0x1ab: {  	s0 =	sld [smem:$0x7E5]  }
0x1ac: {  	[sflag:s8] =	ssyncset.done $0x0  }
0x1ad: {  	[sflag:s8] =	ssyncadd.s32 $0xFFFF8000  }
0x1ae: {  	[hbm4b:s0+s1] =	stream.linear.scatter [tilespmem:s4], [sflag:$0x3], $0x8000, $0x38;
	[tilespmem:$0x16740] =	vst v63  }
0x1af: {  	_ =	swait.ge [sflag:s9], $0x8000  }
0x1b0: {  	s0 =	sld [smem:$0x7E6]  }
0x1b1: {  	s31 =	sadd.s32 $0xFFFFFFFF, s31;
	[sflag:s9] =	ssyncset.done $0x0  }
0x1b2: {  	p2 =	sne.s32 s31, $0x0;
	[sflag:s9] =	ssyncadd.s32 $0xFFFF8000  }
0x1b3: {  	[hbm4b:s0+s1] =	stream.linear.scatter [tilespmem:s3], [sflag:$0x4], $0x8000, $0x38;
	[tilespmem:$0x16740] =	vst v63  }
.Ltmp1:
0x1b4: {  	_ =	swait.ge [sflag:s5], $0x8000;
	(pc) =	sbr.rel @!p2 .LBB2_2-.Ltmp1, $4  }
0x1b5: {  	[sflag:s5] =	ssyncset.done $0x0  }
0x1b6: {  	[sflag:s5] =	ssyncadd.s32 $0xFFFF8000  }
0x1b7: {  	_ =	swait.ge [sflag:s7], $0x8000  }
0x1b8: {  	p1 =	por $0x1, $0x1;
	s0 =	rddreg [dreg:$0x4];
	[sflag:s7] =	ssyncset.done $0x0  }
.LBB2_3:
0x1b9: {  	[sflag:s7] =	ssyncadd.s32 $0xFFFF8000  }
0x1ba: {  	[spmem:s28], [sflag:s29] =	dma.local @!p0 [hbm:s0], $0x1F40  }
0x1bb: {  	_ =	swait.ge @!p0 [sflag:s30], $0x1F40  }
0x1bc: {  	[sflag:s30] =	ssyncset.done @!p0 $0x0  }
0x1bd: {  	s0 =	rddreg [dreg:$0x5];
	[sflag:s30] =	ssyncadd.s32 @!p0 $0xFFFFE0C0  }
0x1be: {  	[spmem:s26], [sflag:s29] =	dma.local @!p0 [hbm:s0], $0x1F40  }
0x1bf: {  	_ =	swait.ge @!p0 [sflag:s30], $0x1F40  }
0x1c0: {  	[sflag:s30] =	ssyncset.done @!p0 $0x0  }
0x1c1: {  	[sflag:s30] =	ssyncadd.s32 @!p0 $0xFFFFE0C0  }
0x1c2: {  	[bflag:$0x0] =	sbarrier.arrive $0xFFFF  }
0x1c3: {  	s0 =	rddreg [dreg:$0x6]  }
0x1c4: {  	[tilespmem:s1], [sflag:$0x5] =	stream.linear.gather [hbm4b:s0+s1], $0x400, $0x38;
	[tilespmem:$0x16740] =	vst v63  }
0x1c5: {  	_ =	swait.ge [sflag:s25], $0x400  }
0x1c6: {  	[sflag:s25] =	ssyncset.done $0x0  }
0x1c7: {  	s0 =	rddreg [dreg:$0x7];
	[sflag:s25] =	ssyncadd.s32 $0xFFFFFC00  }
0x1c8: {  	[tilespmem:s24], [sflag:$0x5] =	stream.linear.gather [hbm4b:s0+s1], $0x200, $0x38;
	[tilespmem:$0x16740] =	vst v63  }
0x1c9: {  	_ =	swait.ge [sflag:s25], $0x200  }
0x1ca: {  	[sflag:s25] =	ssyncset.done $0x0  }
0x1cb: {  	s0 =	rddreg [dreg:$0x8];
	[sflag:s25] =	ssyncadd.s32 $0xFFFFFE00  }
0x1cc: {  	[tilespmem:s23], [sflag:$0x5] =	stream.linear.gather [hbm4b:s0+s1], $0x400, $0x38;
	[tilespmem:$0x16740] =	vst v63  }
0x1cd: {  	_ =	swait.ge [sflag:s25], $0x400  }
0x1ce: {  	[sflag:s25] =	ssyncset.done $0x0  }
0x1cf: {  	s0 =	rddreg [dreg:$0x9];
	[sflag:s25] =	ssyncadd.s32 $0xFFFFFC00  }
0x1d0: {  	[tilespmem:s21], [sflag:$0x5] =	stream.linear.gather [hbm4b:s0+s1], $0x200, $0x38;
	[tilespmem:$0x16740] =	vst v63  }
0x1d1: {  	_ =	swait.ge [sflag:s25], $0x200  }
0x1d2: {  	[sflag:s25] =	ssyncset.done $0x0  }
0x1d3: {  	s0 =	rddreg [dreg:$0xa];
	[sflag:s25] =	ssyncadd.s32 $0xFFFFFE00  }
0x1d4: {  	[tilespmem:s20], [sflag:$0x5] =	stream.linear.gather [hbm4b:s0+s1], $0x2800, $0x38;
	[tilespmem:$0x16740] =	vst v63  }
0x1d5: {  	_ =	swait.ge [sflag:s25], $0x2800  }
0x1d6: {  	[sflag:s25] =	ssyncset.done $0x0  }
0x1d7: {  	s0 =	rddreg [dreg:$0xb];
	[sflag:s25] =	ssyncadd.s32 $0xFFFFD800  }
0x1d8: {  	[tilespmem:s17], [sflag:$0x5] =	stream.linear.gather [hbm4b:s0+s1], $0x1400, $0x38;
	[tilespmem:$0x16740] =	vst v63  }
0x1d9: {  	_ =	swait.ge [sflag:s25], $0x1400  }
0x1da: {  	[sflag:s25] =	ssyncset.done $0x0  }
0x1db: {  	[sflag:s25] =	ssyncadd.s32 $0xFFFFEC00  }
0x1dc: {  	[tilespmem:s4], [sflag:$0x1] =	stream.indirect.gather [hbm4b:s22+s6], $0x40, s1, s6, $0xb8;
	[tilespmem:$0x16740] =	vst v63  }
0x1dd: {  	_ = 	snop  }
0x1de: {  	[tilespmem:s3], [sflag:$0x2] =	stream.indirect.gather [hbm4b:s22+s6], $0x40, s6, s6, $0xb8;
	[tilespmem:$0x16740] =	vst v63  }
0x1df: {  	_ =	swait.ge [sflag:s8], $0x8000  }
0x1e0: {  	[sflag:s8] =	ssyncset.done $0x0  }
0x1e1: {  	s0 =	rddreg [dreg:$0xc];
	[sflag:s8] =	ssyncadd.s32 $0xFFFF8000  }
0x1e2: {  	[hbm4b:s0+s1] =	stream.linear.scatter [tilespmem:s4], [sflag:$0x3], $0x8000, $0x38;
	[tilespmem:$0x16740] =	vst v63  }
0x1e3: {  	_ =	swait.ge [sflag:s5], $0x8000  }
0x1e4: {  	[sflag:s5] =	ssyncset.done $0x0  }
0x1e5: {  	[sflag:s5] =	ssyncadd.s32 $0xFFFF8000  }
0x1e6: {  	[tilespmem:s4], [sflag:$0x1] =	stream.indirect.gather [spmem:s18], $0x40, s24, s6, $0xb8;
	[tilespmem:$0x16740] =	vst v63  }
0x1e7: {  	_ =	swait.ge [sflag:s9], $0x8000  }
0x1e8: {  	[sflag:s9] =	ssyncset.done $0x0  }
0x1e9: {  	s0 =	rddreg [dreg:$0xd];
	[sflag:s9] =	ssyncadd.s32 $0xFFFF8000  }
0x1ea: {  	[hbm4b:s0+s1] =	stream.linear.scatter [tilespmem:s3], [sflag:$0x4], $0x8000, $0x38;
	[tilespmem:$0x16740] =	vst v63  }
0x1eb: {  	_ =	swait.ge [sflag:s7], $0x8000  }
0x1ec: {  	[sflag:s7] =	ssyncset.done $0x0  }
0x1ed: {  	[sflag:s7] =	ssyncadd.s32 $0xFFFF8000  }
0x1ee: {  	[tilespmem:s3], [sflag:$0x2] =	stream.indirect.gather [hbm4b:s15+s6], $0x40, s23, s6, $0xb8;
	[tilespmem:$0x16740] =	vst v63  }
0x1ef: {  	_ =	swait.ge [sflag:s8], $0x8000  }
0x1f0: {  	[sflag:s8] =	ssyncset.done $0x0  }
0x1f1: {  	s0 =	rddreg [dreg:$0xe];
	[sflag:s8] =	ssyncadd.s32 $0xFFFF8000  }
0x1f2: {  	[hbm4b:s0+s1] =	stream.linear.scatter [tilespmem:s4], [sflag:$0x3], $0x8000, $0x38;
	[tilespmem:$0x16740] =	vst v63  }
0x1f3: {  	_ =	swait.ge [sflag:s5], $0x8000  }
0x1f4: {  	s0 =	sld [smem:$0x7E7]  }
0x1f5: {  	[sflag:s5] =	ssyncset.done $0x0  }
0x1f6: {  	[sflag:s5] =	ssyncadd.s32 $0xFFFF8000  }
0x1f7: {  	[tilespmem:s4], [sflag:$0x1] =	stream.indirect.gather [hbm4b:s15+s6], $0x40, s0, s6, $0xb8;
	[tilespmem:$0x16740] =	vst v63  }
0x1f8: {  	_ =	swait.ge [sflag:s9], $0x8000  }
0x1f9: {  	[sflag:s9] =	ssyncset.done $0x0  }
0x1fa: {  	s0 =	rddreg [dreg:$0xf];
	[sflag:s9] =	ssyncadd.s32 $0xFFFF8000  }
0x1fb: {  	[hbm4b:s0+s1] =	stream.linear.scatter [tilespmem:s3], [sflag:$0x4], $0x8000, $0x38;
	[tilespmem:$0x16740] =	vst v63  }
0x1fc: {  	_ =	swait.ge [sflag:s7], $0x8000  }
0x1fd: {  	[sflag:s7] =	ssyncset.done $0x0  }
0x1fe: {  	[sflag:s7] =	ssyncadd.s32 $0xFFFF8000  }
0x1ff: {  	[tilespmem:s3], [sflag:$0x2] =	stream.indirect.gather [spmem:s2], $0x40, s21, s6, $0xb8;
	[tilespmem:$0x16740] =	vst v63  }
0x200: {  	_ =	swait.ge [sflag:s8], $0x8000  }
0x201: {  	[sflag:s8] =	ssyncset.done $0x0  }
0x202: {  	s0 =	rddreg [dreg:$0x10];
	[sflag:s8] =	ssyncadd.s32 $0xFFFF8000  }
0x203: {  	[hbm4b:s0+s1] =	stream.linear.scatter [tilespmem:s4], [sflag:$0x3], $0x8000, $0x38;
	[tilespmem:$0x16740] =	vst v63  }
0x204: {  	_ =	swait.ge [sflag:s5], $0x8000  }
0x205: {  	[sflag:s5] =	ssyncset.done $0x0  }
0x206: {  	[sflag:s5] =	ssyncadd.s32 $0xFFFF8000  }
0x207: {  	[tilespmem:s4], [sflag:$0x1] =	stream.indirect.gather [hbm4b:s15+s6], $0x40, s20, s6, $0xb8;
	[tilespmem:$0x16740] =	vst v63  }
0x208: {  	_ =	swait.ge [sflag:s9], $0x8000  }
0x209: {  	[sflag:s9] =	ssyncset.done $0x0  }
0x20a: {  	s0 =	rddreg [dreg:$0x11];
	[sflag:s9] =	ssyncadd.s32 $0xFFFF8000  }
0x20b: {  	[hbm4b:s0+s1] =	stream.linear.scatter [tilespmem:s3], [sflag:$0x4], $0x8000, $0x38;
	[tilespmem:$0x16740] =	vst v63  }
0x20c: {  	_ =	swait.ge [sflag:s7], $0x8000  }
0x20d: {  	s0 =	sld [smem:$0x7E8]  }
0x20e: {  	[sflag:s7] =	ssyncset.done $0x0  }
0x20f: {  	[sflag:s7] =	ssyncadd.s32 $0xFFFF8000  }
0x210: {  	[tilespmem:s3], [sflag:$0x2] =	stream.indirect.gather [hbm4b:s15+s6], $0x40, s0, s6, $0xb8;
	[tilespmem:$0x16740] =	vst v63  }
0x211: {  	_ =	swait.ge [sflag:s8], $0x8000  }
0x212: {  	[sflag:s8] =	ssyncset.done $0x0  }
0x213: {  	[sflag:s8] =	ssyncadd.s32 $0xFFFF8000  }
0x214: {  	[hbm4b:s19+s1] =	stream.linear.scatter [tilespmem:s4], [sflag:$0x3], $0x8000, $0x38;
	[tilespmem:$0x16740] =	vst v63  }
0x215: {  	_ =	swait.ge [sflag:s5], $0x8000  }
0x216: {  	s0 =	sld [smem:$0x7E9]  }
0x217: {  	[sflag:s5] =	ssyncset.done $0x0  }
0x218: {  	[sflag:s5] =	ssyncadd.s32 $0xFFFF8000  }
0x219: {  	[tilespmem:s4], [sflag:$0x1] =	stream.indirect.gather [hbm4b:s15+s6], $0x40, s0, s6, $0xb8;
	[tilespmem:$0x16740] =	vst v63  }
0x21a: {  	_ =	swait.ge [sflag:s9], $0x8000  }
0x21b: {  	[sflag:s9] =	ssyncset.done $0x0  }
0x21c: {  	s0 =	rddreg [dreg:$0x12];
	[sflag:s9] =	ssyncadd.s32 $0xFFFF8000  }
0x21d: {  	[hbm4b:s0+s1] =	stream.linear.scatter [tilespmem:s3], [sflag:$0x4], $0x8000, $0x38;
	[tilespmem:$0x16740] =	vst v63  }
0x21e: {  	_ =	swait.ge [sflag:s7], $0x8000  }
0x21f: {  	s0 =	sld [smem:$0x7EA]  }
0x220: {  	[sflag:s7] =	ssyncset.done $0x0  }
0x221: {  	[sflag:s7] =	ssyncadd.s32 $0xFFFF8000  }
0x222: {  	[tilespmem:s3], [sflag:$0x2] =	stream.indirect.gather [hbm4b:s15+s6], $0x40, s0, s6, $0xb8;
	[tilespmem:$0x16740] =	vst v63  }
0x223: {  	_ =	swait.ge [sflag:s8], $0x8000  }
0x224: {  	[sflag:s8] =	ssyncset.done $0x0  }
0x225: {  	s0 =	rddreg [dreg:$0x13];
	[sflag:s8] =	ssyncadd.s32 $0xFFFF8000  }
0x226: {  	[hbm4b:s0+s1] =	stream.linear.scatter [tilespmem:s4], [sflag:$0x3], $0x8000, $0x38;
	[tilespmem:$0x16740] =	vst v63  }
0x227: {  	_ =	swait.ge [sflag:s5], $0x8000  }
0x228: {  	s0 =	sld [smem:$0x7EB]  }
0x229: {  	[sflag:s5] =	ssyncset.done $0x0  }
0x22a: {  	[sflag:s5] =	ssyncadd.s32 $0xFFFF8000  }
0x22b: {  	[tilespmem:s4], [sflag:$0x1] =	stream.indirect.gather [hbm4b:s15+s6], $0x40, s0, s6, $0xb8;
	[tilespmem:$0x16740] =	vst v63  }
0x22c: {  	_ =	swait.ge [sflag:s9], $0x8000  }
0x22d: {  	[sflag:s9] =	ssyncset.done $0x0  }
0x22e: {  	s0 =	rddreg [dreg:$0x14];
	[sflag:s9] =	ssyncadd.s32 $0xFFFF8000  }
0x22f: {  	[hbm4b:s0+s1] =	stream.linear.scatter [tilespmem:s3], [sflag:$0x4], $0x8000, $0x38;
	[tilespmem:$0x16740] =	vst v63  }
0x230: {  	_ =	swait.ge [sflag:s7], $0x8000  }
0x231: {  	s0 =	sld [smem:$0x7EC]  }
0x232: {  	[sflag:s7] =	ssyncset.done $0x0  }
0x233: {  	[sflag:s7] =	ssyncadd.s32 $0xFFFF8000  }
0x234: {  	[tilespmem:s3], [sflag:$0x2] =	stream.indirect.gather [hbm4b:s15+s6], $0x40, s0, s6, $0xb8;
	[tilespmem:$0x16740] =	vst v63  }
0x235: {  	_ =	swait.ge [sflag:s8], $0x8000  }
0x236: {  	[sflag:s8] =	ssyncset.done $0x0  }
0x237: {  	s0 =	rddreg [dreg:$0x15];
	[sflag:s8] =	ssyncadd.s32 $0xFFFF8000  }
0x238: {  	[hbm4b:s0+s1] =	stream.linear.scatter [tilespmem:s4], [sflag:$0x3], $0x8000, $0x38;
	[tilespmem:$0x16740] =	vst v63  }
0x239: {  	_ =	swait.ge [sflag:s5], $0x8000  }
0x23a: {  	s0 =	sld [smem:$0x7ED]  }
0x23b: {  	[sflag:s5] =	ssyncset.done $0x0  }
0x23c: {  	[sflag:s5] =	ssyncadd.s32 $0xFFFF8000  }
0x23d: {  	[tilespmem:s4], [sflag:$0x1] =	stream.indirect.gather [hbm4b:s15+s6], $0x40, s0, s6, $0xb8;
	[tilespmem:$0x16740] =	vst v63  }
0x23e: {  	_ =	swait.ge [sflag:s9], $0x8000  }
0x23f: {  	[sflag:s9] =	ssyncset.done $0x0  }
0x240: {  	s0 =	rddreg [dreg:$0x16];
	[sflag:s9] =	ssyncadd.s32 $0xFFFF8000  }
0x241: {  	[hbm4b:s0+s1] =	stream.linear.scatter [tilespmem:s3], [sflag:$0x4], $0x8000, $0x38;
	[tilespmem:$0x16740] =	vst v63  }
0x242: {  	_ =	swait.ge [sflag:s7], $0x8000  }
0x243: {  	s0 =	sld [smem:$0x7EE]  }
0x244: {  	[sflag:s7] =	ssyncset.done $0x0  }
0x245: {  	[sflag:s7] =	ssyncadd.s32 $0xFFFF8000  }
0x246: {  	[tilespmem:s3], [sflag:$0x2] =	stream.indirect.gather [hbm4b:s15+s6], $0x40, s0, s6, $0xb8;
	[tilespmem:$0x16740] =	vst v63  }
0x247: {  	_ =	swait.ge [sflag:s8], $0x8000  }
0x248: {  	[sflag:s8] =	ssyncset.done $0x0  }
0x249: {  	s0 =	rddreg [dreg:$0x17];
	[sflag:s8] =	ssyncadd.s32 $0xFFFF8000  }
0x24a: {  	[hbm4b:s0+s1] =	stream.linear.scatter [tilespmem:s4], [sflag:$0x3], $0x8000, $0x38;
	[tilespmem:$0x16740] =	vst v63  }
0x24b: {  	_ =	swait.ge [sflag:s5], $0x8000  }
0x24c: {  	s0 =	sld [smem:$0x7EF]  }
0x24d: {  	[sflag:s5] =	ssyncset.done $0x0  }
0x24e: {  	[sflag:s5] =	ssyncadd.s32 $0xFFFF8000  }
0x24f: {  	[tilespmem:s4], [sflag:$0x1] =	stream.indirect.gather [hbm4b:s15+s6], $0x40, s0, s6, $0xb8;
	[tilespmem:$0x16740] =	vst v63  }
0x250: {  	_ =	swait.ge [sflag:s9], $0x8000  }
0x251: {  	[sflag:s9] =	ssyncset.done $0x0  }
0x252: {  	s0 =	rddreg [dreg:$0x18];
	[sflag:s9] =	ssyncadd.s32 $0xFFFF8000  }
0x253: {  	[hbm4b:s0+s1] =	stream.linear.scatter [tilespmem:s3], [sflag:$0x4], $0x8000, $0x38;
	[tilespmem:$0x16740] =	vst v63  }
0x254: {  	_ =	swait.ge [sflag:s7], $0x8000  }
0x255: {  	s0 =	sld [smem:$0x7F0]  }
0x256: {  	[sflag:s7] =	ssyncset.done $0x0  }
0x257: {  	[sflag:s7] =	ssyncadd.s32 $0xFFFF8000  }
0x258: {  	[tilespmem:s3], [sflag:$0x2] =	stream.indirect.gather [hbm4b:s15+s6], $0x40, s0, s6, $0xb8;
	[tilespmem:$0x16740] =	vst v63  }
0x259: {  	_ =	swait.ge [sflag:s8], $0x8000  }
0x25a: {  	[sflag:s8] =	ssyncset.done $0x0  }
0x25b: {  	s0 =	rddreg [dreg:$0x19];
	[sflag:s8] =	ssyncadd.s32 $0xFFFF8000  }
0x25c: {  	[hbm4b:s0+s1] =	stream.linear.scatter [tilespmem:s4], [sflag:$0x3], $0x8000, $0x38;
	[tilespmem:$0x16740] =	vst v63  }
0x25d: {  	_ =	swait.ge [sflag:s5], $0x8000  }
0x25e: {  	s0 =	sld [smem:$0x7F1]  }
0x25f: {  	[sflag:s5] =	ssyncset.done $0x0  }
0x260: {  	[sflag:s5] =	ssyncadd.s32 $0xFFFF8000  }
0x261: {  	[tilespmem:s4], [sflag:$0x1] =	stream.indirect.gather [hbm4b:s15+s6], $0x40, s0, s6, $0xb8;
	[tilespmem:$0x16740] =	vst v63  }
0x262: {  	_ =	swait.ge [sflag:s9], $0x8000  }
0x263: {  	[sflag:s9] =	ssyncset.done $0x0  }
0x264: {  	s0 =	rddreg [dreg:$0x1a];
	[sflag:s9] =	ssyncadd.s32 $0xFFFF8000  }
0x265: {  	[hbm4b:s0+s1] =	stream.linear.scatter [tilespmem:s3], [sflag:$0x4], $0x8000, $0x38;
	[tilespmem:$0x16740] =	vst v63  }
0x266: {  	_ =	swait.ge [sflag:s7], $0x8000  }
0x267: {  	s0 =	sld [smem:$0x7F2]  }
0x268: {  	[sflag:s7] =	ssyncset.done $0x0  }
0x269: {  	[sflag:s7] =	ssyncadd.s32 $0xFFFF8000  }
0x26a: {  	[tilespmem:s3], [sflag:$0x2] =	stream.indirect.gather [hbm4b:s15+s6], $0x40, s0, s6, $0xb8;
	[tilespmem:$0x16740] =	vst v63  }
0x26b: {  	_ =	swait.ge [sflag:s8], $0x8000  }
0x26c: {  	[sflag:s8] =	ssyncset.done $0x0  }
0x26d: {  	s0 =	rddreg [dreg:$0x1b];
	[sflag:s8] =	ssyncadd.s32 $0xFFFF8000  }
0x26e: {  	[hbm4b:s0+s1] =	stream.linear.scatter [tilespmem:s4], [sflag:$0x3], $0x8000, $0x38;
	[tilespmem:$0x16740] =	vst v63  }
0x26f: {  	_ =	swait.ge [sflag:s5], $0x8000  }
0x270: {  	s0 =	sld [smem:$0x7F3]  }
0x271: {  	[sflag:s5] =	ssyncset.done $0x0  }
0x272: {  	[sflag:s5] =	ssyncadd.s32 $0xFFFF8000  }
0x273: {  	[tilespmem:s4], [sflag:$0x1] =	stream.indirect.gather [hbm4b:s15+s6], $0x40, s0, s6, $0xb8;
	[tilespmem:$0x16740] =	vst v63  }
0x274: {  	_ =	swait.ge [sflag:s9], $0x8000  }
0x275: {  	[sflag:s9] =	ssyncset.done $0x0  }
0x276: {  	s0 =	rddreg [dreg:$0x1c];
	[sflag:s9] =	ssyncadd.s32 $0xFFFF8000  }
0x277: {  	[hbm4b:s0+s1] =	stream.linear.scatter [tilespmem:s3], [sflag:$0x4], $0x8000, $0x38;
	[tilespmem:$0x16740] =	vst v63  }
0x278: {  	_ =	swait.ge [sflag:s7], $0x8000  }
0x279: {  	s0 =	sld [smem:$0x7F4]  }
0x27a: {  	[sflag:s7] =	ssyncset.done $0x0  }
0x27b: {  	[sflag:s7] =	ssyncadd.s32 $0xFFFF8000  }
0x27c: {  	[tilespmem:s3], [sflag:$0x2] =	stream.indirect.gather [hbm4b:s15+s6], $0x40, s0, s6, $0xb8;
	[tilespmem:$0x16740] =	vst v63  }
0x27d: {  	_ =	swait.ge [sflag:s8], $0x8000  }
0x27e: {  	[sflag:s8] =	ssyncset.done $0x0  }
0x27f: {  	s0 =	rddreg [dreg:$0x1d];
	[sflag:s8] =	ssyncadd.s32 $0xFFFF8000  }
0x280: {  	[hbm4b:s0+s1] =	stream.linear.scatter [tilespmem:s4], [sflag:$0x3], $0x8000, $0x38;
	[tilespmem:$0x16740] =	vst v63  }
0x281: {  	_ =	swait.ge [sflag:s5], $0x8000  }
0x282: {  	s0 =	sld [smem:$0x7F5]  }
0x283: {  	[sflag:s5] =	ssyncset.done $0x0  }
0x284: {  	[sflag:s5] =	ssyncadd.s32 $0xFFFF8000  }
0x285: {  	[tilespmem:s4], [sflag:$0x1] =	stream.indirect.gather [hbm4b:s15+s6], $0x40, s0, s6, $0xb8;
	[tilespmem:$0x16740] =	vst v63  }
0x286: {  	_ =	swait.ge [sflag:s9], $0x8000  }
0x287: {  	[sflag:s9] =	ssyncset.done $0x0  }
0x288: {  	s0 =	rddreg [dreg:$0x1e];
	[sflag:s9] =	ssyncadd.s32 $0xFFFF8000  }
0x289: {  	[hbm4b:s0+s1] =	stream.linear.scatter [tilespmem:s3], [sflag:$0x4], $0x8000, $0x38;
	[tilespmem:$0x16740] =	vst v63  }
0x28a: {  	_ =	swait.ge [sflag:s7], $0x8000  }
0x28b: {  	s0 =	sld [smem:$0x7F6]  }
0x28c: {  	[sflag:s7] =	ssyncset.done $0x0  }
0x28d: {  	[sflag:s7] =	ssyncadd.s32 $0xFFFF8000  }
0x28e: {  	[tilespmem:s3], [sflag:$0x2] =	stream.indirect.gather [hbm4b:s15+s6], $0x40, s0, s6, $0xb8;
	[tilespmem:$0x16740] =	vst v63  }
0x28f: {  	_ =	swait.ge [sflag:s8], $0x8000  }
0x290: {  	[sflag:s8] =	ssyncset.done $0x0  }
0x291: {  	s0 =	rddreg [dreg:$0x1f];
	[sflag:s8] =	ssyncadd.s32 $0xFFFF8000  }
0x292: {  	[hbm4b:s0+s1] =	stream.linear.scatter [tilespmem:s4], [sflag:$0x3], $0x8000, $0x38;
	[tilespmem:$0x16740] =	vst v63  }
0x293: {  	_ =	swait.ge [sflag:s5], $0x8000  }
0x294: {  	s0 =	sld [smem:$0x7F7]  }
0x295: {  	[sflag:s5] =	ssyncset.done $0x0  }
0x296: {  	[sflag:s5] =	ssyncadd.s32 $0xFFFF8000  }
0x297: {  	[tilespmem:s4], [sflag:$0x1] =	stream.indirect.gather [hbm4b:s15+s6], $0x40, s0, s6, $0xb8;
	[tilespmem:$0x16740] =	vst v63  }
0x298: {  	_ =	swait.ge [sflag:s9], $0x8000  }
0x299: {  	s0 =	sld [smem:$0x7D8]  }
0x29a: {  	[sflag:s9] =	ssyncset.done $0x0  }
0x29b: {  	[sflag:s9] =	ssyncadd.s32 $0xFFFF8000  }
0x29c: {  	[hbm4b:s0+s1] =	stream.linear.scatter [tilespmem:s3], [sflag:$0x4], $0x8000, $0x38;
	[tilespmem:$0x16740] =	vst v63  }
0x29d: {  	_ =	swait.ge [sflag:s7], $0x8000  }
0x29e: {  	s0 =	sld [smem:$0x7F8]  }
0x29f: {  	[sflag:s7] =	ssyncset.done $0x0  }
0x2a0: {  	[sflag:s7] =	ssyncadd.s32 $0xFFFF8000  }
0x2a1: {  	[tilespmem:s3], [sflag:$0x2] =	stream.indirect.gather [hbm4b:s15+s6], $0x40, s0, s6, $0xb8;
	[tilespmem:$0x16740] =	vst v63  }
0x2a2: {  	_ =	swait.ge [sflag:s8], $0x8000  }
0x2a3: {  	s0 =	sld [smem:$0x7D9]  }
0x2a4: {  	[sflag:s8] =	ssyncset.done $0x0  }
0x2a5: {  	[sflag:s8] =	ssyncadd.s32 $0xFFFF8000  }
0x2a6: {  	[hbm4b:s0+s1] =	stream.linear.scatter [tilespmem:s4], [sflag:$0x3], $0x8000, $0x38;
	[tilespmem:$0x16740] =	vst v63  }
0x2a7: {  	_ =	swait.ge [sflag:s5], $0x8000  }
0x2a8: {  	s0 =	sld [smem:$0x7F9]  }
0x2a9: {  	[sflag:s5] =	ssyncset.done $0x0  }
0x2aa: {  	[sflag:s5] =	ssyncadd.s32 $0xFFFF8000  }
0x2ab: {  	[tilespmem:s4], [sflag:$0x1] =	stream.indirect.gather [hbm4b:s15+s6], $0x40, s0, s6, $0xb8;
	[tilespmem:$0x16740] =	vst v63  }
0x2ac: {  	_ =	swait.ge [sflag:s9], $0x8000  }
0x2ad: {  	s0 =	sld [smem:$0x7DA]  }
0x2ae: {  	[sflag:s9] =	ssyncset.done $0x0  }
0x2af: {  	[sflag:s9] =	ssyncadd.s32 $0xFFFF8000  }
0x2b0: {  	[hbm4b:s0+s1] =	stream.linear.scatter [tilespmem:s3], [sflag:$0x4], $0x8000, $0x38;
	[tilespmem:$0x16740] =	vst v63  }
0x2b1: {  	_ =	swait.ge [sflag:s7], $0x8000  }
0x2b2: {  	s0 =	sld [smem:$0x7FA]  }
0x2b3: {  	[sflag:s7] =	ssyncset.done $0x0  }
0x2b4: {  	[sflag:s7] =	ssyncadd.s32 $0xFFFF8000  }
0x2b5: {  	[tilespmem:s3], [sflag:$0x2] =	stream.indirect.gather [hbm4b:s15+s6], $0x40, s0, s6, $0xb8;
	[tilespmem:$0x16740] =	vst v63  }
0x2b6: {  	_ =	swait.ge [sflag:s8], $0x8000  }
0x2b7: {  	s0 =	sld [smem:$0x7DB]  }
0x2b8: {  	[sflag:s8] =	ssyncset.done $0x0  }
0x2b9: {  	[sflag:s8] =	ssyncadd.s32 $0xFFFF8000  }
0x2ba: {  	[hbm4b:s0+s1] =	stream.linear.scatter [tilespmem:s4], [sflag:$0x3], $0x8000, $0x38;
	[tilespmem:$0x16740] =	vst v63  }
0x2bb: {  	_ =	swait.ge [sflag:s5], $0x8000  }
0x2bc: {  	[sflag:s5] =	ssyncset.done $0x0  }
0x2bd: {  	[sflag:s5] =	ssyncadd.s32 $0xFFFF8000  }
0x2be: {  	[tilespmem:s4], [sflag:$0x1] =	stream.indirect.gather [spmem:s2], $0x40, s17, s6, $0xb8;
	[tilespmem:$0x16740] =	vst v63  }
0x2bf: {  	_ =	swait.ge [sflag:s9], $0x8000  }
0x2c0: {  	s0 =	sld [smem:$0x7DC]  }
0x2c1: {  	[sflag:s9] =	ssyncset.done $0x0  }
0x2c2: {  	[sflag:s9] =	ssyncadd.s32 $0xFFFF8000  }
0x2c3: {  	[hbm4b:s0+s1] =	stream.linear.scatter [tilespmem:s3], [sflag:$0x4], $0x8000, $0x38;
	[tilespmem:$0x16740] =	vst v63  }
0x2c4: {  	_ =	swait.ge [sflag:s7], $0x8000  }
0x2c5: {  	s0 =	sld [smem:$0x7FB]  }
0x2c6: {  	[sflag:s7] =	ssyncset.done $0x0  }
0x2c7: {  	[sflag:s7] =	ssyncadd.s32 $0xFFFF8000  }
0x2c8: {  	[tilespmem:s3], [sflag:$0x2] =	stream.indirect.gather [spmem:s2], $0x40, s0, s6, $0xb8;
	[tilespmem:$0x16740] =	vst v63  }
0x2c9: {  	_ =	swait.ge [sflag:s8], $0x8000  }
0x2ca: {  	s0 =	sld [smem:$0x7DD]  }
0x2cb: {  	[sflag:s8] =	ssyncset.done $0x0  }
0x2cc: {  	[sflag:s8] =	ssyncadd.s32 $0xFFFF8000  }
0x2cd: {  	[hbm4b:s0+s1] =	stream.linear.scatter [tilespmem:s4], [sflag:$0x3], $0x8000, $0x38;
	[tilespmem:$0x16740] =	vst v63  }
0x2ce: {  	_ =	swait.ge [sflag:s5], $0x8000  }
0x2cf: {  	s0 =	sld [smem:$0x7FC]  }
0x2d0: {  	[sflag:s5] =	ssyncset.done $0x0  }
0x2d1: {  	[sflag:s5] =	ssyncadd.s32 $0xFFFF8000  }
0x2d2: {  	[tilespmem:s4], [sflag:$0x1] =	stream.indirect.gather [spmem:s2], $0x40, s0, s6, $0xb8;
	[tilespmem:$0x16740] =	vst v63  }
0x2d3: {  	_ =	swait.ge [sflag:s9], $0x8000  }
0x2d4: {  	s0 =	sld [smem:$0x7DE]  }
0x2d5: {  	[sflag:s9] =	ssyncset.done $0x0  }
0x2d6: {  	[sflag:s9] =	ssyncadd.s32 $0xFFFF8000  }
0x2d7: {  	[hbm4b:s0+s1] =	stream.linear.scatter [tilespmem:s3], [sflag:$0x4], $0x8000, $0x38;
	[tilespmem:$0x16740] =	vst v63  }
0x2d8: {  	_ =	swait.ge [sflag:s7], $0x8000  }
0x2d9: {  	s0 =	sld [smem:$0x7FD]  }
0x2da: {  	[sflag:s7] =	ssyncset.done $0x0  }
0x2db: {  	[sflag:s7] =	ssyncadd.s32 $0xFFFF8000  }
0x2dc: {  	[tilespmem:s3], [sflag:$0x2] =	stream.indirect.gather [spmem:s2], $0x40, s0, s6, $0xb8;
	[tilespmem:$0x16740] =	vst v63  }
0x2dd: {  	_ =	swait.ge [sflag:s8], $0x8000  }
0x2de: {  	s0 =	sld [smem:$0x7DF]  }
0x2df: {  	[sflag:s8] =	ssyncset.done $0x0  }
0x2e0: {  	[sflag:s8] =	ssyncadd.s32 $0xFFFF8000  }
0x2e1: {  	[hbm4b:s0+s1] =	stream.linear.scatter [tilespmem:s4], [sflag:$0x3], $0x8000, $0x38;
	[tilespmem:$0x16740] =	vst v63  }
0x2e2: {  	_ =	swait.ge [sflag:s5], $0x8000  }
0x2e3: {  	[sflag:s5] =	ssyncset.done $0x0  }
0x2e4: {  	[sflag:s5] =	ssyncadd.s32 $0xFFFF8000  }
0x2e5: {  	[tilespmem:s4], [sflag:$0x1] =	stream.indirect.gather [spmem:s2], $0x40, s16, s6, $0xb8;
	[tilespmem:$0x16740] =	vst v63  }
0x2e6: {  	_ =	swait.ge [sflag:s9], $0x8000  }
0x2e7: {  	s0 =	sld [smem:$0x7E0]  }
0x2e8: {  	[sflag:s9] =	ssyncset.done $0x0  }
0x2e9: {  	[sflag:s9] =	ssyncadd.s32 $0xFFFF8000  }
0x2ea: {  	[hbm4b:s0+s1] =	stream.linear.scatter [tilespmem:s3], [sflag:$0x4], $0x8000, $0x38;
	[tilespmem:$0x16740] =	vst v63  }
0x2eb: {  	_ =	swait.ge [sflag:s7], $0x8000  }
0x2ec: {  	[sflag:s7] =	ssyncset.done $0x0  }
0x2ed: {  	[sflag:s7] =	ssyncadd.s32 $0xFFFF8000  }
0x2ee: {  	[tilespmem:s3], [sflag:$0x2] =	stream.indirect.gather [spmem:s2], $0x40, s14, s6, $0xb8;
	[tilespmem:$0x16740] =	vst v63  }
0x2ef: {  	_ =	swait.ge [sflag:s8], $0x8000  }
0x2f0: {  	s0 =	sld [smem:$0x7E1]  }
0x2f1: {  	[sflag:s8] =	ssyncset.done $0x0  }
0x2f2: {  	[sflag:s8] =	ssyncadd.s32 $0xFFFF8000  }
0x2f3: {  	[hbm4b:s0+s1] =	stream.linear.scatter [tilespmem:s4], [sflag:$0x3], $0x8000, $0x38;
	[tilespmem:$0x16740] =	vst v63  }
0x2f4: {  	_ =	swait.ge [sflag:s5], $0x8000  }
0x2f5: {  	[sflag:s5] =	ssyncset.done $0x0  }
0x2f6: {  	[sflag:s5] =	ssyncadd.s32 $0xFFFF8000  }
0x2f7: {  	[tilespmem:s4], [sflag:$0x1] =	stream.indirect.gather [spmem:s2], $0x40, s13, s6, $0xb8;
	[tilespmem:$0x16740] =	vst v63  }
0x2f8: {  	_ =	swait.ge [sflag:s9], $0x8000  }
0x2f9: {  	s0 =	sld [smem:$0x7E2]  }
0x2fa: {  	[sflag:s9] =	ssyncset.done $0x0  }
0x2fb: {  	[sflag:s9] =	ssyncadd.s32 $0xFFFF8000  }
0x2fc: {  	[hbm4b:s0+s1] =	stream.linear.scatter [tilespmem:s3], [sflag:$0x4], $0x8000, $0x38;
	[tilespmem:$0x16740] =	vst v63  }
0x2fd: {  	_ =	swait.ge [sflag:s7], $0x8000  }
0x2fe: {  	[sflag:s7] =	ssyncset.done $0x0  }
0x2ff: {  	[sflag:s7] =	ssyncadd.s32 $0xFFFF8000  }
0x300: {  	[tilespmem:s3], [sflag:$0x2] =	stream.indirect.gather [spmem:s2], $0x40, s12, s6, $0xb8;
	[tilespmem:$0x16740] =	vst v63  }
0x301: {  	_ =	swait.ge [sflag:s8], $0x8000  }
0x302: {  	s0 =	sld [smem:$0x7E3]  }
0x303: {  	[sflag:s8] =	ssyncset.done $0x0  }
0x304: {  	[sflag:s8] =	ssyncadd.s32 $0xFFFF8000  }
0x305: {  	[hbm4b:s0+s1] =	stream.linear.scatter [tilespmem:s4], [sflag:$0x3], $0x8000, $0x38;
	[tilespmem:$0x16740] =	vst v63  }
0x306: {  	_ =	swait.ge [sflag:s5], $0x8000  }
0x307: {  	[sflag:s5] =	ssyncset.done $0x0  }
0x308: {  	[sflag:s5] =	ssyncadd.s32 $0xFFFF8000  }
0x309: {  	[tilespmem:s4], [sflag:$0x1] =	stream.indirect.gather [spmem:s2], $0x40, s11, s6, $0xb8;
	[tilespmem:$0x16740] =	vst v63  }
0x30a: {  	_ =	swait.ge [sflag:s9], $0x8000  }
0x30b: {  	s0 =	sld [smem:$0x7E4]  }
0x30c: {  	[sflag:s9] =	ssyncset.done $0x0  }
0x30d: {  	[sflag:s9] =	ssyncadd.s32 $0xFFFF8000  }
0x30e: {  	[hbm4b:s0+s1] =	stream.linear.scatter [tilespmem:s3], [sflag:$0x4], $0x8000, $0x38;
	[tilespmem:$0x16740] =	vst v63  }
0x30f: {  	_ =	swait.ge [sflag:s7], $0x8000  }
0x310: {  	[sflag:s7] =	ssyncset.done $0x0  }
0x311: {  	[sflag:s7] =	ssyncadd.s32 $0xFFFF8000  }
0x312: {  	[tilespmem:s3], [sflag:$0x2] =	stream.indirect.gather [spmem:s2], $0x40, s10, s6, $0xb8;
	[tilespmem:$0x16740] =	vst v63  }
0x313: {  	_ =	swait.ge [sflag:s8], $0x8000  }
0x314: {  	s0 =	sld [smem:$0x7E5]  }
0x315: {  	[sflag:s8] =	ssyncset.done $0x0  }
0x316: {  	[sflag:s8] =	ssyncadd.s32 $0xFFFF8000  }
0x317: {  	[hbm4b:s0+s1] =	stream.linear.scatter [tilespmem:s4], [sflag:$0x3], $0x8000, $0x38;
	[tilespmem:$0x16740] =	vst v63  }
0x318: {  	_ =	swait.ge [sflag:s9], $0x8000  }
0x319: {  	s0 =	sld [smem:$0x7E6]  }
0x31a: {  	s31 =	sadd.s32 $0xFFFFFFFF, s31;
	[sflag:s9] =	ssyncset.done $0x0  }
0x31b: {  	p2 =	sne.s32 s31, $0x0;
	[sflag:s9] =	ssyncadd.s32 $0xFFFF8000  }
0x31c: {  	[hbm4b:s0+s1] =	stream.linear.scatter [tilespmem:s3], [sflag:$0x4], $0x8000, $0x38;
	[tilespmem:$0x16740] =	vst v63  }
.Ltmp2:
0x31d: {  	_ =	swait.ge [sflag:s5], $0x8000;
	(pc) =	sbr.rel @p2 .LBB2_3-.Ltmp2, $4  }
0x31e: {  	[sflag:s5] =	ssyncset.done $0x0  }
0x31f: {  	[sflag:s5] =	ssyncadd.s32 $0xFFFF8000  }
0x320: {  	_ =	swait.ge [sflag:s7], $0x8000  }
0x321: {  	s0 =	rddreg [dreg:$0x4];
	[sflag:s7] =	ssyncset.done $0x0  }
0x322: {  	s30 =	rddreg [dreg:$0x3]  }
.LBB2_5:
0x323: {  	[sflag:s7] =	ssyncadd.s32 @p1 $0xFFFF8000;
	s29 =	simm.s32 @!p0 $0x1C05  }
0x324: {  	[spmem:s28], [sflag:s29] =	dma.local @!p0 [hbm:s0], $0x1F40  }
0x325: {  	s0 =	simm.s32 @!p0 $0x5  }
0x326: {  	_ =	swait.ge @!p0 [sflag:s0], $0x1F40  }
0x327: {  	[sflag:s0] =	ssyncset.done @!p0 $0x0  }
0x328: {  	s28 =	rddreg [dreg:$0x5];
	[sflag:s0] =	ssyncadd.s32 @!p0 $0xFFFFE0C0  }
0x329: {  	[spmem:s26], [sflag:s29] =	dma.local @!p0 [hbm:s28], $0x1F40  }
0x32a: {  	_ =	swait.ge @!p0 [sflag:s0], $0x1F40  }
0x32b: {  	[sflag:s0] =	ssyncset.done @!p0 $0x0  }
0x32c: {  	[sflag:s0] =	ssyncadd.s32 @!p0 $0xFFFFE0C0  }
0x32d: {  	[bflag:$0x0] =	sbarrier.arrive $0xFFFF  }
0x32e: {  	s28 =	rddreg [dreg:$0x6]  }
0x32f: {  	[tilespmem:s1], [sflag:$0x5] =	stream.linear.gather [hbm4b:s28+s1], $0x400, $0x38;
	[tilespmem:$0x16740] =	vst v63  }
0x330: {  	_ =	swait.ge [sflag:s25], $0x400  }
0x331: {  	[sflag:s25] =	ssyncset.done $0x0  }
0x332: {  	s29 =	rddreg [dreg:$0x7];
	[sflag:s25] =	ssyncadd.s32 $0xFFFFFC00  }
0x333: {  	[tilespmem:s24], [sflag:$0x5] =	stream.linear.gather [hbm4b:s29+s1], $0x200, $0x38;
	[tilespmem:$0x16740] =	vst v63  }
0x334: {  	_ =	swait.ge [sflag:s25], $0x200  }
0x335: {  	[sflag:s25] =	ssyncset.done $0x0  }
0x336: {  	s31 =	rddreg [dreg:$0x8];
	[sflag:s25] =	ssyncadd.s32 $0xFFFFFE00  }
0x337: {  	[tilespmem:s23], [sflag:$0x5] =	stream.linear.gather [hbm4b:s31+s1], $0x400, $0x38;
	[tilespmem:$0x16740] =	vst v63  }
0x338: {  	_ =	swait.ge [sflag:s25], $0x400  }
0x339: {  	[sflag:s25] =	ssyncset.done $0x0  }
0x33a: {  	s26 =	rddreg [dreg:$0x9];
	[sflag:s25] =	ssyncadd.s32 $0xFFFFFC00  }
0x33b: {  	[tilespmem:s21], [sflag:$0x5] =	stream.linear.gather [hbm4b:s26+s1], $0x200, $0x38;
	[tilespmem:$0x16740] =	vst v63  }
0x33c: {  	_ =	swait.ge [sflag:s25], $0x200  }
0x33d: {  	[sflag:s25] =	ssyncset.done $0x0  }
0x33e: {  	s28 =	rddreg [dreg:$0xa];
	[sflag:s25] =	ssyncadd.s32 $0xFFFFFE00  }
0x33f: {  	[tilespmem:s20], [sflag:$0x5] =	stream.linear.gather [hbm4b:s28+s1], $0x2800, $0x38;
	[tilespmem:$0x16740] =	vst v63  }
0x340: {  	_ =	swait.ge [sflag:s25], $0x2800  }
0x341: {  	[sflag:s25] =	ssyncset.done $0x0  }
0x342: {  	s29 =	rddreg [dreg:$0xb];
	[sflag:s25] =	ssyncadd.s32 $0xFFFFD800  }
0x343: {  	[tilespmem:s17], [sflag:$0x5] =	stream.linear.gather [hbm4b:s29+s1], $0x1400, $0x38;
	[tilespmem:$0x16740] =	vst v63  }
0x344: {  	_ =	swait.ge [sflag:s25], $0x1400  }
0x345: {  	[sflag:s25] =	ssyncset.done $0x0  }
0x346: {  	[sflag:s25] =	ssyncadd.s32 $0xFFFFEC00  }
0x347: {  	[tilespmem:s4], [sflag:$0x1] =	stream.indirect.gather [hbm4b:s22+s6], $0x40, s1, s6, $0xb8;
	[tilespmem:$0x16740] =	vst v63  }
0x348: {  	_ = 	snop  }
0x349: {  	[tilespmem:s3], [sflag:$0x2] =	stream.indirect.gather [hbm4b:s22+s6], $0x40, s6, s6, $0xb8;
	[tilespmem:$0x16740] =	vst v63  }
0x34a: {  	_ =	swait.ge [sflag:s8], $0x8000  }
0x34b: {  	[sflag:s8] =	ssyncset.done $0x0  }
0x34c: {  	s31 =	rddreg [dreg:$0xc];
	[sflag:s8] =	ssyncadd.s32 $0xFFFF8000  }
0x34d: {  	[hbm4b:s31+s1] =	stream.linear.scatter [tilespmem:s4], [sflag:$0x3], $0x8000, $0x38;
	[tilespmem:$0x16740] =	vst v63  }
0x34e: {  	_ =	swait.ge [sflag:s5], $0x8000  }
0x34f: {  	[sflag:s5] =	ssyncset.done $0x0  }
0x350: {  	[sflag:s5] =	ssyncadd.s32 $0xFFFF8000  }
0x351: {  	[tilespmem:s4], [sflag:$0x1] =	stream.indirect.gather [spmem:s18], $0x40, s24, s6, $0xb8;
	[tilespmem:$0x16740] =	vst v63  }
0x352: {  	_ =	swait.ge [sflag:s9], $0x8000  }
0x353: {  	[sflag:s9] =	ssyncset.done $0x0  }
0x354: {  	s22 =	rddreg [dreg:$0xd];
	[sflag:s9] =	ssyncadd.s32 $0xFFFF8000  }
0x355: {  	[hbm4b:s22+s1] =	stream.linear.scatter [tilespmem:s3], [sflag:$0x4], $0x8000, $0x38;
	[tilespmem:$0x16740] =	vst v63  }
0x356: {  	_ =	swait.ge [sflag:s7], $0x8000  }
0x357: {  	[sflag:s7] =	ssyncset.done $0x0  }
0x358: {  	[sflag:s7] =	ssyncadd.s32 $0xFFFF8000  }
0x359: {  	[tilespmem:s3], [sflag:$0x2] =	stream.indirect.gather [hbm4b:s15+s6], $0x40, s23, s6, $0xb8;
	[tilespmem:$0x16740] =	vst v63  }
0x35a: {  	_ =	swait.ge [sflag:s8], $0x8000  }
0x35b: {  	[sflag:s8] =	ssyncset.done $0x0  }
0x35c: {  	s24 =	rddreg [dreg:$0xe];
	[sflag:s8] =	ssyncadd.s32 $0xFFFF8000  }
0x35d: {  	[hbm4b:s24+s1] =	stream.linear.scatter [tilespmem:s4], [sflag:$0x3], $0x8000, $0x38;
	[tilespmem:$0x16740] =	vst v63  }
0x35e: {  	_ =	swait.ge [sflag:s5], $0x8000  }
0x35f: {  	s25 =	sld [smem:$0x7E7]  }
0x360: {  	[sflag:s5] =	ssyncset.done $0x0  }
0x361: {  	[sflag:s5] =	ssyncadd.s32 $0xFFFF8000  }
0x362: {  	[tilespmem:s4], [sflag:$0x1] =	stream.indirect.gather [hbm4b:s15+s6], $0x40, s25, s6, $0xb8;
	[tilespmem:$0x16740] =	vst v63  }
0x363: {  	_ =	swait.ge [sflag:s9], $0x8000  }
0x364: {  	[sflag:s9] =	ssyncset.done $0x0  }
0x365: {  	s26 =	rddreg [dreg:$0xf];
	[sflag:s9] =	ssyncadd.s32 $0xFFFF8000  }
0x366: {  	[hbm4b:s26+s1] =	stream.linear.scatter [tilespmem:s3], [sflag:$0x4], $0x8000, $0x38;
	[tilespmem:$0x16740] =	vst v63  }
0x367: {  	_ =	swait.ge [sflag:s7], $0x8000  }
0x368: {  	[sflag:s7] =	ssyncset.done $0x0  }
0x369: {  	[sflag:s7] =	ssyncadd.s32 $0xFFFF8000  }
0x36a: {  	[tilespmem:s3], [sflag:$0x2] =	stream.indirect.gather [spmem:s2], $0x40, s21, s6, $0xb8;
	[tilespmem:$0x16740] =	vst v63  }
0x36b: {  	_ =	swait.ge [sflag:s8], $0x8000  }
0x36c: {  	[sflag:s8] =	ssyncset.done $0x0  }
0x36d: {  	s28 =	rddreg [dreg:$0x10];
	[sflag:s8] =	ssyncadd.s32 $0xFFFF8000  }
0x36e: {  	[hbm4b:s28+s1] =	stream.linear.scatter [tilespmem:s4], [sflag:$0x3], $0x8000, $0x38;
	[tilespmem:$0x16740] =	vst v63  }
0x36f: {  	_ =	swait.ge [sflag:s5], $0x8000  }
0x370: {  	[sflag:s5] =	ssyncset.done $0x0  }
0x371: {  	[sflag:s5] =	ssyncadd.s32 $0xFFFF8000  }
0x372: {  	[tilespmem:s4], [sflag:$0x1] =	stream.indirect.gather [hbm4b:s15+s6], $0x40, s20, s6, $0xb8;
	[tilespmem:$0x16740] =	vst v63  }
0x373: {  	_ =	swait.ge [sflag:s9], $0x8000  }
0x374: {  	[sflag:s9] =	ssyncset.done $0x0  }
0x375: {  	s29 =	rddreg [dreg:$0x11];
	[sflag:s9] =	ssyncadd.s32 $0xFFFF8000  }
0x376: {  	[hbm4b:s29+s1] =	stream.linear.scatter [tilespmem:s3], [sflag:$0x4], $0x8000, $0x38;
	[tilespmem:$0x16740] =	vst v63  }
0x377: {  	_ =	swait.ge [sflag:s7], $0x8000  }
0x378: {  	s31 =	sld [smem:$0x7E8]  }
0x379: {  	[sflag:s7] =	ssyncset.done $0x0  }
0x37a: {  	[sflag:s7] =	ssyncadd.s32 $0xFFFF8000  }
0x37b: {  	[tilespmem:s3], [sflag:$0x2] =	stream.indirect.gather [hbm4b:s15+s6], $0x40, s31, s6, $0xb8;
	[tilespmem:$0x16740] =	vst v63  }
0x37c: {  	_ =	swait.ge [sflag:s8], $0x8000  }
0x37d: {  	[sflag:s8] =	ssyncset.done $0x0  }
0x37e: {  	[sflag:s8] =	ssyncadd.s32 $0xFFFF8000  }
0x37f: {  	[hbm4b:s19+s1] =	stream.linear.scatter [tilespmem:s4], [sflag:$0x3], $0x8000, $0x38;
	[tilespmem:$0x16740] =	vst v63  }
0x380: {  	_ =	swait.ge [sflag:s5], $0x8000  }
0x381: {  	s18 =	sld [smem:$0x7E9]  }
0x382: {  	[sflag:s5] =	ssyncset.done $0x0  }
0x383: {  	[sflag:s5] =	ssyncadd.s32 $0xFFFF8000  }
0x384: {  	[tilespmem:s4], [sflag:$0x1] =	stream.indirect.gather [hbm4b:s15+s6], $0x40, s18, s6, $0xb8;
	[tilespmem:$0x16740] =	vst v63  }
0x385: {  	_ =	swait.ge [sflag:s9], $0x8000  }
0x386: {  	[sflag:s9] =	ssyncset.done $0x0  }
0x387: {  	s19 =	rddreg [dreg:$0x12];
	[sflag:s9] =	ssyncadd.s32 $0xFFFF8000  }
0x388: {  	[hbm4b:s19+s1] =	stream.linear.scatter [tilespmem:s3], [sflag:$0x4], $0x8000, $0x38;
	[tilespmem:$0x16740] =	vst v63  }
0x389: {  	_ =	swait.ge [sflag:s7], $0x8000  }
0x38a: {  	s20 =	sld [smem:$0x7EA]  }
0x38b: {  	[sflag:s7] =	ssyncset.done $0x0  }
0x38c: {  	[sflag:s7] =	ssyncadd.s32 $0xFFFF8000  }
0x38d: {  	[tilespmem:s3], [sflag:$0x2] =	stream.indirect.gather [hbm4b:s15+s6], $0x40, s20, s6, $0xb8;
	[tilespmem:$0x16740] =	vst v63  }
0x38e: {  	_ =	swait.ge [sflag:s8], $0x8000  }
0x38f: {  	[sflag:s8] =	ssyncset.done $0x0  }
0x390: {  	s21 =	rddreg [dreg:$0x13];
	[sflag:s8] =	ssyncadd.s32 $0xFFFF8000  }
0x391: {  	[hbm4b:s21+s1] =	stream.linear.scatter [tilespmem:s4], [sflag:$0x3], $0x8000, $0x38;
	[tilespmem:$0x16740] =	vst v63  }
0x392: {  	_ =	swait.ge [sflag:s5], $0x8000  }
0x393: {  	s22 =	sld [smem:$0x7EB]  }
0x394: {  	[sflag:s5] =	ssyncset.done $0x0  }
0x395: {  	[sflag:s5] =	ssyncadd.s32 $0xFFFF8000  }
0x396: {  	[tilespmem:s4], [sflag:$0x1] =	stream.indirect.gather [hbm4b:s15+s6], $0x40, s22, s6, $0xb8;
	[tilespmem:$0x16740] =	vst v63  }
0x397: {  	_ =	swait.ge [sflag:s9], $0x8000  }
0x398: {  	[sflag:s9] =	ssyncset.done $0x0  }
0x399: {  	s23 =	rddreg [dreg:$0x14];
	[sflag:s9] =	ssyncadd.s32 $0xFFFF8000  }
0x39a: {  	[hbm4b:s23+s1] =	stream.linear.scatter [tilespmem:s3], [sflag:$0x4], $0x8000, $0x38;
	[tilespmem:$0x16740] =	vst v63  }
0x39b: {  	_ =	swait.ge [sflag:s7], $0x8000  }
0x39c: {  	s24 =	sld [smem:$0x7EC]  }
0x39d: {  	[sflag:s7] =	ssyncset.done $0x0  }
0x39e: {  	[sflag:s7] =	ssyncadd.s32 $0xFFFF8000  }
0x39f: {  	[tilespmem:s3], [sflag:$0x2] =	stream.indirect.gather [hbm4b:s15+s6], $0x40, s24, s6, $0xb8;
	[tilespmem:$0x16740] =	vst v63  }
0x3a0: {  	_ =	swait.ge [sflag:s8], $0x8000  }
0x3a1: {  	[sflag:s8] =	ssyncset.done $0x0  }
0x3a2: {  	s25 =	rddreg [dreg:$0x15];
	[sflag:s8] =	ssyncadd.s32 $0xFFFF8000  }
0x3a3: {  	[hbm4b:s25+s1] =	stream.linear.scatter [tilespmem:s4], [sflag:$0x3], $0x8000, $0x38;
	[tilespmem:$0x16740] =	vst v63  }
0x3a4: {  	_ =	swait.ge [sflag:s5], $0x8000  }
0x3a5: {  	s26 =	sld [smem:$0x7ED]  }
0x3a6: {  	[sflag:s5] =	ssyncset.done $0x0  }
0x3a7: {  	[sflag:s5] =	ssyncadd.s32 $0xFFFF8000  }
0x3a8: {  	[tilespmem:s4], [sflag:$0x1] =	stream.indirect.gather [hbm4b:s15+s6], $0x40, s26, s6, $0xb8;
	[tilespmem:$0x16740] =	vst v63  }
0x3a9: {  	_ =	swait.ge [sflag:s9], $0x8000  }
0x3aa: {  	[sflag:s9] =	ssyncset.done $0x0  }
0x3ab: {  	s28 =	rddreg [dreg:$0x16];
	[sflag:s9] =	ssyncadd.s32 $0xFFFF8000  }
0x3ac: {  	[hbm4b:s28+s1] =	stream.linear.scatter [tilespmem:s3], [sflag:$0x4], $0x8000, $0x38;
	[tilespmem:$0x16740] =	vst v63  }
0x3ad: {  	_ =	swait.ge [sflag:s7], $0x8000  }
0x3ae: {  	s29 =	sld [smem:$0x7EE]  }
0x3af: {  	[sflag:s7] =	ssyncset.done $0x0  }
0x3b0: {  	[sflag:s7] =	ssyncadd.s32 $0xFFFF8000  }
0x3b1: {  	[tilespmem:s3], [sflag:$0x2] =	stream.indirect.gather [hbm4b:s15+s6], $0x40, s29, s6, $0xb8;
	[tilespmem:$0x16740] =	vst v63  }
0x3b2: {  	_ =	swait.ge [sflag:s8], $0x8000  }
0x3b3: {  	[sflag:s8] =	ssyncset.done $0x0  }
0x3b4: {  	s31 =	rddreg [dreg:$0x17];
	[sflag:s8] =	ssyncadd.s32 $0xFFFF8000  }
0x3b5: {  	[hbm4b:s31+s1] =	stream.linear.scatter [tilespmem:s4], [sflag:$0x3], $0x8000, $0x38;
	[tilespmem:$0x16740] =	vst v63  }
0x3b6: {  	_ =	swait.ge [sflag:s5], $0x8000  }
0x3b7: {  	s18 =	sld [smem:$0x7EF]  }
0x3b8: {  	[sflag:s5] =	ssyncset.done $0x0  }
0x3b9: {  	[sflag:s5] =	ssyncadd.s32 $0xFFFF8000  }
0x3ba: {  	[tilespmem:s4], [sflag:$0x1] =	stream.indirect.gather [hbm4b:s15+s6], $0x40, s18, s6, $0xb8;
	[tilespmem:$0x16740] =	vst v63  }
0x3bb: {  	_ =	swait.ge [sflag:s9], $0x8000  }
0x3bc: {  	[sflag:s9] =	ssyncset.done $0x0  }
0x3bd: {  	s19 =	rddreg [dreg:$0x18];
	[sflag:s9] =	ssyncadd.s32 $0xFFFF8000  }
0x3be: {  	[hbm4b:s19+s1] =	stream.linear.scatter [tilespmem:s3], [sflag:$0x4], $0x8000, $0x38;
	[tilespmem:$0x16740] =	vst v63  }
0x3bf: {  	_ =	swait.ge [sflag:s7], $0x8000  }
0x3c0: {  	s20 =	sld [smem:$0x7F0]  }
0x3c1: {  	[sflag:s7] =	ssyncset.done $0x0  }
0x3c2: {  	[sflag:s7] =	ssyncadd.s32 $0xFFFF8000  }
0x3c3: {  	[tilespmem:s3], [sflag:$0x2] =	stream.indirect.gather [hbm4b:s15+s6], $0x40, s20, s6, $0xb8;
	[tilespmem:$0x16740] =	vst v63  }
0x3c4: {  	_ =	swait.ge [sflag:s8], $0x8000  }
0x3c5: {  	[sflag:s8] =	ssyncset.done $0x0  }
0x3c6: {  	s21 =	rddreg [dreg:$0x19];
	[sflag:s8] =	ssyncadd.s32 $0xFFFF8000  }
0x3c7: {  	[hbm4b:s21+s1] =	stream.linear.scatter [tilespmem:s4], [sflag:$0x3], $0x8000, $0x38;
	[tilespmem:$0x16740] =	vst v63  }
0x3c8: {  	_ =	swait.ge [sflag:s5], $0x8000  }
0x3c9: {  	s22 =	sld [smem:$0x7F1]  }
0x3ca: {  	[sflag:s5] =	ssyncset.done $0x0  }
0x3cb: {  	[sflag:s5] =	ssyncadd.s32 $0xFFFF8000  }
0x3cc: {  	[tilespmem:s4], [sflag:$0x1] =	stream.indirect.gather [hbm4b:s15+s6], $0x40, s22, s6, $0xb8;
	[tilespmem:$0x16740] =	vst v63  }
0x3cd: {  	_ =	swait.ge [sflag:s9], $0x8000  }
0x3ce: {  	[sflag:s9] =	ssyncset.done $0x0  }
0x3cf: {  	s23 =	rddreg [dreg:$0x1a];
	[sflag:s9] =	ssyncadd.s32 $0xFFFF8000  }
0x3d0: {  	[hbm4b:s23+s1] =	stream.linear.scatter [tilespmem:s3], [sflag:$0x4], $0x8000, $0x38;
	[tilespmem:$0x16740] =	vst v63  }
0x3d1: {  	_ =	swait.ge [sflag:s7], $0x8000  }
0x3d2: {  	s24 =	sld [smem:$0x7F2]  }
0x3d3: {  	[sflag:s7] =	ssyncset.done $0x0  }
0x3d4: {  	[sflag:s7] =	ssyncadd.s32 $0xFFFF8000  }
0x3d5: {  	[tilespmem:s3], [sflag:$0x2] =	stream.indirect.gather [hbm4b:s15+s6], $0x40, s24, s6, $0xb8;
	[tilespmem:$0x16740] =	vst v63  }
0x3d6: {  	_ =	swait.ge [sflag:s8], $0x8000  }
0x3d7: {  	[sflag:s8] =	ssyncset.done $0x0  }
0x3d8: {  	s25 =	rddreg [dreg:$0x1b];
	[sflag:s8] =	ssyncadd.s32 $0xFFFF8000  }
0x3d9: {  	[hbm4b:s25+s1] =	stream.linear.scatter [tilespmem:s4], [sflag:$0x3], $0x8000, $0x38;
	[tilespmem:$0x16740] =	vst v63  }
0x3da: {  	_ =	swait.ge [sflag:s5], $0x8000  }
0x3db: {  	s26 =	sld [smem:$0x7F3]  }
0x3dc: {  	[sflag:s5] =	ssyncset.done $0x0  }
0x3dd: {  	[sflag:s5] =	ssyncadd.s32 $0xFFFF8000  }
0x3de: {  	[tilespmem:s4], [sflag:$0x1] =	stream.indirect.gather [hbm4b:s15+s6], $0x40, s26, s6, $0xb8;
	[tilespmem:$0x16740] =	vst v63  }
0x3df: {  	_ =	swait.ge [sflag:s9], $0x8000  }
0x3e0: {  	[sflag:s9] =	ssyncset.done $0x0  }
0x3e1: {  	s28 =	rddreg [dreg:$0x1c];
	[sflag:s9] =	ssyncadd.s32 $0xFFFF8000  }
0x3e2: {  	[hbm4b:s28+s1] =	stream.linear.scatter [tilespmem:s3], [sflag:$0x4], $0x8000, $0x38;
	[tilespmem:$0x16740] =	vst v63  }
0x3e3: {  	_ =	swait.ge [sflag:s7], $0x8000  }
0x3e4: {  	s29 =	sld [smem:$0x7F4]  }
0x3e5: {  	[sflag:s7] =	ssyncset.done $0x0  }
0x3e6: {  	[sflag:s7] =	ssyncadd.s32 $0xFFFF8000  }
0x3e7: {  	[tilespmem:s3], [sflag:$0x2] =	stream.indirect.gather [hbm4b:s15+s6], $0x40, s29, s6, $0xb8;
	[tilespmem:$0x16740] =	vst v63  }
0x3e8: {  	_ =	swait.ge [sflag:s8], $0x8000  }
0x3e9: {  	[sflag:s8] =	ssyncset.done $0x0  }
0x3ea: {  	s31 =	rddreg [dreg:$0x1d];
	[sflag:s8] =	ssyncadd.s32 $0xFFFF8000  }
0x3eb: {  	[hbm4b:s31+s1] =	stream.linear.scatter [tilespmem:s4], [sflag:$0x3], $0x8000, $0x38;
	[tilespmem:$0x16740] =	vst v63  }
0x3ec: {  	_ =	swait.ge [sflag:s5], $0x8000  }
0x3ed: {  	s18 =	sld [smem:$0x7F5]  }
0x3ee: {  	[sflag:s5] =	ssyncset.done $0x0  }
0x3ef: {  	[sflag:s5] =	ssyncadd.s32 $0xFFFF8000  }
0x3f0: {  	[tilespmem:s4], [sflag:$0x1] =	stream.indirect.gather [hbm4b:s15+s6], $0x40, s18, s6, $0xb8;
	[tilespmem:$0x16740] =	vst v63  }
0x3f1: {  	_ =	swait.ge [sflag:s9], $0x8000  }
0x3f2: {  	[sflag:s9] =	ssyncset.done $0x0  }
0x3f3: {  	s19 =	rddreg [dreg:$0x1e];
	[sflag:s9] =	ssyncadd.s32 $0xFFFF8000  }
0x3f4: {  	[hbm4b:s19+s1] =	stream.linear.scatter [tilespmem:s3], [sflag:$0x4], $0x8000, $0x38;
	[tilespmem:$0x16740] =	vst v63  }
0x3f5: {  	_ =	swait.ge [sflag:s7], $0x8000  }
0x3f6: {  	s20 =	sld [smem:$0x7F6]  }
0x3f7: {  	[sflag:s7] =	ssyncset.done $0x0  }
0x3f8: {  	[sflag:s7] =	ssyncadd.s32 $0xFFFF8000  }
0x3f9: {  	[tilespmem:s3], [sflag:$0x2] =	stream.indirect.gather [hbm4b:s15+s6], $0x40, s20, s6, $0xb8;
	[tilespmem:$0x16740] =	vst v63  }
0x3fa: {  	_ =	swait.ge [sflag:s8], $0x8000  }
0x3fb: {  	[sflag:s8] =	ssyncset.done $0x0  }
0x3fc: {  	s21 =	rddreg [dreg:$0x1f];
	[sflag:s8] =	ssyncadd.s32 $0xFFFF8000  }
0x3fd: {  	[hbm4b:s21+s1] =	stream.linear.scatter [tilespmem:s4], [sflag:$0x3], $0x8000, $0x38;
	[tilespmem:$0x16740] =	vst v63  }
0x3fe: {  	_ =	swait.ge [sflag:s5], $0x8000  }
0x3ff: {  	s22 =	sld [smem:$0x7F7]  }
0x400: {  	[sflag:s5] =	ssyncset.done $0x0  }
0x401: {  	[sflag:s5] =	ssyncadd.s32 $0xFFFF8000  }
0x402: {  	[tilespmem:s4], [sflag:$0x1] =	stream.indirect.gather [hbm4b:s15+s6], $0x40, s22, s6, $0xb8;
	[tilespmem:$0x16740] =	vst v63  }
0x403: {  	_ =	swait.ge [sflag:s9], $0x8000  }
0x404: {  	s23 =	sld [smem:$0x7D8]  }
0x405: {  	[sflag:s9] =	ssyncset.done $0x0  }
0x406: {  	[sflag:s9] =	ssyncadd.s32 $0xFFFF8000  }
0x407: {  	[hbm4b:s23+s1] =	stream.linear.scatter [tilespmem:s3], [sflag:$0x4], $0x8000, $0x38;
	[tilespmem:$0x16740] =	vst v63  }
0x408: {  	_ =	swait.ge [sflag:s7], $0x8000  }
0x409: {  	s24 =	sld [smem:$0x7F8]  }
0x40a: {  	[sflag:s7] =	ssyncset.done $0x0  }
0x40b: {  	[sflag:s7] =	ssyncadd.s32 $0xFFFF8000  }
0x40c: {  	[tilespmem:s3], [sflag:$0x2] =	stream.indirect.gather [hbm4b:s15+s6], $0x40, s24, s6, $0xb8;
	[tilespmem:$0x16740] =	vst v63  }
0x40d: {  	_ =	swait.ge [sflag:s8], $0x8000  }
0x40e: {  	s25 =	sld [smem:$0x7D9]  }
0x40f: {  	[sflag:s8] =	ssyncset.done $0x0  }
0x410: {  	[sflag:s8] =	ssyncadd.s32 $0xFFFF8000  }
0x411: {  	[hbm4b:s25+s1] =	stream.linear.scatter [tilespmem:s4], [sflag:$0x3], $0x8000, $0x38;
	[tilespmem:$0x16740] =	vst v63  }
0x412: {  	_ =	swait.ge [sflag:s5], $0x8000  }
0x413: {  	s26 =	sld [smem:$0x7F9]  }
0x414: {  	[sflag:s5] =	ssyncset.done $0x0  }
0x415: {  	[sflag:s5] =	ssyncadd.s32 $0xFFFF8000  }
0x416: {  	[tilespmem:s4], [sflag:$0x1] =	stream.indirect.gather [hbm4b:s15+s6], $0x40, s26, s6, $0xb8;
	[tilespmem:$0x16740] =	vst v63  }
0x417: {  	_ =	swait.ge [sflag:s9], $0x8000  }
0x418: {  	s28 =	sld [smem:$0x7DA]  }
0x419: {  	[sflag:s9] =	ssyncset.done $0x0  }
0x41a: {  	[sflag:s9] =	ssyncadd.s32 $0xFFFF8000  }
0x41b: {  	[hbm4b:s28+s1] =	stream.linear.scatter [tilespmem:s3], [sflag:$0x4], $0x8000, $0x38;
	[tilespmem:$0x16740] =	vst v63  }
0x41c: {  	_ =	swait.ge [sflag:s7], $0x8000  }
0x41d: {  	s29 =	sld [smem:$0x7FA]  }
0x41e: {  	[sflag:s7] =	ssyncset.done $0x0  }
0x41f: {  	[sflag:s7] =	ssyncadd.s32 $0xFFFF8000  }
0x420: {  	[tilespmem:s3], [sflag:$0x2] =	stream.indirect.gather [hbm4b:s15+s6], $0x40, s29, s6, $0xb8;
	[tilespmem:$0x16740] =	vst v63  }
0x421: {  	_ =	swait.ge [sflag:s8], $0x8000  }
0x422: {  	s31 =	sld [smem:$0x7DB]  }
0x423: {  	[sflag:s8] =	ssyncset.done $0x0  }
0x424: {  	[sflag:s8] =	ssyncadd.s32 $0xFFFF8000  }
0x425: {  	[hbm4b:s31+s1] =	stream.linear.scatter [tilespmem:s4], [sflag:$0x3], $0x8000, $0x38;
	[tilespmem:$0x16740] =	vst v63  }
0x426: {  	_ =	swait.ge [sflag:s5], $0x8000  }
0x427: {  	[sflag:s5] =	ssyncset.done $0x0  }
0x428: {  	[sflag:s5] =	ssyncadd.s32 $0xFFFF8000  }
0x429: {  	[tilespmem:s4], [sflag:$0x1] =	stream.indirect.gather [spmem:s2], $0x40, s17, s6, $0xb8;
	[tilespmem:$0x16740] =	vst v63  }
0x42a: {  	_ =	swait.ge [sflag:s9], $0x8000  }
0x42b: {  	s15 =	sld [smem:$0x7DC]  }
0x42c: {  	[sflag:s9] =	ssyncset.done $0x0  }
0x42d: {  	[sflag:s9] =	ssyncadd.s32 $0xFFFF8000  }
0x42e: {  	[hbm4b:s15+s1] =	stream.linear.scatter [tilespmem:s3], [sflag:$0x4], $0x8000, $0x38;
	[tilespmem:$0x16740] =	vst v63  }
0x42f: {  	_ =	swait.ge [sflag:s7], $0x8000  }
0x430: {  	s17 =	sld [smem:$0x7FB]  }
0x431: {  	[sflag:s7] =	ssyncset.done $0x0  }
0x432: {  	[sflag:s7] =	ssyncadd.s32 $0xFFFF8000  }
0x433: {  	[tilespmem:s3], [sflag:$0x2] =	stream.indirect.gather [spmem:s2], $0x40, s17, s6, $0xb8;
	[tilespmem:$0x16740] =	vst v63  }
0x434: {  	_ =	swait.ge [sflag:s8], $0x8000  }
0x435: {  	s18 =	sld [smem:$0x7DD]  }
0x436: {  	[sflag:s8] =	ssyncset.done $0x0  }
0x437: {  	[sflag:s8] =	ssyncadd.s32 $0xFFFF8000  }
0x438: {  	[hbm4b:s18+s1] =	stream.linear.scatter [tilespmem:s4], [sflag:$0x3], $0x8000, $0x38;
	[tilespmem:$0x16740] =	vst v63  }
0x439: {  	_ =	swait.ge [sflag:s5], $0x8000  }
0x43a: {  	s19 =	sld [smem:$0x7FC]  }
0x43b: {  	[sflag:s5] =	ssyncset.done $0x0  }
0x43c: {  	[sflag:s5] =	ssyncadd.s32 $0xFFFF8000  }
0x43d: {  	[tilespmem:s4], [sflag:$0x1] =	stream.indirect.gather [spmem:s2], $0x40, s19, s6, $0xb8;
	[tilespmem:$0x16740] =	vst v63  }
0x43e: {  	_ =	swait.ge [sflag:s9], $0x8000  }
0x43f: {  	s20 =	sld [smem:$0x7DE]  }
0x440: {  	[sflag:s9] =	ssyncset.done $0x0  }
0x441: {  	[sflag:s9] =	ssyncadd.s32 $0xFFFF8000  }
0x442: {  	[hbm4b:s20+s1] =	stream.linear.scatter [tilespmem:s3], [sflag:$0x4], $0x8000, $0x38;
	[tilespmem:$0x16740] =	vst v63  }
0x443: {  	_ =	swait.ge [sflag:s7], $0x8000  }
0x444: {  	s21 =	sld [smem:$0x7FD]  }
0x445: {  	[sflag:s7] =	ssyncset.done $0x0  }
0x446: {  	[sflag:s7] =	ssyncadd.s32 $0xFFFF8000  }
0x447: {  	[tilespmem:s3], [sflag:$0x2] =	stream.indirect.gather [spmem:s2], $0x40, s21, s6, $0xb8;
	[tilespmem:$0x16740] =	vst v63  }
0x448: {  	_ =	swait.ge [sflag:s8], $0x8000  }
0x449: {  	s22 =	sld [smem:$0x7DF]  }
0x44a: {  	[sflag:s8] =	ssyncset.done $0x0  }
0x44b: {  	[sflag:s8] =	ssyncadd.s32 $0xFFFF8000  }
0x44c: {  	[hbm4b:s22+s1] =	stream.linear.scatter [tilespmem:s4], [sflag:$0x3], $0x8000, $0x38;
	[tilespmem:$0x16740] =	vst v63  }
0x44d: {  	_ =	swait.ge [sflag:s5], $0x8000  }
0x44e: {  	[sflag:s5] =	ssyncset.done $0x0  }
0x44f: {  	[sflag:s5] =	ssyncadd.s32 $0xFFFF8000  }
0x450: {  	[tilespmem:s4], [sflag:$0x1] =	stream.indirect.gather [spmem:s2], $0x40, s16, s6, $0xb8;
	[tilespmem:$0x16740] =	vst v63  }
0x451: {  	_ =	swait.ge [sflag:s9], $0x8000  }
0x452: {  	s23 =	sld [smem:$0x7E0]  }
0x453: {  	[sflag:s9] =	ssyncset.done $0x0  }
0x454: {  	[sflag:s9] =	ssyncadd.s32 $0xFFFF8000  }
0x455: {  	[hbm4b:s23+s1] =	stream.linear.scatter [tilespmem:s3], [sflag:$0x4], $0x8000, $0x38;
	[tilespmem:$0x16740] =	vst v63  }
0x456: {  	_ =	swait.ge [sflag:s7], $0x8000  }
0x457: {  	[sflag:s7] =	ssyncset.done $0x0  }
0x458: {  	[sflag:s7] =	ssyncadd.s32 $0xFFFF8000  }
0x459: {  	[tilespmem:s3], [sflag:$0x2] =	stream.indirect.gather [spmem:s2], $0x40, s14, s6, $0xb8;
	[tilespmem:$0x16740] =	vst v63  }
0x45a: {  	_ =	swait.ge [sflag:s8], $0x8000  }
0x45b: {  	s24 =	sld [smem:$0x7E1]  }
0x45c: {  	[sflag:s8] =	ssyncset.done $0x0  }
0x45d: {  	[sflag:s8] =	ssyncadd.s32 $0xFFFF8000  }
0x45e: {  	[hbm4b:s24+s1] =	stream.linear.scatter [tilespmem:s4], [sflag:$0x3], $0x8000, $0x38;
	[tilespmem:$0x16740] =	vst v63  }
0x45f: {  	_ =	swait.ge [sflag:s5], $0x8000  }
0x460: {  	[sflag:s5] =	ssyncset.done $0x0  }
0x461: {  	[sflag:s5] =	ssyncadd.s32 $0xFFFF8000  }
0x462: {  	[tilespmem:s4], [sflag:$0x1] =	stream.indirect.gather [spmem:s2], $0x40, s13, s6, $0xb8;
	[tilespmem:$0x16740] =	vst v63  }
0x463: {  	_ =	swait.ge [sflag:s9], $0x8000  }
0x464: {  	s25 =	sld [smem:$0x7E2]  }
0x465: {  	[sflag:s9] =	ssyncset.done $0x0  }
0x466: {  	[sflag:s9] =	ssyncadd.s32 $0xFFFF8000  }
0x467: {  	[hbm4b:s25+s1] =	stream.linear.scatter [tilespmem:s3], [sflag:$0x4], $0x8000, $0x38;
	[tilespmem:$0x16740] =	vst v63  }
0x468: {  	_ =	swait.ge [sflag:s7], $0x8000  }
0x469: {  	[sflag:s7] =	ssyncset.done $0x0  }
0x46a: {  	[sflag:s7] =	ssyncadd.s32 $0xFFFF8000  }
0x46b: {  	[tilespmem:s3], [sflag:$0x2] =	stream.indirect.gather [spmem:s2], $0x40, s12, s6, $0xb8;
	[tilespmem:$0x16740] =	vst v63  }
0x46c: {  	_ =	swait.ge [sflag:s8], $0x8000  }
0x46d: {  	s26 =	sld [smem:$0x7E3]  }
0x46e: {  	[sflag:s8] =	ssyncset.done $0x0  }
0x46f: {  	[sflag:s8] =	ssyncadd.s32 $0xFFFF8000  }
0x470: {  	[hbm4b:s26+s1] =	stream.linear.scatter [tilespmem:s4], [sflag:$0x3], $0x8000, $0x38;
	[tilespmem:$0x16740] =	vst v63  }
0x471: {  	_ =	swait.ge [sflag:s5], $0x8000  }
0x472: {  	[sflag:s5] =	ssyncset.done $0x0  }
0x473: {  	[sflag:s5] =	ssyncadd.s32 $0xFFFF8000  }
0x474: {  	[tilespmem:s4], [sflag:$0x1] =	stream.indirect.gather [spmem:s2], $0x40, s11, s6, $0xb8;
	[tilespmem:$0x16740] =	vst v63  }
0x475: {  	_ =	swait.ge [sflag:s9], $0x8000  }
0x476: {  	s28 =	sld [smem:$0x7E4]  }
0x477: {  	[sflag:s9] =	ssyncset.done $0x0  }
0x478: {  	[sflag:s9] =	ssyncadd.s32 $0xFFFF8000  }
0x479: {  	[hbm4b:s28+s1] =	stream.linear.scatter [tilespmem:s3], [sflag:$0x4], $0x8000, $0x38;
	[tilespmem:$0x16740] =	vst v63  }
0x47a: {  	_ =	swait.ge [sflag:s7], $0x8000  }
0x47b: {  	[sflag:s7] =	ssyncset.done $0x0  }
0x47c: {  	[sflag:s7] =	ssyncadd.s32 $0xFFFF8000  }
0x47d: {  	[tilespmem:s3], [sflag:$0x2] =	stream.indirect.gather [spmem:s2], $0x40, s10, s6, $0xb8;
	[tilespmem:$0x16740] =	vst v63  }
0x47e: {  	_ =	swait.ge [sflag:s8], $0x8000  }
0x47f: {  	s29 =	sld [smem:$0x7E5]  }
0x480: {  	[sflag:s8] =	ssyncset.done $0x0  }
0x481: {  	[sflag:s8] =	ssyncadd.s32 $0xFFFF8000  }
0x482: {  	[hbm4b:s29+s1] =	stream.linear.scatter [tilespmem:s4], [sflag:$0x3], $0x8000, $0x38;
	[tilespmem:$0x16740] =	vst v63  }
0x483: {  	_ =	swait.ge [sflag:s9], $0x8000  }
0x484: {  	s31 =	sld [smem:$0x7E6]  }
0x485: {  	[sflag:s9] =	ssyncset.done $0x0  }
0x486: {  	[sflag:s9] =	ssyncadd.s32 $0xFFFF8000  }
0x487: {  	[hbm4b:s31+s1] =	stream.linear.scatter [tilespmem:s3], [sflag:$0x4], $0x8000, $0x38;
	[tilespmem:$0x16740] =	vst v63  }
0x488: {  	_ =	swait.ge [sflag:s5], $0x8000  }
0x489: {  	[sflag:s5] =	ssyncset.done $0x0  }
0x48a: {  	[sflag:s5] =	ssyncadd.s32 $0xFFFF8000  }
0x48b: {  	_ =	swait.ge [sflag:s7], $0x8000  }
0x48c: {  	[sflag:s7] =	ssyncset.done $0x0  }
0x48d: {  	[sflag:s7] =	ssyncadd.s32 $0xFFFF8000  }
0x48e: {  	_ =	sfence.sel $0x180000  }
0x48f: {  	[bflag:$0x0] =	sbarrier.arrive $0xFFFF  }
0x490: {  	_ =	strace $0x90000047  }
0x491: {  	s0 =	sadd.s32 @!p0 $0x100000, s30;
	[bflag:$0x2] =	sbarrier.arrive $0xFFFF  }
0x492: {  	[sflag:s0] =	ssyncadd.tile.s32 @!p0 $0x1;
	_ =	shalt  }
.LBB2_2:
.Ltmp3:
0x493: {  	(pc) =	sbr.rel .LBB2_5-.Ltmp3, $2  }
0x494: {  	_ =	sdelay $0x2  }
0x495: {  	s30 =	rddreg [dreg:$0x3]  }
.Lfunc_end2:
_tile_overlayer_lowered:
.L_overlay_start_2:
0x496: {  	(tag) =	ssettag $0x2  }
0x497: {  	s0 =	rddreg [dreg:$0x0];
	s2 =	stileid.u32  }
0x498: {  	s1 =	rddreg [dreg:$0x1];
	p0 =	sne.s32 s2, $0x0  }
0x499: {  	s3 =	rddreg [dreg:$0x2];
	[bflag:$0x3] =	sbarrier.arrive $0xFFFF;
	s2 =	simm.s32 @!p0 $0x1C05  }
0x49a: {  	[timem:s3], [sflag:s2] =	dma.local @!p0 [hbm:s0], s1  }
0x49b: {  	s0 =	simm.s32 @!p0 $0x5  }
0x49c: {  	_ =	swait.ge @!p0 [sflag:s0], s1  }
0x49d: {  	s1 =	ssub.s32 @!p0 $0x0, s1;
	[sflag:s0] =	ssyncset.done @!p0 $0x0  }
0x49e: {  	[sflag:s0] =	ssyncadd.s32 @!p0 s1  }
0x49f: {  	[bflag:$0x3] =	sbarrier.arrive $0xFFFF  }
0x4a0: {  	_ =	shalt  }

</sc_bundles>
